<compile_context>
chip_gen: v7x
topology: tpu7x:2x2x1
jax: 0.10.2.dev20260603
libtpu: 0.0.44.dev20260713+nightly
codegen_flags: <defaults>
</compile_context>

<pallas_src>
import jax
import jax.numpy as jnp
from jax import lax
from jax.experimental import pallas as pl
from jax.experimental.pallas import tpu as pltpu
from jax.experimental.pallas import tpu_sc as plsc

_NC = 2
_NS = 16
_NW = _NC * _NS
_L = 16
_B_DIRECT = 1


def _sc_add(inp, tab, B, S, D):
    seq_per_w = S // _NW
    C = 8
    n_chunks = seq_per_w // C
    n_pairs = n_chunks // 2
    n_spmem = B - _B_DIRECT

    mesh = plsc.VectorSubcoreMesh(core_axis_name="c", subcore_axis_name="s")

    @pl.kernel(
        out_type=jax.ShapeDtypeStruct((B, S, D), jnp.float32),
        mesh=mesh,
        scratch_types=[
            [pltpu.VMEM((C, D), jnp.float32) for _ in range(2)],
            [[pltpu.VMEM((C, D), jnp.float32) for _ in range(2)]
             for _ in range(B)],
            pltpu.VMEM_SHARED((_NS, n_spmem, 2, C, D), jnp.float32),
            pltpu.SemaphoreType.DMA((2,)),
            pltpu.SemaphoreType.DMA((B, 2)),
            pltpu.SemaphoreType.DMA((B, 2)),
            pltpu.SemaphoreType.DMA((B, 2)),
        ],
        compiler_params=pltpu.CompilerParams(use_tc_tiling_on_sc=True),
    )
    def body(inp_hbm, tab_hbm, out_hbm, tbufs, dbufs, shared,
             tsems, lsems, xsems, ssems):
        w = lax.axis_index("s") * _NC + lax.axis_index("c")
        sid = lax.axis_index("s")
        base = w * seq_per_w

        def tab_slice(c):
            return tab_hbm.at[pl.ds(base + c * C, C), :]

        def in_slice(c, b):
            return inp_hbm.at[b, pl.ds(base + c * C, C), :]

        def out_slice(c, b):
            return out_hbm.at[b, pl.ds(base + c * C, C), :]

        pltpu.async_copy(tab_slice(0), tbufs[0], tsems.at[0])
        for b in range(B):
            pltpu.async_copy(in_slice(0, b), dbufs[b][0], lsems.at[b, 0])

        def step(c2, par):
            c = c2 * 2 + par
            nxt = 1 - par

            def tab_prefetch():
                pltpu.async_copy(tab_slice(c + 1), tbufs[nxt], tsems.at[nxt])

            if par == 0:
                tab_prefetch()
            else:
                pl.when(c2 < n_pairs - 1)(tab_prefetch)

            for b in range(B):
                if b < _B_DIRECT:
                    def drain(b=b):
                        pltpu.make_async_copy(
                            dbufs[b][nxt], out_slice(c - 1, b), ssems.at[b, nxt]
                        ).wait()
                else:
                    def drain(b=b):
                        pltpu.make_async_copy(
                            dbufs[b][nxt], shared.at[sid, b - _B_DIRECT, nxt],
                            xsems.at[b, nxt],
                        ).wait()
                        pltpu.async_copy(
                            shared.at[sid, b - _B_DIRECT, nxt],
                            out_slice(c - 1, b), ssems.at[b, nxt],
                        )

                def inp_prefetch(b=b):
                    pltpu.async_copy(
                        in_slice(c + 1, b), dbufs[b][nxt], lsems.at[b, nxt]
                    )

                if par == 0:
                    pl.when(c2 > 0)(drain)
                    inp_prefetch()
                else:
                    drain()
                    pl.when(c2 < n_pairs - 1)(inp_prefetch)

            pltpu.make_async_copy(tab_slice(c), tbufs[par], tsems.at[par]).wait()
            for b in range(B):
                pltpu.make_async_copy(
                    in_slice(c, b), dbufs[b][par], lsems.at[b, par]
                ).wait()

            tbuf = tbufs[par]
            cur = [dbufs[b][par] for b in range(B)]

            for r in range(C):
                @plsc.parallel_loop(0, D, _L, unroll=4)
                def add_body(i):
                    sl = pl.ds(i, _L)
                    t = tbuf[r, sl]
                    for b in range(B):
                        cur[b][r, sl] = cur[b][r, sl] + t

            for b in range(B):
                if b < _B_DIRECT:
                    pltpu.async_copy(
                        dbufs[b][par], out_slice(c, b), ssems.at[b, par]
                    )
                else:
                    def hop_wait(b=b):
                        pltpu.make_async_copy(
                            shared.at[sid, b - _B_DIRECT, par],
                            out_slice(c - 2, b), ssems.at[b, par],
                        ).wait()

                    pl.when(c2 > 0)(hop_wait)
                    pltpu.async_copy(
                        dbufs[b][par], shared.at[sid, b - _B_DIRECT, par],
                        xsems.at[b, par],
                    )

        def pair_body(c2, carry):
            step(c2, 0)
            step(c2, 1)
            return carry

        lax.fori_loop(0, n_pairs, pair_body, 0)

        for b in range(B):
            if b < _B_DIRECT:
                pltpu.make_async_copy(
                    dbufs[b][1], out_slice(n_chunks - 1, b), ssems.at[b, 1]
                ).wait()
            else:
                pltpu.make_async_copy(
                    dbufs[b][1], shared.at[sid, b - _B_DIRECT, 1], xsems.at[b, 1]
                ).wait()
                pltpu.async_copy(
                    shared.at[sid, b - _B_DIRECT, 1],
                    out_slice(n_chunks - 1, b), ssems.at[b, 1],
                )
        for b in range(_B_DIRECT, B):
            pltpu.make_async_copy(
                shared.at[sid, b - _B_DIRECT, 0],
                out_slice(n_chunks - 2, b), ssems.at[b, 0],
            ).wait()
            pltpu.make_async_copy(
                shared.at[sid, b - _B_DIRECT, 1],
                out_slice(n_chunks - 1, b), ssems.at[b, 1],
            ).wait()

    return body(inp, tab)


def kernel(inp, embed_table):
    B, S, D = inp.shape
    return _sc_add(inp, embed_table[:S], B, S, D)

# --- scband reference (transcript-rebuilt; emitter-appended) ---
"""Pipeline reference for scband-absolute-positional-embedding-7550552506943 (READ-ONLY COPY).

The authoritative reference and input builder live on the scoring server;
editing this copy changes nothing except your own understanding.
"""

import jax, jax.numpy as jnp
import numpy as np

MAX_NUM_POSITIONS = 8192
HIDDEN_DIM = 1024

def setup_inputs(seed: int = 0) -> dict:
    key = jax.random.key(seed)
    k1, k2 = jax.random.split(key)
    inp = jax.random.normal(k1, (4, 8192, 1024), dtype=jnp.float32)
    # learned parameter: embedding table, default torch nn.Embedding init ~ N(0,1)
    embed_table = jax.random.normal(k2, (MAX_NUM_POSITIONS, HIDDEN_DIM), dtype=jnp.float32)
    return {"inp": inp, "embed_table": embed_table}

def reference(inp, embed_table):
    seq_len = inp.shape[-2]
    positions = jnp.arange(0, MAX_NUM_POSITIONS, dtype=jnp.int32)
    # embedding lookup: gather rows of the table by position index
    embeddings = jnp.take(embed_table, positions, axis=0)[:seq_len]
    return inp + embeddings

if __name__ == "__main__":
    import jax
    _d = setup_inputs()
    print(jax.jit(kernel)(*tuple(_d.values())))

</pallas_src>

<mosaic_0001>
#map = affine_map<(d0, d1) -> (0, 0, 0)>
#map1 = affine_map<(d0, d1) -> (0, 0)>
module attributes {stable_mosaic.version = 14 : i64} {
  func.func @body(%arg0: i32, %arg1: i32, %arg2: memref<4x8192x1024xf32, #tpu.memory_space<hbm>>, %arg3: memref<8192x1024xf32, #tpu.memory_space<hbm>>, %arg4: memref<4x8192x1024xf32, #tpu.memory_space<hbm>>, %arg5: memref<8x1024xf32, #tpu.memory_space<vmem>>, %arg6: memref<8x1024xf32, #tpu.memory_space<vmem>>, %arg7: memref<8x1024xf32, #tpu.memory_space<vmem>>, %arg8: memref<8x1024xf32, #tpu.memory_space<vmem>>, %arg9: memref<8x1024xf32, #tpu.memory_space<vmem>>, %arg10: memref<8x1024xf32, #tpu.memory_space<vmem>>, %arg11: memref<8x1024xf32, #tpu.memory_space<vmem>>, %arg12: memref<8x1024xf32, #tpu.memory_space<vmem>>, %arg13: memref<8x1024xf32, #tpu.memory_space<vmem>>, %arg14: memref<8x1024xf32, #tpu.memory_space<vmem>>, %arg15: memref<16x3x2x8x1024xf32, #tpu.memory_space<vmem_shared>>, %arg16: memref<2x!tpu.dma_semaphore, #tpu.memory_space<semaphore_mem>>, %arg17: memref<4x2x!tpu.dma_semaphore, #tpu.memory_space<semaphore_mem>>, %arg18: memref<4x2x!tpu.dma_semaphore, #tpu.memory_space<semaphore_mem>>, %arg19: memref<4x2x!tpu.dma_semaphore, #tpu.memory_space<semaphore_mem>>) attributes {dimension_semantics = [#tpu.dimension_semantics<core_parallel>, #tpu.dimension_semantics<subcore_parallel>], iteration_bounds = array<i64: 2, 16>, scalar_prefetch = 0 : i64, scratch_operands = 15 : i64, tpu.core_type = #tpu.core_type<sc_vector_subcore>, window_params = [{transform_indices = #map}, {transform_indices = #map1}, {transform_indices = #map}]} {
    %mul3A = arith.constant 2 : i32
    %mul3A_0 = arith.muli %arg1, %mul3A : i32
    %add3A = arith.addi %mul3A_0, %arg0 : i32
    %mul3A_1 = arith.constant 256 : i32
    %mul3A_2 = arith.muli %add3A, %mul3A_1 : i32
    %add3A_3 = arith.constant 0 : i32
    %add3A_4 = arith.addi %mul3A_2, %add3A_3 : i32
    %dma_start3A = arith.constant 0 : i32
    %dma_start3A_5 = arith.constant 0 : i32
    %dma_start3A_6 = tpu.memref_slice %arg3[%add3A_4, %dma_start3A_5] : memref<8192x1024xf32, #tpu.memory_space<hbm>> -> memref<8x1024xf32, #tpu.memory_space<hbm>>
    %dma_start3A_7 = tpu.memref_slice %arg16[%dma_start3A] : memref<2x!tpu.dma_semaphore, #tpu.memory_space<semaphore_mem>> -> memref<1x!tpu.dma_semaphore, #tpu.memory_space<semaphore_mem>>
    %dma_start3A_8 = tpu.memref_squeeze %dma_start3A_7 : memref<1x!tpu.dma_semaphore, #tpu.memory_space<semaphore_mem>> -> memref<!tpu.dma_semaphore, #tpu.memory_space<semaphore_mem>>
    %dma_start3A_9 = arith.constant 0 : i32
    %dma_start3A_10 = tpu.memref_slice %arg3[%add3A_4, %dma_start3A_9] : memref<8192x1024xf32, #tpu.memory_space<hbm>> -> memref<8x1024xf32, #tpu.memory_space<hbm>>
    tpu.enqueue_dma source(%dma_start3A_10 : memref<8x1024xf32, #tpu.memory_space<hbm>>) target(%arg5 : memref<8x1024xf32, #tpu.memory_space<vmem>>) target_semaphore(%dma_start3A_8 : memref<!tpu.dma_semaphore, #tpu.memory_space<semaphore_mem>>)
    %add3A_11 = arith.constant 0 : i32
    %add3A_12 = arith.addi %mul3A_2, %add3A_11 : i32
    %dma_start3A_13 = arith.constant 0 : i32
    %dma_start3A_14 = arith.constant 0 : i32
    %dma_start3A_15 = arith.constant 0 : i32
    %dma_start3A_16 = arith.constant 0 : i32
    %dma_start3A_17 = tpu.memref_slice %arg2[%dma_start3A_13, %add3A_12, %dma_start3A_16] : memref<4x8192x1024xf32, #tpu.memory_space<hbm>> -> memref<1x8x1024xf32, #tpu.memory_space<hbm>>
    %dma_start3A_18 = tpu.memref_squeeze %dma_start3A_17 : memref<1x8x1024xf32, #tpu.memory_space<hbm>> -> memref<8x1024xf32, #tpu.memory_space<hbm>>
    %dma_start3A_19 = tpu.memref_slice %arg17[%dma_start3A_14, %dma_start3A_15] : memref<4x2x!tpu.dma_semaphore, #tpu.memory_space<semaphore_mem>> -> memref<1x1x!tpu.dma_semaphore, #tpu.memory_space<semaphore_mem>>
    %dma_start3A_20 = tpu.memref_squeeze %dma_start3A_19 : memref<1x1x!tpu.dma_semaphore, #tpu.memory_space<semaphore_mem>> -> memref<!tpu.dma_semaphore, #tpu.memory_space<semaphore_mem>>
    %dma_start3A_21 = arith.constant 0 : i32
    %dma_start3A_22 = tpu.memref_slice %arg2[%dma_start3A_13, %add3A_12, %dma_start3A_21] : memref<4x8192x1024xf32, #tpu.memory_space<hbm>> -> memref<1x8x1024xf32, #tpu.memory_space<hbm>>
    %dma_start3A_23 = tpu.memref_squeeze %dma_start3A_22 : memref<1x8x1024xf32, #tpu.memory_space<hbm>> -> memref<8x1024xf32, #tpu.memory_space<hbm>>
    tpu.enqueue_dma source(%dma_start3A_23 : memref<8x1024xf32, #tpu.memory_space<hbm>>) target(%arg7 : memref<8x1024xf32, #tpu.memory_space<vmem>>) target_semaphore(%dma_start3A_20 : memref<!tpu.dma_semaphore, #tpu.memory_space<semaphore_mem>>)
    %add3A_24 = arith.constant 0 : i32
    %add3A_25 = arith.addi %mul3A_2, %add3A_24 : i32
    %dma_start3A_26 = arith.constant 1 : i32
    %dma_start3A_27 = arith.constant 1 : i32
    %dma_start3A_28 = arith.constant 0 : i32
    %dma_start3A_29 = arith.constant 0 : i32
    %dma_start3A_30 = tpu.memref_slice %arg2[%dma_start3A_26, %add3A_25, %dma_start3A_29] : memref<4x8192x1024xf32, #tpu.memory_space<hbm>> -> memref<1x8x1024xf32, #tpu.memory_space<hbm>>
    %dma_start3A_31 = tpu.memref_squeeze %dma_start3A_30 : memref<1x8x1024xf32, #tpu.memory_space<hbm>> -> memref<8x1024xf32, #tpu.memory_space<hbm>>
    %dma_start3A_32 = tpu.memref_slice %arg17[%dma_start3A_27, %dma_start3A_28] : memref<4x2x!tpu.dma_semaphore, #tpu.memory_space<semaphore_mem>> -> memref<1x1x!tpu.dma_semaphore, #tpu.memory_space<semaphore_mem>>
    %dma_start3A_33 = tpu.memref_squeeze %dma_start3A_32 : memref<1x1x!tpu.dma_semaphore, #tpu.memory_space<semaphore_mem>> -> memref<!tpu.dma_semaphore, #tpu.memory_space<semaphore_mem>>
    %dma_start3A_34 = arith.constant 0 : i32
    %dma_start3A_35 = tpu.memref_slice %arg2[%dma_start3A_26, %add3A_25, %dma_start3A_34] : memref<4x8192x1024xf32, #tpu.memory_space<hbm>> -> memref<1x8x1024xf32, #tpu.memory_space<hbm>>
    %dma_start3A_36 = tpu.memref_squeeze %dma_start3A_35 : memref<1x8x1024xf32, #tpu.memory_space<hbm>> -> memref<8x1024xf32, #tpu.memory_space<hbm>>
    tpu.enqueue_dma source(%dma_start3A_36 : memref<8x1024xf32, #tpu.memory_space<hbm>>) target(%arg9 : memref<8x1024xf32, #tpu.memory_space<vmem>>) target_semaphore(%dma_start3A_33 : memref<!tpu.dma_semaphore, #tpu.memory_space<semaphore_mem>>)
    %add3A_37 = arith.constant 0 : i32
    %add3A_38 = arith.addi %mul3A_2, %add3A_37 : i32
    %dma_start3A_39 = arith.constant 2 : i32
    %dma_start3A_40 = arith.constant 2 : i32
    %dma_start3A_41 = arith.constant 0 : i32
    %dma_start3A_42 = arith.constant 0 : i32
    %dma_start3A_43 = tpu.memref_slice %arg2[%dma_start3A_39, %add3A_38, %dma_start3A_42] : memref<4x8192x1024xf32, #tpu.memory_space<hbm>> -> memref<1x8x1024xf32, #tpu.memory_space<hbm>>
    %dma_start3A_44 = tpu.memref_squeeze %dma_start3A_43 : memref<1x8x1024xf32, #tpu.memory_space<hbm>> -> memref<8x1024xf32, #tpu.memory_space<hbm>>
    %dma_start3A_45 = tpu.memref_slice %arg17[%dma_start3A_40, %dma_start3A_41] : memref<4x2x!tpu.dma_semaphore, #tpu.memory_space<semaphore_mem>> -> memref<1x1x!tpu.dma_semaphore, #tpu.memory_space<semaphore_mem>>
    %dma_start3A_46 = tpu.memref_squeeze %dma_start3A_45 : memref<1x1x!tpu.dma_semaphore, #tpu.memory_space<semaphore_mem>> -> memref<!tpu.dma_semaphore, #tpu.memory_space<semaphore_mem>>
    %dma_start3A_47 = arith.constant 0 : i32
    %dma_start3A_48 = tpu.memref_slice %arg2[%dma_start3A_39, %add3A_38, %dma_start3A_47] : memref<4x8192x1024xf32, #tpu.memory_space<hbm>> -> memref<1x8x1024xf32, #tpu.memory_space<hbm>>
    %dma_start3A_49 = tpu.memref_squeeze %dma_start3A_48 : memref<1x8x1024xf32, #tpu.memory_space<hbm>> -> memref<8x1024xf32, #tpu.memory_space<hbm>>
    tpu.enqueue_dma source(%dma_start3A_49 : memref<8x1024xf32, #tpu.memory_space<hbm>>) target(%arg11 : memref<8x1024xf32, #tpu.memory_space<vmem>>) target_semaphore(%dma_start3A_46 : memref<!tpu.dma_semaphore, #tpu.memory_space<semaphore_mem>>)
    %add3A_50 = arith.constant 0 : i32
    %add3A_51 = arith.addi %mul3A_2, %add3A_50 : i32
    %dma_start3A_52 = arith.constant 3 : i32
    %dma_start3A_53 = arith.constant 3 : i32
    %dma_start3A_54 = arith.constant 0 : i32
    %dma_start3A_55 = arith.constant 0 : i32
    %dma_start3A_56 = tpu.memref_slice %arg2[%dma_start3A_52, %add3A_51, %dma_start3A_55] : memref<4x8192x1024xf32, #tpu.memory_space<hbm>> -> memref<1x8x1024xf32, #tpu.memory_space<hbm>>
    %dma_start3A_57 = tpu.memref_squeeze %dma_start3A_56 : memref<1x8x1024xf32, #tpu.memory_space<hbm>> -> memref<8x1024xf32, #tpu.memory_space<hbm>>
    %dma_start3A_58 = tpu.memref_slice %arg17[%dma_start3A_53, %dma_start3A_54] : memref<4x2x!tpu.dma_semaphore, #tpu.memory_space<semaphore_mem>> -> memref<1x1x!tpu.dma_semaphore, #tpu.memory_space<semaphore_mem>>
    %dma_start3A_59 = tpu.memref_squeeze %dma_start3A_58 : memref<1x1x!tpu.dma_semaphore, #tpu.memory_space<semaphore_mem>> -> memref<!tpu.dma_semaphore, #tpu.memory_space<semaphore_mem>>
    %dma_start3A_60 = arith.constant 0 : i32
    %dma_start3A_61 = tpu.memref_slice %arg2[%dma_start3A_52, %add3A_51, %dma_start3A_60] : memref<4x8192x1024xf32, #tpu.memory_space<hbm>> -> memref<1x8x1024xf32, #tpu.memory_space<hbm>>
    %dma_start3A_62 = tpu.memref_squeeze %dma_start3A_61 : memref<1x8x1024xf32, #tpu.memory_space<hbm>> -> memref<8x1024xf32, #tpu.memory_space<hbm>>
    tpu.enqueue_dma source(%dma_start3A_62 : memref<8x1024xf32, #tpu.memory_space<hbm>>) target(%arg13 : memref<8x1024xf32, #tpu.memory_space<vmem>>) target_semaphore(%dma_start3A_59 : memref<!tpu.dma_semaphore, #tpu.memory_space<semaphore_mem>>)
    %scan3A = arith.constant 0 : i32
    %scan3A_63 = arith.constant 0 : i32
    %scan3A_64 = arith.constant 16 : i32
    %scan3A_65 = arith.addi %scan3A_63, %scan3A_64 : i32
    %scan3A_66 = arith.constant 1 : i32
    scf.for %scan3A_266 = %scan3A_63 to %scan3A_65 step %scan3A_66  : i32 {
      %mul3A_267 = arith.constant 2 : i32
      %mul3A_268 = arith.muli %scan3A_266, %mul3A_267 : i32
      %add3A_269 = arith.constant 0 : i32
      %add3A_270 = arith.addi %mul3A_268, %add3A_269 : i32
      %add3A_271 = arith.constant 1 : i32
      %add3A_272 = arith.addi %add3A_270, %add3A_271 : i32
      %mul3A_273 = arith.constant 8 : i32
      %mul3A_274 = arith.muli %add3A_272, %mul3A_273 : i32
      %add3A_275 = arith.addi %mul3A_2, %mul3A_274 : i32
      %dma_start3A_276 = arith.constant 1 : i32
      %dma_start3A_277 = arith.constant 0 : i32
      %dma_start3A_278 = tpu.memref_slice %arg3[%add3A_275, %dma_start3A_277] : memref<8192x1024xf32, #tpu.memory_space<hbm>> -> memref<8x1024xf32, #tpu.memory_space<hbm>>
      %dma_start3A_279 = tpu.memref_slice %arg16[%dma_start3A_276] : memref<2x!tpu.dma_semaphore, #tpu.memory_space<semaphore_mem>> -> memref<1x!tpu.dma_semaphore, #tpu.memory_space<semaphore_mem>>
      %dma_start3A_280 = tpu.memref_squeeze %dma_start3A_279 : memref<1x!tpu.dma_semaphore, #tpu.memory_space<semaphore_mem>> -> memref<!tpu.dma_semaphore, #tpu.memory_space<semaphore_mem>>
      %dma_start3A_281 = arith.constant 0 : i32
      %dma_start3A_282 = tpu.memref_slice %arg3[%add3A_275, %dma_start3A_281] : memref<8192x1024xf32, #tpu.memory_space<hbm>> -> memref<8x1024xf32, #tpu.memory_space<hbm>>
      tpu.enqueue_dma source(%dma_start3A_282 : memref<8x1024xf32, #tpu.memory_space<hbm>>) target(%arg6 : memref<8x1024xf32, #tpu.memory_space<vmem>>) target_semaphore(%dma_start3A_280 : memref<!tpu.dma_semaphore, #tpu.memory_space<semaphore_mem>>)
      %gt3A = arith.constant 0 : i32
      %gt3A_283 = arith.cmpi sgt, %scan3A_266, %gt3A : i32
      %convert_element_type3A = arith.extui %gt3A_283 : i1 to i32
      %cond3A = arith.constant 0 : i32
      %cond3A_284 = arith.cmpi ne, %convert_element_type3A, %cond3A : i32
      scf.if %cond3A_284 {
        %sub3A_827 = arith.constant 1 : i32
        %sub3A_828 = arith.subi %add3A_270, %sub3A_827 : i32
        %mul3A_829 = arith.constant 8 : i32
        %mul3A_830 = arith.muli %sub3A_828, %mul3A_829 : i32
        %add3A_831 = arith.addi %mul3A_2, %mul3A_830 : i32
        %dma_wait3A_832 = arith.constant 0 : i32
        %dma_wait3A_833 = arith.constant 0 : i32
        %dma_wait3A_834 = arith.constant 1 : i32
        %dma_wait3A_835 = arith.constant 0 : i32
        %dma_wait3A_836 = tpu.memref_slice %arg4[%dma_wait3A_832, %add3A_831, %dma_wait3A_835] : memref<4x8192x1024xf32, #tpu.memory_space<hbm>> -> memref<1x8x1024xf32, #tpu.memory_space<hbm>>
        %dma_wait3A_837 = tpu.memref_squeeze %dma_wait3A_836 : memref<1x8x1024xf32, #tpu.memory_space<hbm>> -> memref<8x1024xf32, #tpu.memory_space<hbm>>
        %dma_wait3A_838 = tpu.memref_slice %arg19[%dma_wait3A_833, %dma_wait3A_834] : memref<4x2x!tpu.dma_semaphore, #tpu.memory_space<semaphore_mem>> -> memref<1x1x!tpu.dma_semaphore, #tpu.memory_space<semaphore_mem>>
        %dma_wait3A_839 = tpu.memref_squeeze %dma_wait3A_838 : memref<1x1x!tpu.dma_semaphore, #tpu.memory_space<semaphore_mem>> -> memref<!tpu.dma_semaphore, #tpu.memory_space<semaphore_mem>>
        %dma_wait3A_840 = arith.constant 0 : i32
        %dma_wait3A_841 = tpu.memref_slice %arg4[%dma_wait3A_832, %add3A_831, %dma_wait3A_840] : memref<4x8192x1024xf32, #tpu.memory_space<hbm>> -> memref<1x8x1024xf32, #tpu.memory_space<hbm>>
        %dma_wait3A_842 = tpu.memref_squeeze %dma_wait3A_841 : memref<1x8x1024xf32, #tpu.memory_space<hbm>> -> memref<8x1024xf32, #tpu.memory_space<hbm>>
        tpu.wait_dma2 semaphore(%dma_wait3A_839 : memref<!tpu.dma_semaphore, #tpu.memory_space<semaphore_mem>>) src(%arg8 : memref<8x1024xf32, #tpu.memory_space<vmem>>) dst(%dma_wait3A_842 : memref<8x1024xf32, #tpu.memory_space<hbm>>)
      } else {
      }
      %add3A_285 = arith.constant 1 : i32
      %add3A_286 = arith.addi %add3A_270, %add3A_285 : i32
      %mul3A_287 = arith.constant 8 : i32
      %mul3A_288 = arith.muli %add3A_286, %mul3A_287 : i32
      %add3A_289 = arith.addi %mul3A_2, %mul3A_288 : i32
      %dma_start3A_290 = arith.constant 0 : i32
      %dma_start3A_291 = arith.constant 0 : i32
      %dma_start3A_292 = arith.constant 1 : i32
      %dma_start3A_293 = arith.constant 0 : i32
      %dma_start3A_294 = tpu.memref_slice %arg2[%dma_start3A_290, %add3A_289, %dma_start3A_293] : memref<4x8192x1024xf32, #tpu.memory_space<hbm>> -> memref<1x8x1024xf32, #tpu.memory_space<hbm>>
      %dma_start3A_295 = tpu.memref_squeeze %dma_start3A_294 : memref<1x8x1024xf32, #tpu.memory_space<hbm>> -> memref<8x1024xf32, #tpu.memory_space<hbm>>
      %dma_start3A_296 = tpu.memref_slice %arg17[%dma_start3A_291, %dma_start3A_292] : memref<4x2x!tpu.dma_semaphore, #tpu.memory_space<semaphore_mem>> -> memref<1x1x!tpu.dma_semaphore, #tpu.memory_space<semaphore_mem>>
      %dma_start3A_297 = tpu.memref_squeeze %dma_start3A_296 : memref<1x1x!tpu.dma_semaphore, #tpu.memory_space<semaphore_mem>> -> memref<!tpu.dma_semaphore, #tpu.memory_space<semaphore_mem>>
      %dma_start3A_298 = arith.constant 0 : i32
      %dma_start3A_299 = tpu.memref_slice %arg2[%dma_start3A_290, %add3A_289, %dma_start3A_298] : memref<4x8192x1024xf32, #tpu.memory_space<hbm>> -> memref<1x8x1024xf32, #tpu.memory_space<hbm>>
      %dma_start3A_300 = tpu.memref_squeeze %dma_start3A_299 : memref<1x8x1024xf32, #tpu.memory_space<hbm>> -> memref<8x1024xf32, #tpu.memory_space<hbm>>
      tpu.enqueue_dma source(%dma_start3A_300 : memref<8x1024xf32, #tpu.memory_space<hbm>>) target(%arg8 : memref<8x1024xf32, #tpu.memory_space<vmem>>) target_semaphore(%dma_start3A_297 : memref<!tpu.dma_semaphore, #tpu.memory_space<semaphore_mem>>)
      %gt3A_301 = arith.constant 0 : i32
      %gt3A_302 = arith.cmpi sgt, %scan3A_266, %gt3A_301 : i32
      %convert_element_type3A_303 = arith.extui %gt3A_302 : i1 to i32
      %cond3A_304 = arith.constant 0 : i32
      %cond3A_305 = arith.cmpi ne, %convert_element_type3A_303, %cond3A_304 : i32
      scf.if %cond3A_305 {
        %dma_wait3A_827 = arith.constant 0 : i32
        %dma_wait3A_828 = arith.constant 1 : i32
        %dma_wait3A_829 = arith.constant 1 : i32
        %dma_wait3A_830 = arith.constant 1 : i32
        %dma_wait3A_831 = arith.constant 0 : i32
        %dma_wait3A_832 = arith.constant 0 : i32
        %dma_wait3A_833 = tpu.memref_slice %arg15[%arg1, %dma_wait3A_827, %dma_wait3A_828, %dma_wait3A_831, %dma_wait3A_832] : memref<16x3x2x8x1024xf32, #tpu.memory_space<vmem_shared>> -> memref<1x1x1x8x1024xf32, #tpu.memory_space<vmem_shared>>
        %dma_wait3A_834 = tpu.memref_squeeze %dma_wait3A_833 : memref<1x1x1x8x1024xf32, #tpu.memory_space<vmem_shared>> -> memref<8x1024xf32, #tpu.memory_space<vmem_shared>>
        %dma_wait3A_835 = tpu.memref_slice %arg18[%dma_wait3A_829, %dma_wait3A_830] : memref<4x2x!tpu.dma_semaphore, #tpu.memory_space<semaphore_mem>> -> memref<1x1x!tpu.dma_semaphore, #tpu.memory_space<semaphore_mem>>
        %dma_wait3A_836 = tpu.memref_squeeze %dma_wait3A_835 : memref<1x1x!tpu.dma_semaphore, #tpu.memory_space<semaphore_mem>> -> memref<!tpu.dma_semaphore, #tpu.memory_space<semaphore_mem>>
        %dma_wait3A_837 = arith.constant 0 : i32
        %dma_wait3A_838 = arith.constant 0 : i32
        %dma_wait3A_839 = tpu.memref_slice %arg15[%arg1, %dma_wait3A_827, %dma_wait3A_828, %dma_wait3A_837, %dma_wait3A_838] : memref<16x3x2x8x1024xf32, #tpu.memory_space<vmem_shared>> -> memref<1x1x1x8x1024xf32, #tpu.memory_space<vmem_shared>>
        %dma_wait3A_840 = tpu.memref_squeeze %dma_wait3A_839 : memref<1x1x1x8x1024xf32, #tpu.memory_space<vmem_shared>> -> memref<8x1024xf32, #tpu.memory_space<vmem_shared>>
        tpu.wait_dma2 semaphore(%dma_wait3A_836 : memref<!tpu.dma_semaphore, #tpu.memory_space<semaphore_mem>>) src(%arg10 : memref<8x1024xf32, #tpu.memory_space<vmem>>) dst(%dma_wait3A_840 : memref<8x1024xf32, #tpu.memory_space<vmem_shared>>)
        %sub3A_841 = arith.constant 1 : i32
        %sub3A_842 = arith.subi %add3A_270, %sub3A_841 : i32
        %mul3A_843 = arith.constant 8 : i32
        %mul3A_844 = arith.muli %sub3A_842, %mul3A_843 : i32
        %add3A_845 = arith.addi %mul3A_2, %mul3A_844 : i32
        %dma_start3A_846 = arith.constant 0 : i32
        %dma_start3A_847 = arith.constant 1 : i32
        %dma_start3A_848 = arith.constant 1 : i32
        %dma_start3A_849 = arith.constant 1 : i32
        %dma_start3A_850 = arith.constant 1 : i32
        %dma_start3A_851 = tpu.memref_slice %arg19[%dma_start3A_849, %dma_start3A_850] : memref<4x2x!tpu.dma_semaphore, #tpu.memory_space<semaphore_mem>> -> memref<1x1x!tpu.dma_semaphore, #tpu.memory_space<semaphore_mem>>
        %dma_start3A_852 = tpu.memref_squeeze %dma_start3A_851 : memref<1x1x!tpu.dma_semaphore, #tpu.memory_space<semaphore_mem>> -> memref<!tpu.dma_semaphore, #tpu.memory_space<semaphore_mem>>
        %dma_start3A_853 = arith.constant 0 : i32
        %dma_start3A_854 = tpu.memref_slice %arg4[%dma_start3A_848, %add3A_845, %dma_start3A_853] : memref<4x8192x1024xf32, #tpu.memory_space<hbm>> -> memref<1x8x1024xf32, #tpu.memory_space<hbm>>
        %dma_start3A_855 = tpu.memref_squeeze %dma_start3A_854 : memref<1x8x1024xf32, #tpu.memory_space<hbm>> -> memref<8x1024xf32, #tpu.memory_space<hbm>>
        %dma_start3A_856 = arith.constant 0 : i32
        %dma_start3A_857 = arith.constant 0 : i32
        %dma_start3A_858 = tpu.memref_slice %arg15[%arg1, %dma_start3A_846, %dma_start3A_847, %dma_start3A_856, %dma_start3A_857] : memref<16x3x2x8x1024xf32, #tpu.memory_space<vmem_shared>> -> memref<1x1x1x8x1024xf32, #tpu.memory_space<vmem_shared>>
        %dma_start3A_859 = tpu.memref_squeeze %dma_start3A_858 : memref<1x1x1x8x1024xf32, #tpu.memory_space<vmem_shared>> -> memref<8x1024xf32, #tpu.memory_space<vmem_shared>>
        tpu.enqueue_dma source(%dma_start3A_859 : memref<8x1024xf32, #tpu.memory_space<vmem_shared>>) target(%dma_start3A_855 : memref<8x1024xf32, #tpu.memory_space<hbm>>) target_semaphore(%dma_start3A_852 : memref<!tpu.dma_semaphore, #tpu.memory_space<semaphore_mem>>)
      } else {
      }
      %add3A_306 = arith.constant 1 : i32
      %add3A_307 = arith.addi %add3A_270, %add3A_306 : i32
      %mul3A_308 = arith.constant 8 : i32
      %mul3A_309 = arith.muli %add3A_307, %mul3A_308 : i32
      %add3A_310 = arith.addi %mul3A_2, %mul3A_309 : i32
      %dma_start3A_311 = arith.constant 1 : i32
      %dma_start3A_312 = arith.constant 1 : i32
      %dma_start3A_313 = arith.constant 1 : i32
      %dma_start3A_314 = arith.constant 0 : i32
      %dma_start3A_315 = tpu.memref_slice %arg2[%dma_start3A_311, %add3A_310, %dma_start3A_314] : memref<4x8192x1024xf32, #tpu.memory_space<hbm>> -> memref<1x8x1024xf32, #tpu.memory_space<hbm>>
      %dma_start3A_316 = tpu.memref_squeeze %dma_start3A_315 : memref<1x8x1024xf32, #tpu.memory_space<hbm>> -> memref<8x1024xf32, #tpu.memory_space<hbm>>
      %dma_start3A_317 = tpu.memref_slice %arg17[%dma_start3A_312, %dma_start3A_313] : memref<4x2x!tpu.dma_semaphore, #tpu.memory_space<semaphore_mem>> -> memref<1x1x!tpu.dma_semaphore, #tpu.memory_space<semaphore_mem>>
      %dma_start3A_318 = tpu.memref_squeeze %dma_start3A_317 : memref<1x1x!tpu.dma_semaphore, #tpu.memory_space<semaphore_mem>> -> memref<!tpu.dma_semaphore, #tpu.memory_space<semaphore_mem>>
      %dma_start3A_319 = arith.constant 0 : i32
      %dma_start3A_320 = tpu.memref_slice %arg2[%dma_start3A_311, %add3A_310, %dma_start3A_319] : memref<4x8192x1024xf32, #tpu.memory_space<hbm>> -> memref<1x8x1024xf32, #tpu.memory_space<hbm>>
      %dma_start3A_321 = tpu.memref_squeeze %dma_start3A_320 : memref<1x8x1024xf32, #tpu.memory_space<hbm>> -> memref<8x1024xf32, #tpu.memory_space<hbm>>
      tpu.enqueue_dma source(%dma_start3A_321 : memref<8x1024xf32, #tpu.memory_space<hbm>>) target(%arg10 : memref<8x1024xf32, #tpu.memory_space<vmem>>) target_semaphore(%dma_start3A_318 : memref<!tpu.dma_semaphore, #tpu.memory_space<semaphore_mem>>)
      %gt3A_322 = arith.constant 0 : i32
      %gt3A_323 = arith.cmpi sgt, %scan3A_266, %gt3A_322 : i32
      %convert_element_type3A_324 = arith.extui %gt3A_323 : i1 to i32
      %cond3A_325 = arith.constant 0 : i32
      %cond3A_326 = arith.cmpi ne, %convert_element_type3A_324, %cond3A_325 : i32
      scf.if %cond3A_326 {
        %dma_wait3A_827 = arith.constant 1 : i32
        %dma_wait3A_828 = arith.constant 1 : i32
        %dma_wait3A_829 = arith.constant 2 : i32
        %dma_wait3A_830 = arith.constant 1 : i32
        %dma_wait3A_831 = arith.constant 0 : i32
        %dma_wait3A_832 = arith.constant 0 : i32
        %dma_wait3A_833 = tpu.memref_slice %arg15[%arg1, %dma_wait3A_827, %dma_wait3A_828, %dma_wait3A_831, %dma_wait3A_832] : memref<16x3x2x8x1024xf32, #tpu.memory_space<vmem_shared>> -> memref<1x1x1x8x1024xf32, #tpu.memory_space<vmem_shared>>
        %dma_wait3A_834 = tpu.memref_squeeze %dma_wait3A_833 : memref<1x1x1x8x1024xf32, #tpu.memory_space<vmem_shared>> -> memref<8x1024xf32, #tpu.memory_space<vmem_shared>>
        %dma_wait3A_835 = tpu.memref_slice %arg18[%dma_wait3A_829, %dma_wait3A_830] : memref<4x2x!tpu.dma_semaphore, #tpu.memory_space<semaphore_mem>> -> memref<1x1x!tpu.dma_semaphore, #tpu.memory_space<semaphore_mem>>
        %dma_wait3A_836 = tpu.memref_squeeze %dma_wait3A_835 : memref<1x1x!tpu.dma_semaphore, #tpu.memory_space<semaphore_mem>> -> memref<!tpu.dma_semaphore, #tpu.memory_space<semaphore_mem>>
        %dma_wait3A_837 = arith.constant 0 : i32
        %dma_wait3A_838 = arith.constant 0 : i32
        %dma_wait3A_839 = tpu.memref_slice %arg15[%arg1, %dma_wait3A_827, %dma_wait3A_828, %dma_wait3A_837, %dma_wait3A_838] : memref<16x3x2x8x1024xf32, #tpu.memory_space<vmem_shared>> -> memref<1x1x1x8x1024xf32, #tpu.memory_space<vmem_shared>>
        %dma_wait3A_840 = tpu.memref_squeeze %dma_wait3A_839 : memref<1x1x1x8x1024xf32, #tpu.memory_space<vmem_shared>> -> memref<8x1024xf32, #tpu.memory_space<vmem_shared>>
        tpu.wait_dma2 semaphore(%dma_wait3A_836 : memref<!tpu.dma_semaphore, #tpu.memory_space<semaphore_mem>>) src(%arg12 : memref<8x1024xf32, #tpu.memory_space<vmem>>) dst(%dma_wait3A_840 : memref<8x1024xf32, #tpu.memory_space<vmem_shared>>)
        %sub3A_841 = arith.constant 1 : i32
        %sub3A_842 = arith.subi %add3A_270, %sub3A_841 : i32
        %mul3A_843 = arith.constant 8 : i32
        %mul3A_844 = arith.muli %sub3A_842, %mul3A_843 : i32
        %add3A_845 = arith.addi %mul3A_2, %mul3A_844 : i32
        %dma_start3A_846 = arith.constant 1 : i32
        %dma_start3A_847 = arith.constant 1 : i32
        %dma_start3A_848 = arith.constant 2 : i32
        %dma_start3A_849 = arith.constant 2 : i32
        %dma_start3A_850 = arith.constant 1 : i32
        %dma_start3A_851 = tpu.memref_slice %arg19[%dma_start3A_849, %dma_start3A_850] : memref<4x2x!tpu.dma_semaphore, #tpu.memory_space<semaphore_mem>> -> memref<1x1x!tpu.dma_semaphore, #tpu.memory_space<semaphore_mem>>
        %dma_start3A_852 = tpu.memref_squeeze %dma_start3A_851 : memref<1x1x!tpu.dma_semaphore, #tpu.memory_space<semaphore_mem>> -> memref<!tpu.dma_semaphore, #tpu.memory_space<semaphore_mem>>
        %dma_start3A_853 = arith.constant 0 : i32
        %dma_start3A_854 = tpu.memref_slice %arg4[%dma_start3A_848, %add3A_845, %dma_start3A_853] : memref<4x8192x1024xf32, #tpu.memory_space<hbm>> -> memref<1x8x1024xf32, #tpu.memory_space<hbm>>
        %dma_start3A_855 = tpu.memref_squeeze %dma_start3A_854 : memref<1x8x1024xf32, #tpu.memory_space<hbm>> -> memref<8x1024xf32, #tpu.memory_space<hbm>>
        %dma_start3A_856 = arith.constant 0 : i32
        %dma_start3A_857 = arith.constant 0 : i32
        %dma_start3A_858 = tpu.memref_slice %arg15[%arg1, %dma_start3A_846, %dma_start3A_847, %dma_start3A_856, %dma_start3A_857] : memref<16x3x2x8x1024xf32, #tpu.memory_space<vmem_shared>> -> memref<1x1x1x8x1024xf32, #tpu.memory_space<vmem_shared>>
        %dma_start3A_859 = tpu.memref_squeeze %dma_start3A_858 : memref<1x1x1x8x1024xf32, #tpu.memory_space<vmem_shared>> -> memref<8x1024xf32, #tpu.memory_space<vmem_shared>>
        tpu.enqueue_dma source(%dma_start3A_859 : memref<8x1024xf32, #tpu.memory_space<vmem_shared>>) target(%dma_start3A_855 : memref<8x1024xf32, #tpu.memory_space<hbm>>) target_semaphore(%dma_start3A_852 : memref<!tpu.dma_semaphore, #tpu.memory_space<semaphore_mem>>)
      } else {
      }
      %add3A_327 = arith.constant 1 : i32
      %add3A_328 = arith.addi %add3A_270, %add3A_327 : i32
      %mul3A_329 = arith.constant 8 : i32
      %mul3A_330 = arith.muli %add3A_328, %mul3A_329 : i32
      %add3A_331 = arith.addi %mul3A_2, %mul3A_330 : i32
      %dma_start3A_332 = arith.constant 2 : i32
      %dma_start3A_333 = arith.constant 2 : i32
      %dma_start3A_334 = arith.constant 1 : i32
      %dma_start3A_335 = arith.constant 0 : i32
      %dma_start3A_336 = tpu.memref_slice %arg2[%dma_start3A_332, %add3A_331, %dma_start3A_335] : memref<4x8192x1024xf32, #tpu.memory_space<hbm>> -> memref<1x8x1024xf32, #tpu.memory_space<hbm>>
      %dma_start3A_337 = tpu.memref_squeeze %dma_start3A_336 : memref<1x8x1024xf32, #tpu.memory_space<hbm>> -> memref<8x1024xf32, #tpu.memory_space<hbm>>
      %dma_start3A_338 = tpu.memref_slice %arg17[%dma_start3A_333, %dma_start3A_334] : memref<4x2x!tpu.dma_semaphore, #tpu.memory_space<semaphore_mem>> -> memref<1x1x!tpu.dma_semaphore, #tpu.memory_space<semaphore_mem>>
      %dma_start3A_339 = tpu.memref_squeeze %dma_start3A_338 : memref<1x1x!tpu.dma_semaphore, #tpu.memory_space<semaphore_mem>> -> memref<!tpu.dma_semaphore, #tpu.memory_space<semaphore_mem>>
      %dma_start3A_340 = arith.constant 0 : i32
      %dma_start3A_341 = tpu.memref_slice %arg2[%dma_start3A_332, %add3A_331, %dma_start3A_340] : memref<4x8192x1024xf32, #tpu.memory_space<hbm>> -> memref<1x8x1024xf32, #tpu.memory_space<hbm>>
      %dma_start3A_342 = tpu.memref_squeeze %dma_start3A_341 : memref<1x8x1024xf32, #tpu.memory_space<hbm>> -> memref<8x1024xf32, #tpu.memory_space<hbm>>
      tpu.enqueue_dma source(%dma_start3A_342 : memref<8x1024xf32, #tpu.memory_space<hbm>>) target(%arg12 : memref<8x1024xf32, #tpu.memory_space<vmem>>) target_semaphore(%dma_start3A_339 : memref<!tpu.dma_semaphore, #tpu.memory_space<semaphore_mem>>)
      %gt3A_343 = arith.constant 0 : i32
      %gt3A_344 = arith.cmpi sgt, %scan3A_266, %gt3A_343 : i32
      %convert_element_type3A_345 = arith.extui %gt3A_344 : i1 to i32
      %cond3A_346 = arith.constant 0 : i32
      %cond3A_347 = arith.cmpi ne, %convert_element_type3A_345, %cond3A_346 : i32
      scf.if %cond3A_347 {
        %dma_wait3A_827 = arith.constant 2 : i32
        %dma_wait3A_828 = arith.constant 1 : i32
        %dma_wait3A_829 = arith.constant 3 : i32
        %dma_wait3A_830 = arith.constant 1 : i32
        %dma_wait3A_831 = arith.constant 0 : i32
        %dma_wait3A_832 = arith.constant 0 : i32
        %dma_wait3A_833 = tpu.memref_slice %arg15[%arg1, %dma_wait3A_827, %dma_wait3A_828, %dma_wait3A_831, %dma_wait3A_832] : memref<16x3x2x8x1024xf32, #tpu.memory_space<vmem_shared>> -> memref<1x1x1x8x1024xf32, #tpu.memory_space<vmem_shared>>
        %dma_wait3A_834 = tpu.memref_squeeze %dma_wait3A_833 : memref<1x1x1x8x1024xf32, #tpu.memory_space<vmem_shared>> -> memref<8x1024xf32, #tpu.memory_space<vmem_shared>>
        %dma_wait3A_835 = tpu.memref_slice %arg18[%dma_wait3A_829, %dma_wait3A_830] : memref<4x2x!tpu.dma_semaphore, #tpu.memory_space<semaphore_mem>> -> memref<1x1x!tpu.dma_semaphore, #tpu.memory_space<semaphore_mem>>
        %dma_wait3A_836 = tpu.memref_squeeze %dma_wait3A_835 : memref<1x1x!tpu.dma_semaphore, #tpu.memory_space<semaphore_mem>> -> memref<!tpu.dma_semaphore, #tpu.memory_space<semaphore_mem>>
        %dma_wait3A_837 = arith.constant 0 : i32
        %dma_wait3A_838 = arith.constant 0 : i32
        %dma_wait3A_839 = tpu.memref_slice %arg15[%arg1, %dma_wait3A_827, %dma_wait3A_828, %dma_wait3A_837, %dma_wait3A_838] : memref<16x3x2x8x1024xf32, #tpu.memory_space<vmem_shared>> -> memref<1x1x1x8x1024xf32, #tpu.memory_space<vmem_shared>>
        %dma_wait3A_840 = tpu.memref_squeeze %dma_wait3A_839 : memref<1x1x1x8x1024xf32, #tpu.memory_space<vmem_shared>> -> memref<8x1024xf32, #tpu.memory_space<vmem_shared>>
        tpu.wait_dma2 semaphore(%dma_wait3A_836 : memref<!tpu.dma_semaphore, #tpu.memory_space<semaphore_mem>>) src(%arg14 : memref<8x1024xf32, #tpu.memory_space<vmem>>) dst(%dma_wait3A_840 : memref<8x1024xf32, #tpu.memory_space<vmem_shared>>)
        %sub3A_841 = arith.constant 1 : i32
        %sub3A_842 = arith.subi %add3A_270, %sub3A_841 : i32
        %mul3A_843 = arith.constant 8 : i32
        %mul3A_844 = arith.muli %sub3A_842, %mul3A_843 : i32
        %add3A_845 = arith.addi %mul3A_2, %mul3A_844 : i32
        %dma_start3A_846 = arith.constant 2 : i32
        %dma_start3A_847 = arith.constant 1 : i32
        %dma_start3A_848 = arith.constant 3 : i32
        %dma_start3A_849 = arith.constant 3 : i32
        %dma_start3A_850 = arith.constant 1 : i32
        %dma_start3A_851 = tpu.memref_slice %arg19[%dma_start3A_849, %dma_start3A_850] : memref<4x2x!tpu.dma_semaphore, #tpu.memory_space<semaphore_mem>> -> memref<1x1x!tpu.dma_semaphore, #tpu.memory_space<semaphore_mem>>
        %dma_start3A_852 = tpu.memref_squeeze %dma_start3A_851 : memref<1x1x!tpu.dma_semaphore, #tpu.memory_space<semaphore_mem>> -> memref<!tpu.dma_semaphore, #tpu.memory_space<semaphore_mem>>
        %dma_start3A_853 = arith.constant 0 : i32
        %dma_start3A_854 = tpu.memref_slice %arg4[%dma_start3A_848, %add3A_845, %dma_start3A_853] : memref<4x8192x1024xf32, #tpu.memory_space<hbm>> -> memref<1x8x1024xf32, #tpu.memory_space<hbm>>
        %dma_start3A_855 = tpu.memref_squeeze %dma_start3A_854 : memref<1x8x1024xf32, #tpu.memory_space<hbm>> -> memref<8x1024xf32, #tpu.memory_space<hbm>>
        %dma_start3A_856 = arith.constant 0 : i32
        %dma_start3A_857 = arith.constant 0 : i32
        %dma_start3A_858 = tpu.memref_slice %arg15[%arg1, %dma_start3A_846, %dma_start3A_847, %dma_start3A_856, %dma_start3A_857] : memref<16x3x2x8x1024xf32, #tpu.memory_space<vmem_shared>> -> memref<1x1x1x8x1024xf32, #tpu.memory_space<vmem_shared>>
        %dma_start3A_859 = tpu.memref_squeeze %dma_start3A_858 : memref<1x1x1x8x1024xf32, #tpu.memory_space<vmem_shared>> -> memref<8x1024xf32, #tpu.memory_space<vmem_shared>>
        tpu.enqueue_dma source(%dma_start3A_859 : memref<8x1024xf32, #tpu.memory_space<vmem_shared>>) target(%dma_start3A_855 : memref<8x1024xf32, #tpu.memory_space<hbm>>) target_semaphore(%dma_start3A_852 : memref<!tpu.dma_semaphore, #tpu.memory_space<semaphore_mem>>)
      } else {
      }
      %add3A_348 = arith.constant 1 : i32
      %add3A_349 = arith.addi %add3A_270, %add3A_348 : i32
      %mul3A_350 = arith.constant 8 : i32
      %mul3A_351 = arith.muli %add3A_349, %mul3A_350 : i32
      %add3A_352 = arith.addi %mul3A_2, %mul3A_351 : i32
      %dma_start3A_353 = arith.constant 3 : i32
      %dma_start3A_354 = arith.constant 3 : i32
      %dma_start3A_355 = arith.constant 1 : i32
      %dma_start3A_356 = arith.constant 0 : i32
      %dma_start3A_357 = tpu.memref_slice %arg2[%dma_start3A_353, %add3A_352, %dma_start3A_356] : memref<4x8192x1024xf32, #tpu.memory_space<hbm>> -> memref<1x8x1024xf32, #tpu.memory_space<hbm>>
      %dma_start3A_358 = tpu.memref_squeeze %dma_start3A_357 : memref<1x8x1024xf32, #tpu.memory_space<hbm>> -> memref<8x1024xf32, #tpu.memory_space<hbm>>
      %dma_start3A_359 = tpu.memref_slice %arg17[%dma_start3A_354, %dma_start3A_355] : memref<4x2x!tpu.dma_semaphore, #tpu.memory_space<semaphore_mem>> -> memref<1x1x!tpu.dma_semaphore, #tpu.memory_space<semaphore_mem>>
      %dma_start3A_360 = tpu.memref_squeeze %dma_start3A_359 : memref<1x1x!tpu.dma_semaphore, #tpu.memory_space<semaphore_mem>> -> memref<!tpu.dma_semaphore, #tpu.memory_space<semaphore_mem>>
      %dma_start3A_361 = arith.constant 0 : i32
      %dma_start3A_362 = tpu.memref_slice %arg2[%dma_start3A_353, %add3A_352, %dma_start3A_361] : memref<4x8192x1024xf32, #tpu.memory_space<hbm>> -> memref<1x8x1024xf32, #tpu.memory_space<hbm>>
      %dma_start3A_363 = tpu.memref_squeeze %dma_start3A_362 : memref<1x8x1024xf32, #tpu.memory_space<hbm>> -> memref<8x1024xf32, #tpu.memory_space<hbm>>
      tpu.enqueue_dma source(%dma_start3A_363 : memref<8x1024xf32, #tpu.memory_space<hbm>>) target(%arg14 : memref<8x1024xf32, #tpu.memory_space<vmem>>) target_semaphore(%dma_start3A_360 : memref<!tpu.dma_semaphore, #tpu.memory_space<semaphore_mem>>)
      %mul3A_364 = arith.constant 8 : i32
      %mul3A_365 = arith.muli %add3A_270, %mul3A_364 : i32
      %add3A_366 = arith.addi %mul3A_2, %mul3A_365 : i32
      %dma_wait3A_367 = arith.constant 0 : i32
      %dma_wait3A_368 = arith.constant 0 : i32
      %dma_wait3A_369 = tpu.memref_slice %arg3[%add3A_366, %dma_wait3A_368] : memref<8192x1024xf32, #tpu.memory_space<hbm>> -> memref<8x1024xf32, #tpu.memory_space<hbm>>
      %dma_wait3A_370 = tpu.memref_slice %arg16[%dma_wait3A_367] : memref<2x!tpu.dma_semaphore, #tpu.memory_space<semaphore_mem>> -> memref<1x!tpu.dma_semaphore, #tpu.memory_space<semaphore_mem>>
      %dma_wait3A_371 = tpu.memref_squeeze %dma_wait3A_370 : memref<1x!tpu.dma_semaphore, #tpu.memory_space<semaphore_mem>> -> memref<!tpu.dma_semaphore, #tpu.memory_space<semaphore_mem>>
      %dma_wait3A_372 = arith.constant 0 : i32
      %dma_wait3A_373 = tpu.memref_slice %arg3[%add3A_366, %dma_wait3A_372] : memref<8192x1024xf32, #tpu.memory_space<hbm>> -> memref<8x1024xf32, #tpu.memory_space<hbm>>
      tpu.wait_dma2 semaphore(%dma_wait3A_371 : memref<!tpu.dma_semaphore, #tpu.memory_space<semaphore_mem>>) src(%dma_wait3A_373 : memref<8x1024xf32, #tpu.memory_space<hbm>>) dst(%arg5 : memref<8x1024xf32, #tpu.memory_space<vmem>>)
      %mul3A_374 = arith.constant 8 : i32
      %mul3A_375 = arith.muli %add3A_270, %mul3A_374 : i32
      %add3A_376 = arith.addi %mul3A_2, %mul3A_375 : i32
      %dma_wait3A_377 = arith.constant 0 : i32
      %dma_wait3A_378 = arith.constant 0 : i32
      %dma_wait3A_379 = arith.constant 0 : i32
      %dma_wait3A_380 = arith.constant 0 : i32
      %dma_wait3A_381 = tpu.memref_slice %arg2[%dma_wait3A_377, %add3A_376, %dma_wait3A_380] : memref<4x8192x1024xf32, #tpu.memory_space<hbm>> -> memref<1x8x1024xf32, #tpu.memory_space<hbm>>
      %dma_wait3A_382 = tpu.memref_squeeze %dma_wait3A_381 : memref<1x8x1024xf32, #tpu.memory_space<hbm>> -> memref<8x1024xf32, #tpu.memory_space<hbm>>
      %dma_wait3A_383 = tpu.memref_slice %arg17[%dma_wait3A_378, %dma_wait3A_379] : memref<4x2x!tpu.dma_semaphore, #tpu.memory_space<semaphore_mem>> -> memref<1x1x!tpu.dma_semaphore, #tpu.memory_space<semaphore_mem>>
      %dma_wait3A_384 = tpu.memref_squeeze %dma_wait3A_383 : memref<1x1x!tpu.dma_semaphore, #tpu.memory_space<semaphore_mem>> -> memref<!tpu.dma_semaphore, #tpu.memory_space<semaphore_mem>>
      %dma_wait3A_385 = arith.constant 0 : i32
      %dma_wait3A_386 = tpu.memref_slice %arg2[%dma_wait3A_377, %add3A_376, %dma_wait3A_385] : memref<4x8192x1024xf32, #tpu.memory_space<hbm>> -> memref<1x8x1024xf32, #tpu.memory_space<hbm>>
      %dma_wait3A_387 = tpu.memref_squeeze %dma_wait3A_386 : memref<1x8x1024xf32, #tpu.memory_space<hbm>> -> memref<8x1024xf32, #tpu.memory_space<hbm>>
      tpu.wait_dma2 semaphore(%dma_wait3A_384 : memref<!tpu.dma_semaphore, #tpu.memory_space<semaphore_mem>>) src(%dma_wait3A_387 : memref<8x1024xf32, #tpu.memory_space<hbm>>) dst(%arg7 : memref<8x1024xf32, #tpu.memory_space<vmem>>)
      %mul3A_388 = arith.constant 8 : i32
      %mul3A_389 = arith.muli %add3A_270, %mul3A_388 : i32
      %add3A_390 = arith.addi %mul3A_2, %mul3A_389 : i32
      %dma_wait3A_391 = arith.constant 1 : i32
      %dma_wait3A_392 = arith.constant 1 : i32
      %dma_wait3A_393 = arith.constant 0 : i32
      %dma_wait3A_394 = arith.constant 0 : i32
      %dma_wait3A_395 = tpu.memref_slice %arg2[%dma_wait3A_391, %add3A_390, %dma_wait3A_394] : memref<4x8192x1024xf32, #tpu.memory_space<hbm>> -> memref<1x8x1024xf32, #tpu.memory_space<hbm>>
      %dma_wait3A_396 = tpu.memref_squeeze %dma_wait3A_395 : memref<1x8x1024xf32, #tpu.memory_space<hbm>> -> memref<8x1024xf32, #tpu.memory_space<hbm>>
      %dma_wait3A_397 = tpu.memref_slice %arg17[%dma_wait3A_392, %dma_wait3A_393] : memref<4x2x!tpu.dma_semaphore, #tpu.memory_space<semaphore_mem>> -> memref<1x1x!tpu.dma_semaphore, #tpu.memory_space<semaphore_mem>>
      %dma_wait3A_398 = tpu.memref_squeeze %dma_wait3A_397 : memref<1x1x!tpu.dma_semaphore, #tpu.memory_space<semaphore_mem>> -> memref<!tpu.dma_semaphore, #tpu.memory_space<semaphore_mem>>
      %dma_wait3A_399 = arith.constant 0 : i32
      %dma_wait3A_400 = tpu.memref_slice %arg2[%dma_wait3A_391, %add3A_390, %dma_wait3A_399] : memref<4x8192x1024xf32, #tpu.memory_space<hbm>> -> memref<1x8x1024xf32, #tpu.memory_space<hbm>>
      %dma_wait3A_401 = tpu.memref_squeeze %dma_wait3A_400 : memref<1x8x1024xf32, #tpu.memory_space<hbm>> -> memref<8x1024xf32, #tpu.memory_space<hbm>>
      tpu.wait_dma2 semaphore(%dma_wait3A_398 : memref<!tpu.dma_semaphore, #tpu.memory_space<semaphore_mem>>) src(%dma_wait3A_401 : memref<8x1024xf32, #tpu.memory_space<hbm>>) dst(%arg9 : memref<8x1024xf32, #tpu.memory_space<vmem>>)
      %mul3A_402 = arith.constant 8 : i32
      %mul3A_403 = arith.muli %add3A_270, %mul3A_402 : i32
      %add3A_404 = arith.addi %mul3A_2, %mul3A_403 : i32
      %dma_wait3A_405 = arith.constant 2 : i32
      %dma_wait3A_406 = arith.constant 2 : i32
      %dma_wait3A_407 = arith.constant 0 : i32
      %dma_wait3A_408 = arith.constant 0 : i32
      %dma_wait3A_409 = tpu.memref_slice %arg2[%dma_wait3A_405, %add3A_404, %dma_wait3A_408] : memref<4x8192x1024xf32, #tpu.memory_space<hbm>> -> memref<1x8x1024xf32, #tpu.memory_space<hbm>>
      %dma_wait3A_410 = tpu.memref_squeeze %dma_wait3A_409 : memref<1x8x1024xf32, #tpu.memory_space<hbm>> -> memref<8x1024xf32, #tpu.memory_space<hbm>>
      %dma_wait3A_411 = tpu.memref_slice %arg17[%dma_wait3A_406, %dma_wait3A_407] : memref<4x2x!tpu.dma_semaphore, #tpu.memory_space<semaphore_mem>> -> memref<1x1x!tpu.dma_semaphore, #tpu.memory_space<semaphore_mem>>
      %dma_wait3A_412 = tpu.memref_squeeze %dma_wait3A_411 : memref<1x1x!tpu.dma_semaphore, #tpu.memory_space<semaphore_mem>> -> memref<!tpu.dma_semaphore, #tpu.memory_space<semaphore_mem>>
      %dma_wait3A_413 = arith.constant 0 : i32
      %dma_wait3A_414 = tpu.memref_slice %arg2[%dma_wait3A_405, %add3A_404, %dma_wait3A_413] : memref<4x8192x1024xf32, #tpu.memory_space<hbm>> -> memref<1x8x1024xf32, #tpu.memory_space<hbm>>
      %dma_wait3A_415 = tpu.memref_squeeze %dma_wait3A_414 : memref<1x8x1024xf32, #tpu.memory_space<hbm>> -> memref<8x1024xf32, #tpu.memory_space<hbm>>
      tpu.wait_dma2 semaphore(%dma_wait3A_412 : memref<!tpu.dma_semaphore, #tpu.memory_space<semaphore_mem>>) src(%dma_wait3A_415 : memref<8x1024xf32, #tpu.memory_space<hbm>>) dst(%arg11 : memref<8x1024xf32, #tpu.memory_space<vmem>>)
      %mul3A_416 = arith.constant 8 : i32
      %mul3A_417 = arith.muli %add3A_270, %mul3A_416 : i32
      %add3A_418 = arith.addi %mul3A_2, %mul3A_417 : i32
      %dma_wait3A_419 = arith.constant 3 : i32
      %dma_wait3A_420 = arith.constant 3 : i32
      %dma_wait3A_421 = arith.constant 0 : i32
      %dma_wait3A_422 = arith.constant 0 : i32
      %dma_wait3A_423 = tpu.memref_slice %arg2[%dma_wait3A_419, %add3A_418, %dma_wait3A_422] : memref<4x8192x1024xf32, #tpu.memory_space<hbm>> -> memref<1x8x1024xf32, #tpu.memory_space<hbm>>
      %dma_wait3A_424 = tpu.memref_squeeze %dma_wait3A_423 : memref<1x8x1024xf32, #tpu.memory_space<hbm>> -> memref<8x1024xf32, #tpu.memory_space<hbm>>
      %dma_wait3A_425 = tpu.memref_slice %arg17[%dma_wait3A_420, %dma_wait3A_421] : memref<4x2x!tpu.dma_semaphore, #tpu.memory_space<semaphore_mem>> -> memref<1x1x!tpu.dma_semaphore, #tpu.memory_space<semaphore_mem>>
      %dma_wait3A_426 = tpu.memref_squeeze %dma_wait3A_425 : memref<1x1x!tpu.dma_semaphore, #tpu.memory_space<semaphore_mem>> -> memref<!tpu.dma_semaphore, #tpu.memory_space<semaphore_mem>>
      %dma_wait3A_427 = arith.constant 0 : i32
      %dma_wait3A_428 = tpu.memref_slice %arg2[%dma_wait3A_419, %add3A_418, %dma_wait3A_427] : memref<4x8192x1024xf32, #tpu.memory_space<hbm>> -> memref<1x8x1024xf32, #tpu.memory_space<hbm>>
      %dma_wait3A_429 = tpu.memref_squeeze %dma_wait3A_428 : memref<1x8x1024xf32, #tpu.memory_space<hbm>> -> memref<8x1024xf32, #tpu.memory_space<hbm>>
      tpu.wait_dma2 semaphore(%dma_wait3A_426 : memref<!tpu.dma_semaphore, #tpu.memory_space<semaphore_mem>>) src(%dma_wait3A_429 : memref<8x1024xf32, #tpu.memory_space<hbm>>) dst(%arg13 : memref<8x1024xf32, #tpu.memory_space<vmem>>)
      %parallel_loop3A = arith.constant 0 : i32
      %parallel_loop3A_430 = arith.constant 1024 : i32
      %parallel_loop3A_431 = arith.constant 16 : i32
      scf.for %parallel_loop3A_827 = %parallel_loop3A to %parallel_loop3A_430 step %parallel_loop3A_431  : i32 {
        %parallel_loop3A_828 = arith.constant 0 : i32
        %parallel_loop3A_829 = arith.index_cast %parallel_loop3A_828 : i32 to index
        %parallel_loop3A_830 = arith.index_cast %parallel_loop3A_827 : i32 to index
        %parallel_loop3A_831 = tpu.vector_load %arg5[%parallel_loop3A_829, %parallel_loop3A_830] {strides = array<i32>} : memref<8x1024xf32, #tpu.memory_space<vmem>>, vector<1x16xf32>,
        %parallel_loop3A_832 = vector.shape_cast %parallel_loop3A_831 : vector<1x16xf32> to vector<16xf32>
        %parallel_loop3A_833 = arith.constant 0 : i32
        %parallel_loop3A_834 = arith.index_cast %parallel_loop3A_833 : i32 to index
        %parallel_loop3A_835 = arith.index_cast %parallel_loop3A_827 : i32 to index
        %parallel_loop3A_836 = tpu.vector_load %arg7[%parallel_loop3A_834, %parallel_loop3A_835] {strides = array<i32>} : memref<8x1024xf32, #tpu.memory_space<vmem>>, vector<1x16xf32>,
        %parallel_loop3A_837 = vector.shape_cast %parallel_loop3A_836 : vector<1x16xf32> to vector<16xf32>
        %parallel_loop3A_838 = arith.addf %parallel_loop3A_837, %parallel_loop3A_832 : vector<16xf32>
        %parallel_loop3A_839 = arith.constant 0 : i32
        %parallel_loop3A_840 = arith.index_cast %parallel_loop3A_839 : i32 to index
        %parallel_loop3A_841 = arith.index_cast %parallel_loop3A_827 : i32 to index
        %parallel_loop3A_842 = tpu.vector_load %arg7[%parallel_loop3A_840, %parallel_loop3A_841] {strides = array<i32>} : memref<8x1024xf32, #tpu.memory_space<vmem>>, vector<1x16xf32>,
        %parallel_loop3A_843 = vector.shape_cast %parallel_loop3A_842 : vector<1x16xf32> to vector<16xf32>
        %parallel_loop3A_844 = vector.shape_cast %parallel_loop3A_838 : vector<16xf32> to vector<1x16xf32>
        tpu.vector_store %arg7[%parallel_loop3A_840, %parallel_loop3A_841], %parallel_loop3A_844 {strides = array<i32>} : memref<8x1024xf32, #tpu.memory_space<vmem>>, vector<1x16xf32>,
        %parallel_loop3A_845 = arith.constant 0 : i32
        %parallel_loop3A_846 = arith.index_cast %parallel_loop3A_845 : i32 to index
        %parallel_loop3A_847 = arith.index_cast %parallel_loop3A_827 : i32 to index
        %parallel_loop3A_848 = tpu.vector_load %arg9[%parallel_loop3A_846, %parallel_loop3A_847] {strides = array<i32>} : memref<8x1024xf32, #tpu.memory_space<vmem>>, vector<1x16xf32>,
        %parallel_loop3A_849 = vector.shape_cast %parallel_loop3A_848 : vector<1x16xf32> to vector<16xf32>
        %parallel_loop3A_850 = arith.addf %parallel_loop3A_849, %parallel_loop3A_832 : vector<16xf32>
        %parallel_loop3A_851 = arith.constant 0 : i32
        %parallel_loop3A_852 = arith.index_cast %parallel_loop3A_851 : i32 to index
        %parallel_loop3A_853 = arith.index_cast %parallel_loop3A_827 : i32 to index
        %parallel_loop3A_854 = tpu.vector_load %arg9[%parallel_loop3A_852, %parallel_loop3A_853] {strides = array<i32>} : memref<8x1024xf32, #tpu.memory_space<vmem>>, vector<1x16xf32>,
        %parallel_loop3A_855 = vector.shape_cast %parallel_loop3A_854 : vector<1x16xf32> to vector<16xf32>
        %parallel_loop3A_856 = vector.shape_cast %parallel_loop3A_850 : vector<16xf32> to vector<1x16xf32>
        tpu.vector_store %arg9[%parallel_loop3A_852, %parallel_loop3A_853], %parallel_loop3A_856 {strides = array<i32>} : memref<8x1024xf32, #tpu.memory_space<vmem>>, vector<1x16xf32>,
        %parallel_loop3A_857 = arith.constant 0 : i32
        %parallel_loop3A_858 = arith.index_cast %parallel_loop3A_857 : i32 to index
        %parallel_loop3A_859 = arith.index_cast %parallel_loop3A_827 : i32 to index
        %parallel_loop3A_860 = tpu.vector_load %arg11[%parallel_loop3A_858, %parallel_loop3A_859] {strides = array<i32>} : memref<8x1024xf32, #tpu.memory_space<vmem>>, vector<1x16xf32>,
        %parallel_loop3A_861 = vector.shape_cast %parallel_loop3A_860 : vector<1x16xf32> to vector<16xf32>
        %parallel_loop3A_862 = arith.addf %parallel_loop3A_861, %parallel_loop3A_832 : vector<16xf32>
        %parallel_loop3A_863 = arith.constant 0 : i32
        %parallel_loop3A_864 = arith.index_cast %parallel_loop3A_863 : i32 to index
        %parallel_loop3A_865 = arith.index_cast %parallel_loop3A_827 : i32 to index
        %parallel_loop3A_866 = tpu.vector_load %arg11[%parallel_loop3A_864, %parallel_loop3A_865] {strides = array<i32>} : memref<8x1024xf32, #tpu.memory_space<vmem>>, vector<1x16xf32>,
        %parallel_loop3A_867 = vector.shape_cast %parallel_loop3A_866 : vector<1x16xf32> to vector<16xf32>
        %parallel_loop3A_868 = vector.shape_cast %parallel_loop3A_862 : vector<16xf32> to vector<1x16xf32>
        tpu.vector_store %arg11[%parallel_loop3A_864, %parallel_loop3A_865], %parallel_loop3A_868 {strides = array<i32>} : memref<8x1024xf32, #tpu.memory_space<vmem>>, vector<1x16xf32>,
        %parallel_loop3A_869 = arith.constant 0 : i32
        %parallel_loop3A_870 = arith.index_cast %parallel_loop3A_869 : i32 to index
        %parallel_loop3A_871 = arith.index_cast %parallel_loop3A_827 : i32 to index
        %parallel_loop3A_872 = tpu.vector_load %arg13[%parallel_loop3A_870, %parallel_loop3A_871] {strides = array<i32>} : memref<8x1024xf32, #tpu.memory_space<vmem>>, vector<1x16xf32>,
        %parallel_loop3A_873 = vector.shape_cast %parallel_loop3A_872 : vector<1x16xf32> to vector<16xf32>
        %parallel_loop3A_874 = arith.addf %parallel_loop3A_873, %parallel_loop3A_832 : vector<16xf32>
        %parallel_loop3A_875 = arith.constant 0 : i32
        %parallel_loop3A_876 = arith.index_cast %parallel_loop3A_875 : i32 to index
        %parallel_loop3A_877 = arith.index_cast %parallel_loop3A_827 : i32 to index
        %parallel_loop3A_878 = tpu.vector_load %arg13[%parallel_loop3A_876, %parallel_loop3A_877] {strides = array<i32>} : memref<8x1024xf32, #tpu.memory_space<vmem>>, vector<1x16xf32>,
        %parallel_loop3A_879 = vector.shape_cast %parallel_loop3A_878 : vector<1x16xf32> to vector<16xf32>
        %parallel_loop3A_880 = vector.shape_cast %parallel_loop3A_874 : vector<16xf32> to vector<1x16xf32>
        tpu.vector_store %arg13[%parallel_loop3A_876, %parallel_loop3A_877], %parallel_loop3A_880 {strides = array<i32>} : memref<8x1024xf32, #tpu.memory_space<vmem>>, vector<1x16xf32>,
      } {sc.loop_unroll_factor = 4 : i64, sc.parallel_access}
      %parallel_loop3A_432 = arith.constant 0 : i32
      %parallel_loop3A_433 = arith.constant 1024 : i32
      %parallel_loop3A_434 = arith.constant 16 : i32
      scf.for %parallel_loop3A_827 = %parallel_loop3A_432 to %parallel_loop3A_433 step %parallel_loop3A_434  : i32 {
        %parallel_loop3A_828 = arith.constant 1 : i32
        %parallel_loop3A_829 = arith.index_cast %parallel_loop3A_828 : i32 to index
        %parallel_loop3A_830 = arith.index_cast %parallel_loop3A_827 : i32 to index
        %parallel_loop3A_831 = tpu.vector_load %arg5[%parallel_loop3A_829, %parallel_loop3A_830] {strides = array<i32>} : memref<8x1024xf32, #tpu.memory_space<vmem>>, vector<1x16xf32>,
        %parallel_loop3A_832 = vector.shape_cast %parallel_loop3A_831 : vector<1x16xf32> to vector<16xf32>
        %parallel_loop3A_833 = arith.constant 1 : i32
        %parallel_loop3A_834 = arith.index_cast %parallel_loop3A_833 : i32 to index
        %parallel_loop3A_835 = arith.index_cast %parallel_loop3A_827 : i32 to index
        %parallel_loop3A_836 = tpu.vector_load %arg7[%parallel_loop3A_834, %parallel_loop3A_835] {strides = array<i32>} : memref<8x1024xf32, #tpu.memory_space<vmem>>, vector<1x16xf32>,
        %parallel_loop3A_837 = vector.shape_cast %parallel_loop3A_836 : vector<1x16xf32> to vector<16xf32>
        %parallel_loop3A_838 = arith.addf %parallel_loop3A_837, %parallel_loop3A_832 : vector<16xf32>
        %parallel_loop3A_839 = arith.constant 1 : i32
        %parallel_loop3A_840 = arith.index_cast %parallel_loop3A_839 : i32 to index
        %parallel_loop3A_841 = arith.index_cast %parallel_loop3A_827 : i32 to index
        %parallel_loop3A_842 = tpu.vector_load %arg7[%parallel_loop3A_840, %parallel_loop3A_841] {strides = array<i32>} : memref<8x1024xf32, #tpu.memory_space<vmem>>, vector<1x16xf32>,
        %parallel_loop3A_843 = vector.shape_cast %parallel_loop3A_842 : vector<1x16xf32> to vector<16xf32>
        %parallel_loop3A_844 = vector.shape_cast %parallel_loop3A_838 : vector<16xf32> to vector<1x16xf32>
        tpu.vector_store %arg7[%parallel_loop3A_840, %parallel_loop3A_841], %parallel_loop3A_844 {strides = array<i32>} : memref<8x1024xf32, #tpu.memory_space<vmem>>, vector<1x16xf32>,
        %parallel_loop3A_845 = arith.constant 1 : i32
        %parallel_loop3A_846 = arith.index_cast %parallel_loop3A_845 : i32 to index
        %parallel_loop3A_847 = arith.index_cast %parallel_loop3A_827 : i32 to index
        %parallel_loop3A_848 = tpu.vector_load %arg9[%parallel_loop3A_846, %parallel_loop3A_847] {strides = array<i32>} : memref<8x1024xf32, #tpu.memory_space<vmem>>, vector<1x16xf32>,
        %parallel_loop3A_849 = vector.shape_cast %parallel_loop3A_848 : vector<1x16xf32> to vector<16xf32>
        %parallel_loop3A_850 = arith.addf %parallel_loop3A_849, %parallel_loop3A_832 : vector<16xf32>
        %parallel_loop3A_851 = arith.constant 1 : i32
        %parallel_loop3A_852 = arith.index_cast %parallel_loop3A_851 : i32 to index
        %parallel_loop3A_853 = arith.index_cast %parallel_loop3A_827 : i32 to index
        %parallel_loop3A_854 = tpu.vector_load %arg9[%parallel_loop3A_852, %parallel_loop3A_853] {strides = array<i32>} : memref<8x1024xf32, #tpu.memory_space<vmem>>, vector<1x16xf32>,
        %parallel_loop3A_855 = vector.shape_cast %parallel_loop3A_854 : vector<1x16xf32> to vector<16xf32>
        %parallel_loop3A_856 = vector.shape_cast %parallel_loop3A_850 : vector<16xf32> to vector<1x16xf32>
        tpu.vector_store %arg9[%parallel_loop3A_852, %parallel_loop3A_853], %parallel_loop3A_856 {strides = array<i32>} : memref<8x1024xf32, #tpu.memory_space<vmem>>, vector<1x16xf32>,
        %parallel_loop3A_857 = arith.constant 1 : i32
        %parallel_loop3A_858 = arith.index_cast %parallel_loop3A_857 : i32 to index
        %parallel_loop3A_859 = arith.index_cast %parallel_loop3A_827 : i32 to index
        %parallel_loop3A_860 = tpu.vector_load %arg11[%parallel_loop3A_858, %parallel_loop3A_859] {strides = array<i32>} : memref<8x1024xf32, #tpu.memory_space<vmem>>, vector<1x16xf32>,
        %parallel_loop3A_861 = vector.shape_cast %parallel_loop3A_860 : vector<1x16xf32> to vector<16xf32>
        %parallel_loop3A_862 = arith.addf %parallel_loop3A_861, %parallel_loop3A_832 : vector<16xf32>
        %parallel_loop3A_863 = arith.constant 1 : i32
        %parallel_loop3A_864 = arith.index_cast %parallel_loop3A_863 : i32 to index
        %parallel_loop3A_865 = arith.index_cast %parallel_loop3A_827 : i32 to index
        %parallel_loop3A_866 = tpu.vector_load %arg11[%parallel_loop3A_864, %parallel_loop3A_865] {strides = array<i32>} : memref<8x1024xf32, #tpu.memory_space<vmem>>, vector<1x16xf32>,
        %parallel_loop3A_867 = vector.shape_cast %parallel_loop3A_866 : vector<1x16xf32> to vector<16xf32>
        %parallel_loop3A_868 = vector.shape_cast %parallel_loop3A_862 : vector<16xf32> to vector<1x16xf32>
        tpu.vector_store %arg11[%parallel_loop3A_864, %parallel_loop3A_865], %parallel_loop3A_868 {strides = array<i32>} : memref<8x1024xf32, #tpu.memory_space<vmem>>, vector<1x16xf32>,
        %parallel_loop3A_869 = arith.constant 1 : i32
        %parallel_loop3A_870 = arith.index_cast %parallel_loop3A_869 : i32 to index
        %parallel_loop3A_871 = arith.index_cast %parallel_loop3A_827 : i32 to index
        %parallel_loop3A_872 = tpu.vector_load %arg13[%parallel_loop3A_870, %parallel_loop3A_871] {strides = array<i32>} : memref<8x1024xf32, #tpu.memory_space<vmem>>, vector<1x16xf32>,
        %parallel_loop3A_873 = vector.shape_cast %parallel_loop3A_872 : vector<1x16xf32> to vector<16xf32>
        %parallel_loop3A_874 = arith.addf %parallel_loop3A_873, %parallel_loop3A_832 : vector<16xf32>
        %parallel_loop3A_875 = arith.constant 1 : i32
        %parallel_loop3A_876 = arith.index_cast %parallel_loop3A_875 : i32 to index
        %parallel_loop3A_877 = arith.index_cast %parallel_loop3A_827 : i32 to index
        %parallel_loop3A_878 = tpu.vector_load %arg13[%parallel_loop3A_876, %parallel_loop3A_877] {strides = array<i32>} : memref<8x1024xf32, #tpu.memory_space<vmem>>, vector<1x16xf32>,
        %parallel_loop3A_879 = vector.shape_cast %parallel_loop3A_878 : vector<1x16xf32> to vector<16xf32>
        %parallel_loop3A_880 = vector.shape_cast %parallel_loop3A_874 : vector<16xf32> to vector<1x16xf32>
        tpu.vector_store %arg13[%parallel_loop3A_876, %parallel_loop3A_877], %parallel_loop3A_880 {strides = array<i32>} : memref<8x1024xf32, #tpu.memory_space<vmem>>, vector<1x16xf32>,
      } {sc.loop_unroll_factor = 4 : i64, sc.parallel_access}
      %parallel_loop3A_435 = arith.constant 0 : i32
      %parallel_loop3A_436 = arith.constant 1024 : i32
      %parallel_loop3A_437 = arith.constant 16 : i32
      scf.for %parallel_loop3A_827 = %parallel_loop3A_435 to %parallel_loop3A_436 step %parallel_loop3A_437  : i32 {
        %parallel_loop3A_828 = arith.constant 2 : i32
        %parallel_loop3A_829 = arith.index_cast %parallel_loop3A_828 : i32 to index
        %parallel_loop3A_830 = arith.index_cast %parallel_loop3A_827 : i32 to index
        %parallel_loop3A_831 = tpu.vector_load %arg5[%parallel_loop3A_829, %parallel_loop3A_830] {strides = array<i32>} : memref<8x1024xf32, #tpu.memory_space<vmem>>, vector<1x16xf32>,
        %parallel_loop3A_832 = vector.shape_cast %parallel_loop3A_831 : vector<1x16xf32> to vector<16xf32>
        %parallel_loop3A_833 = arith.constant 2 : i32
        %parallel_loop3A_834 = arith.index_cast %parallel_loop3A_833 : i32 to index
        %parallel_loop3A_835 = arith.index_cast %parallel_loop3A_827 : i32 to index
        %parallel_loop3A_836 = tpu.vector_load %arg7[%parallel_loop3A_834, %parallel_loop3A_835] {strides = array<i32>} : memref<8x1024xf32, #tpu.memory_space<vmem>>, vector<1x16xf32>,
        %parallel_loop3A_837 = vector.shape_cast %parallel_loop3A_836 : vector<1x16xf32> to vector<16xf32>
        %parallel_loop3A_838 = arith.addf %parallel_loop3A_837, %parallel_loop3A_832 : vector<16xf32>
        %parallel_loop3A_839 = arith.constant 2 : i32
        %parallel_loop3A_840 = arith.index_cast %parallel_loop3A_839 : i32 to index
        %parallel_loop3A_841 = arith.index_cast %parallel_loop3A_827 : i32 to index
        %parallel_loop3A_842 = tpu.vector_load %arg7[%parallel_loop3A_840, %parallel_loop3A_841] {strides = array<i32>} : memref<8x1024xf32, #tpu.memory_space<vmem>>, vector<1x16xf32>,
        %parallel_loop3A_843 = vector.shape_cast %parallel_loop3A_842 : vector<1x16xf32> to vector<16xf32>
        %parallel_loop3A_844 = vector.shape_cast %parallel_loop3A_838 : vector<16xf32> to vector<1x16xf32>
        tpu.vector_store %arg7[%parallel_loop3A_840, %parallel_loop3A_841], %parallel_loop3A_844 {strides = array<i32>} : memref<8x1024xf32, #tpu.memory_space<vmem>>, vector<1x16xf32>,
        %parallel_loop3A_845 = arith.constant 2 : i32
        %parallel_loop3A_846 = arith.index_cast %parallel_loop3A_845 : i32 to index
        %parallel_loop3A_847 = arith.index_cast %parallel_loop3A_827 : i32 to index
        %parallel_loop3A_848 = tpu.vector_load %arg9[%parallel_loop3A_846, %parallel_loop3A_847] {strides = array<i32>} : memref<8x1024xf32, #tpu.memory_space<vmem>>, vector<1x16xf32>,
        %parallel_loop3A_849 = vector.shape_cast %parallel_loop3A_848 : vector<1x16xf32> to vector<16xf32>
        %parallel_loop3A_850 = arith.addf %parallel_loop3A_849, %parallel_loop3A_832 : vector<16xf32>
        %parallel_loop3A_851 = arith.constant 2 : i32
        %parallel_loop3A_852 = arith.index_cast %parallel_loop3A_851 : i32 to index
        %parallel_loop3A_853 = arith.index_cast %parallel_loop3A_827 : i32 to index
        %parallel_loop3A_854 = tpu.vector_load %arg9[%parallel_loop3A_852, %parallel_loop3A_853] {strides = array<i32>} : memref<8x1024xf32, #tpu.memory_space<vmem>>, vector<1x16xf32>,
        %parallel_loop3A_855 = vector.shape_cast %parallel_loop3A_854 : vector<1x16xf32> to vector<16xf32>
        %parallel_loop3A_856 = vector.shape_cast %parallel_loop3A_850 : vector<16xf32> to vector<1x16xf32>
        tpu.vector_store %arg9[%parallel_loop3A_852, %parallel_loop3A_853], %parallel_loop3A_856 {strides = array<i32>} : memref<8x1024xf32, #tpu.memory_space<vmem>>, vector<1x16xf32>,
        %parallel_loop3A_857 = arith.constant 2 : i32
        %parallel_loop3A_858 = arith.index_cast %parallel_loop3A_857 : i32 to index
        %parallel_loop3A_859 = arith.index_cast %parallel_loop3A_827 : i32 to index
        %parallel_loop3A_860 = tpu.vector_load %arg11[%parallel_loop3A_858, %parallel_loop3A_859] {strides = array<i32>} : memref<8x1024xf32, #tpu.memory_space<vmem>>, vector<1x16xf32>,
        %parallel_loop3A_861 = vector.shape_cast %parallel_loop3A_860 : vector<1x16xf32> to vector<16xf32>
        %parallel_loop3A_862 = arith.addf %parallel_loop3A_861, %parallel_loop3A_832 : vector<16xf32>
        %parallel_loop3A_863 = arith.constant 2 : i32
        %parallel_loop3A_864 = arith.index_cast %parallel_loop3A_863 : i32 to index
        %parallel_loop3A_865 = arith.index_cast %parallel_loop3A_827 : i32 to index
        %parallel_loop3A_866 = tpu.vector_load %arg11[%parallel_loop3A_864, %parallel_loop3A_865] {strides = array<i32>} : memref<8x1024xf32, #tpu.memory_space<vmem>>, vector<1x16xf32>,
        %parallel_loop3A_867 = vector.shape_cast %parallel_loop3A_866 : vector<1x16xf32> to vector<16xf32>
        %parallel_loop3A_868 = vector.shape_cast %parallel_loop3A_862 : vector<16xf32> to vector<1x16xf32>
        tpu.vector_store %arg11[%parallel_loop3A_864, %parallel_loop3A_865], %parallel_loop3A_868 {strides = array<i32>} : memref<8x1024xf32, #tpu.memory_space<vmem>>, vector<1x16xf32>,
        %parallel_loop3A_869 = arith.constant 2 : i32
        %parallel_loop3A_870 = arith.index_cast %parallel_loop3A_869 : i32 to index
        %parallel_loop3A_871 = arith.index_cast %parallel_loop3A_827 : i32 to index
        %parallel_loop3A_872 = tpu.vector_load %arg13[%parallel_loop3A_870, %parallel_loop3A_871] {strides = array<i32>} : memref<8x1024xf32, #tpu.memory_space<vmem>>, vector<1x16xf32>,
        %parallel_loop3A_873 = vector.shape_cast %parallel_loop3A_872 : vector<1x16xf32> to vector<16xf32>
        %parallel_loop3A_874 = arith.addf %parallel_loop3A_873, %parallel_loop3A_832 : vector<16xf32>
        %parallel_loop3A_875 = arith.constant 2 : i32
        %parallel_loop3A_876 = arith.index_cast %parallel_loop3A_875 : i32 to index
        %parallel_loop3A_877 = arith.index_cast %parallel_loop3A_827 : i32 to index
        %parallel_loop3A_878 = tpu.vector_load %arg13[%parallel_loop3A_876, %parallel_loop3A_877] {strides = array<i32>} : memref<8x1024xf32, #tpu.memory_space<vmem>>, vector<1x16xf32>,
        %parallel_loop3A_879 = vector.shape_cast %parallel_loop3A_878 : vector<1x16xf32> to vector<16xf32>
        %parallel_loop3A_880 = vector.shape_cast %parallel_loop3A_874 : vector<16xf32> to vector<1x16xf32>
        tpu.vector_store %arg13[%parallel_loop3A_876, %parallel_loop3A_877], %parallel_loop3A_880 {strides = array<i32>} : memref<8x1024xf32, #tpu.memory_space<vmem>>, vector<1x16xf32>,
      } {sc.loop_unroll_factor = 4 : i64, sc.parallel_access}
      %parallel_loop3A_438 = arith.constant 0 : i32
      %parallel_loop3A_439 = arith.constant 1024 : i32
      %parallel_loop3A_440 = arith.constant 16 : i32
      scf.for %parallel_loop3A_827 = %parallel_loop3A_438 to %parallel_loop3A_439 step %parallel_loop3A_440  : i32 {
        %parallel_loop3A_828 = arith.constant 3 : i32
        %parallel_loop3A_829 = arith.index_cast %parallel_loop3A_828 : i32 to index
        %parallel_loop3A_830 = arith.index_cast %parallel_loop3A_827 : i32 to index
        %parallel_loop3A_831 = tpu.vector_load %arg5[%parallel_loop3A_829, %parallel_loop3A_830] {strides = array<i32>} : memref<8x1024xf32, #tpu.memory_space<vmem>>, vector<1x16xf32>,
        %parallel_loop3A_832 = vector.shape_cast %parallel_loop3A_831 : vector<1x16xf32> to vector<16xf32>
        %parallel_loop3A_833 = arith.constant 3 : i32
        %parallel_loop3A_834 = arith.index_cast %parallel_loop3A_833 : i32 to index
        %parallel_loop3A_835 = arith.index_cast %parallel_loop3A_827 : i32 to index
        %parallel_loop3A_836 = tpu.vector_load %arg7[%parallel_loop3A_834, %parallel_loop3A_835] {strides = array<i32>} : memref<8x1024xf32, #tpu.memory_space<vmem>>, vector<1x16xf32>,
        %parallel_loop3A_837 = vector.shape_cast %parallel_loop3A_836 : vector<1x16xf32> to vector<16xf32>
        %parallel_loop3A_838 = arith.addf %parallel_loop3A_837, %parallel_loop3A_832 : vector<16xf32>
        %parallel_loop3A_839 = arith.constant 3 : i32
        %parallel_loop3A_840 = arith.index_cast %parallel_loop3A_839 : i32 to index
        %parallel_loop3A_841 = arith.index_cast %parallel_loop3A_827 : i32 to index
        %parallel_loop3A_842 = tpu.vector_load %arg7[%parallel_loop3A_840, %parallel_loop3A_841] {strides = array<i32>} : memref<8x1024xf32, #tpu.memory_space<vmem>>, vector<1x16xf32>,
        %parallel_loop3A_843 = vector.shape_cast %parallel_loop3A_842 : vector<1x16xf32> to vector<16xf32>
        %parallel_loop3A_844 = vector.shape_cast %parallel_loop3A_838 : vector<16xf32> to vector<1x16xf32>
        tpu.vector_store %arg7[%parallel_loop3A_840, %parallel_loop3A_841], %parallel_loop3A_844 {strides = array<i32>} : memref<8x1024xf32, #tpu.memory_space<vmem>>, vector<1x16xf32>,
        %parallel_loop3A_845 = arith.constant 3 : i32
        %parallel_loop3A_846 = arith.index_cast %parallel_loop3A_845 : i32 to index
        %parallel_loop3A_847 = arith.index_cast %parallel_loop3A_827 : i32 to index
        %parallel_loop3A_848 = tpu.vector_load %arg9[%parallel_loop3A_846, %parallel_loop3A_847] {strides = array<i32>} : memref<8x1024xf32, #tpu.memory_space<vmem>>, vector<1x16xf32>,
        %parallel_loop3A_849 = vector.shape_cast %parallel_loop3A_848 : vector<1x16xf32> to vector<16xf32>
        %parallel_loop3A_850 = arith.addf %parallel_loop3A_849, %parallel_loop3A_832 : vector<16xf32>
        %parallel_loop3A_851 = arith.constant 3 : i32
        %parallel_loop3A_852 = arith.index_cast %parallel_loop3A_851 : i32 to index
        %parallel_loop3A_853 = arith.index_cast %parallel_loop3A_827 : i32 to index
        %parallel_loop3A_854 = tpu.vector_load %arg9[%parallel_loop3A_852, %parallel_loop3A_853] {strides = array<i32>} : memref<8x1024xf32, #tpu.memory_space<vmem>>, vector<1x16xf32>,
        %parallel_loop3A_855 = vector.shape_cast %parallel_loop3A_854 : vector<1x16xf32> to vector<16xf32>
        %parallel_loop3A_856 = vector.shape_cast %parallel_loop3A_850 : vector<16xf32> to vector<1x16xf32>
        tpu.vector_store %arg9[%parallel_loop3A_852, %parallel_loop3A_853], %parallel_loop3A_856 {strides = array<i32>} : memref<8x1024xf32, #tpu.memory_space<vmem>>, vector<1x16xf32>,
        %parallel_loop3A_857 = arith.constant 3 : i32
        %parallel_loop3A_858 = arith.index_cast %parallel_loop3A_857 : i32 to index
        %parallel_loop3A_859 = arith.index_cast %parallel_loop3A_827 : i32 to index
        %parallel_loop3A_860 = tpu.vector_load %arg11[%parallel_loop3A_858, %parallel_loop3A_859] {strides = array<i32>} : memref<8x1024xf32, #tpu.memory_space<vmem>>, vector<1x16xf32>,
        %parallel_loop3A_861 = vector.shape_cast %parallel_loop3A_860 : vector<1x16xf32> to vector<16xf32>
        %parallel_loop3A_862 = arith.addf %parallel_loop3A_861, %parallel_loop3A_832 : vector<16xf32>
        %parallel_loop3A_863 = arith.constant 3 : i32
        %parallel_loop3A_864 = arith.index_cast %parallel_loop3A_863 : i32 to index
        %parallel_loop3A_865 = arith.index_cast %parallel_loop3A_827 : i32 to index
        %parallel_loop3A_866 = tpu.vector_load %arg11[%parallel_loop3A_864, %parallel_loop3A_865] {strides = array<i32>} : memref<8x1024xf32, #tpu.memory_space<vmem>>, vector<1x16xf32>,
        %parallel_loop3A_867 = vector.shape_cast %parallel_loop3A_866 : vector<1x16xf32> to vector<16xf32>
        %parallel_loop3A_868 = vector.shape_cast %parallel_loop3A_862 : vector<16xf32> to vector<1x16xf32>
        tpu.vector_store %arg11[%parallel_loop3A_864, %parallel_loop3A_865], %parallel_loop3A_868 {strides = array<i32>} : memref<8x1024xf32, #tpu.memory_space<vmem>>, vector<1x16xf32>,
        %parallel_loop3A_869 = arith.constant 3 : i32
        %parallel_loop3A_870 = arith.index_cast %parallel_loop3A_869 : i32 to index
        %parallel_loop3A_871 = arith.index_cast %parallel_loop3A_827 : i32 to index
        %parallel_loop3A_872 = tpu.vector_load %arg13[%parallel_loop3A_870, %parallel_loop3A_871] {strides = array<i32>} : memref<8x1024xf32, #tpu.memory_space<vmem>>, vector<1x16xf32>,
        %parallel_loop3A_873 = vector.shape_cast %parallel_loop3A_872 : vector<1x16xf32> to vector<16xf32>
        %parallel_loop3A_874 = arith.addf %parallel_loop3A_873, %parallel_loop3A_832 : vector<16xf32>
        %parallel_loop3A_875 = arith.constant 3 : i32
        %parallel_loop3A_876 = arith.index_cast %parallel_loop3A_875 : i32 to index
        %parallel_loop3A_877 = arith.index_cast %parallel_loop3A_827 : i32 to index
        %parallel_loop3A_878 = tpu.vector_load %arg13[%parallel_loop3A_876, %parallel_loop3A_877] {strides = array<i32>} : memref<8x1024xf32, #tpu.memory_space<vmem>>, vector<1x16xf32>,
        %parallel_loop3A_879 = vector.shape_cast %parallel_loop3A_878 : vector<1x16xf32> to vector<16xf32>
        %parallel_loop3A_880 = vector.shape_cast %parallel_loop3A_874 : vector<16xf32> to vector<1x16xf32>
        tpu.vector_store %arg13[%parallel_loop3A_876, %parallel_loop3A_877], %parallel_loop3A_880 {strides = array<i32>} : memref<8x1024xf32, #tpu.memory_space<vmem>>, vector<1x16xf32>,
      } {sc.loop_unroll_factor = 4 : i64, sc.parallel_access}
      %parallel_loop3A_441 = arith.constant 0 : i32
      %parallel_loop3A_442 = arith.constant 1024 : i32
      %parallel_loop3A_443 = arith.constant 16 : i32
      scf.for %parallel_loop3A_827 = %parallel_loop3A_441 to %parallel_loop3A_442 step %parallel_loop3A_443  : i32 {
        %parallel_loop3A_828 = arith.constant 4 : i32
        %parallel_loop3A_829 = arith.index_cast %parallel_loop3A_828 : i32 to index
        %parallel_loop3A_830 = arith.index_cast %parallel_loop3A_827 : i32 to index
        %parallel_loop3A_831 = tpu.vector_load %arg5[%parallel_loop3A_829, %parallel_loop3A_830] {strides = array<i32>} : memref<8x1024xf32, #tpu.memory_space<vmem>>, vector<1x16xf32>,
        %parallel_loop3A_832 = vector.shape_cast %parallel_loop3A_831 : vector<1x16xf32> to vector<16xf32>
        %parallel_loop3A_833 = arith.constant 4 : i32
        %parallel_loop3A_834 = arith.index_cast %parallel_loop3A_833 : i32 to index
        %parallel_loop3A_835 = arith.index_cast %parallel_loop3A_827 : i32 to index
        %parallel_loop3A_836 = tpu.vector_load %arg7[%parallel_loop3A_834, %parallel_loop3A_835] {strides = array<i32>} : memref<8x1024xf32, #tpu.memory_space<vmem>>, vector<1x16xf32>,
        %parallel_loop3A_837 = vector.shape_cast %parallel_loop3A_836 : vector<1x16xf32> to vector<16xf32>
        %parallel_loop3A_838 = arith.addf %parallel_loop3A_837, %parallel_loop3A_832 : vector<16xf32>
        %parallel_loop3A_839 = arith.constant 4 : i32
        %parallel_loop3A_840 = arith.index_cast %parallel_loop3A_839 : i32 to index
        %parallel_loop3A_841 = arith.index_cast %parallel_loop3A_827 : i32 to index
        %parallel_loop3A_842 = tpu.vector_load %arg7[%parallel_loop3A_840, %parallel_loop3A_841] {strides = array<i32>} : memref<8x1024xf32, #tpu.memory_space<vmem>>, vector<1x16xf32>,
        %parallel_loop3A_843 = vector.shape_cast %parallel_loop3A_842 : vector<1x16xf32> to vector<16xf32>
        %parallel_loop3A_844 = vector.shape_cast %parallel_loop3A_838 : vector<16xf32> to vector<1x16xf32>
        tpu.vector_store %arg7[%parallel_loop3A_840, %parallel_loop3A_841], %parallel_loop3A_844 {strides = array<i32>} : memref<8x1024xf32, #tpu.memory_space<vmem>>, vector<1x16xf32>,
        %parallel_loop3A_845 = arith.constant 4 : i32
        %parallel_loop3A_846 = arith.index_cast %parallel_loop3A_845 : i32 to index
        %parallel_loop3A_847 = arith.index_cast %parallel_loop3A_827 : i32 to index
        %parallel_loop3A_848 = tpu.vector_load %arg9[%parallel_loop3A_846, %parallel_loop3A_847] {strides = array<i32>} : memref<8x1024xf32, #tpu.memory_space<vmem>>, vector<1x16xf32>,
        %parallel_loop3A_849 = vector.shape_cast %parallel_loop3A_848 : vector<1x16xf32> to vector<16xf32>
        %parallel_loop3A_850 = arith.addf %parallel_loop3A_849, %parallel_loop3A_832 : vector<16xf32>
        %parallel_loop3A_851 = arith.constant 4 : i32
        %parallel_loop3A_852 = arith.index_cast %parallel_loop3A_851 : i32 to index
        %parallel_loop3A_853 = arith.index_cast %parallel_loop3A_827 : i32 to index
        %parallel_loop3A_854 = tpu.vector_load %arg9[%parallel_loop3A_852, %parallel_loop3A_853] {strides = array<i32>} : memref<8x1024xf32, #tpu.memory_space<vmem>>, vector<1x16xf32>,
        %parallel_loop3A_855 = vector.shape_cast %parallel_loop3A_854 : vector<1x16xf32> to vector<16xf32>
        %parallel_loop3A_856 = vector.shape_cast %parallel_loop3A_850 : vector<16xf32> to vector<1x16xf32>
        tpu.vector_store %arg9[%parallel_loop3A_852, %parallel_loop3A_853], %parallel_loop3A_856 {strides = array<i32>} : memref<8x1024xf32, #tpu.memory_space<vmem>>, vector<1x16xf32>,
        %parallel_loop3A_857 = arith.constant 4 : i32
        %parallel_loop3A_858 = arith.index_cast %parallel_loop3A_857 : i32 to index
        %parallel_loop3A_859 = arith.index_cast %parallel_loop3A_827 : i32 to index
        %parallel_loop3A_860 = tpu.vector_load %arg11[%parallel_loop3A_858, %parallel_loop3A_859] {strides = array<i32>} : memref<8x1024xf32, #tpu.memory_space<vmem>>, vector<1x16xf32>,
        %parallel_loop3A_861 = vector.shape_cast %parallel_loop3A_860 : vector<1x16xf32> to vector<16xf32>
        %parallel_loop3A_862 = arith.addf %parallel_loop3A_861, %parallel_loop3A_832 : vector<16xf32>
        %parallel_loop3A_863 = arith.constant 4 : i32
        %parallel_loop3A_864 = arith.index_cast %parallel_loop3A_863 : i32 to index
        %parallel_loop3A_865 = arith.index_cast %parallel_loop3A_827 : i32 to index
        %parallel_loop3A_866 = tpu.vector_load %arg11[%parallel_loop3A_864, %parallel_loop3A_865] {strides = array<i32>} : memref<8x1024xf32, #tpu.memory_space<vmem>>, vector<1x16xf32>,
        %parallel_loop3A_867 = vector.shape_cast %parallel_loop3A_866 : vector<1x16xf32> to vector<16xf32>
        %parallel_loop3A_868 = vector.shape_cast %parallel_loop3A_862 : vector<16xf32> to vector<1x16xf32>
        tpu.vector_store %arg11[%parallel_loop3A_864, %parallel_loop3A_865], %parallel_loop3A_868 {strides = array<i32>} : memref<8x1024xf32, #tpu.memory_space<vmem>>, vector<1x16xf32>,
        %parallel_loop3A_869 = arith.constant 4 : i32
        %parallel_loop3A_870 = arith.index_cast %parallel_loop3A_869 : i32 to index
        %parallel_loop3A_871 = arith.index_cast %parallel_loop3A_827 : i32 to index
        %parallel_loop3A_872 = tpu.vector_load %arg13[%parallel_loop3A_870, %parallel_loop3A_871] {strides = array<i32>} : memref<8x1024xf32, #tpu.memory_space<vmem>>, vector<1x16xf32>,
        %parallel_loop3A_873 = vector.shape_cast %parallel_loop3A_872 : vector<1x16xf32> to vector<16xf32>
        %parallel_loop3A_874 = arith.addf %parallel_loop3A_873, %parallel_loop3A_832 : vector<16xf32>
        %parallel_loop3A_875 = arith.constant 4 : i32
        %parallel_loop3A_876 = arith.index_cast %parallel_loop3A_875 : i32 to index
        %parallel_loop3A_877 = arith.index_cast %parallel_loop3A_827 : i32 to index
        %parallel_loop3A_878 = tpu.vector_load %arg13[%parallel_loop3A_876, %parallel_loop3A_877] {strides = array<i32>} : memref<8x1024xf32, #tpu.memory_space<vmem>>, vector<1x16xf32>,
        %parallel_loop3A_879 = vector.shape_cast %parallel_loop3A_878 : vector<1x16xf32> to vector<16xf32>
        %parallel_loop3A_880 = vector.shape_cast %parallel_loop3A_874 : vector<16xf32> to vector<1x16xf32>
        tpu.vector_store %arg13[%parallel_loop3A_876, %parallel_loop3A_877], %parallel_loop3A_880 {strides = array<i32>} : memref<8x1024xf32, #tpu.memory_space<vmem>>, vector<1x16xf32>,
      } {sc.loop_unroll_factor = 4 : i64, sc.parallel_access}
      %parallel_loop3A_444 = arith.constant 0 : i32
      %parallel_loop3A_445 = arith.constant 1024 : i32
      %parallel_loop3A_446 = arith.constant 16 : i32
      scf.for %parallel_loop3A_827 = %parallel_loop3A_444 to %parallel_loop3A_445 step %parallel_loop3A_446  : i32 {
        %parallel_loop3A_828 = arith.constant 5 : i32
        %parallel_loop3A_829 = arith.index_cast %parallel_loop3A_828 : i32 to index
        %parallel_loop3A_830 = arith.index_cast %parallel_loop3A_827 : i32 to index
        %parallel_loop3A_831 = tpu.vector_load %arg5[%parallel_loop3A_829, %parallel_loop3A_830] {strides = array<i32>} : memref<8x1024xf32, #tpu.memory_space<vmem>>, vector<1x16xf32>,
        %parallel_loop3A_832 = vector.shape_cast %parallel_loop3A_831 : vector<1x16xf32> to vector<16xf32>
        %parallel_loop3A_833 = arith.constant 5 : i32
        %parallel_loop3A_834 = arith.index_cast %parallel_loop3A_833 : i32 to index
        %parallel_loop3A_835 = arith.index_cast %parallel_loop3A_827 : i32 to index
        %parallel_loop3A_836 = tpu.vector_load %arg7[%parallel_loop3A_834, %parallel_loop3A_835] {strides = array<i32>} : memref<8x1024xf32, #tpu.memory_space<vmem>>, vector<1x16xf32>,
        %parallel_loop3A_837 = vector.shape_cast %parallel_loop3A_836 : vector<1x16xf32> to vector<16xf32>
        %parallel_loop3A_838 = arith.addf %parallel_loop3A_837, %parallel_loop3A_832 : vector<16xf32>
        %parallel_loop3A_839 = arith.constant 5 : i32
        %parallel_loop3A_840 = arith.index_cast %parallel_loop3A_839 : i32 to index
        %parallel_loop3A_841 = arith.index_cast %parallel_loop3A_827 : i32 to index
        %parallel_loop3A_842 = tpu.vector_load %arg7[%parallel_loop3A_840, %parallel_loop3A_841] {strides = array<i32>} : memref<8x1024xf32, #tpu.memory_space<vmem>>, vector<1x16xf32>,
        %parallel_loop3A_843 = vector.shape_cast %parallel_loop3A_842 : vector<1x16xf32> to vector<16xf32>
        %parallel_loop3A_844 = vector.shape_cast %parallel_loop3A_838 : vector<16xf32> to vector<1x16xf32>
        tpu.vector_store %arg7[%parallel_loop3A_840, %parallel_loop3A_841], %parallel_loop3A_844 {strides = array<i32>} : memref<8x1024xf32, #tpu.memory_space<vmem>>, vector<1x16xf32>,
        %parallel_loop3A_845 = arith.constant 5 : i32
        %parallel_loop3A_846 = arith.index_cast %parallel_loop3A_845 : i32 to index
        %parallel_loop3A_847 = arith.index_cast %parallel_loop3A_827 : i32 to index
        %parallel_loop3A_848 = tpu.vector_load %arg9[%parallel_loop3A_846, %parallel_loop3A_847] {strides = array<i32>} : memref<8x1024xf32, #tpu.memory_space<vmem>>, vector<1x16xf32>,
        %parallel_loop3A_849 = vector.shape_cast %parallel_loop3A_848 : vector<1x16xf32> to vector<16xf32>
        %parallel_loop3A_850 = arith.addf %parallel_loop3A_849, %parallel_loop3A_832 : vector<16xf32>
        %parallel_loop3A_851 = arith.constant 5 : i32
        %parallel_loop3A_852 = arith.index_cast %parallel_loop3A_851 : i32 to index
        %parallel_loop3A_853 = arith.index_cast %parallel_loop3A_827 : i32 to index
        %parallel_loop3A_854 = tpu.vector_load %arg9[%parallel_loop3A_852, %parallel_loop3A_853] {strides = array<i32>} : memref<8x1024xf32, #tpu.memory_space<vmem>>, vector<1x16xf32>,
        %parallel_loop3A_855 = vector.shape_cast %parallel_loop3A_854 : vector<1x16xf32> to vector<16xf32>
        %parallel_loop3A_856 = vector.shape_cast %parallel_loop3A_850 : vector<16xf32> to vector<1x16xf32>
        tpu.vector_store %arg9[%parallel_loop3A_852, %parallel_loop3A_853], %parallel_loop3A_856 {strides = array<i32>} : memref<8x1024xf32, #tpu.memory_space<vmem>>, vector<1x16xf32>,
        %parallel_loop3A_857 = arith.constant 5 : i32
        %parallel_loop3A_858 = arith.index_cast %parallel_loop3A_857 : i32 to index
        %parallel_loop3A_859 = arith.index_cast %parallel_loop3A_827 : i32 to index
        %parallel_loop3A_860 = tpu.vector_load %arg11[%parallel_loop3A_858, %parallel_loop3A_859] {strides = array<i32>} : memref<8x1024xf32, #tpu.memory_space<vmem>>, vector<1x16xf32>,
        %parallel_loop3A_861 = vector.shape_cast %parallel_loop3A_860 : vector<1x16xf32> to vector<16xf32>
        %parallel_loop3A_862 = arith.addf %parallel_loop3A_861, %parallel_loop3A_832 : vector<16xf32>
        %parallel_loop3A_863 = arith.constant 5 : i32
        %parallel_loop3A_864 = arith.index_cast %parallel_loop3A_863 : i32 to index
        %parallel_loop3A_865 = arith.index_cast %parallel_loop3A_827 : i32 to index
        %parallel_loop3A_866 = tpu.vector_load %arg11[%parallel_loop3A_864, %parallel_loop3A_865] {strides = array<i32>} : memref<8x1024xf32, #tpu.memory_space<vmem>>, vector<1x16xf32>,
        %parallel_loop3A_867 = vector.shape_cast %parallel_loop3A_866 : vector<1x16xf32> to vector<16xf32>
        %parallel_loop3A_868 = vector.shape_cast %parallel_loop3A_862 : vector<16xf32> to vector<1x16xf32>
        tpu.vector_store %arg11[%parallel_loop3A_864, %parallel_loop3A_865], %parallel_loop3A_868 {strides = array<i32>} : memref<8x1024xf32, #tpu.memory_space<vmem>>, vector<1x16xf32>,
        %parallel_loop3A_869 = arith.constant 5 : i32
        %parallel_loop3A_870 = arith.index_cast %parallel_loop3A_869 : i32 to index
        %parallel_loop3A_871 = arith.index_cast %parallel_loop3A_827 : i32 to index
        %parallel_loop3A_872 = tpu.vector_load %arg13[%parallel_loop3A_870, %parallel_loop3A_871] {strides = array<i32>} : memref<8x1024xf32, #tpu.memory_space<vmem>>, vector<1x16xf32>,
        %parallel_loop3A_873 = vector.shape_cast %parallel_loop3A_872 : vector<1x16xf32> to vector<16xf32>
        %parallel_loop3A_874 = arith.addf %parallel_loop3A_873, %parallel_loop3A_832 : vector<16xf32>
        %parallel_loop3A_875 = arith.constant 5 : i32
        %parallel_loop3A_876 = arith.index_cast %parallel_loop3A_875 : i32 to index
        %parallel_loop3A_877 = arith.index_cast %parallel_loop3A_827 : i32 to index
        %parallel_loop3A_878 = tpu.vector_load %arg13[%parallel_loop3A_876, %parallel_loop3A_877] {strides = array<i32>} : memref<8x1024xf32, #tpu.memory_space<vmem>>, vector<1x16xf32>,
        %parallel_loop3A_879 = vector.shape_cast %parallel_loop3A_878 : vector<1x16xf32> to vector<16xf32>
        %parallel_loop3A_880 = vector.shape_cast %parallel_loop3A_874 : vector<16xf32> to vector<1x16xf32>
        tpu.vector_store %arg13[%parallel_loop3A_876, %parallel_loop3A_877], %parallel_loop3A_880 {strides = array<i32>} : memref<8x1024xf32, #tpu.memory_space<vmem>>, vector<1x16xf32>,
      } {sc.loop_unroll_factor = 4 : i64, sc.parallel_access}
      %parallel_loop3A_447 = arith.constant 0 : i32
      %parallel_loop3A_448 = arith.constant 1024 : i32
      %parallel_loop3A_449 = arith.constant 16 : i32
      scf.for %parallel_loop3A_827 = %parallel_loop3A_447 to %parallel_loop3A_448 step %parallel_loop3A_449  : i32 {
        %parallel_loop3A_828 = arith.constant 6 : i32
        %parallel_loop3A_829 = arith.index_cast %parallel_loop3A_828 : i32 to index
        %parallel_loop3A_830 = arith.index_cast %parallel_loop3A_827 : i32 to index
        %parallel_loop3A_831 = tpu.vector_load %arg5[%parallel_loop3A_829, %parallel_loop3A_830] {strides = array<i32>} : memref<8x1024xf32, #tpu.memory_space<vmem>>, vector<1x16xf32>,
        %parallel_loop3A_832 = vector.shape_cast %parallel_loop3A_831 : vector<1x16xf32> to vector<16xf32>
        %parallel_loop3A_833 = arith.constant 6 : i32
        %parallel_loop3A_834 = arith.index_cast %parallel_loop3A_833 : i32 to index
        %parallel_loop3A_835 = arith.index_cast %parallel_loop3A_827 : i32 to index
        %parallel_loop3A_836 = tpu.vector_load %arg7[%parallel_loop3A_834, %parallel_loop3A_835] {strides = array<i32>} : memref<8x1024xf32, #tpu.memory_space<vmem>>, vector<1x16xf32>,
        %parallel_loop3A_837 = vector.shape_cast %parallel_loop3A_836 : vector<1x16xf32> to vector<16xf32>
        %parallel_loop3A_838 = arith.addf %parallel_loop3A_837, %parallel_loop3A_832 : vector<16xf32>
        %parallel_loop3A_839 = arith.constant 6 : i32
        %parallel_loop3A_840 = arith.index_cast %parallel_loop3A_839 : i32 to index
        %parallel_loop3A_841 = arith.index_cast %parallel_loop3A_827 : i32 to index
        %parallel_loop3A_842 = tpu.vector_load %arg7[%parallel_loop3A_840, %parallel_loop3A_841] {strides = array<i32>} : memref<8x1024xf32, #tpu.memory_space<vmem>>, vector<1x16xf32>,
        %parallel_loop3A_843 = vector.shape_cast %parallel_loop3A_842 : vector<1x16xf32> to vector<16xf32>
        %parallel_loop3A_844 = vector.shape_cast %parallel_loop3A_838 : vector<16xf32> to vector<1x16xf32>
        tpu.vector_store %arg7[%parallel_loop3A_840, %parallel_loop3A_841], %parallel_loop3A_844 {strides = array<i32>} : memref<8x1024xf32, #tpu.memory_space<vmem>>, vector<1x16xf32>,
        %parallel_loop3A_845 = arith.constant 6 : i32
        %parallel_loop3A_846 = arith.index_cast %parallel_loop3A_845 : i32 to index
        %parallel_loop3A_847 = arith.index_cast %parallel_loop3A_827 : i32 to index
        %parallel_loop3A_848 = tpu.vector_load %arg9[%parallel_loop3A_846, %parallel_loop3A_847] {strides = array<i32>} : memref<8x1024xf32, #tpu.memory_space<vmem>>, vector<1x16xf32>,
        %parallel_loop3A_849 = vector.shape_cast %parallel_loop3A_848 : vector<1x16xf32> to vector<16xf32>
        %parallel_loop3A_850 = arith.addf %parallel_loop3A_849, %parallel_loop3A_832 : vector<16xf32>
        %parallel_loop3A_851 = arith.constant 6 : i32
        %parallel_loop3A_852 = arith.index_cast %parallel_loop3A_851 : i32 to index
        %parallel_loop3A_853 = arith.index_cast %parallel_loop3A_827 : i32 to index
        %parallel_loop3A_854 = tpu.vector_load %arg9[%parallel_loop3A_852, %parallel_loop3A_853] {strides = array<i32>} : memref<8x1024xf32, #tpu.memory_space<vmem>>, vector<1x16xf32>,
        %parallel_loop3A_855 = vector.shape_cast %parallel_loop3A_854 : vector<1x16xf32> to vector<16xf32>
        %parallel_loop3A_856 = vector.shape_cast %parallel_loop3A_850 : vector<16xf32> to vector<1x16xf32>
        tpu.vector_store %arg9[%parallel_loop3A_852, %parallel_loop3A_853], %parallel_loop3A_856 {strides = array<i32>} : memref<8x1024xf32, #tpu.memory_space<vmem>>, vector<1x16xf32>,
        %parallel_loop3A_857 = arith.constant 6 : i32
        %parallel_loop3A_858 = arith.index_cast %parallel_loop3A_857 : i32 to index
        %parallel_loop3A_859 = arith.index_cast %parallel_loop3A_827 : i32 to index
        %parallel_loop3A_860 = tpu.vector_load %arg11[%parallel_loop3A_858, %parallel_loop3A_859] {strides = array<i32>} : memref<8x1024xf32, #tpu.memory_space<vmem>>, vector<1x16xf32>,
        %parallel_loop3A_861 = vector.shape_cast %parallel_loop3A_860 : vector<1x16xf32> to vector<16xf32>
        %parallel_loop3A_862 = arith.addf %parallel_loop3A_861, %parallel_loop3A_832 : vector<16xf32>
        %parallel_loop3A_863 = arith.constant 6 : i32
        %parallel_loop3A_864 = arith.index_cast %parallel_loop3A_863 : i32 to index
        %parallel_loop3A_865 = arith.index_cast %parallel_loop3A_827 : i32 to index
        %parallel_loop3A_866 = tpu.vector_load %arg11[%parallel_loop3A_864, %parallel_loop3A_865] {strides = array<i32>} : memref<8x1024xf32, #tpu.memory_space<vmem>>, vector<1x16xf32>,
        %parallel_loop3A_867 = vector.shape_cast %parallel_loop3A_866 : vector<1x16xf32> to vector<16xf32>
        %parallel_loop3A_868 = vector.shape_cast %parallel_loop3A_862 : vector<16xf32> to vector<1x16xf32>
        tpu.vector_store %arg11[%parallel_loop3A_864, %parallel_loop3A_865], %parallel_loop3A_868 {strides = array<i32>} : memref<8x1024xf32, #tpu.memory_space<vmem>>, vector<1x16xf32>,
        %parallel_loop3A_869 = arith.constant 6 : i32
        %parallel_loop3A_870 = arith.index_cast %parallel_loop3A_869 : i32 to index
        %parallel_loop3A_871 = arith.index_cast %parallel_loop3A_827 : i32 to index
        %parallel_loop3A_872 = tpu.vector_load %arg13[%parallel_loop3A_870, %parallel_loop3A_871] {strides = array<i32>} : memref<8x1024xf32, #tpu.memory_space<vmem>>, vector<1x16xf32>,
        %parallel_loop3A_873 = vector.shape_cast %parallel_loop3A_872 : vector<1x16xf32> to vector<16xf32>
        %parallel_loop3A_874 = arith.addf %parallel_loop3A_873, %parallel_loop3A_832 : vector<16xf32>
        %parallel_loop3A_875 = arith.constant 6 : i32
        %parallel_loop3A_876 = arith.index_cast %parallel_loop3A_875 : i32 to index
        %parallel_loop3A_877 = arith.index_cast %parallel_loop3A_827 : i32 to index
        %parallel_loop3A_878 = tpu.vector_load %arg13[%parallel_loop3A_876, %parallel_loop3A_877] {strides = array<i32>} : memref<8x1024xf32, #tpu.memory_space<vmem>>, vector<1x16xf32>,
        %parallel_loop3A_879 = vector.shape_cast %parallel_loop3A_878 : vector<1x16xf32> to vector<16xf32>
        %parallel_loop3A_880 = vector.shape_cast %parallel_loop3A_874 : vector<16xf32> to vector<1x16xf32>
        tpu.vector_store %arg13[%parallel_loop3A_876, %parallel_loop3A_877], %parallel_loop3A_880 {strides = array<i32>} : memref<8x1024xf32, #tpu.memory_space<vmem>>, vector<1x16xf32>,
      } {sc.loop_unroll_factor = 4 : i64, sc.parallel_access}
      %parallel_loop3A_450 = arith.constant 0 : i32
      %parallel_loop3A_451 = arith.constant 1024 : i32
      %parallel_loop3A_452 = arith.constant 16 : i32
      scf.for %parallel_loop3A_827 = %parallel_loop3A_450 to %parallel_loop3A_451 step %parallel_loop3A_452  : i32 {
        %parallel_loop3A_828 = arith.constant 7 : i32
        %parallel_loop3A_829 = arith.index_cast %parallel_loop3A_828 : i32 to index
        %parallel_loop3A_830 = arith.index_cast %parallel_loop3A_827 : i32 to index
        %parallel_loop3A_831 = tpu.vector_load %arg5[%parallel_loop3A_829, %parallel_loop3A_830] {strides = array<i32>} : memref<8x1024xf32, #tpu.memory_space<vmem>>, vector<1x16xf32>,
        %parallel_loop3A_832 = vector.shape_cast %parallel_loop3A_831 : vector<1x16xf32> to vector<16xf32>
        %parallel_loop3A_833 = arith.constant 7 : i32
        %parallel_loop3A_834 = arith.index_cast %parallel_loop3A_833 : i32 to index
        %parallel_loop3A_835 = arith.index_cast %parallel_loop3A_827 : i32 to index
        %parallel_loop3A_836 = tpu.vector_load %arg7[%parallel_loop3A_834, %parallel_loop3A_835] {strides = array<i32>} : memref<8x1024xf32, #tpu.memory_space<vmem>>, vector<1x16xf32>,
        %parallel_loop3A_837 = vector.shape_cast %parallel_loop3A_836 : vector<1x16xf32> to vector<16xf32>
        %parallel_loop3A_838 = arith.addf %parallel_loop3A_837, %parallel_loop3A_832 : vector<16xf32>
        %parallel_loop3A_839 = arith.constant 7 : i32
        %parallel_loop3A_840 = arith.index_cast %parallel_loop3A_839 : i32 to index
        %parallel_loop3A_841 = arith.index_cast %parallel_loop3A_827 : i32 to index
        %parallel_loop3A_842 = tpu.vector_load %arg7[%parallel_loop3A_840, %parallel_loop3A_841] {strides = array<i32>} : memref<8x1024xf32, #tpu.memory_space<vmem>>, vector<1x16xf32>,
        %parallel_loop3A_843 = vector.shape_cast %parallel_loop3A_842 : vector<1x16xf32> to vector<16xf32>
        %parallel_loop3A_844 = vector.shape_cast %parallel_loop3A_838 : vector<16xf32> to vector<1x16xf32>
        tpu.vector_store %arg7[%parallel_loop3A_840, %parallel_loop3A_841], %parallel_loop3A_844 {strides = array<i32>} : memref<8x1024xf32, #tpu.memory_space<vmem>>, vector<1x16xf32>,
        %parallel_loop3A_845 = arith.constant 7 : i32
        %parallel_loop3A_846 = arith.index_cast %parallel_loop3A_845 : i32 to index
        %parallel_loop3A_847 = arith.index_cast %parallel_loop3A_827 : i32 to index
        %parallel_loop3A_848 = tpu.vector_load %arg9[%parallel_loop3A_846, %parallel_loop3A_847] {strides = array<i32>} : memref<8x1024xf32, #tpu.memory_space<vmem>>, vector<1x16xf32>,
        %parallel_loop3A_849 = vector.shape_cast %parallel_loop3A_848 : vector<1x16xf32> to vector<16xf32>
        %parallel_loop3A_850 = arith.addf %parallel_loop3A_849, %parallel_loop3A_832 : vector<16xf32>
        %parallel_loop3A_851 = arith.constant 7 : i32
        %parallel_loop3A_852 = arith.index_cast %parallel_loop3A_851 : i32 to index
        %parallel_loop3A_853 = arith.index_cast %parallel_loop3A_827 : i32 to index
        %parallel_loop3A_854 = tpu.vector_load %arg9[%parallel_loop3A_852, %parallel_loop3A_853] {strides = array<i32>} : memref<8x1024xf32, #tpu.memory_space<vmem>>, vector<1x16xf32>,
        %parallel_loop3A_855 = vector.shape_cast %parallel_loop3A_854 : vector<1x16xf32> to vector<16xf32>
        %parallel_loop3A_856 = vector.shape_cast %parallel_loop3A_850 : vector<16xf32> to vector<1x16xf32>
        tpu.vector_store %arg9[%parallel_loop3A_852, %parallel_loop3A_853], %parallel_loop3A_856 {strides = array<i32>} : memref<8x1024xf32, #tpu.memory_space<vmem>>, vector<1x16xf32>,
        %parallel_loop3A_857 = arith.constant 7 : i32
        %parallel_loop3A_858 = arith.index_cast %parallel_loop3A_857 : i32 to index
        %parallel_loop3A_859 = arith.index_cast %parallel_loop3A_827 : i32 to index
        %parallel_loop3A_860 = tpu.vector_load %arg11[%parallel_loop3A_858, %parallel_loop3A_859] {strides = array<i32>} : memref<8x1024xf32, #tpu.memory_space<vmem>>, vector<1x16xf32>,
        %parallel_loop3A_861 = vector.shape_cast %parallel_loop3A_860 : vector<1x16xf32> to vector<16xf32>
        %parallel_loop3A_862 = arith.addf %parallel_loop3A_861, %parallel_loop3A_832 : vector<16xf32>
        %parallel_loop3A_863 = arith.constant 7 : i32
        %parallel_loop3A_864 = arith.index_cast %parallel_loop3A_863 : i32 to index
        %parallel_loop3A_865 = arith.index_cast %parallel_loop3A_827 : i32 to index
        %parallel_loop3A_866 = tpu.vector_load %arg11[%parallel_loop3A_864, %parallel_loop3A_865] {strides = array<i32>} : memref<8x1024xf32, #tpu.memory_space<vmem>>, vector<1x16xf32>,
        %parallel_loop3A_867 = vector.shape_cast %parallel_loop3A_866 : vector<1x16xf32> to vector<16xf32>
        %parallel_loop3A_868 = vector.shape_cast %parallel_loop3A_862 : vector<16xf32> to vector<1x16xf32>
        tpu.vector_store %arg11[%parallel_loop3A_864, %parallel_loop3A_865], %parallel_loop3A_868 {strides = array<i32>} : memref<8x1024xf32, #tpu.memory_space<vmem>>, vector<1x16xf32>,
        %parallel_loop3A_869 = arith.constant 7 : i32
        %parallel_loop3A_870 = arith.index_cast %parallel_loop3A_869 : i32 to index
        %parallel_loop3A_871 = arith.index_cast %parallel_loop3A_827 : i32 to index
        %parallel_loop3A_872 = tpu.vector_load %arg13[%parallel_loop3A_870, %parallel_loop3A_871] {strides = array<i32>} : memref<8x1024xf32, #tpu.memory_space<vmem>>, vector<1x16xf32>,
        %parallel_loop3A_873 = vector.shape_cast %parallel_loop3A_872 : vector<1x16xf32> to vector<16xf32>
        %parallel_loop3A_874 = arith.addf %parallel_loop3A_873, %parallel_loop3A_832 : vector<16xf32>
        %parallel_loop3A_875 = arith.constant 7 : i32
        %parallel_loop3A_876 = arith.index_cast %parallel_loop3A_875 : i32 to index
        %parallel_loop3A_877 = arith.index_cast %parallel_loop3A_827 : i32 to index
        %parallel_loop3A_878 = tpu.vector_load %arg13[%parallel_loop3A_876, %parallel_loop3A_877] {strides = array<i32>} : memref<8x1024xf32, #tpu.memory_space<vmem>>, vector<1x16xf32>,
        %parallel_loop3A_879 = vector.shape_cast %parallel_loop3A_878 : vector<1x16xf32> to vector<16xf32>
        %parallel_loop3A_880 = vector.shape_cast %parallel_loop3A_874 : vector<16xf32> to vector<1x16xf32>
        tpu.vector_store %arg13[%parallel_loop3A_876, %parallel_loop3A_877], %parallel_loop3A_880 {strides = array<i32>} : memref<8x1024xf32, #tpu.memory_space<vmem>>, vector<1x16xf32>,
      } {sc.loop_unroll_factor = 4 : i64, sc.parallel_access}
      %mul3A_453 = arith.constant 8 : i32
      %mul3A_454 = arith.muli %add3A_270, %mul3A_453 : i32
      %add3A_455 = arith.addi %mul3A_2, %mul3A_454 : i32
      %dma_start3A_456 = arith.constant 0 : i32
      %dma_start3A_457 = arith.constant 0 : i32
      %dma_start3A_458 = arith.constant 0 : i32
      %dma_start3A_459 = arith.constant 0 : i32
      %dma_start3A_460 = tpu.memref_slice %arg4[%dma_start3A_456, %add3A_455, %dma_start3A_459] : memref<4x8192x1024xf32, #tpu.memory_space<hbm>> -> memref<1x8x1024xf32, #tpu.memory_space<hbm>>
      %dma_start3A_461 = tpu.memref_squeeze %dma_start3A_460 : memref<1x8x1024xf32, #tpu.memory_space<hbm>> -> memref<8x1024xf32, #tpu.memory_space<hbm>>
      %dma_start3A_462 = tpu.memref_slice %arg19[%dma_start3A_457, %dma_start3A_458] : memref<4x2x!tpu.dma_semaphore, #tpu.memory_space<semaphore_mem>> -> memref<1x1x!tpu.dma_semaphore, #tpu.memory_space<semaphore_mem>>
      %dma_start3A_463 = tpu.memref_squeeze %dma_start3A_462 : memref<1x1x!tpu.dma_semaphore, #tpu.memory_space<semaphore_mem>> -> memref<!tpu.dma_semaphore, #tpu.memory_space<semaphore_mem>>
      %dma_start3A_464 = arith.constant 0 : i32
      %dma_start3A_465 = tpu.memref_slice %arg4[%dma_start3A_456, %add3A_455, %dma_start3A_464] : memref<4x8192x1024xf32, #tpu.memory_space<hbm>> -> memref<1x8x1024xf32, #tpu.memory_space<hbm>>
      %dma_start3A_466 = tpu.memref_squeeze %dma_start3A_465 : memref<1x8x1024xf32, #tpu.memory_space<hbm>> -> memref<8x1024xf32, #tpu.memory_space<hbm>>
      tpu.enqueue_dma source(%arg7 : memref<8x1024xf32, #tpu.memory_space<vmem>>) target(%dma_start3A_466 : memref<8x1024xf32, #tpu.memory_space<hbm>>) target_semaphore(%dma_start3A_463 : memref<!tpu.dma_semaphore, #tpu.memory_space<semaphore_mem>>)
      %gt3A_467 = arith.constant 0 : i32
      %gt3A_468 = arith.cmpi sgt, %scan3A_266, %gt3A_467 : i32
      %convert_element_type3A_469 = arith.extui %gt3A_468 : i1 to i32
      %cond3A_470 = arith.constant 0 : i32
      %cond3A_471 = arith.cmpi ne, %convert_element_type3A_469, %cond3A_470 : i32
      scf.if %cond3A_471 {
        %sub3A_827 = arith.constant 2 : i32
        %sub3A_828 = arith.subi %add3A_270, %sub3A_827 : i32
        %mul3A_829 = arith.constant 8 : i32
        %mul3A_830 = arith.muli %sub3A_828, %mul3A_829 : i32
        %add3A_831 = arith.addi %mul3A_2, %mul3A_830 : i32
        %dma_wait3A_832 = arith.constant 0 : i32
        %dma_wait3A_833 = arith.constant 0 : i32
        %dma_wait3A_834 = arith.constant 1 : i32
        %dma_wait3A_835 = arith.constant 1 : i32
        %dma_wait3A_836 = arith.constant 0 : i32
        %dma_wait3A_837 = tpu.memref_slice %arg19[%dma_wait3A_835, %dma_wait3A_836] : memref<4x2x!tpu.dma_semaphore, #tpu.memory_space<semaphore_mem>> -> memref<1x1x!tpu.dma_semaphore, #tpu.memory_space<semaphore_mem>>
        %dma_wait3A_838 = tpu.memref_squeeze %dma_wait3A_837 : memref<1x1x!tpu.dma_semaphore, #tpu.memory_space<semaphore_mem>> -> memref<!tpu.dma_semaphore, #tpu.memory_space<semaphore_mem>>
        %dma_wait3A_839 = arith.constant 0 : i32
        %dma_wait3A_840 = tpu.memref_slice %arg4[%dma_wait3A_834, %add3A_831, %dma_wait3A_839] : memref<4x8192x1024xf32, #tpu.memory_space<hbm>> -> memref<1x8x1024xf32, #tpu.memory_space<hbm>>
        %dma_wait3A_841 = tpu.memref_squeeze %dma_wait3A_840 : memref<1x8x1024xf32, #tpu.memory_space<hbm>> -> memref<8x1024xf32, #tpu.memory_space<hbm>>
        %dma_wait3A_842 = arith.constant 0 : i32
        %dma_wait3A_843 = arith.constant 0 : i32
        %dma_wait3A_844 = tpu.memref_slice %arg15[%arg1, %dma_wait3A_832, %dma_wait3A_833, %dma_wait3A_842, %dma_wait3A_843] : memref<16x3x2x8x1024xf32, #tpu.memory_space<vmem_shared>> -> memref<1x1x1x8x1024xf32, #tpu.memory_space<vmem_shared>>
        %dma_wait3A_845 = tpu.memref_squeeze %dma_wait3A_844 : memref<1x1x1x8x1024xf32, #tpu.memory_space<vmem_shared>> -> memref<8x1024xf32, #tpu.memory_space<vmem_shared>>
        tpu.wait_dma2 semaphore(%dma_wait3A_838 : memref<!tpu.dma_semaphore, #tpu.memory_space<semaphore_mem>>) src(%dma_wait3A_845 : memref<8x1024xf32, #tpu.memory_space<vmem_shared>>) dst(%dma_wait3A_841 : memref<8x1024xf32, #tpu.memory_space<hbm>>)
      } else {
      }
      %dma_start3A_472 = arith.constant 0 : i32
      %dma_start3A_473 = arith.constant 0 : i32
      %dma_start3A_474 = arith.constant 1 : i32
      %dma_start3A_475 = arith.constant 0 : i32
      %dma_start3A_476 = arith.constant 0 : i32
      %dma_start3A_477 = arith.constant 0 : i32
      %dma_start3A_478 = tpu.memref_slice %arg15[%arg1, %dma_start3A_472, %dma_start3A_473, %dma_start3A_476, %dma_start3A_477] : memref<16x3x2x8x1024xf32, #tpu.memory_space<vmem_shared>> -> memref<1x1x1x8x1024xf32, #tpu.memory_space<vmem_shared>>
      %dma_start3A_479 = tpu.memref_squeeze %dma_start3A_478 : memref<1x1x1x8x1024xf32, #tpu.memory_space<vmem_shared>> -> memref<8x1024xf32, #tpu.memory_space<vmem_shared>>
      %dma_start3A_480 = tpu.memref_slice %arg18[%dma_start3A_474, %dma_start3A_475] : memref<4x2x!tpu.dma_semaphore, #tpu.memory_space<semaphore_mem>> -> memref<1x1x!tpu.dma_semaphore, #tpu.memory_space<semaphore_mem>>
      %dma_start3A_481 = tpu.memref_squeeze %dma_start3A_480 : memref<1x1x!tpu.dma_semaphore, #tpu.memory_space<semaphore_mem>> -> memref<!tpu.dma_semaphore, #tpu.memory_space<semaphore_mem>>
      %dma_start3A_482 = arith.constant 0 : i32
      %dma_start3A_483 = arith.constant 0 : i32
      %dma_start3A_484 = tpu.memref_slice %arg15[%arg1, %dma_start3A_472, %dma_start3A_473, %dma_start3A_482, %dma_start3A_483] : memref<16x3x2x8x1024xf32, #tpu.memory_space<vmem_shared>> -> memref<1x1x1x8x1024xf32, #tpu.memory_space<vmem_shared>>
      %dma_start3A_485 = tpu.memref_squeeze %dma_start3A_484 : memref<1x1x1x8x1024xf32, #tpu.memory_space<vmem_shared>> -> memref<8x1024xf32, #tpu.memory_space<vmem_shared>>
      tpu.enqueue_dma source(%arg9 : memref<8x1024xf32, #tpu.memory_space<vmem>>) target(%dma_start3A_485 : memref<8x1024xf32, #tpu.memory_space<vmem_shared>>) target_semaphore(%dma_start3A_481 : memref<!tpu.dma_semaphore, #tpu.memory_space<semaphore_mem>>)
      %gt3A_486 = arith.constant 0 : i32
      %gt3A_487 = arith.cmpi sgt, %scan3A_266, %gt3A_486 : i32
      %convert_element_type3A_488 = arith.extui %gt3A_487 : i1 to i32
      %cond3A_489 = arith.constant 0 : i32
      %cond3A_490 = arith.cmpi ne, %convert_element_type3A_488, %cond3A_489 : i32
      scf.if %cond3A_490 {
        %sub3A_827 = arith.constant 2 : i32
        %sub3A_828 = arith.subi %add3A_270, %sub3A_827 : i32
        %mul3A_829 = arith.constant 8 : i32
        %mul3A_830 = arith.muli %sub3A_828, %mul3A_829 : i32
        %add3A_831 = arith.addi %mul3A_2, %mul3A_830 : i32
        %dma_wait3A_832 = arith.constant 1 : i32
        %dma_wait3A_833 = arith.constant 0 : i32
        %dma_wait3A_834 = arith.constant 2 : i32
        %dma_wait3A_835 = arith.constant 2 : i32
        %dma_wait3A_836 = arith.constant 0 : i32
        %dma_wait3A_837 = tpu.memref_slice %arg19[%dma_wait3A_835, %dma_wait3A_836] : memref<4x2x!tpu.dma_semaphore, #tpu.memory_space<semaphore_mem>> -> memref<1x1x!tpu.dma_semaphore, #tpu.memory_space<semaphore_mem>>
        %dma_wait3A_838 = tpu.memref_squeeze %dma_wait3A_837 : memref<1x1x!tpu.dma_semaphore, #tpu.memory_space<semaphore_mem>> -> memref<!tpu.dma_semaphore, #tpu.memory_space<semaphore_mem>>
        %dma_wait3A_839 = arith.constant 0 : i32
        %dma_wait3A_840 = tpu.memref_slice %arg4[%dma_wait3A_834, %add3A_831, %dma_wait3A_839] : memref<4x8192x1024xf32, #tpu.memory_space<hbm>> -> memref<1x8x1024xf32, #tpu.memory_space<hbm>>
        %dma_wait3A_841 = tpu.memref_squeeze %dma_wait3A_840 : memref<1x8x1024xf32, #tpu.memory_space<hbm>> -> memref<8x1024xf32, #tpu.memory_space<hbm>>
        %dma_wait3A_842 = arith.constant 0 : i32
        %dma_wait3A_843 = arith.constant 0 : i32
        %dma_wait3A_844 = tpu.memref_slice %arg15[%arg1, %dma_wait3A_832, %dma_wait3A_833, %dma_wait3A_842, %dma_wait3A_843] : memref<16x3x2x8x1024xf32, #tpu.memory_space<vmem_shared>> -> memref<1x1x1x8x1024xf32, #tpu.memory_space<vmem_shared>>
        %dma_wait3A_845 = tpu.memref_squeeze %dma_wait3A_844 : memref<1x1x1x8x1024xf32, #tpu.memory_space<vmem_shared>> -> memref<8x1024xf32, #tpu.memory_space<vmem_shared>>
        tpu.wait_dma2 semaphore(%dma_wait3A_838 : memref<!tpu.dma_semaphore, #tpu.memory_space<semaphore_mem>>) src(%dma_wait3A_845 : memref<8x1024xf32, #tpu.memory_space<vmem_shared>>) dst(%dma_wait3A_841 : memref<8x1024xf32, #tpu.memory_space<hbm>>)
      } else {
      }
      %dma_start3A_491 = arith.constant 1 : i32
      %dma_start3A_492 = arith.constant 0 : i32
      %dma_start3A_493 = arith.constant 2 : i32
      %dma_start3A_494 = arith.constant 0 : i32
      %dma_start3A_495 = arith.constant 0 : i32
      %dma_start3A_496 = arith.constant 0 : i32
      %dma_start3A_497 = tpu.memref_slice %arg15[%arg1, %dma_start3A_491, %dma_start3A_492, %dma_start3A_495, %dma_start3A_496] : memref<16x3x2x8x1024xf32, #tpu.memory_space<vmem_shared>> -> memref<1x1x1x8x1024xf32, #tpu.memory_space<vmem_shared>>
      %dma_start3A_498 = tpu.memref_squeeze %dma_start3A_497 : memref<1x1x1x8x1024xf32, #tpu.memory_space<vmem_shared>> -> memref<8x1024xf32, #tpu.memory_space<vmem_shared>>
      %dma_start3A_499 = tpu.memref_slice %arg18[%dma_start3A_493, %dma_start3A_494] : memref<4x2x!tpu.dma_semaphore, #tpu.memory_space<semaphore_mem>> -> memref<1x1x!tpu.dma_semaphore, #tpu.memory_space<semaphore_mem>>
      %dma_start3A_500 = tpu.memref_squeeze %dma_start3A_499 : memref<1x1x!tpu.dma_semaphore, #tpu.memory_space<semaphore_mem>> -> memref<!tpu.dma_semaphore, #tpu.memory_space<semaphore_mem>>
      %dma_start3A_501 = arith.constant 0 : i32
      %dma_start3A_502 = arith.constant 0 : i32
      %dma_start3A_503 = tpu.memref_slice %arg15[%arg1, %dma_start3A_491, %dma_start3A_492, %dma_start3A_501, %dma_start3A_502] : memref<16x3x2x8x1024xf32, #tpu.memory_space<vmem_shared>> -> memref<1x1x1x8x1024xf32, #tpu.memory_space<vmem_shared>>
      %dma_start3A_504 = tpu.memref_squeeze %dma_start3A_503 : memref<1x1x1x8x1024xf32, #tpu.memory_space<vmem_shared>> -> memref<8x1024xf32, #tpu.memory_space<vmem_shared>>
      tpu.enqueue_dma source(%arg11 : memref<8x1024xf32, #tpu.memory_space<vmem>>) target(%dma_start3A_504 : memref<8x1024xf32, #tpu.memory_space<vmem_shared>>) target_semaphore(%dma_start3A_500 : memref<!tpu.dma_semaphore, #tpu.memory_space<semaphore_mem>>)
      %gt3A_505 = arith.constant 0 : i32
      %gt3A_506 = arith.cmpi sgt, %scan3A_266, %gt3A_505 : i32
      %convert_element_type3A_507 = arith.extui %gt3A_506 : i1 to i32
      %cond3A_508 = arith.constant 0 : i32
      %cond3A_509 = arith.cmpi ne, %convert_element_type3A_507, %cond3A_508 : i32
      scf.if %cond3A_509 {
        %sub3A_827 = arith.constant 2 : i32
        %sub3A_828 = arith.subi %add3A_270, %sub3A_827 : i32
        %mul3A_829 = arith.constant 8 : i32
        %mul3A_830 = arith.muli %sub3A_828, %mul3A_829 : i32
        %add3A_831 = arith.addi %mul3A_2, %mul3A_830 : i32
        %dma_wait3A_832 = arith.constant 2 : i32
        %dma_wait3A_833 = arith.constant 0 : i32
        %dma_wait3A_834 = arith.constant 3 : i32
        %dma_wait3A_835 = arith.constant 3 : i32
        %dma_wait3A_836 = arith.constant 0 : i32
        %dma_wait3A_837 = tpu.memref_slice %arg19[%dma_wait3A_835, %dma_wait3A_836] : memref<4x2x!tpu.dma_semaphore, #tpu.memory_space<semaphore_mem>> -> memref<1x1x!tpu.dma_semaphore, #tpu.memory_space<semaphore_mem>>
        %dma_wait3A_838 = tpu.memref_squeeze %dma_wait3A_837 : memref<1x1x!tpu.dma_semaphore, #tpu.memory_space<semaphore_mem>> -> memref<!tpu.dma_semaphore, #tpu.memory_space<semaphore_mem>>
        %dma_wait3A_839 = arith.constant 0 : i32
        %dma_wait3A_840 = tpu.memref_slice %arg4[%dma_wait3A_834, %add3A_831, %dma_wait3A_839] : memref<4x8192x1024xf32, #tpu.memory_space<hbm>> -> memref<1x8x1024xf32, #tpu.memory_space<hbm>>
        %dma_wait3A_841 = tpu.memref_squeeze %dma_wait3A_840 : memref<1x8x1024xf32, #tpu.memory_space<hbm>> -> memref<8x1024xf32, #tpu.memory_space<hbm>>
        %dma_wait3A_842 = arith.constant 0 : i32
        %dma_wait3A_843 = arith.constant 0 : i32
        %dma_wait3A_844 = tpu.memref_slice %arg15[%arg1, %dma_wait3A_832, %dma_wait3A_833, %dma_wait3A_842, %dma_wait3A_843] : memref<16x3x2x8x1024xf32, #tpu.memory_space<vmem_shared>> -> memref<1x1x1x8x1024xf32, #tpu.memory_space<vmem_shared>>
        %dma_wait3A_845 = tpu.memref_squeeze %dma_wait3A_844 : memref<1x1x1x8x1024xf32, #tpu.memory_space<vmem_shared>> -> memref<8x1024xf32, #tpu.memory_space<vmem_shared>>
        tpu.wait_dma2 semaphore(%dma_wait3A_838 : memref<!tpu.dma_semaphore, #tpu.memory_space<semaphore_mem>>) src(%dma_wait3A_845 : memref<8x1024xf32, #tpu.memory_space<vmem_shared>>) dst(%dma_wait3A_841 : memref<8x1024xf32, #tpu.memory_space<hbm>>)
      } else {
      }
      %dma_start3A_510 = arith.constant 2 : i32
      %dma_start3A_511 = arith.constant 0 : i32
      %dma_start3A_512 = arith.constant 3 : i32
      %dma_start3A_513 = arith.constant 0 : i32
      %dma_start3A_514 = arith.constant 0 : i32
      %dma_start3A_515 = arith.constant 0 : i32
      %dma_start3A_516 = tpu.memref_slice %arg15[%arg1, %dma_start3A_510, %dma_start3A_511, %dma_start3A_514, %dma_start3A_515] : memref<16x3x2x8x1024xf32, #tpu.memory_space<vmem_shared>> -> memref<1x1x1x8x1024xf32, #tpu.memory_space<vmem_shared>>
      %dma_start3A_517 = tpu.memref_squeeze %dma_start3A_516 : memref<1x1x1x8x1024xf32, #tpu.memory_space<vmem_shared>> -> memref<8x1024xf32, #tpu.memory_space<vmem_shared>>
      %dma_start3A_518 = tpu.memref_slice %arg18[%dma_start3A_512, %dma_start3A_513] : memref<4x2x!tpu.dma_semaphore, #tpu.memory_space<semaphore_mem>> -> memref<1x1x!tpu.dma_semaphore, #tpu.memory_space<semaphore_mem>>
      %dma_start3A_519 = tpu.memref_squeeze %dma_start3A_518 : memref<1x1x!tpu.dma_semaphore, #tpu.memory_space<semaphore_mem>> -> memref<!tpu.dma_semaphore, #tpu.memory_space<semaphore_mem>>
      %dma_start3A_520 = arith.constant 0 : i32
      %dma_start3A_521 = arith.constant 0 : i32
      %dma_start3A_522 = tpu.memref_slice %arg15[%arg1, %dma_start3A_510, %dma_start3A_511, %dma_start3A_520, %dma_start3A_521] : memref<16x3x2x8x1024xf32, #tpu.memory_space<vmem_shared>> -> memref<1x1x1x8x1024xf32, #tpu.memory_space<vmem_shared>>
      %dma_start3A_523 = tpu.memref_squeeze %dma_start3A_522 : memref<1x1x1x8x1024xf32, #tpu.memory_space<vmem_shared>> -> memref<8x1024xf32, #tpu.memory_space<vmem_shared>>
      tpu.enqueue_dma source(%arg13 : memref<8x1024xf32, #tpu.memory_space<vmem>>) target(%dma_start3A_523 : memref<8x1024xf32, #tpu.memory_space<vmem_shared>>) target_semaphore(%dma_start3A_519 : memref<!tpu.dma_semaphore, #tpu.memory_space<semaphore_mem>>)
      %mul3A_524 = arith.constant 2 : i32
      %mul3A_525 = arith.muli %scan3A_266, %mul3A_524 : i32
      %add3A_526 = arith.constant 1 : i32
      %add3A_527 = arith.addi %mul3A_525, %add3A_526 : i32
      %lt3A = arith.constant 15 : i32
      %lt3A_528 = arith.cmpi slt, %scan3A_266, %lt3A : i32
      %convert_element_type3A_529 = arith.extui %lt3A_528 : i1 to i32
      %cond3A_530 = arith.constant 0 : i32
      %cond3A_531 = arith.cmpi ne, %convert_element_type3A_529, %cond3A_530 : i32
      scf.if %cond3A_531 {
        %add3A_827 = arith.constant 1 : i32
        %add3A_828 = arith.addi %add3A_527, %add3A_827 : i32
        %mul3A_829 = arith.constant 8 : i32
        %mul3A_830 = arith.muli %add3A_828, %mul3A_829 : i32
        %add3A_831 = arith.addi %mul3A_2, %mul3A_830 : i32
        %dma_start3A_832 = arith.constant 0 : i32
        %dma_start3A_833 = arith.constant 0 : i32
        %dma_start3A_834 = tpu.memref_slice %arg3[%add3A_831, %dma_start3A_833] : memref<8192x1024xf32, #tpu.memory_space<hbm>> -> memref<8x1024xf32, #tpu.memory_space<hbm>>
        %dma_start3A_835 = tpu.memref_slice %arg16[%dma_start3A_832] : memref<2x!tpu.dma_semaphore, #tpu.memory_space<semaphore_mem>> -> memref<1x!tpu.dma_semaphore, #tpu.memory_space<semaphore_mem>>
        %dma_start3A_836 = tpu.memref_squeeze %dma_start3A_835 : memref<1x!tpu.dma_semaphore, #tpu.memory_space<semaphore_mem>> -> memref<!tpu.dma_semaphore, #tpu.memory_space<semaphore_mem>>
        %dma_start3A_837 = arith.constant 0 : i32
        %dma_start3A_838 = tpu.memref_slice %arg3[%add3A_831, %dma_start3A_837] : memref<8192x1024xf32, #tpu.memory_space<hbm>> -> memref<8x1024xf32, #tpu.memory_space<hbm>>
        tpu.enqueue_dma source(%dma_start3A_838 : memref<8x1024xf32, #tpu.memory_space<hbm>>) target(%arg5 : memref<8x1024xf32, #tpu.memory_space<vmem>>) target_semaphore(%dma_start3A_836 : memref<!tpu.dma_semaphore, #tpu.memory_space<semaphore_mem>>)
      } else {
      }
      %sub3A = arith.constant 1 : i32
      %sub3A_532 = arith.subi %add3A_527, %sub3A : i32
      %mul3A_533 = arith.constant 8 : i32
      %mul3A_534 = arith.muli %sub3A_532, %mul3A_533 : i32
      %add3A_535 = arith.addi %mul3A_2, %mul3A_534 : i32
      %dma_wait3A_536 = arith.constant 0 : i32
      %dma_wait3A_537 = arith.constant 0 : i32
      %dma_wait3A_538 = arith.constant 0 : i32
      %dma_wait3A_539 = arith.constant 0 : i32
      %dma_wait3A_540 = tpu.memref_slice %arg4[%dma_wait3A_536, %add3A_535, %dma_wait3A_539] : memref<4x8192x1024xf32, #tpu.memory_space<hbm>> -> memref<1x8x1024xf32, #tpu.memory_space<hbm>>
      %dma_wait3A_541 = tpu.memref_squeeze %dma_wait3A_540 : memref<1x8x1024xf32, #tpu.memory_space<hbm>> -> memref<8x1024xf32, #tpu.memory_space<hbm>>
      %dma_wait3A_542 = tpu.memref_slice %arg19[%dma_wait3A_537, %dma_wait3A_538] : memref<4x2x!tpu.dma_semaphore, #tpu.memory_space<semaphore_mem>> -> memref<1x1x!tpu.dma_semaphore, #tpu.memory_space<semaphore_mem>>
      %dma_wait3A_543 = tpu.memref_squeeze %dma_wait3A_542 : memref<1x1x!tpu.dma_semaphore, #tpu.memory_space<semaphore_mem>> -> memref<!tpu.dma_semaphore, #tpu.memory_space<semaphore_mem>>
      %dma_wait3A_544 = arith.constant 0 : i32
      %dma_wait3A_545 = tpu.memref_slice %arg4[%dma_wait3A_536, %add3A_535, %dma_wait3A_544] : memref<4x8192x1024xf32, #tpu.memory_space<hbm>> -> memref<1x8x1024xf32, #tpu.memory_space<hbm>>
      %dma_wait3A_546 = tpu.memref_squeeze %dma_wait3A_545 : memref<1x8x1024xf32, #tpu.memory_space<hbm>> -> memref<8x1024xf32, #tpu.memory_space<hbm>>
      tpu.wait_dma2 semaphore(%dma_wait3A_543 : memref<!tpu.dma_semaphore, #tpu.memory_space<semaphore_mem>>) src(%arg7 : memref<8x1024xf32, #tpu.memory_space<vmem>>) dst(%dma_wait3A_546 : memref<8x1024xf32, #tpu.memory_space<hbm>>)
      %lt3A_547 = arith.constant 15 : i32
      %lt3A_548 = arith.cmpi slt, %scan3A_266, %lt3A_547 : i32
      %convert_element_type3A_549 = arith.extui %lt3A_548 : i1 to i32
      %cond3A_550 = arith.constant 0 : i32
      %cond3A_551 = arith.cmpi ne, %convert_element_type3A_549, %cond3A_550 : i32
      scf.if %cond3A_551 {
        %add3A_827 = arith.constant 1 : i32
        %add3A_828 = arith.addi %add3A_527, %add3A_827 : i32
        %mul3A_829 = arith.constant 8 : i32
        %mul3A_830 = arith.muli %add3A_828, %mul3A_829 : i32
        %add3A_831 = arith.addi %mul3A_2, %mul3A_830 : i32
        %dma_start3A_832 = arith.constant 0 : i32
        %dma_start3A_833 = arith.constant 0 : i32
        %dma_start3A_834 = arith.constant 0 : i32
        %dma_start3A_835 = arith.constant 0 : i32
        %dma_start3A_836 = tpu.memref_slice %arg2[%dma_start3A_832, %add3A_831, %dma_start3A_835] : memref<4x8192x1024xf32, #tpu.memory_space<hbm>> -> memref<1x8x1024xf32, #tpu.memory_space<hbm>>
        %dma_start3A_837 = tpu.memref_squeeze %dma_start3A_836 : memref<1x8x1024xf32, #tpu.memory_space<hbm>> -> memref<8x1024xf32, #tpu.memory_space<hbm>>
        %dma_start3A_838 = tpu.memref_slice %arg17[%dma_start3A_833, %dma_start3A_834] : memref<4x2x!tpu.dma_semaphore, #tpu.memory_space<semaphore_mem>> -> memref<1x1x!tpu.dma_semaphore, #tpu.memory_space<semaphore_mem>>
        %dma_start3A_839 = tpu.memref_squeeze %dma_start3A_838 : memref<1x1x!tpu.dma_semaphore, #tpu.memory_space<semaphore_mem>> -> memref<!tpu.dma_semaphore, #tpu.memory_space<semaphore_mem>>
        %dma_start3A_840 = arith.constant 0 : i32
        %dma_start3A_841 = tpu.memref_slice %arg2[%dma_start3A_832, %add3A_831, %dma_start3A_840] : memref<4x8192x1024xf32, #tpu.memory_space<hbm>> -> memref<1x8x1024xf32, #tpu.memory_space<hbm>>
        %dma_start3A_842 = tpu.memref_squeeze %dma_start3A_841 : memref<1x8x1024xf32, #tpu.memory_space<hbm>> -> memref<8x1024xf32, #tpu.memory_space<hbm>>
        tpu.enqueue_dma source(%dma_start3A_842 : memref<8x1024xf32, #tpu.memory_space<hbm>>) target(%arg7 : memref<8x1024xf32, #tpu.memory_space<vmem>>) target_semaphore(%dma_start3A_839 : memref<!tpu.dma_semaphore, #tpu.memory_space<semaphore_mem>>)
      } else {
      }
      %dma_wait3A_552 = arith.constant 0 : i32
      %dma_wait3A_553 = arith.constant 0 : i32
      %dma_wait3A_554 = arith.constant 1 : i32
      %dma_wait3A_555 = arith.constant 0 : i32
      %dma_wait3A_556 = arith.constant 0 : i32
      %dma_wait3A_557 = arith.constant 0 : i32
      %dma_wait3A_558 = tpu.memref_slice %arg15[%arg1, %dma_wait3A_552, %dma_wait3A_553, %dma_wait3A_556, %dma_wait3A_557] : memref<16x3x2x8x1024xf32, #tpu.memory_space<vmem_shared>> -> memref<1x1x1x8x1024xf32, #tpu.memory_space<vmem_shared>>
      %dma_wait3A_559 = tpu.memref_squeeze %dma_wait3A_558 : memref<1x1x1x8x1024xf32, #tpu.memory_space<vmem_shared>> -> memref<8x1024xf32, #tpu.memory_space<vmem_shared>>
      %dma_wait3A_560 = tpu.memref_slice %arg18[%dma_wait3A_554, %dma_wait3A_555] : memref<4x2x!tpu.dma_semaphore, #tpu.memory_space<semaphore_mem>> -> memref<1x1x!tpu.dma_semaphore, #tpu.memory_space<semaphore_mem>>
      %dma_wait3A_561 = tpu.memref_squeeze %dma_wait3A_560 : memref<1x1x!tpu.dma_semaphore, #tpu.memory_space<semaphore_mem>> -> memref<!tpu.dma_semaphore, #tpu.memory_space<semaphore_mem>>
      %dma_wait3A_562 = arith.constant 0 : i32
      %dma_wait3A_563 = arith.constant 0 : i32
      %dma_wait3A_564 = tpu.memref_slice %arg15[%arg1, %dma_wait3A_552, %dma_wait3A_553, %dma_wait3A_562, %dma_wait3A_563] : memref<16x3x2x8x1024xf32, #tpu.memory_space<vmem_shared>> -> memref<1x1x1x8x1024xf32, #tpu.memory_space<vmem_shared>>
      %dma_wait3A_565 = tpu.memref_squeeze %dma_wait3A_564 : memref<1x1x1x8x1024xf32, #tpu.memory_space<vmem_shared>> -> memref<8x1024xf32, #tpu.memory_space<vmem_shared>>
      tpu.wait_dma2 semaphore(%dma_wait3A_561 : memref<!tpu.dma_semaphore, #tpu.memory_space<semaphore_mem>>) src(%arg9 : memref<8x1024xf32, #tpu.memory_space<vmem>>) dst(%dma_wait3A_565 : memref<8x1024xf32, #tpu.memory_space<vmem_shared>>)
      %sub3A_566 = arith.constant 1 : i32
      %sub3A_567 = arith.subi %add3A_527, %sub3A_566 : i32
      %mul3A_568 = arith.constant 8 : i32
      %mul3A_569 = arith.muli %sub3A_567, %mul3A_568 : i32
      %add3A_570 = arith.addi %mul3A_2, %mul3A_569 : i32
      %dma_start3A_571 = arith.constant 0 : i32
      %dma_start3A_572 = arith.constant 0 : i32
      %dma_start3A_573 = arith.constant 1 : i32
      %dma_start3A_574 = arith.constant 1 : i32
      %dma_start3A_575 = arith.constant 0 : i32
      %dma_start3A_576 = tpu.memref_slice %arg19[%dma_start3A_574, %dma_start3A_575] : memref<4x2x!tpu.dma_semaphore, #tpu.memory_space<semaphore_mem>> -> memref<1x1x!tpu.dma_semaphore, #tpu.memory_space<semaphore_mem>>
      %dma_start3A_577 = tpu.memref_squeeze %dma_start3A_576 : memref<1x1x!tpu.dma_semaphore, #tpu.memory_space<semaphore_mem>> -> memref<!tpu.dma_semaphore, #tpu.memory_space<semaphore_mem>>
      %dma_start3A_578 = arith.constant 0 : i32
      %dma_start3A_579 = tpu.memref_slice %arg4[%dma_start3A_573, %add3A_570, %dma_start3A_578] : memref<4x8192x1024xf32, #tpu.memory_space<hbm>> -> memref<1x8x1024xf32, #tpu.memory_space<hbm>>
      %dma_start3A_580 = tpu.memref_squeeze %dma_start3A_579 : memref<1x8x1024xf32, #tpu.memory_space<hbm>> -> memref<8x1024xf32, #tpu.memory_space<hbm>>
      %dma_start3A_581 = arith.constant 0 : i32
      %dma_start3A_582 = arith.constant 0 : i32
      %dma_start3A_583 = tpu.memref_slice %arg15[%arg1, %dma_start3A_571, %dma_start3A_572, %dma_start3A_581, %dma_start3A_582] : memref<16x3x2x8x1024xf32, #tpu.memory_space<vmem_shared>> -> memref<1x1x1x8x1024xf32, #tpu.memory_space<vmem_shared>>
      %dma_start3A_584 = tpu.memref_squeeze %dma_start3A_583 : memref<1x1x1x8x1024xf32, #tpu.memory_space<vmem_shared>> -> memref<8x1024xf32, #tpu.memory_space<vmem_shared>>
      tpu.enqueue_dma source(%dma_start3A_584 : memref<8x1024xf32, #tpu.memory_space<vmem_shared>>) target(%dma_start3A_580 : memref<8x1024xf32, #tpu.memory_space<hbm>>) target_semaphore(%dma_start3A_577 : memref<!tpu.dma_semaphore, #tpu.memory_space<semaphore_mem>>)
      %lt3A_585 = arith.constant 15 : i32
      %lt3A_586 = arith.cmpi slt, %scan3A_266, %lt3A_585 : i32
      %convert_element_type3A_587 = arith.extui %lt3A_586 : i1 to i32
      %cond3A_588 = arith.constant 0 : i32
      %cond3A_589 = arith.cmpi ne, %convert_element_type3A_587, %cond3A_588 : i32
      scf.if %cond3A_589 {
        %add3A_827 = arith.constant 1 : i32
        %add3A_828 = arith.addi %add3A_527, %add3A_827 : i32
        %mul3A_829 = arith.constant 8 : i32
        %mul3A_830 = arith.muli %add3A_828, %mul3A_829 : i32
        %add3A_831 = arith.addi %mul3A_2, %mul3A_830 : i32
        %dma_start3A_832 = arith.constant 1 : i32
        %dma_start3A_833 = arith.constant 1 : i32
        %dma_start3A_834 = arith.constant 0 : i32
        %dma_start3A_835 = arith.constant 0 : i32
        %dma_start3A_836 = tpu.memref_slice %arg2[%dma_start3A_832, %add3A_831, %dma_start3A_835] : memref<4x8192x1024xf32, #tpu.memory_space<hbm>> -> memref<1x8x1024xf32, #tpu.memory_space<hbm>>
        %dma_start3A_837 = tpu.memref_squeeze %dma_start3A_836 : memref<1x8x1024xf32, #tpu.memory_space<hbm>> -> memref<8x1024xf32, #tpu.memory_space<hbm>>
        %dma_start3A_838 = tpu.memref_slice %arg17[%dma_start3A_833, %dma_start3A_834] : memref<4x2x!tpu.dma_semaphore, #tpu.memory_space<semaphore_mem>> -> memref<1x1x!tpu.dma_semaphore, #tpu.memory_space<semaphore_mem>>
        %dma_start3A_839 = tpu.memref_squeeze %dma_start3A_838 : memref<1x1x!tpu.dma_semaphore, #tpu.memory_space<semaphore_mem>> -> memref<!tpu.dma_semaphore, #tpu.memory_space<semaphore_mem>>
        %dma_start3A_840 = arith.constant 0 : i32
        %dma_start3A_841 = tpu.memref_slice %arg2[%dma_start3A_832, %add3A_831, %dma_start3A_840] : memref<4x8192x1024xf32, #tpu.memory_space<hbm>> -> memref<1x8x1024xf32, #tpu.memory_space<hbm>>
        %dma_start3A_842 = tpu.memref_squeeze %dma_start3A_841 : memref<1x8x1024xf32, #tpu.memory_space<hbm>> -> memref<8x1024xf32, #tpu.memory_space<hbm>>
        tpu.enqueue_dma source(%dma_start3A_842 : memref<8x1024xf32, #tpu.memory_space<hbm>>) target(%arg9 : memref<8x1024xf32, #tpu.memory_space<vmem>>) target_semaphore(%dma_start3A_839 : memref<!tpu.dma_semaphore, #tpu.memory_space<semaphore_mem>>)
      } else {
      }
      %dma_wait3A_590 = arith.constant 1 : i32
      %dma_wait3A_591 = arith.constant 0 : i32
      %dma_wait3A_592 = arith.constant 2 : i32
      %dma_wait3A_593 = arith.constant 0 : i32
      %dma_wait3A_594 = arith.constant 0 : i32
      %dma_wait3A_595 = arith.constant 0 : i32
      %dma_wait3A_596 = tpu.memref_slice %arg15[%arg1, %dma_wait3A_590, %dma_wait3A_591, %dma_wait3A_594, %dma_wait3A_595] : memref<16x3x2x8x1024xf32, #tpu.memory_space<vmem_shared>> -> memref<1x1x1x8x1024xf32, #tpu.memory_space<vmem_shared>>
      %dma_wait3A_597 = tpu.memref_squeeze %dma_wait3A_596 : memref<1x1x1x8x1024xf32, #tpu.memory_space<vmem_shared>> -> memref<8x1024xf32, #tpu.memory_space<vmem_shared>>
      %dma_wait3A_598 = tpu.memref_slice %arg18[%dma_wait3A_592, %dma_wait3A_593] : memref<4x2x!tpu.dma_semaphore, #tpu.memory_space<semaphore_mem>> -> memref<1x1x!tpu.dma_semaphore, #tpu.memory_space<semaphore_mem>>
      %dma_wait3A_599 = tpu.memref_squeeze %dma_wait3A_598 : memref<1x1x!tpu.dma_semaphore, #tpu.memory_space<semaphore_mem>> -> memref<!tpu.dma_semaphore, #tpu.memory_space<semaphore_mem>>
      %dma_wait3A_600 = arith.constant 0 : i32
      %dma_wait3A_601 = arith.constant 0 : i32
      %dma_wait3A_602 = tpu.memref_slice %arg15[%arg1, %dma_wait3A_590, %dma_wait3A_591, %dma_wait3A_600, %dma_wait3A_601] : memref<16x3x2x8x1024xf32, #tpu.memory_space<vmem_shared>> -> memref<1x1x1x8x1024xf32, #tpu.memory_space<vmem_shared>>
      %dma_wait3A_603 = tpu.memref_squeeze %dma_wait3A_602 : memref<1x1x1x8x1024xf32, #tpu.memory_space<vmem_shared>> -> memref<8x1024xf32, #tpu.memory_space<vmem_shared>>
      tpu.wait_dma2 semaphore(%dma_wait3A_599 : memref<!tpu.dma_semaphore, #tpu.memory_space<semaphore_mem>>) src(%arg11 : memref<8x1024xf32, #tpu.memory_space<vmem>>) dst(%dma_wait3A_603 : memref<8x1024xf32, #tpu.memory_space<vmem_shared>>)
      %sub3A_604 = arith.constant 1 : i32
      %sub3A_605 = arith.subi %add3A_527, %sub3A_604 : i32
      %mul3A_606 = arith.constant 8 : i32
      %mul3A_607 = arith.muli %sub3A_605, %mul3A_606 : i32
      %add3A_608 = arith.addi %mul3A_2, %mul3A_607 : i32
      %dma_start3A_609 = arith.constant 1 : i32
      %dma_start3A_610 = arith.constant 0 : i32
      %dma_start3A_611 = arith.constant 2 : i32
      %dma_start3A_612 = arith.constant 2 : i32
      %dma_start3A_613 = arith.constant 0 : i32
      %dma_start3A_614 = tpu.memref_slice %arg19[%dma_start3A_612, %dma_start3A_613] : memref<4x2x!tpu.dma_semaphore, #tpu.memory_space<semaphore_mem>> -> memref<1x1x!tpu.dma_semaphore, #tpu.memory_space<semaphore_mem>>
      %dma_start3A_615 = tpu.memref_squeeze %dma_start3A_614 : memref<1x1x!tpu.dma_semaphore, #tpu.memory_space<semaphore_mem>> -> memref<!tpu.dma_semaphore, #tpu.memory_space<semaphore_mem>>
      %dma_start3A_616 = arith.constant 0 : i32
      %dma_start3A_617 = tpu.memref_slice %arg4[%dma_start3A_611, %add3A_608, %dma_start3A_616] : memref<4x8192x1024xf32, #tpu.memory_space<hbm>> -> memref<1x8x1024xf32, #tpu.memory_space<hbm>>
      %dma_start3A_618 = tpu.memref_squeeze %dma_start3A_617 : memref<1x8x1024xf32, #tpu.memory_space<hbm>> -> memref<8x1024xf32, #tpu.memory_space<hbm>>
      %dma_start3A_619 = arith.constant 0 : i32
      %dma_start3A_620 = arith.constant 0 : i32
      %dma_start3A_621 = tpu.memref_slice %arg15[%arg1, %dma_start3A_609, %dma_start3A_610, %dma_start3A_619, %dma_start3A_620] : memref<16x3x2x8x1024xf32, #tpu.memory_space<vmem_shared>> -> memref<1x1x1x8x1024xf32, #tpu.memory_space<vmem_shared>>
      %dma_start3A_622 = tpu.memref_squeeze %dma_start3A_621 : memref<1x1x1x8x1024xf32, #tpu.memory_space<vmem_shared>> -> memref<8x1024xf32, #tpu.memory_space<vmem_shared>>
      tpu.enqueue_dma source(%dma_start3A_622 : memref<8x1024xf32, #tpu.memory_space<vmem_shared>>) target(%dma_start3A_618 : memref<8x1024xf32, #tpu.memory_space<hbm>>) target_semaphore(%dma_start3A_615 : memref<!tpu.dma_semaphore, #tpu.memory_space<semaphore_mem>>)
      %lt3A_623 = arith.constant 15 : i32
      %lt3A_624 = arith.cmpi slt, %scan3A_266, %lt3A_623 : i32
      %convert_element_type3A_625 = arith.extui %lt3A_624 : i1 to i32
      %cond3A_626 = arith.constant 0 : i32
      %cond3A_627 = arith.cmpi ne, %convert_element_type3A_625, %cond3A_626 : i32
      scf.if %cond3A_627 {
        %add3A_827 = arith.constant 1 : i32
        %add3A_828 = arith.addi %add3A_527, %add3A_827 : i32
        %mul3A_829 = arith.constant 8 : i32
        %mul3A_830 = arith.muli %add3A_828, %mul3A_829 : i32
        %add3A_831 = arith.addi %mul3A_2, %mul3A_830 : i32
        %dma_start3A_832 = arith.constant 2 : i32
        %dma_start3A_833 = arith.constant 2 : i32
        %dma_start3A_834 = arith.constant 0 : i32
        %dma_start3A_835 = arith.constant 0 : i32
        %dma_start3A_836 = tpu.memref_slice %arg2[%dma_start3A_832, %add3A_831, %dma_start3A_835] : memref<4x8192x1024xf32, #tpu.memory_space<hbm>> -> memref<1x8x1024xf32, #tpu.memory_space<hbm>>
        %dma_start3A_837 = tpu.memref_squeeze %dma_start3A_836 : memref<1x8x1024xf32, #tpu.memory_space<hbm>> -> memref<8x1024xf32, #tpu.memory_space<hbm>>
        %dma_start3A_838 = tpu.memref_slice %arg17[%dma_start3A_833, %dma_start3A_834] : memref<4x2x!tpu.dma_semaphore, #tpu.memory_space<semaphore_mem>> -> memref<1x1x!tpu.dma_semaphore, #tpu.memory_space<semaphore_mem>>
        %dma_start3A_839 = tpu.memref_squeeze %dma_start3A_838 : memref<1x1x!tpu.dma_semaphore, #tpu.memory_space<semaphore_mem>> -> memref<!tpu.dma_semaphore, #tpu.memory_space<semaphore_mem>>
        %dma_start3A_840 = arith.constant 0 : i32
        %dma_start3A_841 = tpu.memref_slice %arg2[%dma_start3A_832, %add3A_831, %dma_start3A_840] : memref<4x8192x1024xf32, #tpu.memory_space<hbm>> -> memref<1x8x1024xf32, #tpu.memory_space<hbm>>
        %dma_start3A_842 = tpu.memref_squeeze %dma_start3A_841 : memref<1x8x1024xf32, #tpu.memory_space<hbm>> -> memref<8x1024xf32, #tpu.memory_space<hbm>>
        tpu.enqueue_dma source(%dma_start3A_842 : memref<8x1024xf32, #tpu.memory_space<hbm>>) target(%arg11 : memref<8x1024xf32, #tpu.memory_space<vmem>>) target_semaphore(%dma_start3A_839 : memref<!tpu.dma_semaphore, #tpu.memory_space<semaphore_mem>>)
      } else {
      }
      %dma_wait3A_628 = arith.constant 2 : i32
      %dma_wait3A_629 = arith.constant 0 : i32
      %dma_wait3A_630 = arith.constant 3 : i32
      %dma_wait3A_631 = arith.constant 0 : i32
      %dma_wait3A_632 = arith.constant 0 : i32
      %dma_wait3A_633 = arith.constant 0 : i32
      %dma_wait3A_634 = tpu.memref_slice %arg15[%arg1, %dma_wait3A_628, %dma_wait3A_629, %dma_wait3A_632, %dma_wait3A_633] : memref<16x3x2x8x1024xf32, #tpu.memory_space<vmem_shared>> -> memref<1x1x1x8x1024xf32, #tpu.memory_space<vmem_shared>>
      %dma_wait3A_635 = tpu.memref_squeeze %dma_wait3A_634 : memref<1x1x1x8x1024xf32, #tpu.memory_space<vmem_shared>> -> memref<8x1024xf32, #tpu.memory_space<vmem_shared>>
      %dma_wait3A_636 = tpu.memref_slice %arg18[%dma_wait3A_630, %dma_wait3A_631] : memref<4x2x!tpu.dma_semaphore, #tpu.memory_space<semaphore_mem>> -> memref<1x1x!tpu.dma_semaphore, #tpu.memory_space<semaphore_mem>>
      %dma_wait3A_637 = tpu.memref_squeeze %dma_wait3A_636 : memref<1x1x!tpu.dma_semaphore, #tpu.memory_space<semaphore_mem>> -> memref<!tpu.dma_semaphore, #tpu.memory_space<semaphore_mem>>
      %dma_wait3A_638 = arith.constant 0 : i32
      %dma_wait3A_639 = arith.constant 0 : i32
      %dma_wait3A_640 = tpu.memref_slice %arg15[%arg1, %dma_wait3A_628, %dma_wait3A_629, %dma_wait3A_638, %dma_wait3A_639] : memref<16x3x2x8x1024xf32, #tpu.memory_space<vmem_shared>> -> memref<1x1x1x8x1024xf32, #tpu.memory_space<vmem_shared>>
      %dma_wait3A_641 = tpu.memref_squeeze %dma_wait3A_640 : memref<1x1x1x8x1024xf32, #tpu.memory_space<vmem_shared>> -> memref<8x1024xf32, #tpu.memory_space<vmem_shared>>
      tpu.wait_dma2 semaphore(%dma_wait3A_637 : memref<!tpu.dma_semaphore, #tpu.memory_space<semaphore_mem>>) src(%arg13 : memref<8x1024xf32, #tpu.memory_space<vmem>>) dst(%dma_wait3A_641 : memref<8x1024xf32, #tpu.memory_space<vmem_shared>>)
      %sub3A_642 = arith.constant 1 : i32
      %sub3A_643 = arith.subi %add3A_527, %sub3A_642 : i32
      %mul3A_644 = arith.constant 8 : i32
      %mul3A_645 = arith.muli %sub3A_643, %mul3A_644 : i32
      %add3A_646 = arith.addi %mul3A_2, %mul3A_645 : i32
      %dma_start3A_647 = arith.constant 2 : i32
      %dma_start3A_648 = arith.constant 0 : i32
      %dma_start3A_649 = arith.constant 3 : i32
      %dma_start3A_650 = arith.constant 3 : i32
      %dma_start3A_651 = arith.constant 0 : i32
      %dma_start3A_652 = tpu.memref_slice %arg19[%dma_start3A_650, %dma_start3A_651] : memref<4x2x!tpu.dma_semaphore, #tpu.memory_space<semaphore_mem>> -> memref<1x1x!tpu.dma_semaphore, #tpu.memory_space<semaphore_mem>>
      %dma_start3A_653 = tpu.memref_squeeze %dma_start3A_652 : memref<1x1x!tpu.dma_semaphore, #tpu.memory_space<semaphore_mem>> -> memref<!tpu.dma_semaphore, #tpu.memory_space<semaphore_mem>>
      %dma_start3A_654 = arith.constant 0 : i32
      %dma_start3A_655 = tpu.memref_slice %arg4[%dma_start3A_649, %add3A_646, %dma_start3A_654] : memref<4x8192x1024xf32, #tpu.memory_space<hbm>> -> memref<1x8x1024xf32, #tpu.memory_space<hbm>>
      %dma_start3A_656 = tpu.memref_squeeze %dma_start3A_655 : memref<1x8x1024xf32, #tpu.memory_space<hbm>> -> memref<8x1024xf32, #tpu.memory_space<hbm>>
      %dma_start3A_657 = arith.constant 0 : i32
      %dma_start3A_658 = arith.constant 0 : i32
      %dma_start3A_659 = tpu.memref_slice %arg15[%arg1, %dma_start3A_647, %dma_start3A_648, %dma_start3A_657, %dma_start3A_658] : memref<16x3x2x8x1024xf32, #tpu.memory_space<vmem_shared>> -> memref<1x1x1x8x1024xf32, #tpu.memory_space<vmem_shared>>
      %dma_start3A_660 = tpu.memref_squeeze %dma_start3A_659 : memref<1x1x1x8x1024xf32, #tpu.memory_space<vmem_shared>> -> memref<8x1024xf32, #tpu.memory_space<vmem_shared>>
      tpu.enqueue_dma source(%dma_start3A_660 : memref<8x1024xf32, #tpu.memory_space<vmem_shared>>) target(%dma_start3A_656 : memref<8x1024xf32, #tpu.memory_space<hbm>>) target_semaphore(%dma_start3A_653 : memref<!tpu.dma_semaphore, #tpu.memory_space<semaphore_mem>>)
      %lt3A_661 = arith.constant 15 : i32
      %lt3A_662 = arith.cmpi slt, %scan3A_266, %lt3A_661 : i32
      %convert_element_type3A_663 = arith.extui %lt3A_662 : i1 to i32
      %cond3A_664 = arith.constant 0 : i32
      %cond3A_665 = arith.cmpi ne, %convert_element_type3A_663, %cond3A_664 : i32
      scf.if %cond3A_665 {
        %add3A_827 = arith.constant 1 : i32
        %add3A_828 = arith.addi %add3A_527, %add3A_827 : i32
        %mul3A_829 = arith.constant 8 : i32
        %mul3A_830 = arith.muli %add3A_828, %mul3A_829 : i32
        %add3A_831 = arith.addi %mul3A_2, %mul3A_830 : i32
        %dma_start3A_832 = arith.constant 3 : i32
        %dma_start3A_833 = arith.constant 3 : i32
        %dma_start3A_834 = arith.constant 0 : i32
        %dma_start3A_835 = arith.constant 0 : i32
        %dma_start3A_836 = tpu.memref_slice %arg2[%dma_start3A_832, %add3A_831, %dma_start3A_835] : memref<4x8192x1024xf32, #tpu.memory_space<hbm>> -> memref<1x8x1024xf32, #tpu.memory_space<hbm>>
        %dma_start3A_837 = tpu.memref_squeeze %dma_start3A_836 : memref<1x8x1024xf32, #tpu.memory_space<hbm>> -> memref<8x1024xf32, #tpu.memory_space<hbm>>
        %dma_start3A_838 = tpu.memref_slice %arg17[%dma_start3A_833, %dma_start3A_834] : memref<4x2x!tpu.dma_semaphore, #tpu.memory_space<semaphore_mem>> -> memref<1x1x!tpu.dma_semaphore, #tpu.memory_space<semaphore_mem>>
        %dma_start3A_839 = tpu.memref_squeeze %dma_start3A_838 : memref<1x1x!tpu.dma_semaphore, #tpu.memory_space<semaphore_mem>> -> memref<!tpu.dma_semaphore, #tpu.memory_space<semaphore_mem>>
        %dma_start3A_840 = arith.constant 0 : i32
        %dma_start3A_841 = tpu.memref_slice %arg2[%dma_start3A_832, %add3A_831, %dma_start3A_840] : memref<4x8192x1024xf32, #tpu.memory_space<hbm>> -> memref<1x8x1024xf32, #tpu.memory_space<hbm>>
        %dma_start3A_842 = tpu.memref_squeeze %dma_start3A_841 : memref<1x8x1024xf32, #tpu.memory_space<hbm>> -> memref<8x1024xf32, #tpu.memory_space<hbm>>
        tpu.enqueue_dma source(%dma_start3A_842 : memref<8x1024xf32, #tpu.memory_space<hbm>>) target(%arg13 : memref<8x1024xf32, #tpu.memory_space<vmem>>) target_semaphore(%dma_start3A_839 : memref<!tpu.dma_semaphore, #tpu.memory_space<semaphore_mem>>)
      } else {
      }
      %mul3A_666 = arith.constant 8 : i32
      %mul3A_667 = arith.muli %add3A_527, %mul3A_666 : i32
      %add3A_668 = arith.addi %mul3A_2, %mul3A_667 : i32
      %dma_wait3A_669 = arith.constant 1 : i32
      %dma_wait3A_670 = arith.constant 0 : i32
      %dma_wait3A_671 = tpu.memref_slice %arg3[%add3A_668, %dma_wait3A_670] : memref<8192x1024xf32, #tpu.memory_space<hbm>> -> memref<8x1024xf32, #tpu.memory_space<hbm>>
      %dma_wait3A_672 = tpu.memref_slice %arg16[%dma_wait3A_669] : memref<2x!tpu.dma_semaphore, #tpu.memory_space<semaphore_mem>> -> memref<1x!tpu.dma_semaphore, #tpu.memory_space<semaphore_mem>>
      %dma_wait3A_673 = tpu.memref_squeeze %dma_wait3A_672 : memref<1x!tpu.dma_semaphore, #tpu.memory_space<semaphore_mem>> -> memref<!tpu.dma_semaphore, #tpu.memory_space<semaphore_mem>>
      %dma_wait3A_674 = arith.constant 0 : i32
      %dma_wait3A_675 = tpu.memref_slice %arg3[%add3A_668, %dma_wait3A_674] : memref<8192x1024xf32, #tpu.memory_space<hbm>> -> memref<8x1024xf32, #tpu.memory_space<hbm>>
      tpu.wait_dma2 semaphore(%dma_wait3A_673 : memref<!tpu.dma_semaphore, #tpu.memory_space<semaphore_mem>>) src(%dma_wait3A_675 : memref<8x1024xf32, #tpu.memory_space<hbm>>) dst(%arg6 : memref<8x1024xf32, #tpu.memory_space<vmem>>)
      %mul3A_676 = arith.constant 8 : i32
      %mul3A_677 = arith.muli %add3A_527, %mul3A_676 : i32
      %add3A_678 = arith.addi %mul3A_2, %mul3A_677 : i32
      %dma_wait3A_679 = arith.constant 0 : i32
      %dma_wait3A_680 = arith.constant 0 : i32
      %dma_wait3A_681 = arith.constant 1 : i32
      %dma_wait3A_682 = arith.constant 0 : i32
      %dma_wait3A_683 = tpu.memref_slice %arg2[%dma_wait3A_679, %add3A_678, %dma_wait3A_682] : memref<4x8192x1024xf32, #tpu.memory_space<hbm>> -> memref<1x8x1024xf32, #tpu.memory_space<hbm>>
      %dma_wait3A_684 = tpu.memref_squeeze %dma_wait3A_683 : memref<1x8x1024xf32, #tpu.memory_space<hbm>> -> memref<8x1024xf32, #tpu.memory_space<hbm>>
      %dma_wait3A_685 = tpu.memref_slice %arg17[%dma_wait3A_680, %dma_wait3A_681] : memref<4x2x!tpu.dma_semaphore, #tpu.memory_space<semaphore_mem>> -> memref<1x1x!tpu.dma_semaphore, #tpu.memory_space<semaphore_mem>>
      %dma_wait3A_686 = tpu.memref_squeeze %dma_wait3A_685 : memref<1x1x!tpu.dma_semaphore, #tpu.memory_space<semaphore_mem>> -> memref<!tpu.dma_semaphore, #tpu.memory_space<semaphore_mem>>
      %dma_wait3A_687 = arith.constant 0 : i32
      %dma_wait3A_688 = tpu.memref_slice %arg2[%dma_wait3A_679, %add3A_678, %dma_wait3A_687] : memref<4x8192x1024xf32, #tpu.memory_space<hbm>> -> memref<1x8x1024xf32, #tpu.memory_space<hbm>>
      %dma_wait3A_689 = tpu.memref_squeeze %dma_wait3A_688 : memref<1x8x1024xf32, #tpu.memory_space<hbm>> -> memref<8x1024xf32, #tpu.memory_space<hbm>>
      tpu.wait_dma2 semaphore(%dma_wait3A_686 : memref<!tpu.dma_semaphore, #tpu.memory_space<semaphore_mem>>) src(%dma_wait3A_689 : memref<8x1024xf32, #tpu.memory_space<hbm>>) dst(%arg8 : memref<8x1024xf32, #tpu.memory_space<vmem>>)
      %mul3A_690 = arith.constant 8 : i32
      %mul3A_691 = arith.muli %add3A_527, %mul3A_690 : i32
      %add3A_692 = arith.addi %mul3A_2, %mul3A_691 : i32
      %dma_wait3A_693 = arith.constant 1 : i32
      %dma_wait3A_694 = arith.constant 1 : i32
      %dma_wait3A_695 = arith.constant 1 : i32
      %dma_wait3A_696 = arith.constant 0 : i32
      %dma_wait3A_697 = tpu.memref_slice %arg2[%dma_wait3A_693, %add3A_692, %dma_wait3A_696] : memref<4x8192x1024xf32, #tpu.memory_space<hbm>> -> memref<1x8x1024xf32, #tpu.memory_space<hbm>>
      %dma_wait3A_698 = tpu.memref_squeeze %dma_wait3A_697 : memref<1x8x1024xf32, #tpu.memory_space<hbm>> -> memref<8x1024xf32, #tpu.memory_space<hbm>>
      %dma_wait3A_699 = tpu.memref_slice %arg17[%dma_wait3A_694, %dma_wait3A_695] : memref<4x2x!tpu.dma_semaphore, #tpu.memory_space<semaphore_mem>> -> memref<1x1x!tpu.dma_semaphore, #tpu.memory_space<semaphore_mem>>
      %dma_wait3A_700 = tpu.memref_squeeze %dma_wait3A_699 : memref<1x1x!tpu.dma_semaphore, #tpu.memory_space<semaphore_mem>> -> memref<!tpu.dma_semaphore, #tpu.memory_space<semaphore_mem>>
      %dma_wait3A_701 = arith.constant 0 : i32
      %dma_wait3A_702 = tpu.memref_slice %arg2[%dma_wait3A_693, %add3A_692, %dma_wait3A_701] : memref<4x8192x1024xf32, #tpu.memory_space<hbm>> -> memref<1x8x1024xf32, #tpu.memory_space<hbm>>
      %dma_wait3A_703 = tpu.memref_squeeze %dma_wait3A_702 : memref<1x8x1024xf32, #tpu.memory_space<hbm>> -> memref<8x1024xf32, #tpu.memory_space<hbm>>
      tpu.wait_dma2 semaphore(%dma_wait3A_700 : memref<!tpu.dma_semaphore, #tpu.memory_space<semaphore_mem>>) src(%dma_wait3A_703 : memref<8x1024xf32, #tpu.memory_space<hbm>>) dst(%arg10 : memref<8x1024xf32, #tpu.memory_space<vmem>>)
      %mul3A_704 = arith.constant 8 : i32
      %mul3A_705 = arith.muli %add3A_527, %mul3A_704 : i32
      %add3A_706 = arith.addi %mul3A_2, %mul3A_705 : i32
      %dma_wait3A_707 = arith.constant 2 : i32
      %dma_wait3A_708 = arith.constant 2 : i32
      %dma_wait3A_709 = arith.constant 1 : i32
      %dma_wait3A_710 = arith.constant 0 : i32
      %dma_wait3A_711 = tpu.memref_slice %arg2[%dma_wait3A_707, %add3A_706, %dma_wait3A_710] : memref<4x8192x1024xf32, #tpu.memory_space<hbm>> -> memref<1x8x1024xf32, #tpu.memory_space<hbm>>
      %dma_wait3A_712 = tpu.memref_squeeze %dma_wait3A_711 : memref<1x8x1024xf32, #tpu.memory_space<hbm>> -> memref<8x1024xf32, #tpu.memory_space<hbm>>
      %dma_wait3A_713 = tpu.memref_slice %arg17[%dma_wait3A_708, %dma_wait3A_709] : memref<4x2x!tpu.dma_semaphore, #tpu.memory_space<semaphore_mem>> -> memref<1x1x!tpu.dma_semaphore, #tpu.memory_space<semaphore_mem>>
      %dma_wait3A_714 = tpu.memref_squeeze %dma_wait3A_713 : memref<1x1x!tpu.dma_semaphore, #tpu.memory_space<semaphore_mem>> -> memref<!tpu.dma_semaphore, #tpu.memory_space<semaphore_mem>>
      %dma_wait3A_715 = arith.constant 0 : i32
      %dma_wait3A_716 = tpu.memref_slice %arg2[%dma_wait3A_707, %add3A_706, %dma_wait3A_715] : memref<4x8192x1024xf32, #tpu.memory_space<hbm>> -> memref<1x8x1024xf32, #tpu.memory_space<hbm>>
      %dma_wait3A_717 = tpu.memref_squeeze %dma_wait3A_716 : memref<1x8x1024xf32, #tpu.memory_space<hbm>> -> memref<8x1024xf32, #tpu.memory_space<hbm>>
      tpu.wait_dma2 semaphore(%dma_wait3A_714 : memref<!tpu.dma_semaphore, #tpu.memory_space<semaphore_mem>>) src(%dma_wait3A_717 : memref<8x1024xf32, #tpu.memory_space<hbm>>) dst(%arg12 : memref<8x1024xf32, #tpu.memory_space<vmem>>)
      %mul3A_718 = arith.constant 8 : i32
      %mul3A_719 = arith.muli %add3A_527, %mul3A_718 : i32
      %add3A_720 = arith.addi %mul3A_2, %mul3A_719 : i32
      %dma_wait3A_721 = arith.constant 3 : i32
      %dma_wait3A_722 = arith.constant 3 : i32
      %dma_wait3A_723 = arith.constant 1 : i32
      %dma_wait3A_724 = arith.constant 0 : i32
      %dma_wait3A_725 = tpu.memref_slice %arg2[%dma_wait3A_721, %add3A_720, %dma_wait3A_724] : memref<4x8192x1024xf32, #tpu.memory_space<hbm>> -> memref<1x8x1024xf32, #tpu.memory_space<hbm>>
      %dma_wait3A_726 = tpu.memref_squeeze %dma_wait3A_725 : memref<1x8x1024xf32, #tpu.memory_space<hbm>> -> memref<8x1024xf32, #tpu.memory_space<hbm>>
      %dma_wait3A_727 = tpu.memref_slice %arg17[%dma_wait3A_722, %dma_wait3A_723] : memref<4x2x!tpu.dma_semaphore, #tpu.memory_space<semaphore_mem>> -> memref<1x1x!tpu.dma_semaphore, #tpu.memory_space<semaphore_mem>>
      %dma_wait3A_728 = tpu.memref_squeeze %dma_wait3A_727 : memref<1x1x!tpu.dma_semaphore, #tpu.memory_space<semaphore_mem>> -> memref<!tpu.dma_semaphore, #tpu.memory_space<semaphore_mem>>
      %dma_wait3A_729 = arith.constant 0 : i32
      %dma_wait3A_730 = tpu.memref_slice %arg2[%dma_wait3A_721, %add3A_720, %dma_wait3A_729] : memref<4x8192x1024xf32, #tpu.memory_space<hbm>> -> memref<1x8x1024xf32, #tpu.memory_space<hbm>>
      %dma_wait3A_731 = tpu.memref_squeeze %dma_wait3A_730 : memref<1x8x1024xf32, #tpu.memory_space<hbm>> -> memref<8x1024xf32, #tpu.memory_space<hbm>>
      tpu.wait_dma2 semaphore(%dma_wait3A_728 : memref<!tpu.dma_semaphore, #tpu.memory_space<semaphore_mem>>) src(%dma_wait3A_731 : memref<8x1024xf32, #tpu.memory_space<hbm>>) dst(%arg14 : memref<8x1024xf32, #tpu.memory_space<vmem>>)
      %parallel_loop3A_732 = arith.constant 0 : i32
      %parallel_loop3A_733 = arith.constant 1024 : i32
      %parallel_loop3A_734 = arith.constant 16 : i32
      scf.for %parallel_loop3A_827 = %parallel_loop3A_732 to %parallel_loop3A_733 step %parallel_loop3A_734  : i32 {
        %parallel_loop3A_828 = arith.constant 0 : i32
        %parallel_loop3A_829 = arith.index_cast %parallel_loop3A_828 : i32 to index
        %parallel_loop3A_830 = arith.index_cast %parallel_loop3A_827 : i32 to index
        %parallel_loop3A_831 = tpu.vector_load %arg6[%parallel_loop3A_829, %parallel_loop3A_830] {strides = array<i32>} : memref<8x1024xf32, #tpu.memory_space<vmem>>, vector<1x16xf32>,
        %parallel_loop3A_832 = vector.shape_cast %parallel_loop3A_831 : vector<1x16xf32> to vector<16xf32>
        %parallel_loop3A_833 = arith.constant 0 : i32
        %parallel_loop3A_834 = arith.index_cast %parallel_loop3A_833 : i32 to index
        %parallel_loop3A_835 = arith.index_cast %parallel_loop3A_827 : i32 to index
        %parallel_loop3A_836 = tpu.vector_load %arg8[%parallel_loop3A_834, %parallel_loop3A_835] {strides = array<i32>} : memref<8x1024xf32, #tpu.memory_space<vmem>>, vector<1x16xf32>,
        %parallel_loop3A_837 = vector.shape_cast %parallel_loop3A_836 : vector<1x16xf32> to vector<16xf32>
        %parallel_loop3A_838 = arith.addf %parallel_loop3A_837, %parallel_loop3A_832 : vector<16xf32>
        %parallel_loop3A_839 = arith.constant 0 : i32
        %parallel_loop3A_840 = arith.index_cast %parallel_loop3A_839 : i32 to index
        %parallel_loop3A_841 = arith.index_cast %parallel_loop3A_827 : i32 to index
        %parallel_loop3A_842 = tpu.vector_load %arg8[%parallel_loop3A_840, %parallel_loop3A_841] {strides = array<i32>} : memref<8x1024xf32, #tpu.memory_space<vmem>>, vector<1x16xf32>,
        %parallel_loop3A_843 = vector.shape_cast %parallel_loop3A_842 : vector<1x16xf32> to vector<16xf32>
        %parallel_loop3A_844 = vector.shape_cast %parallel_loop3A_838 : vector<16xf32> to vector<1x16xf32>
        tpu.vector_store %arg8[%parallel_loop3A_840, %parallel_loop3A_841], %parallel_loop3A_844 {strides = array<i32>} : memref<8x1024xf32, #tpu.memory_space<vmem>>, vector<1x16xf32>,
        %parallel_loop3A_845 = arith.constant 0 : i32
        %parallel_loop3A_846 = arith.index_cast %parallel_loop3A_845 : i32 to index
        %parallel_loop3A_847 = arith.index_cast %parallel_loop3A_827 : i32 to index
        %parallel_loop3A_848 = tpu.vector_load %arg10[%parallel_loop3A_846, %parallel_loop3A_847] {strides = array<i32>} : memref<8x1024xf32, #tpu.memory_space<vmem>>, vector<1x16xf32>,
        %parallel_loop3A_849 = vector.shape_cast %parallel_loop3A_848 : vector<1x16xf32> to vector<16xf32>
        %parallel_loop3A_850 = arith.addf %parallel_loop3A_849, %parallel_loop3A_832 : vector<16xf32>
        %parallel_loop3A_851 = arith.constant 0 : i32
        %parallel_loop3A_852 = arith.index_cast %parallel_loop3A_851 : i32 to index
        %parallel_loop3A_853 = arith.index_cast %parallel_loop3A_827 : i32 to index
        %parallel_loop3A_854 = tpu.vector_load %arg10[%parallel_loop3A_852, %parallel_loop3A_853] {strides = array<i32>} : memref<8x1024xf32, #tpu.memory_space<vmem>>, vector<1x16xf32>,
        %parallel_loop3A_855 = vector.shape_cast %parallel_loop3A_854 : vector<1x16xf32> to vector<16xf32>
        %parallel_loop3A_856 = vector.shape_cast %parallel_loop3A_850 : vector<16xf32> to vector<1x16xf32>
        tpu.vector_store %arg10[%parallel_loop3A_852, %parallel_loop3A_853], %parallel_loop3A_856 {strides = array<i32>} : memref<8x1024xf32, #tpu.memory_space<vmem>>, vector<1x16xf32>,
        %parallel_loop3A_857 = arith.constant 0 : i32
        %parallel_loop3A_858 = arith.index_cast %parallel_loop3A_857 : i32 to index
        %parallel_loop3A_859 = arith.index_cast %parallel_loop3A_827 : i32 to index
        %parallel_loop3A_860 = tpu.vector_load %arg12[%parallel_loop3A_858, %parallel_loop3A_859] {strides = array<i32>} : memref<8x1024xf32, #tpu.memory_space<vmem>>, vector<1x16xf32>,
        %parallel_loop3A_861 = vector.shape_cast %parallel_loop3A_860 : vector<1x16xf32> to vector<16xf32>
        %parallel_loop3A_862 = arith.addf %parallel_loop3A_861, %parallel_loop3A_832 : vector<16xf32>
        %parallel_loop3A_863 = arith.constant 0 : i32
        %parallel_loop3A_864 = arith.index_cast %parallel_loop3A_863 : i32 to index
        %parallel_loop3A_865 = arith.index_cast %parallel_loop3A_827 : i32 to index
        %parallel_loop3A_866 = tpu.vector_load %arg12[%parallel_loop3A_864, %parallel_loop3A_865] {strides = array<i32>} : memref<8x1024xf32, #tpu.memory_space<vmem>>, vector<1x16xf32>,
        %parallel_loop3A_867 = vector.shape_cast %parallel_loop3A_866 : vector<1x16xf32> to vector<16xf32>
        %parallel_loop3A_868 = vector.shape_cast %parallel_loop3A_862 : vector<16xf32> to vector<1x16xf32>
        tpu.vector_store %arg12[%parallel_loop3A_864, %parallel_loop3A_865], %parallel_loop3A_868 {strides = array<i32>} : memref<8x1024xf32, #tpu.memory_space<vmem>>, vector<1x16xf32>,
        %parallel_loop3A_869 = arith.constant 0 : i32
        %parallel_loop3A_870 = arith.index_cast %parallel_loop3A_869 : i32 to index
        %parallel_loop3A_871 = arith.index_cast %parallel_loop3A_827 : i32 to index
        %parallel_loop3A_872 = tpu.vector_load %arg14[%parallel_loop3A_870, %parallel_loop3A_871] {strides = array<i32>} : memref<8x1024xf32, #tpu.memory_space<vmem>>, vector<1x16xf32>,
        %parallel_loop3A_873 = vector.shape_cast %parallel_loop3A_872 : vector<1x16xf32> to vector<16xf32>
        %parallel_loop3A_874 = arith.addf %parallel_loop3A_873, %parallel_loop3A_832 : vector<16xf32>
        %parallel_loop3A_875 = arith.constant 0 : i32
        %parallel_loop3A_876 = arith.index_cast %parallel_loop3A_875 : i32 to index
        %parallel_loop3A_877 = arith.index_cast %parallel_loop3A_827 : i32 to index
        %parallel_loop3A_878 = tpu.vector_load %arg14[%parallel_loop3A_876, %parallel_loop3A_877] {strides = array<i32>} : memref<8x1024xf32, #tpu.memory_space<vmem>>, vector<1x16xf32>,
        %parallel_loop3A_879 = vector.shape_cast %parallel_loop3A_878 : vector<1x16xf32> to vector<16xf32>
        %parallel_loop3A_880 = vector.shape_cast %parallel_loop3A_874 : vector<16xf32> to vector<1x16xf32>
        tpu.vector_store %arg14[%parallel_loop3A_876, %parallel_loop3A_877], %parallel_loop3A_880 {strides = array<i32>} : memref<8x1024xf32, #tpu.memory_space<vmem>>, vector<1x16xf32>,
      } {sc.loop_unroll_factor = 4 : i64, sc.parallel_access}
      %parallel_loop3A_735 = arith.constant 0 : i32
      %parallel_loop3A_736 = arith.constant 1024 : i32
      %parallel_loop3A_737 = arith.constant 16 : i32
      scf.for %parallel_loop3A_827 = %parallel_loop3A_735 to %parallel_loop3A_736 step %parallel_loop3A_737  : i32 {
        %parallel_loop3A_828 = arith.constant 1 : i32
        %parallel_loop3A_829 = arith.index_cast %parallel_loop3A_828 : i32 to index
        %parallel_loop3A_830 = arith.index_cast %parallel_loop3A_827 : i32 to index
        %parallel_loop3A_831 = tpu.vector_load %arg6[%parallel_loop3A_829, %parallel_loop3A_830] {strides = array<i32>} : memref<8x1024xf32, #tpu.memory_space<vmem>>, vector<1x16xf32>,
        %parallel_loop3A_832 = vector.shape_cast %parallel_loop3A_831 : vector<1x16xf32> to vector<16xf32>
        %parallel_loop3A_833 = arith.constant 1 : i32
        %parallel_loop3A_834 = arith.index_cast %parallel_loop3A_833 : i32 to index
        %parallel_loop3A_835 = arith.index_cast %parallel_loop3A_827 : i32 to index
        %parallel_loop3A_836 = tpu.vector_load %arg8[%parallel_loop3A_834, %parallel_loop3A_835] {strides = array<i32>} : memref<8x1024xf32, #tpu.memory_space<vmem>>, vector<1x16xf32>,
        %parallel_loop3A_837 = vector.shape_cast %parallel_loop3A_836 : vector<1x16xf32> to vector<16xf32>
        %parallel_loop3A_838 = arith.addf %parallel_loop3A_837, %parallel_loop3A_832 : vector<16xf32>
        %parallel_loop3A_839 = arith.constant 1 : i32
        %parallel_loop3A_840 = arith.index_cast %parallel_loop3A_839 : i32 to index
        %parallel_loop3A_841 = arith.index_cast %parallel_loop3A_827 : i32 to index
        %parallel_loop3A_842 = tpu.vector_load %arg8[%parallel_loop3A_840, %parallel_loop3A_841] {strides = array<i32>} : memref<8x1024xf32, #tpu.memory_space<vmem>>, vector<1x16xf32>,
        %parallel_loop3A_843 = vector.shape_cast %parallel_loop3A_842 : vector<1x16xf32> to vector<16xf32>
        %parallel_loop3A_844 = vector.shape_cast %parallel_loop3A_838 : vector<16xf32> to vector<1x16xf32>
        tpu.vector_store %arg8[%parallel_loop3A_840, %parallel_loop3A_841], %parallel_loop3A_844 {strides = array<i32>} : memref<8x1024xf32, #tpu.memory_space<vmem>>, vector<1x16xf32>,
        %parallel_loop3A_845 = arith.constant 1 : i32
        %parallel_loop3A_846 = arith.index_cast %parallel_loop3A_845 : i32 to index
        %parallel_loop3A_847 = arith.index_cast %parallel_loop3A_827 : i32 to index
        %parallel_loop3A_848 = tpu.vector_load %arg10[%parallel_loop3A_846, %parallel_loop3A_847] {strides = array<i32>} : memref<8x1024xf32, #tpu.memory_space<vmem>>, vector<1x16xf32>,
        %parallel_loop3A_849 = vector.shape_cast %parallel_loop3A_848 : vector<1x16xf32> to vector<16xf32>
        %parallel_loop3A_850 = arith.addf %parallel_loop3A_849, %parallel_loop3A_832 : vector<16xf32>
        %parallel_loop3A_851 = arith.constant 1 : i32
        %parallel_loop3A_852 = arith.index_cast %parallel_loop3A_851 : i32 to index
        %parallel_loop3A_853 = arith.index_cast %parallel_loop3A_827 : i32 to index
        %parallel_loop3A_854 = tpu.vector_load %arg10[%parallel_loop3A_852, %parallel_loop3A_853] {strides = array<i32>} : memref<8x1024xf32, #tpu.memory_space<vmem>>, vector<1x16xf32>,
        %parallel_loop3A_855 = vector.shape_cast %parallel_loop3A_854 : vector<1x16xf32> to vector<16xf32>
        %parallel_loop3A_856 = vector.shape_cast %parallel_loop3A_850 : vector<16xf32> to vector<1x16xf32>
        tpu.vector_store %arg10[%parallel_loop3A_852, %parallel_loop3A_853], %parallel_loop3A_856 {strides = array<i32>} : memref<8x1024xf32, #tpu.memory_space<vmem>>, vector<1x16xf32>,
        %parallel_loop3A_857 = arith.constant 1 : i32
        %parallel_loop3A_858 = arith.index_cast %parallel_loop3A_857 : i32 to index
        %parallel_loop3A_859 = arith.index_cast %parallel_loop3A_827 : i32 to index
        %parallel_loop3A_860 = tpu.vector_load %arg12[%parallel_loop3A_858, %parallel_loop3A_859] {strides = array<i32>} : memref<8x1024xf32, #tpu.memory_space<vmem>>, vector<1x16xf32>,
        %parallel_loop3A_861 = vector.shape_cast %parallel_loop3A_860 : vector<1x16xf32> to vector<16xf32>
        %parallel_loop3A_862 = arith.addf %parallel_loop3A_861, %parallel_loop3A_832 : vector<16xf32>
        %parallel_loop3A_863 = arith.constant 1 : i32
        %parallel_loop3A_864 = arith.index_cast %parallel_loop3A_863 : i32 to index
        %parallel_loop3A_865 = arith.index_cast %parallel_loop3A_827 : i32 to index
        %parallel_loop3A_866 = tpu.vector_load %arg12[%parallel_loop3A_864, %parallel_loop3A_865] {strides = array<i32>} : memref<8x1024xf32, #tpu.memory_space<vmem>>, vector<1x16xf32>,
        %parallel_loop3A_867 = vector.shape_cast %parallel_loop3A_866 : vector<1x16xf32> to vector<16xf32>
        %parallel_loop3A_868 = vector.shape_cast %parallel_loop3A_862 : vector<16xf32> to vector<1x16xf32>
        tpu.vector_store %arg12[%parallel_loop3A_864, %parallel_loop3A_865], %parallel_loop3A_868 {strides = array<i32>} : memref<8x1024xf32, #tpu.memory_space<vmem>>, vector<1x16xf32>,
        %parallel_loop3A_869 = arith.constant 1 : i32
        %parallel_loop3A_870 = arith.index_cast %parallel_loop3A_869 : i32 to index
        %parallel_loop3A_871 = arith.index_cast %parallel_loop3A_827 : i32 to index
        %parallel_loop3A_872 = tpu.vector_load %arg14[%parallel_loop3A_870, %parallel_loop3A_871] {strides = array<i32>} : memref<8x1024xf32, #tpu.memory_space<vmem>>, vector<1x16xf32>,
        %parallel_loop3A_873 = vector.shape_cast %parallel_loop3A_872 : vector<1x16xf32> to vector<16xf32>
        %parallel_loop3A_874 = arith.addf %parallel_loop3A_873, %parallel_loop3A_832 : vector<16xf32>
        %parallel_loop3A_875 = arith.constant 1 : i32
        %parallel_loop3A_876 = arith.index_cast %parallel_loop3A_875 : i32 to index
        %parallel_loop3A_877 = arith.index_cast %parallel_loop3A_827 : i32 to index
        %parallel_loop3A_878 = tpu.vector_load %arg14[%parallel_loop3A_876, %parallel_loop3A_877] {strides = array<i32>} : memref<8x1024xf32, #tpu.memory_space<vmem>>, vector<1x16xf32>,
        %parallel_loop3A_879 = vector.shape_cast %parallel_loop3A_878 : vector<1x16xf32> to vector<16xf32>
        %parallel_loop3A_880 = vector.shape_cast %parallel_loop3A_874 : vector<16xf32> to vector<1x16xf32>
        tpu.vector_store %arg14[%parallel_loop3A_876, %parallel_loop3A_877], %parallel_loop3A_880 {strides = array<i32>} : memref<8x1024xf32, #tpu.memory_space<vmem>>, vector<1x16xf32>,
      } {sc.loop_unroll_factor = 4 : i64, sc.parallel_access}
      %parallel_loop3A_738 = arith.constant 0 : i32
      %parallel_loop3A_739 = arith.constant 1024 : i32
      %parallel_loop3A_740 = arith.constant 16 : i32
      scf.for %parallel_loop3A_827 = %parallel_loop3A_738 to %parallel_loop3A_739 step %parallel_loop3A_740  : i32 {
        %parallel_loop3A_828 = arith.constant 2 : i32
        %parallel_loop3A_829 = arith.index_cast %parallel_loop3A_828 : i32 to index
        %parallel_loop3A_830 = arith.index_cast %parallel_loop3A_827 : i32 to index
        %parallel_loop3A_831 = tpu.vector_load %arg6[%parallel_loop3A_829, %parallel_loop3A_830] {strides = array<i32>} : memref<8x1024xf32, #tpu.memory_space<vmem>>, vector<1x16xf32>,
        %parallel_loop3A_832 = vector.shape_cast %parallel_loop3A_831 : vector<1x16xf32> to vector<16xf32>
        %parallel_loop3A_833 = arith.constant 2 : i32
        %parallel_loop3A_834 = arith.index_cast %parallel_loop3A_833 : i32 to index
        %parallel_loop3A_835 = arith.index_cast %parallel_loop3A_827 : i32 to index
        %parallel_loop3A_836 = tpu.vector_load %arg8[%parallel_loop3A_834, %parallel_loop3A_835] {strides = array<i32>} : memref<8x1024xf32, #tpu.memory_space<vmem>>, vector<1x16xf32>,
        %parallel_loop3A_837 = vector.shape_cast %parallel_loop3A_836 : vector<1x16xf32> to vector<16xf32>
        %parallel_loop3A_838 = arith.addf %parallel_loop3A_837, %parallel_loop3A_832 : vector<16xf32>
        %parallel_loop3A_839 = arith.constant 2 : i32
        %parallel_loop3A_840 = arith.index_cast %parallel_loop3A_839 : i32 to index
        %parallel_loop3A_841 = arith.index_cast %parallel_loop3A_827 : i32 to index
        %parallel_loop3A_842 = tpu.vector_load %arg8[%parallel_loop3A_840, %parallel_loop3A_841] {strides = array<i32>} : memref<8x1024xf32, #tpu.memory_space<vmem>>, vector<1x16xf32>,
        %parallel_loop3A_843 = vector.shape_cast %parallel_loop3A_842 : vector<1x16xf32> to vector<16xf32>
        %parallel_loop3A_844 = vector.shape_cast %parallel_loop3A_838 : vector<16xf32> to vector<1x16xf32>
        tpu.vector_store %arg8[%parallel_loop3A_840, %parallel_loop3A_841], %parallel_loop3A_844 {strides = array<i32>} : memref<8x1024xf32, #tpu.memory_space<vmem>>, vector<1x16xf32>,
        %parallel_loop3A_845 = arith.constant 2 : i32
        %parallel_loop3A_846 = arith.index_cast %parallel_loop3A_845 : i32 to index
        %parallel_loop3A_847 = arith.index_cast %parallel_loop3A_827 : i32 to index
        %parallel_loop3A_848 = tpu.vector_load %arg10[%parallel_loop3A_846, %parallel_loop3A_847] {strides = array<i32>} : memref<8x1024xf32, #tpu.memory_space<vmem>>, vector<1x16xf32>,
        %parallel_loop3A_849 = vector.shape_cast %parallel_loop3A_848 : vector<1x16xf32> to vector<16xf32>
        %parallel_loop3A_850 = arith.addf %parallel_loop3A_849, %parallel_loop3A_832 : vector<16xf32>
        %parallel_loop3A_851 = arith.constant 2 : i32
        %parallel_loop3A_852 = arith.index_cast %parallel_loop3A_851 : i32 to index
        %parallel_loop3A_853 = arith.index_cast %parallel_loop3A_827 : i32 to index
        %parallel_loop3A_854 = tpu.vector_load %arg10[%parallel_loop3A_852, %parallel_loop3A_853] {strides = array<i32>} : memref<8x1024xf32, #tpu.memory_space<vmem>>, vector<1x16xf32>,
        %parallel_loop3A_855 = vector.shape_cast %parallel_loop3A_854 : vector<1x16xf32> to vector<16xf32>
        %parallel_loop3A_856 = vector.shape_cast %parallel_loop3A_850 : vector<16xf32> to vector<1x16xf32>
        tpu.vector_store %arg10[%parallel_loop3A_852, %parallel_loop3A_853], %parallel_loop3A_856 {strides = array<i32>} : memref<8x1024xf32, #tpu.memory_space<vmem>>, vector<1x16xf32>,
        %parallel_loop3A_857 = arith.constant 2 : i32
        %parallel_loop3A_858 = arith.index_cast %parallel_loop3A_857 : i32 to index
        %parallel_loop3A_859 = arith.index_cast %parallel_loop3A_827 : i32 to index
        %parallel_loop3A_860 = tpu.vector_load %arg12[%parallel_loop3A_858, %parallel_loop3A_859] {strides = array<i32>} : memref<8x1024xf32, #tpu.memory_space<vmem>>, vector<1x16xf32>,
        %parallel_loop3A_861 = vector.shape_cast %parallel_loop3A_860 : vector<1x16xf32> to vector<16xf32>
        %parallel_loop3A_862 = arith.addf %parallel_loop3A_861, %parallel_loop3A_832 : vector<16xf32>
        %parallel_loop3A_863 = arith.constant 2 : i32
        %parallel_loop3A_864 = arith.index_cast %parallel_loop3A_863 : i32 to index
        %parallel_loop3A_865 = arith.index_cast %parallel_loop3A_827 : i32 to index
        %parallel_loop3A_866 = tpu.vector_load %arg12[%parallel_loop3A_864, %parallel_loop3A_865] {strides = array<i32>} : memref<8x1024xf32, #tpu.memory_space<vmem>>, vector<1x16xf32>,
        %parallel_loop3A_867 = vector.shape_cast %parallel_loop3A_866 : vector<1x16xf32> to vector<16xf32>
        %parallel_loop3A_868 = vector.shape_cast %parallel_loop3A_862 : vector<16xf32> to vector<1x16xf32>
        tpu.vector_store %arg12[%parallel_loop3A_864, %parallel_loop3A_865], %parallel_loop3A_868 {strides = array<i32>} : memref<8x1024xf32, #tpu.memory_space<vmem>>, vector<1x16xf32>,
        %parallel_loop3A_869 = arith.constant 2 : i32
        %parallel_loop3A_870 = arith.index_cast %parallel_loop3A_869 : i32 to index
        %parallel_loop3A_871 = arith.index_cast %parallel_loop3A_827 : i32 to index
        %parallel_loop3A_872 = tpu.vector_load %arg14[%parallel_loop3A_870, %parallel_loop3A_871] {strides = array<i32>} : memref<8x1024xf32, #tpu.memory_space<vmem>>, vector<1x16xf32>,
        %parallel_loop3A_873 = vector.shape_cast %parallel_loop3A_872 : vector<1x16xf32> to vector<16xf32>
        %parallel_loop3A_874 = arith.addf %parallel_loop3A_873, %parallel_loop3A_832 : vector<16xf32>
        %parallel_loop3A_875 = arith.constant 2 : i32
        %parallel_loop3A_876 = arith.index_cast %parallel_loop3A_875 : i32 to index
        %parallel_loop3A_877 = arith.index_cast %parallel_loop3A_827 : i32 to index
        %parallel_loop3A_878 = tpu.vector_load %arg14[%parallel_loop3A_876, %parallel_loop3A_877] {strides = array<i32>} : memref<8x1024xf32, #tpu.memory_space<vmem>>, vector<1x16xf32>,
        %parallel_loop3A_879 = vector.shape_cast %parallel_loop3A_878 : vector<1x16xf32> to vector<16xf32>
        %parallel_loop3A_880 = vector.shape_cast %parallel_loop3A_874 : vector<16xf32> to vector<1x16xf32>
        tpu.vector_store %arg14[%parallel_loop3A_876, %parallel_loop3A_877], %parallel_loop3A_880 {strides = array<i32>} : memref<8x1024xf32, #tpu.memory_space<vmem>>, vector<1x16xf32>,
      } {sc.loop_unroll_factor = 4 : i64, sc.parallel_access}
      %parallel_loop3A_741 = arith.constant 0 : i32
      %parallel_loop3A_742 = arith.constant 1024 : i32
      %parallel_loop3A_743 = arith.constant 16 : i32
      scf.for %parallel_loop3A_827 = %parallel_loop3A_741 to %parallel_loop3A_742 step %parallel_loop3A_743  : i32 {
        %parallel_loop3A_828 = arith.constant 3 : i32
        %parallel_loop3A_829 = arith.index_cast %parallel_loop3A_828 : i32 to index
        %parallel_loop3A_830 = arith.index_cast %parallel_loop3A_827 : i32 to index
        %parallel_loop3A_831 = tpu.vector_load %arg6[%parallel_loop3A_829, %parallel_loop3A_830] {strides = array<i32>} : memref<8x1024xf32, #tpu.memory_space<vmem>>, vector<1x16xf32>,
        %parallel_loop3A_832 = vector.shape_cast %parallel_loop3A_831 : vector<1x16xf32> to vector<16xf32>
        %parallel_loop3A_833 = arith.constant 3 : i32
        %parallel_loop3A_834 = arith.index_cast %parallel_loop3A_833 : i32 to index
        %parallel_loop3A_835 = arith.index_cast %parallel_loop3A_827 : i32 to index
        %parallel_loop3A_836 = tpu.vector_load %arg8[%parallel_loop3A_834, %parallel_loop3A_835] {strides = array<i32>} : memref<8x1024xf32, #tpu.memory_space<vmem>>, vector<1x16xf32>,
        %parallel_loop3A_837 = vector.shape_cast %parallel_loop3A_836 : vector<1x16xf32> to vector<16xf32>
        %parallel_loop3A_838 = arith.addf %parallel_loop3A_837, %parallel_loop3A_832 : vector<16xf32>
        %parallel_loop3A_839 = arith.constant 3 : i32
        %parallel_loop3A_840 = arith.index_cast %parallel_loop3A_839 : i32 to index
        %parallel_loop3A_841 = arith.index_cast %parallel_loop3A_827 : i32 to index
        %parallel_loop3A_842 = tpu.vector_load %arg8[%parallel_loop3A_840, %parallel_loop3A_841] {strides = array<i32>} : memref<8x1024xf32, #tpu.memory_space<vmem>>, vector<1x16xf32>,
        %parallel_loop3A_843 = vector.shape_cast %parallel_loop3A_842 : vector<1x16xf32> to vector<16xf32>
        %parallel_loop3A_844 = vector.shape_cast %parallel_loop3A_838 : vector<16xf32> to vector<1x16xf32>
        tpu.vector_store %arg8[%parallel_loop3A_840, %parallel_loop3A_841], %parallel_loop3A_844 {strides = array<i32>} : memref<8x1024xf32, #tpu.memory_space<vmem>>, vector<1x16xf32>,
        %parallel_loop3A_845 = arith.constant 3 : i32
        %parallel_loop3A_846 = arith.index_cast %parallel_loop3A_845 : i32 to index
        %parallel_loop3A_847 = arith.index_cast %parallel_loop3A_827 : i32 to index
        %parallel_loop3A_848 = tpu.vector_load %arg10[%parallel_loop3A_846, %parallel_loop3A_847] {strides = array<i32>} : memref<8x1024xf32, #tpu.memory_space<vmem>>, vector<1x16xf32>,
        %parallel_loop3A_849 = vector.shape_cast %parallel_loop3A_848 : vector<1x16xf32> to vector<16xf32>
        %parallel_loop3A_850 = arith.addf %parallel_loop3A_849, %parallel_loop3A_832 : vector<16xf32>
        %parallel_loop3A_851 = arith.constant 3 : i32
        %parallel_loop3A_852 = arith.index_cast %parallel_loop3A_851 : i32 to index
        %parallel_loop3A_853 = arith.index_cast %parallel_loop3A_827 : i32 to index
        %parallel_loop3A_854 = tpu.vector_load %arg10[%parallel_loop3A_852, %parallel_loop3A_853] {strides = array<i32>} : memref<8x1024xf32, #tpu.memory_space<vmem>>, vector<1x16xf32>,
        %parallel_loop3A_855 = vector.shape_cast %parallel_loop3A_854 : vector<1x16xf32> to vector<16xf32>
        %parallel_loop3A_856 = vector.shape_cast %parallel_loop3A_850 : vector<16xf32> to vector<1x16xf32>
        tpu.vector_store %arg10[%parallel_loop3A_852, %parallel_loop3A_853], %parallel_loop3A_856 {strides = array<i32>} : memref<8x1024xf32, #tpu.memory_space<vmem>>, vector<1x16xf32>,
        %parallel_loop3A_857 = arith.constant 3 : i32
        %parallel_loop3A_858 = arith.index_cast %parallel_loop3A_857 : i32 to index
        %parallel_loop3A_859 = arith.index_cast %parallel_loop3A_827 : i32 to index
        %parallel_loop3A_860 = tpu.vector_load %arg12[%parallel_loop3A_858, %parallel_loop3A_859] {strides = array<i32>} : memref<8x1024xf32, #tpu.memory_space<vmem>>, vector<1x16xf32>,
        %parallel_loop3A_861 = vector.shape_cast %parallel_loop3A_860 : vector<1x16xf32> to vector<16xf32>
        %parallel_loop3A_862 = arith.addf %parallel_loop3A_861, %parallel_loop3A_832 : vector<16xf32>
        %parallel_loop3A_863 = arith.constant 3 : i32
        %parallel_loop3A_864 = arith.index_cast %parallel_loop3A_863 : i32 to index
        %parallel_loop3A_865 = arith.index_cast %parallel_loop3A_827 : i32 to index
        %parallel_loop3A_866 = tpu.vector_load %arg12[%parallel_loop3A_864, %parallel_loop3A_865] {strides = array<i32>} : memref<8x1024xf32, #tpu.memory_space<vmem>>, vector<1x16xf32>,
        %parallel_loop3A_867 = vector.shape_cast %parallel_loop3A_866 : vector<1x16xf32> to vector<16xf32>
        %parallel_loop3A_868 = vector.shape_cast %parallel_loop3A_862 : vector<16xf32> to vector<1x16xf32>
        tpu.vector_store %arg12[%parallel_loop3A_864, %parallel_loop3A_865], %parallel_loop3A_868 {strides = array<i32>} : memref<8x1024xf32, #tpu.memory_space<vmem>>, vector<1x16xf32>,
        %parallel_loop3A_869 = arith.constant 3 : i32
        %parallel_loop3A_870 = arith.index_cast %parallel_loop3A_869 : i32 to index
        %parallel_loop3A_871 = arith.index_cast %parallel_loop3A_827 : i32 to index
        %parallel_loop3A_872 = tpu.vector_load %arg14[%parallel_loop3A_870, %parallel_loop3A_871] {strides = array<i32>} : memref<8x1024xf32, #tpu.memory_space<vmem>>, vector<1x16xf32>,
        %parallel_loop3A_873 = vector.shape_cast %parallel_loop3A_872 : vector<1x16xf32> to vector<16xf32>
        %parallel_loop3A_874 = arith.addf %parallel_loop3A_873, %parallel_loop3A_832 : vector<16xf32>
        %parallel_loop3A_875 = arith.constant 3 : i32
        %parallel_loop3A_876 = arith.index_cast %parallel_loop3A_875 : i32 to index
        %parallel_loop3A_877 = arith.index_cast %parallel_loop3A_827 : i32 to index
        %parallel_loop3A_878 = tpu.vector_load %arg14[%parallel_loop3A_876, %parallel_loop3A_877] {strides = array<i32>} : memref<8x1024xf32, #tpu.memory_space<vmem>>, vector<1x16xf32>,
        %parallel_loop3A_879 = vector.shape_cast %parallel_loop3A_878 : vector<1x16xf32> to vector<16xf32>
        %parallel_loop3A_880 = vector.shape_cast %parallel_loop3A_874 : vector<16xf32> to vector<1x16xf32>
        tpu.vector_store %arg14[%parallel_loop3A_876, %parallel_loop3A_877], %parallel_loop3A_880 {strides = array<i32>} : memref<8x1024xf32, #tpu.memory_space<vmem>>, vector<1x16xf32>,
      } {sc.loop_unroll_factor = 4 : i64, sc.parallel_access}
      %parallel_loop3A_744 = arith.constant 0 : i32
      %parallel_loop3A_745 = arith.constant 1024 : i32
      %parallel_loop3A_746 = arith.constant 16 : i32
      scf.for %parallel_loop3A_827 = %parallel_loop3A_744 to %parallel_loop3A_745 step %parallel_loop3A_746  : i32 {
        %parallel_loop3A_828 = arith.constant 4 : i32
        %parallel_loop3A_829 = arith.index_cast %parallel_loop3A_828 : i32 to index
        %parallel_loop3A_830 = arith.index_cast %parallel_loop3A_827 : i32 to index
        %parallel_loop3A_831 = tpu.vector_load %arg6[%parallel_loop3A_829, %parallel_loop3A_830] {strides = array<i32>} : memref<8x1024xf32, #tpu.memory_space<vmem>>, vector<1x16xf32>,
        %parallel_loop3A_832 = vector.shape_cast %parallel_loop3A_831 : vector<1x16xf32> to vector<16xf32>
        %parallel_loop3A_833 = arith.constant 4 : i32
        %parallel_loop3A_834 = arith.index_cast %parallel_loop3A_833 : i32 to index
        %parallel_loop3A_835 = arith.index_cast %parallel_loop3A_827 : i32 to index
        %parallel_loop3A_836 = tpu.vector_load %arg8[%parallel_loop3A_834, %parallel_loop3A_835] {strides = array<i32>} : memref<8x1024xf32, #tpu.memory_space<vmem>>, vector<1x16xf32>,
        %parallel_loop3A_837 = vector.shape_cast %parallel_loop3A_836 : vector<1x16xf32> to vector<16xf32>
        %parallel_loop3A_838 = arith.addf %parallel_loop3A_837, %parallel_loop3A_832 : vector<16xf32>
        %parallel_loop3A_839 = arith.constant 4 : i32
        %parallel_loop3A_840 = arith.index_cast %parallel_loop3A_839 : i32 to index
        %parallel_loop3A_841 = arith.index_cast %parallel_loop3A_827 : i32 to index
        %parallel_loop3A_842 = tpu.vector_load %arg8[%parallel_loop3A_840, %parallel_loop3A_841] {strides = array<i32>} : memref<8x1024xf32, #tpu.memory_space<vmem>>, vector<1x16xf32>,
        %parallel_loop3A_843 = vector.shape_cast %parallel_loop3A_842 : vector<1x16xf32> to vector<16xf32>
        %parallel_loop3A_844 = vector.shape_cast %parallel_loop3A_838 : vector<16xf32> to vector<1x16xf32>
        tpu.vector_store %arg8[%parallel_loop3A_840, %parallel_loop3A_841], %parallel_loop3A_844 {strides = array<i32>} : memref<8x1024xf32, #tpu.memory_space<vmem>>, vector<1x16xf32>,
        %parallel_loop3A_845 = arith.constant 4 : i32
        %parallel_loop3A_846 = arith.index_cast %parallel_loop3A_845 : i32 to index
        %parallel_loop3A_847 = arith.index_cast %parallel_loop3A_827 : i32 to index
        %parallel_loop3A_848 = tpu.vector_load %arg10[%parallel_loop3A_846, %parallel_loop3A_847] {strides = array<i32>} : memref<8x1024xf32, #tpu.memory_space<vmem>>, vector<1x16xf32>,
        %parallel_loop3A_849 = vector.shape_cast %parallel_loop3A_848 : vector<1x16xf32> to vector<16xf32>
        %parallel_loop3A_850 = arith.addf %parallel_loop3A_849, %parallel_loop3A_832 : vector<16xf32>
        %parallel_loop3A_851 = arith.constant 4 : i32
        %parallel_loop3A_852 = arith.index_cast %parallel_loop3A_851 : i32 to index
        %parallel_loop3A_853 = arith.index_cast %parallel_loop3A_827 : i32 to index
        %parallel_loop3A_854 = tpu.vector_load %arg10[%parallel_loop3A_852, %parallel_loop3A_853] {strides = array<i32>} : memref<8x1024xf32, #tpu.memory_space<vmem>>, vector<1x16xf32>,
        %parallel_loop3A_855 = vector.shape_cast %parallel_loop3A_854 : vector<1x16xf32> to vector<16xf32>
        %parallel_loop3A_856 = vector.shape_cast %parallel_loop3A_850 : vector<16xf32> to vector<1x16xf32>
        tpu.vector_store %arg10[%parallel_loop3A_852, %parallel_loop3A_853], %parallel_loop3A_856 {strides = array<i32>} : memref<8x1024xf32, #tpu.memory_space<vmem>>, vector<1x16xf32>,
        %parallel_loop3A_857 = arith.constant 4 : i32
        %parallel_loop3A_858 = arith.index_cast %parallel_loop3A_857 : i32 to index
        %parallel_loop3A_859 = arith.index_cast %parallel_loop3A_827 : i32 to index
        %parallel_loop3A_860 = tpu.vector_load %arg12[%parallel_loop3A_858, %parallel_loop3A_859] {strides = array<i32>} : memref<8x1024xf32, #tpu.memory_space<vmem>>, vector<1x16xf32>,
        %parallel_loop3A_861 = vector.shape_cast %parallel_loop3A_860 : vector<1x16xf32> to vector<16xf32>
        %parallel_loop3A_862 = arith.addf %parallel_loop3A_861, %parallel_loop3A_832 : vector<16xf32>
        %parallel_loop3A_863 = arith.constant 4 : i32
        %parallel_loop3A_864 = arith.index_cast %parallel_loop3A_863 : i32 to index
        %parallel_loop3A_865 = arith.index_cast %parallel_loop3A_827 : i32 to index
        %parallel_loop3A_866 = tpu.vector_load %arg12[%parallel_loop3A_864, %parallel_loop3A_865] {strides = array<i32>} : memref<8x1024xf32, #tpu.memory_space<vmem>>, vector<1x16xf32>,
        %parallel_loop3A_867 = vector.shape_cast %parallel_loop3A_866 : vector<1x16xf32> to vector<16xf32>
        %parallel_loop3A_868 = vector.shape_cast %parallel_loop3A_862 : vector<16xf32> to vector<1x16xf32>
        tpu.vector_store %arg12[%parallel_loop3A_864, %parallel_loop3A_865], %parallel_loop3A_868 {strides = array<i32>} : memref<8x1024xf32, #tpu.memory_space<vmem>>, vector<1x16xf32>,
        %parallel_loop3A_869 = arith.constant 4 : i32
        %parallel_loop3A_870 = arith.index_cast %parallel_loop3A_869 : i32 to index
        %parallel_loop3A_871 = arith.index_cast %parallel_loop3A_827 : i32 to index
        %parallel_loop3A_872 = tpu.vector_load %arg14[%parallel_loop3A_870, %parallel_loop3A_871] {strides = array<i32>} : memref<8x1024xf32, #tpu.memory_space<vmem>>, vector<1x16xf32>,
        %parallel_loop3A_873 = vector.shape_cast %parallel_loop3A_872 : vector<1x16xf32> to vector<16xf32>
        %parallel_loop3A_874 = arith.addf %parallel_loop3A_873, %parallel_loop3A_832 : vector<16xf32>
        %parallel_loop3A_875 = arith.constant 4 : i32
        %parallel_loop3A_876 = arith.index_cast %parallel_loop3A_875 : i32 to index
        %parallel_loop3A_877 = arith.index_cast %parallel_loop3A_827 : i32 to index
        %parallel_loop3A_878 = tpu.vector_load %arg14[%parallel_loop3A_876, %parallel_loop3A_877] {strides = array<i32>} : memref<8x1024xf32, #tpu.memory_space<vmem>>, vector<1x16xf32>,
        %parallel_loop3A_879 = vector.shape_cast %parallel_loop3A_878 : vector<1x16xf32> to vector<16xf32>
        %parallel_loop3A_880 = vector.shape_cast %parallel_loop3A_874 : vector<16xf32> to vector<1x16xf32>
        tpu.vector_store %arg14[%parallel_loop3A_876, %parallel_loop3A_877], %parallel_loop3A_880 {strides = array<i32>} : memref<8x1024xf32, #tpu.memory_space<vmem>>, vector<1x16xf32>,
      } {sc.loop_unroll_factor = 4 : i64, sc.parallel_access}
      %parallel_loop3A_747 = arith.constant 0 : i32
      %parallel_loop3A_748 = arith.constant 1024 : i32
      %parallel_loop3A_749 = arith.constant 16 : i32
      scf.for %parallel_loop3A_827 = %parallel_loop3A_747 to %parallel_loop3A_748 step %parallel_loop3A_749  : i32 {
        %parallel_loop3A_828 = arith.constant 5 : i32
        %parallel_loop3A_829 = arith.index_cast %parallel_loop3A_828 : i32 to index
        %parallel_loop3A_830 = arith.index_cast %parallel_loop3A_827 : i32 to index
        %parallel_loop3A_831 = tpu.vector_load %arg6[%parallel_loop3A_829, %parallel_loop3A_830] {strides = array<i32>} : memref<8x1024xf32, #tpu.memory_space<vmem>>, vector<1x16xf32>,
        %parallel_loop3A_832 = vector.shape_cast %parallel_loop3A_831 : vector<1x16xf32> to vector<16xf32>
        %parallel_loop3A_833 = arith.constant 5 : i32
        %parallel_loop3A_834 = arith.index_cast %parallel_loop3A_833 : i32 to index
        %parallel_loop3A_835 = arith.index_cast %parallel_loop3A_827 : i32 to index
        %parallel_loop3A_836 = tpu.vector_load %arg8[%parallel_loop3A_834, %parallel_loop3A_835] {strides = array<i32>} : memref<8x1024xf32, #tpu.memory_space<vmem>>, vector<1x16xf32>,
        %parallel_loop3A_837 = vector.shape_cast %parallel_loop3A_836 : vector<1x16xf32> to vector<16xf32>
        %parallel_loop3A_838 = arith.addf %parallel_loop3A_837, %parallel_loop3A_832 : vector<16xf32>
        %parallel_loop3A_839 = arith.constant 5 : i32
        %parallel_loop3A_840 = arith.index_cast %parallel_loop3A_839 : i32 to index
        %parallel_loop3A_841 = arith.index_cast %parallel_loop3A_827 : i32 to index
        %parallel_loop3A_842 = tpu.vector_load %arg8[%parallel_loop3A_840, %parallel_loop3A_841] {strides = array<i32>} : memref<8x1024xf32, #tpu.memory_space<vmem>>, vector<1x16xf32>,
        %parallel_loop3A_843 = vector.shape_cast %parallel_loop3A_842 : vector<1x16xf32> to vector<16xf32>
        %parallel_loop3A_844 = vector.shape_cast %parallel_loop3A_838 : vector<16xf32> to vector<1x16xf32>
        tpu.vector_store %arg8[%parallel_loop3A_840, %parallel_loop3A_841], %parallel_loop3A_844 {strides = array<i32>} : memref<8x1024xf32, #tpu.memory_space<vmem>>, vector<1x16xf32>,
        %parallel_loop3A_845 = arith.constant 5 : i32
        %parallel_loop3A_846 = arith.index_cast %parallel_loop3A_845 : i32 to index
        %parallel_loop3A_847 = arith.index_cast %parallel_loop3A_827 : i32 to index
        %parallel_loop3A_848 = tpu.vector_load %arg10[%parallel_loop3A_846, %parallel_loop3A_847] {strides = array<i32>} : memref<8x1024xf32, #tpu.memory_space<vmem>>, vector<1x16xf32>,
        %parallel_loop3A_849 = vector.shape_cast %parallel_loop3A_848 : vector<1x16xf32> to vector<16xf32>
        %parallel_loop3A_850 = arith.addf %parallel_loop3A_849, %parallel_loop3A_832 : vector<16xf32>
        %parallel_loop3A_851 = arith.constant 5 : i32
        %parallel_loop3A_852 = arith.index_cast %parallel_loop3A_851 : i32 to index
        %parallel_loop3A_853 = arith.index_cast %parallel_loop3A_827 : i32 to index
        %parallel_loop3A_854 = tpu.vector_load %arg10[%parallel_loop3A_852, %parallel_loop3A_853] {strides = array<i32>} : memref<8x1024xf32, #tpu.memory_space<vmem>>, vector<1x16xf32>,
        %parallel_loop3A_855 = vector.shape_cast %parallel_loop3A_854 : vector<1x16xf32> to vector<16xf32>
        %parallel_loop3A_856 = vector.shape_cast %parallel_loop3A_850 : vector<16xf32> to vector<1x16xf32>
        tpu.vector_store %arg10[%parallel_loop3A_852, %parallel_loop3A_853], %parallel_loop3A_856 {strides = array<i32>} : memref<8x1024xf32, #tpu.memory_space<vmem>>, vector<1x16xf32>,
        %parallel_loop3A_857 = arith.constant 5 : i32
        %parallel_loop3A_858 = arith.index_cast %parallel_loop3A_857 : i32 to index
        %parallel_loop3A_859 = arith.index_cast %parallel_loop3A_827 : i32 to index
        %parallel_loop3A_860 = tpu.vector_load %arg12[%parallel_loop3A_858, %parallel_loop3A_859] {strides = array<i32>} : memref<8x1024xf32, #tpu.memory_space<vmem>>, vector<1x16xf32>,
        %parallel_loop3A_861 = vector.shape_cast %parallel_loop3A_860 : vector<1x16xf32> to vector<16xf32>
        %parallel_loop3A_862 = arith.addf %parallel_loop3A_861, %parallel_loop3A_832 : vector<16xf32>
        %parallel_loop3A_863 = arith.constant 5 : i32
        %parallel_loop3A_864 = arith.index_cast %parallel_loop3A_863 : i32 to index
        %parallel_loop3A_865 = arith.index_cast %parallel_loop3A_827 : i32 to index
        %parallel_loop3A_866 = tpu.vector_load %arg12[%parallel_loop3A_864, %parallel_loop3A_865] {strides = array<i32>} : memref<8x1024xf32, #tpu.memory_space<vmem>>, vector<1x16xf32>,
        %parallel_loop3A_867 = vector.shape_cast %parallel_loop3A_866 : vector<1x16xf32> to vector<16xf32>
        %parallel_loop3A_868 = vector.shape_cast %parallel_loop3A_862 : vector<16xf32> to vector<1x16xf32>
        tpu.vector_store %arg12[%parallel_loop3A_864, %parallel_loop3A_865], %parallel_loop3A_868 {strides = array<i32>} : memref<8x1024xf32, #tpu.memory_space<vmem>>, vector<1x16xf32>,
        %parallel_loop3A_869 = arith.constant 5 : i32
        %parallel_loop3A_870 = arith.index_cast %parallel_loop3A_869 : i32 to index
        %parallel_loop3A_871 = arith.index_cast %parallel_loop3A_827 : i32 to index
        %parallel_loop3A_872 = tpu.vector_load %arg14[%parallel_loop3A_870, %parallel_loop3A_871] {strides = array<i32>} : memref<8x1024xf32, #tpu.memory_space<vmem>>, vector<1x16xf32>,
        %parallel_loop3A_873 = vector.shape_cast %parallel_loop3A_872 : vector<1x16xf32> to vector<16xf32>
        %parallel_loop3A_874 = arith.addf %parallel_loop3A_873, %parallel_loop3A_832 : vector<16xf32>
        %parallel_loop3A_875 = arith.constant 5 : i32
        %parallel_loop3A_876 = arith.index_cast %parallel_loop3A_875 : i32 to index
        %parallel_loop3A_877 = arith.index_cast %parallel_loop3A_827 : i32 to index
        %parallel_loop3A_878 = tpu.vector_load %arg14[%parallel_loop3A_876, %parallel_loop3A_877] {strides = array<i32>} : memref<8x1024xf32, #tpu.memory_space<vmem>>, vector<1x16xf32>,
        %parallel_loop3A_879 = vector.shape_cast %parallel_loop3A_878 : vector<1x16xf32> to vector<16xf32>
        %parallel_loop3A_880 = vector.shape_cast %parallel_loop3A_874 : vector<16xf32> to vector<1x16xf32>
        tpu.vector_store %arg14[%parallel_loop3A_876, %parallel_loop3A_877], %parallel_loop3A_880 {strides = array<i32>} : memref<8x1024xf32, #tpu.memory_space<vmem>>, vector<1x16xf32>,
      } {sc.loop_unroll_factor = 4 : i64, sc.parallel_access}
      %parallel_loop3A_750 = arith.constant 0 : i32
      %parallel_loop3A_751 = arith.constant 1024 : i32
      %parallel_loop3A_752 = arith.constant 16 : i32
      scf.for %parallel_loop3A_827 = %parallel_loop3A_750 to %parallel_loop3A_751 step %parallel_loop3A_752  : i32 {
        %parallel_loop3A_828 = arith.constant 6 : i32
        %parallel_loop3A_829 = arith.index_cast %parallel_loop3A_828 : i32 to index
        %parallel_loop3A_830 = arith.index_cast %parallel_loop3A_827 : i32 to index
        %parallel_loop3A_831 = tpu.vector_load %arg6[%parallel_loop3A_829, %parallel_loop3A_830] {strides = array<i32>} : memref<8x1024xf32, #tpu.memory_space<vmem>>, vector<1x16xf32>,
        %parallel_loop3A_832 = vector.shape_cast %parallel_loop3A_831 : vector<1x16xf32> to vector<16xf32>
        %parallel_loop3A_833 = arith.constant 6 : i32
        %parallel_loop3A_834 = arith.index_cast %parallel_loop3A_833 : i32 to index
        %parallel_loop3A_835 = arith.index_cast %parallel_loop3A_827 : i32 to index
        %parallel_loop3A_836 = tpu.vector_load %arg8[%parallel_loop3A_834, %parallel_loop3A_835] {strides = array<i32>} : memref<8x1024xf32, #tpu.memory_space<vmem>>, vector<1x16xf32>,
        %parallel_loop3A_837 = vector.shape_cast %parallel_loop3A_836 : vector<1x16xf32> to vector<16xf32>
        %parallel_loop3A_838 = arith.addf %parallel_loop3A_837, %parallel_loop3A_832 : vector<16xf32>
        %parallel_loop3A_839 = arith.constant 6 : i32
        %parallel_loop3A_840 = arith.index_cast %parallel_loop3A_839 : i32 to index
        %parallel_loop3A_841 = arith.index_cast %parallel_loop3A_827 : i32 to index
        %parallel_loop3A_842 = tpu.vector_load %arg8[%parallel_loop3A_840, %parallel_loop3A_841] {strides = array<i32>} : memref<8x1024xf32, #tpu.memory_space<vmem>>, vector<1x16xf32>,
        %parallel_loop3A_843 = vector.shape_cast %parallel_loop3A_842 : vector<1x16xf32> to vector<16xf32>
        %parallel_loop3A_844 = vector.shape_cast %parallel_loop3A_838 : vector<16xf32> to vector<1x16xf32>
        tpu.vector_store %arg8[%parallel_loop3A_840, %parallel_loop3A_841], %parallel_loop3A_844 {strides = array<i32>} : memref<8x1024xf32, #tpu.memory_space<vmem>>, vector<1x16xf32>,
        %parallel_loop3A_845 = arith.constant 6 : i32
        %parallel_loop3A_846 = arith.index_cast %parallel_loop3A_845 : i32 to index
        %parallel_loop3A_847 = arith.index_cast %parallel_loop3A_827 : i32 to index
        %parallel_loop3A_848 = tpu.vector_load %arg10[%parallel_loop3A_846, %parallel_loop3A_847] {strides = array<i32>} : memref<8x1024xf32, #tpu.memory_space<vmem>>, vector<1x16xf32>,
        %parallel_loop3A_849 = vector.shape_cast %parallel_loop3A_848 : vector<1x16xf32> to vector<16xf32>
        %parallel_loop3A_850 = arith.addf %parallel_loop3A_849, %parallel_loop3A_832 : vector<16xf32>
        %parallel_loop3A_851 = arith.constant 6 : i32
        %parallel_loop3A_852 = arith.index_cast %parallel_loop3A_851 : i32 to index
        %parallel_loop3A_853 = arith.index_cast %parallel_loop3A_827 : i32 to index
        %parallel_loop3A_854 = tpu.vector_load %arg10[%parallel_loop3A_852, %parallel_loop3A_853] {strides = array<i32>} : memref<8x1024xf32, #tpu.memory_space<vmem>>, vector<1x16xf32>,
        %parallel_loop3A_855 = vector.shape_cast %parallel_loop3A_854 : vector<1x16xf32> to vector<16xf32>
        %parallel_loop3A_856 = vector.shape_cast %parallel_loop3A_850 : vector<16xf32> to vector<1x16xf32>
        tpu.vector_store %arg10[%parallel_loop3A_852, %parallel_loop3A_853], %parallel_loop3A_856 {strides = array<i32>} : memref<8x1024xf32, #tpu.memory_space<vmem>>, vector<1x16xf32>,
        %parallel_loop3A_857 = arith.constant 6 : i32
        %parallel_loop3A_858 = arith.index_cast %parallel_loop3A_857 : i32 to index
        %parallel_loop3A_859 = arith.index_cast %parallel_loop3A_827 : i32 to index
        %parallel_loop3A_860 = tpu.vector_load %arg12[%parallel_loop3A_858, %parallel_loop3A_859] {strides = array<i32>} : memref<8x1024xf32, #tpu.memory_space<vmem>>, vector<1x16xf32>,
        %parallel_loop3A_861 = vector.shape_cast %parallel_loop3A_860 : vector<1x16xf32> to vector<16xf32>
        %parallel_loop3A_862 = arith.addf %parallel_loop3A_861, %parallel_loop3A_832 : vector<16xf32>
        %parallel_loop3A_863 = arith.constant 6 : i32
        %parallel_loop3A_864 = arith.index_cast %parallel_loop3A_863 : i32 to index
        %parallel_loop3A_865 = arith.index_cast %parallel_loop3A_827 : i32 to index
        %parallel_loop3A_866 = tpu.vector_load %arg12[%parallel_loop3A_864, %parallel_loop3A_865] {strides = array<i32>} : memref<8x1024xf32, #tpu.memory_space<vmem>>, vector<1x16xf32>,
        %parallel_loop3A_867 = vector.shape_cast %parallel_loop3A_866 : vector<1x16xf32> to vector<16xf32>
        %parallel_loop3A_868 = vector.shape_cast %parallel_loop3A_862 : vector<16xf32> to vector<1x16xf32>
        tpu.vector_store %arg12[%parallel_loop3A_864, %parallel_loop3A_865], %parallel_loop3A_868 {strides = array<i32>} : memref<8x1024xf32, #tpu.memory_space<vmem>>, vector<1x16xf32>,
        %parallel_loop3A_869 = arith.constant 6 : i32
        %parallel_loop3A_870 = arith.index_cast %parallel_loop3A_869 : i32 to index
        %parallel_loop3A_871 = arith.index_cast %parallel_loop3A_827 : i32 to index
        %parallel_loop3A_872 = tpu.vector_load %arg14[%parallel_loop3A_870, %parallel_loop3A_871] {strides = array<i32>} : memref<8x1024xf32, #tpu.memory_space<vmem>>, vector<1x16xf32>,
        %parallel_loop3A_873 = vector.shape_cast %parallel_loop3A_872 : vector<1x16xf32> to vector<16xf32>
        %parallel_loop3A_874 = arith.addf %parallel_loop3A_873, %parallel_loop3A_832 : vector<16xf32>
        %parallel_loop3A_875 = arith.constant 6 : i32
        %parallel_loop3A_876 = arith.index_cast %parallel_loop3A_875 : i32 to index
        %parallel_loop3A_877 = arith.index_cast %parallel_loop3A_827 : i32 to index
        %parallel_loop3A_878 = tpu.vector_load %arg14[%parallel_loop3A_876, %parallel_loop3A_877] {strides = array<i32>} : memref<8x1024xf32, #tpu.memory_space<vmem>>, vector<1x16xf32>,
        %parallel_loop3A_879 = vector.shape_cast %parallel_loop3A_878 : vector<1x16xf32> to vector<16xf32>
        %parallel_loop3A_880 = vector.shape_cast %parallel_loop3A_874 : vector<16xf32> to vector<1x16xf32>
        tpu.vector_store %arg14[%parallel_loop3A_876, %parallel_loop3A_877], %parallel_loop3A_880 {strides = array<i32>} : memref<8x1024xf32, #tpu.memory_space<vmem>>, vector<1x16xf32>,
      } {sc.loop_unroll_factor = 4 : i64, sc.parallel_access}
      %parallel_loop3A_753 = arith.constant 0 : i32
      %parallel_loop3A_754 = arith.constant 1024 : i32
      %parallel_loop3A_755 = arith.constant 16 : i32
      scf.for %parallel_loop3A_827 = %parallel_loop3A_753 to %parallel_loop3A_754 step %parallel_loop3A_755  : i32 {
        %parallel_loop3A_828 = arith.constant 7 : i32
        %parallel_loop3A_829 = arith.index_cast %parallel_loop3A_828 : i32 to index
        %parallel_loop3A_830 = arith.index_cast %parallel_loop3A_827 : i32 to index
        %parallel_loop3A_831 = tpu.vector_load %arg6[%parallel_loop3A_829, %parallel_loop3A_830] {strides = array<i32>} : memref<8x1024xf32, #tpu.memory_space<vmem>>, vector<1x16xf32>,
        %parallel_loop3A_832 = vector.shape_cast %parallel_loop3A_831 : vector<1x16xf32> to vector<16xf32>
        %parallel_loop3A_833 = arith.constant 7 : i32
        %parallel_loop3A_834 = arith.index_cast %parallel_loop3A_833 : i32 to index
        %parallel_loop3A_835 = arith.index_cast %parallel_loop3A_827 : i32 to index
        %parallel_loop3A_836 = tpu.vector_load %arg8[%parallel_loop3A_834, %parallel_loop3A_835] {strides = array<i32>} : memref<8x1024xf32, #tpu.memory_space<vmem>>, vector<1x16xf32>,
        %parallel_loop3A_837 = vector.shape_cast %parallel_loop3A_836 : vector<1x16xf32> to vector<16xf32>
        %parallel_loop3A_838 = arith.addf %parallel_loop3A_837, %parallel_loop3A_832 : vector<16xf32>
        %parallel_loop3A_839 = arith.constant 7 : i32
        %parallel_loop3A_840 = arith.index_cast %parallel_loop3A_839 : i32 to index
        %parallel_loop3A_841 = arith.index_cast %parallel_loop3A_827 : i32 to index
        %parallel_loop3A_842 = tpu.vector_load %arg8[%parallel_loop3A_840, %parallel_loop3A_841] {strides = array<i32>} : memref<8x1024xf32, #tpu.memory_space<vmem>>, vector<1x16xf32>,
        %parallel_loop3A_843 = vector.shape_cast %parallel_loop3A_842 : vector<1x16xf32> to vector<16xf32>
        %parallel_loop3A_844 = vector.shape_cast %parallel_loop3A_838 : vector<16xf32> to vector<1x16xf32>
        tpu.vector_store %arg8[%parallel_loop3A_840, %parallel_loop3A_841], %parallel_loop3A_844 {strides = array<i32>} : memref<8x1024xf32, #tpu.memory_space<vmem>>, vector<1x16xf32>,
        %parallel_loop3A_845 = arith.constant 7 : i32
        %parallel_loop3A_846 = arith.index_cast %parallel_loop3A_845 : i32 to index
        %parallel_loop3A_847 = arith.index_cast %parallel_loop3A_827 : i32 to index
        %parallel_loop3A_848 = tpu.vector_load %arg10[%parallel_loop3A_846, %parallel_loop3A_847] {strides = array<i32>} : memref<8x1024xf32, #tpu.memory_space<vmem>>, vector<1x16xf32>,
        %parallel_loop3A_849 = vector.shape_cast %parallel_loop3A_848 : vector<1x16xf32> to vector<16xf32>
        %parallel_loop3A_850 = arith.addf %parallel_loop3A_849, %parallel_loop3A_832 : vector<16xf32>
        %parallel_loop3A_851 = arith.constant 7 : i32
        %parallel_loop3A_852 = arith.index_cast %parallel_loop3A_851 : i32 to index
        %parallel_loop3A_853 = arith.index_cast %parallel_loop3A_827 : i32 to index
        %parallel_loop3A_854 = tpu.vector_load %arg10[%parallel_loop3A_852, %parallel_loop3A_853] {strides = array<i32>} : memref<8x1024xf32, #tpu.memory_space<vmem>>, vector<1x16xf32>,
        %parallel_loop3A_855 = vector.shape_cast %parallel_loop3A_854 : vector<1x16xf32> to vector<16xf32>
        %parallel_loop3A_856 = vector.shape_cast %parallel_loop3A_850 : vector<16xf32> to vector<1x16xf32>
        tpu.vector_store %arg10[%parallel_loop3A_852, %parallel_loop3A_853], %parallel_loop3A_856 {strides = array<i32>} : memref<8x1024xf32, #tpu.memory_space<vmem>>, vector<1x16xf32>,
        %parallel_loop3A_857 = arith.constant 7 : i32
        %parallel_loop3A_858 = arith.index_cast %parallel_loop3A_857 : i32 to index
        %parallel_loop3A_859 = arith.index_cast %parallel_loop3A_827 : i32 to index
        %parallel_loop3A_860 = tpu.vector_load %arg12[%parallel_loop3A_858, %parallel_loop3A_859] {strides = array<i32>} : memref<8x1024xf32, #tpu.memory_space<vmem>>, vector<1x16xf32>,
        %parallel_loop3A_861 = vector.shape_cast %parallel_loop3A_860 : vector<1x16xf32> to vector<16xf32>
        %parallel_loop3A_862 = arith.addf %parallel_loop3A_861, %parallel_loop3A_832 : vector<16xf32>
        %parallel_loop3A_863 = arith.constant 7 : i32
        %parallel_loop3A_864 = arith.index_cast %parallel_loop3A_863 : i32 to index
        %parallel_loop3A_865 = arith.index_cast %parallel_loop3A_827 : i32 to index
        %parallel_loop3A_866 = tpu.vector_load %arg12[%parallel_loop3A_864, %parallel_loop3A_865] {strides = array<i32>} : memref<8x1024xf32, #tpu.memory_space<vmem>>, vector<1x16xf32>,
        %parallel_loop3A_867 = vector.shape_cast %parallel_loop3A_866 : vector<1x16xf32> to vector<16xf32>
        %parallel_loop3A_868 = vector.shape_cast %parallel_loop3A_862 : vector<16xf32> to vector<1x16xf32>
        tpu.vector_store %arg12[%parallel_loop3A_864, %parallel_loop3A_865], %parallel_loop3A_868 {strides = array<i32>} : memref<8x1024xf32, #tpu.memory_space<vmem>>, vector<1x16xf32>,
        %parallel_loop3A_869 = arith.constant 7 : i32
        %parallel_loop3A_870 = arith.index_cast %parallel_loop3A_869 : i32 to index
        %parallel_loop3A_871 = arith.index_cast %parallel_loop3A_827 : i32 to index
        %parallel_loop3A_872 = tpu.vector_load %arg14[%parallel_loop3A_870, %parallel_loop3A_871] {strides = array<i32>} : memref<8x1024xf32, #tpu.memory_space<vmem>>, vector<1x16xf32>,
        %parallel_loop3A_873 = vector.shape_cast %parallel_loop3A_872 : vector<1x16xf32> to vector<16xf32>
        %parallel_loop3A_874 = arith.addf %parallel_loop3A_873, %parallel_loop3A_832 : vector<16xf32>
        %parallel_loop3A_875 = arith.constant 7 : i32
        %parallel_loop3A_876 = arith.index_cast %parallel_loop3A_875 : i32 to index
        %parallel_loop3A_877 = arith.index_cast %parallel_loop3A_827 : i32 to index
        %parallel_loop3A_878 = tpu.vector_load %arg14[%parallel_loop3A_876, %parallel_loop3A_877] {strides = array<i32>} : memref<8x1024xf32, #tpu.memory_space<vmem>>, vector<1x16xf32>,
        %parallel_loop3A_879 = vector.shape_cast %parallel_loop3A_878 : vector<1x16xf32> to vector<16xf32>
        %parallel_loop3A_880 = vector.shape_cast %parallel_loop3A_874 : vector<16xf32> to vector<1x16xf32>
        tpu.vector_store %arg14[%parallel_loop3A_876, %parallel_loop3A_877], %parallel_loop3A_880 {strides = array<i32>} : memref<8x1024xf32, #tpu.memory_space<vmem>>, vector<1x16xf32>,
      } {sc.loop_unroll_factor = 4 : i64, sc.parallel_access}
      %mul3A_756 = arith.constant 8 : i32
      %mul3A_757 = arith.muli %add3A_527, %mul3A_756 : i32
      %add3A_758 = arith.addi %mul3A_2, %mul3A_757 : i32
      %dma_start3A_759 = arith.constant 0 : i32
      %dma_start3A_760 = arith.constant 0 : i32
      %dma_start3A_761 = arith.constant 1 : i32
      %dma_start3A_762 = arith.constant 0 : i32
      %dma_start3A_763 = tpu.memref_slice %arg4[%dma_start3A_759, %add3A_758, %dma_start3A_762] : memref<4x8192x1024xf32, #tpu.memory_space<hbm>> -> memref<1x8x1024xf32, #tpu.memory_space<hbm>>
      %dma_start3A_764 = tpu.memref_squeeze %dma_start3A_763 : memref<1x8x1024xf32, #tpu.memory_space<hbm>> -> memref<8x1024xf32, #tpu.memory_space<hbm>>
      %dma_start3A_765 = tpu.memref_slice %arg19[%dma_start3A_760, %dma_start3A_761] : memref<4x2x!tpu.dma_semaphore, #tpu.memory_space<semaphore_mem>> -> memref<1x1x!tpu.dma_semaphore, #tpu.memory_space<semaphore_mem>>
      %dma_start3A_766 = tpu.memref_squeeze %dma_start3A_765 : memref<1x1x!tpu.dma_semaphore, #tpu.memory_space<semaphore_mem>> -> memref<!tpu.dma_semaphore, #tpu.memory_space<semaphore_mem>>
      %dma_start3A_767 = arith.constant 0 : i32
      %dma_start3A_768 = tpu.memref_slice %arg4[%dma_start3A_759, %add3A_758, %dma_start3A_767] : memref<4x8192x1024xf32, #tpu.memory_space<hbm>> -> memref<1x8x1024xf32, #tpu.memory_space<hbm>>
      %dma_start3A_769 = tpu.memref_squeeze %dma_start3A_768 : memref<1x8x1024xf32, #tpu.memory_space<hbm>> -> memref<8x1024xf32, #tpu.memory_space<hbm>>
      tpu.enqueue_dma source(%arg8 : memref<8x1024xf32, #tpu.memory_space<vmem>>) target(%dma_start3A_769 : memref<8x1024xf32, #tpu.memory_space<hbm>>) target_semaphore(%dma_start3A_766 : memref<!tpu.dma_semaphore, #tpu.memory_space<semaphore_mem>>)
      %gt3A_770 = arith.constant 0 : i32
      %gt3A_771 = arith.cmpi sgt, %scan3A_266, %gt3A_770 : i32
      %convert_element_type3A_772 = arith.extui %gt3A_771 : i1 to i32
      %cond3A_773 = arith.constant 0 : i32
      %cond3A_774 = arith.cmpi ne, %convert_element_type3A_772, %cond3A_773 : i32
      scf.if %cond3A_774 {
        %sub3A_827 = arith.constant 2 : i32
        %sub3A_828 = arith.subi %add3A_527, %sub3A_827 : i32
        %mul3A_829 = arith.constant 8 : i32
        %mul3A_830 = arith.muli %sub3A_828, %mul3A_829 : i32
        %add3A_831 = arith.addi %mul3A_2, %mul3A_830 : i32
        %dma_wait3A_832 = arith.constant 0 : i32
        %dma_wait3A_833 = arith.constant 1 : i32
        %dma_wait3A_834 = arith.constant 1 : i32
        %dma_wait3A_835 = arith.constant 1 : i32
        %dma_wait3A_836 = arith.constant 1 : i32
        %dma_wait3A_837 = tpu.memref_slice %arg19[%dma_wait3A_835, %dma_wait3A_836] : memref<4x2x!tpu.dma_semaphore, #tpu.memory_space<semaphore_mem>> -> memref<1x1x!tpu.dma_semaphore, #tpu.memory_space<semaphore_mem>>
        %dma_wait3A_838 = tpu.memref_squeeze %dma_wait3A_837 : memref<1x1x!tpu.dma_semaphore, #tpu.memory_space<semaphore_mem>> -> memref<!tpu.dma_semaphore, #tpu.memory_space<semaphore_mem>>
        %dma_wait3A_839 = arith.constant 0 : i32
        %dma_wait3A_840 = tpu.memref_slice %arg4[%dma_wait3A_834, %add3A_831, %dma_wait3A_839] : memref<4x8192x1024xf32, #tpu.memory_space<hbm>> -> memref<1x8x1024xf32, #tpu.memory_space<hbm>>
        %dma_wait3A_841 = tpu.memref_squeeze %dma_wait3A_840 : memref<1x8x1024xf32, #tpu.memory_space<hbm>> -> memref<8x1024xf32, #tpu.memory_space<hbm>>
        %dma_wait3A_842 = arith.constant 0 : i32
        %dma_wait3A_843 = arith.constant 0 : i32
        %dma_wait3A_844 = tpu.memref_slice %arg15[%arg1, %dma_wait3A_832, %dma_wait3A_833, %dma_wait3A_842, %dma_wait3A_843] : memref<16x3x2x8x1024xf32, #tpu.memory_space<vmem_shared>> -> memref<1x1x1x8x1024xf32, #tpu.memory_space<vmem_shared>>
        %dma_wait3A_845 = tpu.memref_squeeze %dma_wait3A_844 : memref<1x1x1x8x1024xf32, #tpu.memory_space<vmem_shared>> -> memref<8x1024xf32, #tpu.memory_space<vmem_shared>>
        tpu.wait_dma2 semaphore(%dma_wait3A_838 : memref<!tpu.dma_semaphore, #tpu.memory_space<semaphore_mem>>) src(%dma_wait3A_845 : memref<8x1024xf32, #tpu.memory_space<vmem_shared>>) dst(%dma_wait3A_841 : memref<8x1024xf32, #tpu.memory_space<hbm>>)
      } else {
      }
      %dma_start3A_775 = arith.constant 0 : i32
      %dma_start3A_776 = arith.constant 1 : i32
      %dma_start3A_777 = arith.constant 1 : i32
      %dma_start3A_778 = arith.constant 1 : i32
      %dma_start3A_779 = arith.constant 0 : i32
      %dma_start3A_780 = arith.constant 0 : i32
      %dma_start3A_781 = tpu.memref_slice %arg15[%arg1, %dma_start3A_775, %dma_start3A_776, %dma_start3A_779, %dma_start3A_780] : memref<16x3x2x8x1024xf32, #tpu.memory_space<vmem_shared>> -> memref<1x1x1x8x1024xf32, #tpu.memory_space<vmem_shared>>
      %dma_start3A_782 = tpu.memref_squeeze %dma_start3A_781 : memref<1x1x1x8x1024xf32, #tpu.memory_space<vmem_shared>> -> memref<8x1024xf32, #tpu.memory_space<vmem_shared>>
      %dma_start3A_783 = tpu.memref_slice %arg18[%dma_start3A_777, %dma_start3A_778] : memref<4x2x!tpu.dma_semaphore, #tpu.memory_space<semaphore_mem>> -> memref<1x1x!tpu.dma_semaphore, #tpu.memory_space<semaphore_mem>>
      %dma_start3A_784 = tpu.memref_squeeze %dma_start3A_783 : memref<1x1x!tpu.dma_semaphore, #tpu.memory_space<semaphore_mem>> -> memref<!tpu.dma_semaphore, #tpu.memory_space<semaphore_mem>>
      %dma_start3A_785 = arith.constant 0 : i32
      %dma_start3A_786 = arith.constant 0 : i32
      %dma_start3A_787 = tpu.memref_slice %arg15[%arg1, %dma_start3A_775, %dma_start3A_776, %dma_start3A_785, %dma_start3A_786] : memref<16x3x2x8x1024xf32, #tpu.memory_space<vmem_shared>> -> memref<1x1x1x8x1024xf32, #tpu.memory_space<vmem_shared>>
      %dma_start3A_788 = tpu.memref_squeeze %dma_start3A_787 : memref<1x1x1x8x1024xf32, #tpu.memory_space<vmem_shared>> -> memref<8x1024xf32, #tpu.memory_space<vmem_shared>>
      tpu.enqueue_dma source(%arg10 : memref<8x1024xf32, #tpu.memory_space<vmem>>) target(%dma_start3A_788 : memref<8x1024xf32, #tpu.memory_space<vmem_shared>>) target_semaphore(%dma_start3A_784 : memref<!tpu.dma_semaphore, #tpu.memory_space<semaphore_mem>>)
      %gt3A_789 = arith.constant 0 : i32
      %gt3A_790 = arith.cmpi sgt, %scan3A_266, %gt3A_789 : i32
      %convert_element_type3A_791 = arith.extui %gt3A_790 : i1 to i32
      %cond3A_792 = arith.constant 0 : i32
      %cond3A_793 = arith.cmpi ne, %convert_element_type3A_791, %cond3A_792 : i32
      scf.if %cond3A_793 {
        %sub3A_827 = arith.constant 2 : i32
        %sub3A_828 = arith.subi %add3A_527, %sub3A_827 : i32
        %mul3A_829 = arith.constant 8 : i32
        %mul3A_830 = arith.muli %sub3A_828, %mul3A_829 : i32
        %add3A_831 = arith.addi %mul3A_2, %mul3A_830 : i32
        %dma_wait3A_832 = arith.constant 1 : i32
        %dma_wait3A_833 = arith.constant 1 : i32
        %dma_wait3A_834 = arith.constant 2 : i32
        %dma_wait3A_835 = arith.constant 2 : i32
        %dma_wait3A_836 = arith.constant 1 : i32
        %dma_wait3A_837 = tpu.memref_slice %arg19[%dma_wait3A_835, %dma_wait3A_836] : memref<4x2x!tpu.dma_semaphore, #tpu.memory_space<semaphore_mem>> -> memref<1x1x!tpu.dma_semaphore, #tpu.memory_space<semaphore_mem>>
        %dma_wait3A_838 = tpu.memref_squeeze %dma_wait3A_837 : memref<1x1x!tpu.dma_semaphore, #tpu.memory_space<semaphore_mem>> -> memref<!tpu.dma_semaphore, #tpu.memory_space<semaphore_mem>>
        %dma_wait3A_839 = arith.constant 0 : i32
        %dma_wait3A_840 = tpu.memref_slice %arg4[%dma_wait3A_834, %add3A_831, %dma_wait3A_839] : memref<4x8192x1024xf32, #tpu.memory_space<hbm>> -> memref<1x8x1024xf32, #tpu.memory_space<hbm>>
        %dma_wait3A_841 = tpu.memref_squeeze %dma_wait3A_840 : memref<1x8x1024xf32, #tpu.memory_space<hbm>> -> memref<8x1024xf32, #tpu.memory_space<hbm>>
        %dma_wait3A_842 = arith.constant 0 : i32
        %dma_wait3A_843 = arith.constant 0 : i32
        %dma_wait3A_844 = tpu.memref_slice %arg15[%arg1, %dma_wait3A_832, %dma_wait3A_833, %dma_wait3A_842, %dma_wait3A_843] : memref<16x3x2x8x1024xf32, #tpu.memory_space<vmem_shared>> -> memref<1x1x1x8x1024xf32, #tpu.memory_space<vmem_shared>>
        %dma_wait3A_845 = tpu.memref_squeeze %dma_wait3A_844 : memref<1x1x1x8x1024xf32, #tpu.memory_space<vmem_shared>> -> memref<8x1024xf32, #tpu.memory_space<vmem_shared>>
        tpu.wait_dma2 semaphore(%dma_wait3A_838 : memref<!tpu.dma_semaphore, #tpu.memory_space<semaphore_mem>>) src(%dma_wait3A_845 : memref<8x1024xf32, #tpu.memory_space<vmem_shared>>) dst(%dma_wait3A_841 : memref<8x1024xf32, #tpu.memory_space<hbm>>)
      } else {
      }
      %dma_start3A_794 = arith.constant 1 : i32
      %dma_start3A_795 = arith.constant 1 : i32
      %dma_start3A_796 = arith.constant 2 : i32
      %dma_start3A_797 = arith.constant 1 : i32
      %dma_start3A_798 = arith.constant 0 : i32
      %dma_start3A_799 = arith.constant 0 : i32
      %dma_start3A_800 = tpu.memref_slice %arg15[%arg1, %dma_start3A_794, %dma_start3A_795, %dma_start3A_798, %dma_start3A_799] : memref<16x3x2x8x1024xf32, #tpu.memory_space<vmem_shared>> -> memref<1x1x1x8x1024xf32, #tpu.memory_space<vmem_shared>>
      %dma_start3A_801 = tpu.memref_squeeze %dma_start3A_800 : memref<1x1x1x8x1024xf32, #tpu.memory_space<vmem_shared>> -> memref<8x1024xf32, #tpu.memory_space<vmem_shared>>
      %dma_start3A_802 = tpu.memref_slice %arg18[%dma_start3A_796, %dma_start3A_797] : memref<4x2x!tpu.dma_semaphore, #tpu.memory_space<semaphore_mem>> -> memref<1x1x!tpu.dma_semaphore, #tpu.memory_space<semaphore_mem>>
      %dma_start3A_803 = tpu.memref_squeeze %dma_start3A_802 : memref<1x1x!tpu.dma_semaphore, #tpu.memory_space<semaphore_mem>> -> memref<!tpu.dma_semaphore, #tpu.memory_space<semaphore_mem>>
      %dma_start3A_804 = arith.constant 0 : i32
      %dma_start3A_805 = arith.constant 0 : i32
      %dma_start3A_806 = tpu.memref_slice %arg15[%arg1, %dma_start3A_794, %dma_start3A_795, %dma_start3A_804, %dma_start3A_805] : memref<16x3x2x8x1024xf32, #tpu.memory_space<vmem_shared>> -> memref<1x1x1x8x1024xf32, #tpu.memory_space<vmem_shared>>
      %dma_start3A_807 = tpu.memref_squeeze %dma_start3A_806 : memref<1x1x1x8x1024xf32, #tpu.memory_space<vmem_shared>> -> memref<8x1024xf32, #tpu.memory_space<vmem_shared>>
      tpu.enqueue_dma source(%arg12 : memref<8x1024xf32, #tpu.memory_space<vmem>>) target(%dma_start3A_807 : memref<8x1024xf32, #tpu.memory_space<vmem_shared>>) target_semaphore(%dma_start3A_803 : memref<!tpu.dma_semaphore, #tpu.memory_space<semaphore_mem>>)
      %gt3A_808 = arith.constant 0 : i32
      %gt3A_809 = arith.cmpi sgt, %scan3A_266, %gt3A_808 : i32
      %convert_element_type3A_810 = arith.extui %gt3A_809 : i1 to i32
      %cond3A_811 = arith.constant 0 : i32
      %cond3A_812 = arith.cmpi ne, %convert_element_type3A_810, %cond3A_811 : i32
      scf.if %cond3A_812 {
        %sub3A_827 = arith.constant 2 : i32
        %sub3A_828 = arith.subi %add3A_527, %sub3A_827 : i32
        %mul3A_829 = arith.constant 8 : i32
        %mul3A_830 = arith.muli %sub3A_828, %mul3A_829 : i32
        %add3A_831 = arith.addi %mul3A_2, %mul3A_830 : i32
        %dma_wait3A_832 = arith.constant 2 : i32
        %dma_wait3A_833 = arith.constant 1 : i32
        %dma_wait3A_834 = arith.constant 3 : i32
        %dma_wait3A_835 = arith.constant 3 : i32
        %dma_wait3A_836 = arith.constant 1 : i32
        %dma_wait3A_837 = tpu.memref_slice %arg19[%dma_wait3A_835, %dma_wait3A_836] : memref<4x2x!tpu.dma_semaphore, #tpu.memory_space<semaphore_mem>> -> memref<1x1x!tpu.dma_semaphore, #tpu.memory_space<semaphore_mem>>
        %dma_wait3A_838 = tpu.memref_squeeze %dma_wait3A_837 : memref<1x1x!tpu.dma_semaphore, #tpu.memory_space<semaphore_mem>> -> memref<!tpu.dma_semaphore, #tpu.memory_space<semaphore_mem>>
        %dma_wait3A_839 = arith.constant 0 : i32
        %dma_wait3A_840 = tpu.memref_slice %arg4[%dma_wait3A_834, %add3A_831, %dma_wait3A_839] : memref<4x8192x1024xf32, #tpu.memory_space<hbm>> -> memref<1x8x1024xf32, #tpu.memory_space<hbm>>
        %dma_wait3A_841 = tpu.memref_squeeze %dma_wait3A_840 : memref<1x8x1024xf32, #tpu.memory_space<hbm>> -> memref<8x1024xf32, #tpu.memory_space<hbm>>
        %dma_wait3A_842 = arith.constant 0 : i32
        %dma_wait3A_843 = arith.constant 0 : i32
        %dma_wait3A_844 = tpu.memref_slice %arg15[%arg1, %dma_wait3A_832, %dma_wait3A_833, %dma_wait3A_842, %dma_wait3A_843] : memref<16x3x2x8x1024xf32, #tpu.memory_space<vmem_shared>> -> memref<1x1x1x8x1024xf32, #tpu.memory_space<vmem_shared>>
        %dma_wait3A_845 = tpu.memref_squeeze %dma_wait3A_844 : memref<1x1x1x8x1024xf32, #tpu.memory_space<vmem_shared>> -> memref<8x1024xf32, #tpu.memory_space<vmem_shared>>
        tpu.wait_dma2 semaphore(%dma_wait3A_838 : memref<!tpu.dma_semaphore, #tpu.memory_space<semaphore_mem>>) src(%dma_wait3A_845 : memref<8x1024xf32, #tpu.memory_space<vmem_shared>>) dst(%dma_wait3A_841 : memref<8x1024xf32, #tpu.memory_space<hbm>>)
      } else {
      }
      %dma_start3A_813 = arith.constant 2 : i32
      %dma_start3A_814 = arith.constant 1 : i32
      %dma_start3A_815 = arith.constant 3 : i32
      %dma_start3A_816 = arith.constant 1 : i32
      %dma_start3A_817 = arith.constant 0 : i32
      %dma_start3A_818 = arith.constant 0 : i32
      %dma_start3A_819 = tpu.memref_slice %arg15[%arg1, %dma_start3A_813, %dma_start3A_814, %dma_start3A_817, %dma_start3A_818] : memref<16x3x2x8x1024xf32, #tpu.memory_space<vmem_shared>> -> memref<1x1x1x8x1024xf32, #tpu.memory_space<vmem_shared>>
      %dma_start3A_820 = tpu.memref_squeeze %dma_start3A_819 : memref<1x1x1x8x1024xf32, #tpu.memory_space<vmem_shared>> -> memref<8x1024xf32, #tpu.memory_space<vmem_shared>>
      %dma_start3A_821 = tpu.memref_slice %arg18[%dma_start3A_815, %dma_start3A_816] : memref<4x2x!tpu.dma_semaphore, #tpu.memory_space<semaphore_mem>> -> memref<1x1x!tpu.dma_semaphore, #tpu.memory_space<semaphore_mem>>
      %dma_start3A_822 = tpu.memref_squeeze %dma_start3A_821 : memref<1x1x!tpu.dma_semaphore, #tpu.memory_space<semaphore_mem>> -> memref<!tpu.dma_semaphore, #tpu.memory_space<semaphore_mem>>
      %dma_start3A_823 = arith.constant 0 : i32
      %dma_start3A_824 = arith.constant 0 : i32
      %dma_start3A_825 = tpu.memref_slice %arg15[%arg1, %dma_start3A_813, %dma_start3A_814, %dma_start3A_823, %dma_start3A_824] : memref<16x3x2x8x1024xf32, #tpu.memory_space<vmem_shared>> -> memref<1x1x1x8x1024xf32, #tpu.memory_space<vmem_shared>>
      %dma_start3A_826 = tpu.memref_squeeze %dma_start3A_825 : memref<1x1x1x8x1024xf32, #tpu.memory_space<vmem_shared>> -> memref<8x1024xf32, #tpu.memory_space<vmem_shared>>
      tpu.enqueue_dma source(%arg14 : memref<8x1024xf32, #tpu.memory_space<vmem>>) target(%dma_start3A_826 : memref<8x1024xf32, #tpu.memory_space<vmem_shared>>) target_semaphore(%dma_start3A_822 : memref<!tpu.dma_semaphore, #tpu.memory_space<semaphore_mem>>)
    }
    %scan3A_67 = arith.constant 16 : i32
    %add3A_68 = arith.constant 248 : i32
    %add3A_69 = arith.addi %mul3A_2, %add3A_68 : i32
    %dma_wait3A = arith.constant 0 : i32
    %dma_wait3A_70 = arith.constant 0 : i32
    %dma_wait3A_71 = arith.constant 1 : i32
    %dma_wait3A_72 = arith.constant 0 : i32
    %dma_wait3A_73 = tpu.memref_slice %arg4[%dma_wait3A, %add3A_69, %dma_wait3A_72] : memref<4x8192x1024xf32, #tpu.memory_space<hbm>> -> memref<1x8x1024xf32, #tpu.memory_space<hbm>>
    %dma_wait3A_74 = tpu.memref_squeeze %dma_wait3A_73 : memref<1x8x1024xf32, #tpu.memory_space<hbm>> -> memref<8x1024xf32, #tpu.memory_space<hbm>>
    %dma_wait3A_75 = tpu.memref_slice %arg19[%dma_wait3A_70, %dma_wait3A_71] : memref<4x2x!tpu.dma_semaphore, #tpu.memory_space<semaphore_mem>> -> memref<1x1x!tpu.dma_semaphore, #tpu.memory_space<semaphore_mem>>
    %dma_wait3A_76 = tpu.memref_squeeze %dma_wait3A_75 : memref<1x1x!tpu.dma_semaphore, #tpu.memory_space<semaphore_mem>> -> memref<!tpu.dma_semaphore, #tpu.memory_space<semaphore_mem>>
    %dma_wait3A_77 = arith.constant 0 : i32
    %dma_wait3A_78 = tpu.memref_slice %arg4[%dma_wait3A, %add3A_69, %dma_wait3A_77] : memref<4x8192x1024xf32, #tpu.memory_space<hbm>> -> memref<1x8x1024xf32, #tpu.memory_space<hbm>>
    %dma_wait3A_79 = tpu.memref_squeeze %dma_wait3A_78 : memref<1x8x1024xf32, #tpu.memory_space<hbm>> -> memref<8x1024xf32, #tpu.memory_space<hbm>>
    tpu.wait_dma2 semaphore(%dma_wait3A_76 : memref<!tpu.dma_semaphore, #tpu.memory_space<semaphore_mem>>) src(%arg8 : memref<8x1024xf32, #tpu.memory_space<vmem>>) dst(%dma_wait3A_79 : memref<8x1024xf32, #tpu.memory_space<hbm>>)
    %dma_wait3A_80 = arith.constant 0 : i32
    %dma_wait3A_81 = arith.constant 1 : i32
    %dma_wait3A_82 = arith.constant 1 : i32
    %dma_wait3A_83 = arith.constant 1 : i32
    %dma_wait3A_84 = arith.constant 0 : i32
    %dma_wait3A_85 = arith.constant 0 : i32
    %dma_wait3A_86 = tpu.memref_slice %arg15[%arg1, %dma_wait3A_80, %dma_wait3A_81, %dma_wait3A_84, %dma_wait3A_85] : memref<16x3x2x8x1024xf32, #tpu.memory_space<vmem_shared>> -> memref<1x1x1x8x1024xf32, #tpu.memory_space<vmem_shared>>
    %dma_wait3A_87 = tpu.memref_squeeze %dma_wait3A_86 : memref<1x1x1x8x1024xf32, #tpu.memory_space<vmem_shared>> -> memref<8x1024xf32, #tpu.memory_space<vmem_shared>>
    %dma_wait3A_88 = tpu.memref_slice %arg18[%dma_wait3A_82, %dma_wait3A_83] : memref<4x2x!tpu.dma_semaphore, #tpu.memory_space<semaphore_mem>> -> memref<1x1x!tpu.dma_semaphore, #tpu.memory_space<semaphore_mem>>
    %dma_wait3A_89 = tpu.memref_squeeze %dma_wait3A_88 : memref<1x1x!tpu.dma_semaphore, #tpu.memory_space<semaphore_mem>> -> memref<!tpu.dma_semaphore, #tpu.memory_space<semaphore_mem>>
    %dma_wait3A_90 = arith.constant 0 : i32
    %dma_wait3A_91 = arith.constant 0 : i32
    %dma_wait3A_92 = tpu.memref_slice %arg15[%arg1, %dma_wait3A_80, %dma_wait3A_81, %dma_wait3A_90, %dma_wait3A_91] : memref<16x3x2x8x1024xf32, #tpu.memory_space<vmem_shared>> -> memref<1x1x1x8x1024xf32, #tpu.memory_space<vmem_shared>>
    %dma_wait3A_93 = tpu.memref_squeeze %dma_wait3A_92 : memref<1x1x1x8x1024xf32, #tpu.memory_space<vmem_shared>> -> memref<8x1024xf32, #tpu.memory_space<vmem_shared>>
    tpu.wait_dma2 semaphore(%dma_wait3A_89 : memref<!tpu.dma_semaphore, #tpu.memory_space<semaphore_mem>>) src(%arg10 : memref<8x1024xf32, #tpu.memory_space<vmem>>) dst(%dma_wait3A_93 : memref<8x1024xf32, #tpu.memory_space<vmem_shared>>)
    %add3A_94 = arith.constant 248 : i32
    %add3A_95 = arith.addi %mul3A_2, %add3A_94 : i32
    %dma_start3A_96 = arith.constant 0 : i32
    %dma_start3A_97 = arith.constant 1 : i32
    %dma_start3A_98 = arith.constant 1 : i32
    %dma_start3A_99 = arith.constant 1 : i32
    %dma_start3A_100 = arith.constant 1 : i32
    %dma_start3A_101 = tpu.memref_slice %arg19[%dma_start3A_99, %dma_start3A_100] : memref<4x2x!tpu.dma_semaphore, #tpu.memory_space<semaphore_mem>> -> memref<1x1x!tpu.dma_semaphore, #tpu.memory_space<semaphore_mem>>
    %dma_start3A_102 = tpu.memref_squeeze %dma_start3A_101 : memref<1x1x!tpu.dma_semaphore, #tpu.memory_space<semaphore_mem>> -> memref<!tpu.dma_semaphore, #tpu.memory_space<semaphore_mem>>
    %dma_start3A_103 = arith.constant 0 : i32
    %dma_start3A_104 = tpu.memref_slice %arg4[%dma_start3A_98, %add3A_95, %dma_start3A_103] : memref<4x8192x1024xf32, #tpu.memory_space<hbm>> -> memref<1x8x1024xf32, #tpu.memory_space<hbm>>
    %dma_start3A_105 = tpu.memref_squeeze %dma_start3A_104 : memref<1x8x1024xf32, #tpu.memory_space<hbm>> -> memref<8x1024xf32, #tpu.memory_space<hbm>>
    %dma_start3A_106 = arith.constant 0 : i32
    %dma_start3A_107 = arith.constant 0 : i32
    %dma_start3A_108 = tpu.memref_slice %arg15[%arg1, %dma_start3A_96, %dma_start3A_97, %dma_start3A_106, %dma_start3A_107] : memref<16x3x2x8x1024xf32, #tpu.memory_space<vmem_shared>> -> memref<1x1x1x8x1024xf32, #tpu.memory_space<vmem_shared>>
    %dma_start3A_109 = tpu.memref_squeeze %dma_start3A_108 : memref<1x1x1x8x1024xf32, #tpu.memory_space<vmem_shared>> -> memref<8x1024xf32, #tpu.memory_space<vmem_shared>>
    tpu.enqueue_dma source(%dma_start3A_109 : memref<8x1024xf32, #tpu.memory_space<vmem_shared>>) target(%dma_start3A_105 : memref<8x1024xf32, #tpu.memory_space<hbm>>) target_semaphore(%dma_start3A_102 : memref<!tpu.dma_semaphore, #tpu.memory_space<semaphore_mem>>)
    %dma_wait3A_110 = arith.constant 1 : i32
    %dma_wait3A_111 = arith.constant 1 : i32
    %dma_wait3A_112 = arith.constant 2 : i32
    %dma_wait3A_113 = arith.constant 1 : i32
    %dma_wait3A_114 = arith.constant 0 : i32
    %dma_wait3A_115 = arith.constant 0 : i32
    %dma_wait3A_116 = tpu.memref_slice %arg15[%arg1, %dma_wait3A_110, %dma_wait3A_111, %dma_wait3A_114, %dma_wait3A_115] : memref<16x3x2x8x1024xf32, #tpu.memory_space<vmem_shared>> -> memref<1x1x1x8x1024xf32, #tpu.memory_space<vmem_shared>>
    %dma_wait3A_117 = tpu.memref_squeeze %dma_wait3A_116 : memref<1x1x1x8x1024xf32, #tpu.memory_space<vmem_shared>> -> memref<8x1024xf32, #tpu.memory_space<vmem_shared>>
    %dma_wait3A_118 = tpu.memref_slice %arg18[%dma_wait3A_112, %dma_wait3A_113] : memref<4x2x!tpu.dma_semaphore, #tpu.memory_space<semaphore_mem>> -> memref<1x1x!tpu.dma_semaphore, #tpu.memory_space<semaphore_mem>>
    %dma_wait3A_119 = tpu.memref_squeeze %dma_wait3A_118 : memref<1x1x!tpu.dma_semaphore, #tpu.memory_space<semaphore_mem>> -> memref<!tpu.dma_semaphore, #tpu.memory_space<semaphore_mem>>
    %dma_wait3A_120 = arith.constant 0 : i32
    %dma_wait3A_121 = arith.constant 0 : i32
    %dma_wait3A_122 = tpu.memref_slice %arg15[%arg1, %dma_wait3A_110, %dma_wait3A_111, %dma_wait3A_120, %dma_wait3A_121] : memref<16x3x2x8x1024xf32, #tpu.memory_space<vmem_shared>> -> memref<1x1x1x8x1024xf32, #tpu.memory_space<vmem_shared>>
    %dma_wait3A_123 = tpu.memref_squeeze %dma_wait3A_122 : memref<1x1x1x8x1024xf32, #tpu.memory_space<vmem_shared>> -> memref<8x1024xf32, #tpu.memory_space<vmem_shared>>
    tpu.wait_dma2 semaphore(%dma_wait3A_119 : memref<!tpu.dma_semaphore, #tpu.memory_space<semaphore_mem>>) src(%arg12 : memref<8x1024xf32, #tpu.memory_space<vmem>>) dst(%dma_wait3A_123 : memref<8x1024xf32, #tpu.memory_space<vmem_shared>>)
    %add3A_124 = arith.constant 248 : i32
    %add3A_125 = arith.addi %mul3A_2, %add3A_124 : i32
    %dma_start3A_126 = arith.constant 1 : i32
    %dma_start3A_127 = arith.constant 1 : i32
    %dma_start3A_128 = arith.constant 2 : i32
    %dma_start3A_129 = arith.constant 2 : i32
    %dma_start3A_130 = arith.constant 1 : i32
    %dma_start3A_131 = tpu.memref_slice %arg19[%dma_start3A_129, %dma_start3A_130] : memref<4x2x!tpu.dma_semaphore, #tpu.memory_space<semaphore_mem>> -> memref<1x1x!tpu.dma_semaphore, #tpu.memory_space<semaphore_mem>>
    %dma_start3A_132 = tpu.memref_squeeze %dma_start3A_131 : memref<1x1x!tpu.dma_semaphore, #tpu.memory_space<semaphore_mem>> -> memref<!tpu.dma_semaphore, #tpu.memory_space<semaphore_mem>>
    %dma_start3A_133 = arith.constant 0 : i32
    %dma_start3A_134 = tpu.memref_slice %arg4[%dma_start3A_128, %add3A_125, %dma_start3A_133] : memref<4x8192x1024xf32, #tpu.memory_space<hbm>> -> memref<1x8x1024xf32, #tpu.memory_space<hbm>>
    %dma_start3A_135 = tpu.memref_squeeze %dma_start3A_134 : memref<1x8x1024xf32, #tpu.memory_space<hbm>> -> memref<8x1024xf32, #tpu.memory_space<hbm>>
    %dma_start3A_136 = arith.constant 0 : i32
    %dma_start3A_137 = arith.constant 0 : i32
    %dma_start3A_138 = tpu.memref_slice %arg15[%arg1, %dma_start3A_126, %dma_start3A_127, %dma_start3A_136, %dma_start3A_137] : memref<16x3x2x8x1024xf32, #tpu.memory_space<vmem_shared>> -> memref<1x1x1x8x1024xf32, #tpu.memory_space<vmem_shared>>
    %dma_start3A_139 = tpu.memref_squeeze %dma_start3A_138 : memref<1x1x1x8x1024xf32, #tpu.memory_space<vmem_shared>> -> memref<8x1024xf32, #tpu.memory_space<vmem_shared>>
    tpu.enqueue_dma source(%dma_start3A_139 : memref<8x1024xf32, #tpu.memory_space<vmem_shared>>) target(%dma_start3A_135 : memref<8x1024xf32, #tpu.memory_space<hbm>>) target_semaphore(%dma_start3A_132 : memref<!tpu.dma_semaphore, #tpu.memory_space<semaphore_mem>>)
    %dma_wait3A_140 = arith.constant 2 : i32
    %dma_wait3A_141 = arith.constant 1 : i32
    %dma_wait3A_142 = arith.constant 3 : i32
    %dma_wait3A_143 = arith.constant 1 : i32
    %dma_wait3A_144 = arith.constant 0 : i32
    %dma_wait3A_145 = arith.constant 0 : i32
    %dma_wait3A_146 = tpu.memref_slice %arg15[%arg1, %dma_wait3A_140, %dma_wait3A_141, %dma_wait3A_144, %dma_wait3A_145] : memref<16x3x2x8x1024xf32, #tpu.memory_space<vmem_shared>> -> memref<1x1x1x8x1024xf32, #tpu.memory_space<vmem_shared>>
    %dma_wait3A_147 = tpu.memref_squeeze %dma_wait3A_146 : memref<1x1x1x8x1024xf32, #tpu.memory_space<vmem_shared>> -> memref<8x1024xf32, #tpu.memory_space<vmem_shared>>
    %dma_wait3A_148 = tpu.memref_slice %arg18[%dma_wait3A_142, %dma_wait3A_143] : memref<4x2x!tpu.dma_semaphore, #tpu.memory_space<semaphore_mem>> -> memref<1x1x!tpu.dma_semaphore, #tpu.memory_space<semaphore_mem>>
    %dma_wait3A_149 = tpu.memref_squeeze %dma_wait3A_148 : memref<1x1x!tpu.dma_semaphore, #tpu.memory_space<semaphore_mem>> -> memref<!tpu.dma_semaphore, #tpu.memory_space<semaphore_mem>>
    %dma_wait3A_150 = arith.constant 0 : i32
    %dma_wait3A_151 = arith.constant 0 : i32
    %dma_wait3A_152 = tpu.memref_slice %arg15[%arg1, %dma_wait3A_140, %dma_wait3A_141, %dma_wait3A_150, %dma_wait3A_151] : memref<16x3x2x8x1024xf32, #tpu.memory_space<vmem_shared>> -> memref<1x1x1x8x1024xf32, #tpu.memory_space<vmem_shared>>
    %dma_wait3A_153 = tpu.memref_squeeze %dma_wait3A_152 : memref<1x1x1x8x1024xf32, #tpu.memory_space<vmem_shared>> -> memref<8x1024xf32, #tpu.memory_space<vmem_shared>>
    tpu.wait_dma2 semaphore(%dma_wait3A_149 : memref<!tpu.dma_semaphore, #tpu.memory_space<semaphore_mem>>) src(%arg14 : memref<8x1024xf32, #tpu.memory_space<vmem>>) dst(%dma_wait3A_153 : memref<8x1024xf32, #tpu.memory_space<vmem_shared>>)
    %add3A_154 = arith.constant 248 : i32
    %add3A_155 = arith.addi %mul3A_2, %add3A_154 : i32
    %dma_start3A_156 = arith.constant 2 : i32
    %dma_start3A_157 = arith.constant 1 : i32
    %dma_start3A_158 = arith.constant 3 : i32
    %dma_start3A_159 = arith.constant 3 : i32
    %dma_start3A_160 = arith.constant 1 : i32
    %dma_start3A_161 = tpu.memref_slice %arg19[%dma_start3A_159, %dma_start3A_160] : memref<4x2x!tpu.dma_semaphore, #tpu.memory_space<semaphore_mem>> -> memref<1x1x!tpu.dma_semaphore, #tpu.memory_space<semaphore_mem>>
    %dma_start3A_162 = tpu.memref_squeeze %dma_start3A_161 : memref<1x1x!tpu.dma_semaphore, #tpu.memory_space<semaphore_mem>> -> memref<!tpu.dma_semaphore, #tpu.memory_space<semaphore_mem>>
    %dma_start3A_163 = arith.constant 0 : i32
    %dma_start3A_164 = tpu.memref_slice %arg4[%dma_start3A_158, %add3A_155, %dma_start3A_163] : memref<4x8192x1024xf32, #tpu.memory_space<hbm>> -> memref<1x8x1024xf32, #tpu.memory_space<hbm>>
    %dma_start3A_165 = tpu.memref_squeeze %dma_start3A_164 : memref<1x8x1024xf32, #tpu.memory_space<hbm>> -> memref<8x1024xf32, #tpu.memory_space<hbm>>
    %dma_start3A_166 = arith.constant 0 : i32
    %dma_start3A_167 = arith.constant 0 : i32
    %dma_start3A_168 = tpu.memref_slice %arg15[%arg1, %dma_start3A_156, %dma_start3A_157, %dma_start3A_166, %dma_start3A_167] : memref<16x3x2x8x1024xf32, #tpu.memory_space<vmem_shared>> -> memref<1x1x1x8x1024xf32, #tpu.memory_space<vmem_shared>>
    %dma_start3A_169 = tpu.memref_squeeze %dma_start3A_168 : memref<1x1x1x8x1024xf32, #tpu.memory_space<vmem_shared>> -> memref<8x1024xf32, #tpu.memory_space<vmem_shared>>
    tpu.enqueue_dma source(%dma_start3A_169 : memref<8x1024xf32, #tpu.memory_space<vmem_shared>>) target(%dma_start3A_165 : memref<8x1024xf32, #tpu.memory_space<hbm>>) target_semaphore(%dma_start3A_162 : memref<!tpu.dma_semaphore, #tpu.memory_space<semaphore_mem>>)
    %add3A_170 = arith.constant 240 : i32
    %add3A_171 = arith.addi %mul3A_2, %add3A_170 : i32
    %dma_wait3A_172 = arith.constant 0 : i32
    %dma_wait3A_173 = arith.constant 0 : i32
    %dma_wait3A_174 = arith.constant 1 : i32
    %dma_wait3A_175 = arith.constant 1 : i32
    %dma_wait3A_176 = arith.constant 0 : i32
    %dma_wait3A_177 = tpu.memref_slice %arg19[%dma_wait3A_175, %dma_wait3A_176] : memref<4x2x!tpu.dma_semaphore, #tpu.memory_space<semaphore_mem>> -> memref<1x1x!tpu.dma_semaphore, #tpu.memory_space<semaphore_mem>>
    %dma_wait3A_178 = tpu.memref_squeeze %dma_wait3A_177 : memref<1x1x!tpu.dma_semaphore, #tpu.memory_space<semaphore_mem>> -> memref<!tpu.dma_semaphore, #tpu.memory_space<semaphore_mem>>
    %dma_wait3A_179 = arith.constant 0 : i32
    %dma_wait3A_180 = tpu.memref_slice %arg4[%dma_wait3A_174, %add3A_171, %dma_wait3A_179] : memref<4x8192x1024xf32, #tpu.memory_space<hbm>> -> memref<1x8x1024xf32, #tpu.memory_space<hbm>>
    %dma_wait3A_181 = tpu.memref_squeeze %dma_wait3A_180 : memref<1x8x1024xf32, #tpu.memory_space<hbm>> -> memref<8x1024xf32, #tpu.memory_space<hbm>>
    %dma_wait3A_182 = arith.constant 0 : i32
    %dma_wait3A_183 = arith.constant 0 : i32
    %dma_wait3A_184 = tpu.memref_slice %arg15[%arg1, %dma_wait3A_172, %dma_wait3A_173, %dma_wait3A_182, %dma_wait3A_183] : memref<16x3x2x8x1024xf32, #tpu.memory_space<vmem_shared>> -> memref<1x1x1x8x1024xf32, #tpu.memory_space<vmem_shared>>
    %dma_wait3A_185 = tpu.memref_squeeze %dma_wait3A_184 : memref<1x1x1x8x1024xf32, #tpu.memory_space<vmem_shared>> -> memref<8x1024xf32, #tpu.memory_space<vmem_shared>>
    tpu.wait_dma2 semaphore(%dma_wait3A_178 : memref<!tpu.dma_semaphore, #tpu.memory_space<semaphore_mem>>) src(%dma_wait3A_185 : memref<8x1024xf32, #tpu.memory_space<vmem_shared>>) dst(%dma_wait3A_181 : memref<8x1024xf32, #tpu.memory_space<hbm>>)
    %add3A_186 = arith.constant 248 : i32
    %add3A_187 = arith.addi %mul3A_2, %add3A_186 : i32
    %dma_wait3A_188 = arith.constant 0 : i32
    %dma_wait3A_189 = arith.constant 1 : i32
    %dma_wait3A_190 = arith.constant 1 : i32
    %dma_wait3A_191 = arith.constant 1 : i32
    %dma_wait3A_192 = arith.constant 1 : i32
    %dma_wait3A_193 = tpu.memref_slice %arg19[%dma_wait3A_191, %dma_wait3A_192] : memref<4x2x!tpu.dma_semaphore, #tpu.memory_space<semaphore_mem>> -> memref<1x1x!tpu.dma_semaphore, #tpu.memory_space<semaphore_mem>>
    %dma_wait3A_194 = tpu.memref_squeeze %dma_wait3A_193 : memref<1x1x!tpu.dma_semaphore, #tpu.memory_space<semaphore_mem>> -> memref<!tpu.dma_semaphore, #tpu.memory_space<semaphore_mem>>
    %dma_wait3A_195 = arith.constant 0 : i32
    %dma_wait3A_196 = tpu.memref_slice %arg4[%dma_wait3A_190, %add3A_187, %dma_wait3A_195] : memref<4x8192x1024xf32, #tpu.memory_space<hbm>> -> memref<1x8x1024xf32, #tpu.memory_space<hbm>>
    %dma_wait3A_197 = tpu.memref_squeeze %dma_wait3A_196 : memref<1x8x1024xf32, #tpu.memory_space<hbm>> -> memref<8x1024xf32, #tpu.memory_space<hbm>>
    %dma_wait3A_198 = arith.constant 0 : i32
    %dma_wait3A_199 = arith.constant 0 : i32
    %dma_wait3A_200 = tpu.memref_slice %arg15[%arg1, %dma_wait3A_188, %dma_wait3A_189, %dma_wait3A_198, %dma_wait3A_199] : memref<16x3x2x8x1024xf32, #tpu.memory_space<vmem_shared>> -> memref<1x1x1x8x1024xf32, #tpu.memory_space<vmem_shared>>
    %dma_wait3A_201 = tpu.memref_squeeze %dma_wait3A_200 : memref<1x1x1x8x1024xf32, #tpu.memory_space<vmem_shared>> -> memref<8x1024xf32, #tpu.memory_space<vmem_shared>>
    tpu.wait_dma2 semaphore(%dma_wait3A_194 : memref<!tpu.dma_semaphore, #tpu.memory_space<semaphore_mem>>) src(%dma_wait3A_201 : memref<8x1024xf32, #tpu.memory_space<vmem_shared>>) dst(%dma_wait3A_197 : memref<8x1024xf32, #tpu.memory_space<hbm>>)
    %add3A_202 = arith.constant 240 : i32
    %add3A_203 = arith.addi %mul3A_2, %add3A_202 : i32
    %dma_wait3A_204 = arith.constant 1 : i32
    %dma_wait3A_205 = arith.constant 0 : i32
    %dma_wait3A_206 = arith.constant 2 : i32
    %dma_wait3A_207 = arith.constant 2 : i32
    %dma_wait3A_208 = arith.constant 0 : i32
    %dma_wait3A_209 = tpu.memref_slice %arg19[%dma_wait3A_207, %dma_wait3A_208] : memref<4x2x!tpu.dma_semaphore, #tpu.memory_space<semaphore_mem>> -> memref<1x1x!tpu.dma_semaphore, #tpu.memory_space<semaphore_mem>>
    %dma_wait3A_210 = tpu.memref_squeeze %dma_wait3A_209 : memref<1x1x!tpu.dma_semaphore, #tpu.memory_space<semaphore_mem>> -> memref<!tpu.dma_semaphore, #tpu.memory_space<semaphore_mem>>
    %dma_wait3A_211 = arith.constant 0 : i32
    %dma_wait3A_212 = tpu.memref_slice %arg4[%dma_wait3A_206, %add3A_203, %dma_wait3A_211] : memref<4x8192x1024xf32, #tpu.memory_space<hbm>> -> memref<1x8x1024xf32, #tpu.memory_space<hbm>>
    %dma_wait3A_213 = tpu.memref_squeeze %dma_wait3A_212 : memref<1x8x1024xf32, #tpu.memory_space<hbm>> -> memref<8x1024xf32, #tpu.memory_space<hbm>>
    %dma_wait3A_214 = arith.constant 0 : i32
    %dma_wait3A_215 = arith.constant 0 : i32
    %dma_wait3A_216 = tpu.memref_slice %arg15[%arg1, %dma_wait3A_204, %dma_wait3A_205, %dma_wait3A_214, %dma_wait3A_215] : memref<16x3x2x8x1024xf32, #tpu.memory_space<vmem_shared>> -> memref<1x1x1x8x1024xf32, #tpu.memory_space<vmem_shared>>
    %dma_wait3A_217 = tpu.memref_squeeze %dma_wait3A_216 : memref<1x1x1x8x1024xf32, #tpu.memory_space<vmem_shared>> -> memref<8x1024xf32, #tpu.memory_space<vmem_shared>>
    tpu.wait_dma2 semaphore(%dma_wait3A_210 : memref<!tpu.dma_semaphore, #tpu.memory_space<semaphore_mem>>) src(%dma_wait3A_217 : memref<8x1024xf32, #tpu.memory_space<vmem_shared>>) dst(%dma_wait3A_213 : memref<8x1024xf32, #tpu.memory_space<hbm>>)
    %add3A_218 = arith.constant 248 : i32
    %add3A_219 = arith.addi %mul3A_2, %add3A_218 : i32
    %dma_wait3A_220 = arith.constant 1 : i32
    %dma_wait3A_221 = arith.constant 1 : i32
    %dma_wait3A_222 = arith.constant 2 : i32
    %dma_wait3A_223 = arith.constant 2 : i32
    %dma_wait3A_224 = arith.constant 1 : i32
    %dma_wait3A_225 = tpu.memref_slice %arg19[%dma_wait3A_223, %dma_wait3A_224] : memref<4x2x!tpu.dma_semaphore, #tpu.memory_space<semaphore_mem>> -> memref<1x1x!tpu.dma_semaphore, #tpu.memory_space<semaphore_mem>>
    %dma_wait3A_226 = tpu.memref_squeeze %dma_wait3A_225 : memref<1x1x!tpu.dma_semaphore, #tpu.memory_space<semaphore_mem>> -> memref<!tpu.dma_semaphore, #tpu.memory_space<semaphore_mem>>
    %dma_wait3A_227 = arith.constant 0 : i32
    %dma_wait3A_228 = tpu.memref_slice %arg4[%dma_wait3A_222, %add3A_219, %dma_wait3A_227] : memref<4x8192x1024xf32, #tpu.memory_space<hbm>> -> memref<1x8x1024xf32, #tpu.memory_space<hbm>>
    %dma_wait3A_229 = tpu.memref_squeeze %dma_wait3A_228 : memref<1x8x1024xf32, #tpu.memory_space<hbm>> -> memref<8x1024xf32, #tpu.memory_space<hbm>>
    %dma_wait3A_230 = arith.constant 0 : i32
    %dma_wait3A_231 = arith.constant 0 : i32
    %dma_wait3A_232 = tpu.memref_slice %arg15[%arg1, %dma_wait3A_220, %dma_wait3A_221, %dma_wait3A_230, %dma_wait3A_231] : memref<16x3x2x8x1024xf32, #tpu.memory_space<vmem_shared>> -> memref<1x1x1x8x1024xf32, #tpu.memory_space<vmem_shared>>
    %dma_wait3A_233 = tpu.memref_squeeze %dma_wait3A_232 : memref<1x1x1x8x1024xf32, #tpu.memory_space<vmem_shared>> -> memref<8x1024xf32, #tpu.memory_space<vmem_shared>>
    tpu.wait_dma2 semaphore(%dma_wait3A_226 : memref<!tpu.dma_semaphore, #tpu.memory_space<semaphore_mem>>) src(%dma_wait3A_233 : memref<8x1024xf32, #tpu.memory_space<vmem_shared>>) dst(%dma_wait3A_229 : memref<8x1024xf32, #tpu.memory_space<hbm>>)
    %add3A_234 = arith.constant 240 : i32
    %add3A_235 = arith.addi %mul3A_2, %add3A_234 : i32
    %dma_wait3A_236 = arith.constant 2 : i32
    %dma_wait3A_237 = arith.constant 0 : i32
    %dma_wait3A_238 = arith.constant 3 : i32
    %dma_wait3A_239 = arith.constant 3 : i32
    %dma_wait3A_240 = arith.constant 0 : i32
    %dma_wait3A_241 = tpu.memref_slice %arg19[%dma_wait3A_239, %dma_wait3A_240] : memref<4x2x!tpu.dma_semaphore, #tpu.memory_space<semaphore_mem>> -> memref<1x1x!tpu.dma_semaphore, #tpu.memory_space<semaphore_mem>>
    %dma_wait3A_242 = tpu.memref_squeeze %dma_wait3A_241 : memref<1x1x!tpu.dma_semaphore, #tpu.memory_space<semaphore_mem>> -> memref<!tpu.dma_semaphore, #tpu.memory_space<semaphore_mem>>
    %dma_wait3A_243 = arith.constant 0 : i32
    %dma_wait3A_244 = tpu.memref_slice %arg4[%dma_wait3A_238, %add3A_235, %dma_wait3A_243] : memref<4x8192x1024xf32, #tpu.memory_space<hbm>> -> memref<1x8x1024xf32, #tpu.memory_space<hbm>>
    %dma_wait3A_245 = tpu.memref_squeeze %dma_wait3A_244 : memref<1x8x1024xf32, #tpu.memory_space<hbm>> -> memref<8x1024xf32, #tpu.memory_space<hbm>>
    %dma_wait3A_246 = arith.constant 0 : i32
    %dma_wait3A_247 = arith.constant 0 : i32
    %dma_wait3A_248 = tpu.memref_slice %arg15[%arg1, %dma_wait3A_236, %dma_wait3A_237, %dma_wait3A_246, %dma_wait3A_247] : memref<16x3x2x8x1024xf32, #tpu.memory_space<vmem_shared>> -> memref<1x1x1x8x1024xf32, #tpu.memory_space<vmem_shared>>
    %dma_wait3A_249 = tpu.memref_squeeze %dma_wait3A_248 : memref<1x1x1x8x1024xf32, #tpu.memory_space<vmem_shared>> -> memref<8x1024xf32, #tpu.memory_space<vmem_shared>>
    tpu.wait_dma2 semaphore(%dma_wait3A_242 : memref<!tpu.dma_semaphore, #tpu.memory_space<semaphore_mem>>) src(%dma_wait3A_249 : memref<8x1024xf32, #tpu.memory_space<vmem_shared>>) dst(%dma_wait3A_245 : memref<8x1024xf32, #tpu.memory_space<hbm>>)
    %add3A_250 = arith.constant 248 : i32
    %add3A_251 = arith.addi %mul3A_2, %add3A_250 : i32
    %dma_wait3A_252 = arith.constant 2 : i32
    %dma_wait3A_253 = arith.constant 1 : i32
    %dma_wait3A_254 = arith.constant 3 : i32
    %dma_wait3A_255 = arith.constant 3 : i32
    %dma_wait3A_256 = arith.constant 1 : i32
    %dma_wait3A_257 = tpu.memref_slice %arg19[%dma_wait3A_255, %dma_wait3A_256] : memref<4x2x!tpu.dma_semaphore, #tpu.memory_space<semaphore_mem>> -> memref<1x1x!tpu.dma_semaphore, #tpu.memory_space<semaphore_mem>>
    %dma_wait3A_258 = tpu.memref_squeeze %dma_wait3A_257 : memref<1x1x!tpu.dma_semaphore, #tpu.memory_space<semaphore_mem>> -> memref<!tpu.dma_semaphore, #tpu.memory_space<semaphore_mem>>
    %dma_wait3A_259 = arith.constant 0 : i32
    %dma_wait3A_260 = tpu.memref_slice %arg4[%dma_wait3A_254, %add3A_251, %dma_wait3A_259] : memref<4x8192x1024xf32, #tpu.memory_space<hbm>> -> memref<1x8x1024xf32, #tpu.memory_space<hbm>>
    %dma_wait3A_261 = tpu.memref_squeeze %dma_wait3A_260 : memref<1x8x1024xf32, #tpu.memory_space<hbm>> -> memref<8x1024xf32, #tpu.memory_space<hbm>>
    %dma_wait3A_262 = arith.constant 0 : i32
    %dma_wait3A_263 = arith.constant 0 : i32
    %dma_wait3A_264 = tpu.memref_slice %arg15[%arg1, %dma_wait3A_252, %dma_wait3A_253, %dma_wait3A_262, %dma_wait3A_263] : memref<16x3x2x8x1024xf32, #tpu.memory_space<vmem_shared>> -> memref<1x1x1x8x1024xf32, #tpu.memory_space<vmem_shared>>
    %dma_wait3A_265 = tpu.memref_squeeze %dma_wait3A_264 : memref<1x1x1x8x1024xf32, #tpu.memory_space<vmem_shared>> -> memref<8x1024xf32, #tpu.memory_space<vmem_shared>>
    tpu.wait_dma2 semaphore(%dma_wait3A_258 : memref<!tpu.dma_semaphore, #tpu.memory_space<semaphore_mem>>) src(%dma_wait3A_265 : memref<8x1024xf32, #tpu.memory_space<vmem_shared>>) dst(%dma_wait3A_261 : memref<8x1024xf32, #tpu.memory_space<hbm>>)
    return
  }
}

</mosaic_0001>

<sc_bundles>
// kernel: kernel.3.cloned.1.call-start
scs
__scs_entry_jumppad:
0x0: {  	(pc) =	sbr.rel $0x88, $3  }
0x1: {  	(tag) =	ssettag $0x0;
	lr =	simm.s32 $0x1  }
0x2: {  	[smem:$0x3F9F] =	sst lr;
	_ =	strace $0xD0000000  }
0x3: {  	_ = 	snop  }
0x4: {  	_ = 	snop  }
0x5: {  	_ = 	snop  }
0x6: {  	_ = 	snop  }
0x7: {  	_ = 	snop  }
__scs_overlays_trampoline_lowered:
0x8: {  	[smem:$0x3FAE] =	sst s0  }
0x9: {  	[smem:$0x3FAF] =	sst s1  }
0xa: {  	[smem:$0x3FB0] =	sst s2  }
0xb: {  	[smem:$0x3FB1] =	sst s3  }
0xc: {  	[smem:$0x3FB2] =	sst s4  }
0xd: {  	[smem:$0x3FB3] =	sst s5  }
0xe: {  	[smem:$0x3FB4] =	sst s6  }
0xf: {  	[smem:$0x3FB5] =	sst s7  }
0x10: {  	[smem:$0x3FB6] =	sst s8  }
0x11: {  	[smem:$0x3FB7] =	sst s9;
	s0 =	simm.s32 @!p0 $0x0  }
0x12: {  	s1 =	sld [smem:$0x3F9D];
	s0 =	simm.s32 @p0 $0x1  }
0x13: {  	[smem:$0x3FB8] =	sst s0;
	s0 =	simm.s32 @!p1 $0x0  }
0x14: {  	s2 =	sld [smem:$0x3F9C];
	s0 =	simm.s32 @p1 $0x1  }
0x15: {  	[smem:$0x3FB9] =	sst s0;
	s0 =	simm.s32 @!p2 $0x0  }
0x16: {  	s3 =	sld [smem:$0x3FDB];
	s0 =	simm.s32 @p2 $0x1  }
0x17: {  	s4 =	simm.s32 $0x1BF5;
	[smem:$0x3FBB] =	sst s0  }
0x18: {  	s0 =	sld [smem:$0x3F9E];
	_ =	swait.ge [sflag:s4], $0x0  }
0x19: {  	s7 =	sld [smem:$0x3F9F]  }
0x1a: {  	s8 =	sadd.s32 $0xFFFFE003, lr  }
0x1b: {  	s9 =	sadd.s32 $0xFFFFFEF7, lr;
	s5 =	simm.s32 $0xFFFFFFFF;
	p2 =	slt.u32 s8, $0xFFFFF086  }
0x1c: {  	p1 =	slt.u32 s9, $0xF7A;
	s5 =	simm.s32 @!p2 $0x0  }
0x1d: {  	s5 =	simm.s32 @p1 $0x1;
	p0 =	seq.s32 s7, s2  }
0x1e: {  	s7 =	smul.u32 @!p0 $0xF7A, s2;
	p2 =	seq.s32 @!p0 s5, $0x0  }
0x1f: {  	s9 =	smul.u32 $0xF7A, s1;
	s8 =	simm.s32 @!p0 $0x1BF5;
	p2 =	por !p2, p0  }
0x20: {  	[sflag:s8] =	ssyncset.s32 @!p0 $0xFFFFF086;
	s6 =	sadd.s32 @!p0 s3, s7;
	s7 =	simm.s32 @!p0 $0x108  }
0x21: {  	s3 =	sadd.s32 s3, s9;
	s6 =	sadd.s32 @!p0 $0x88, s6;
	s7 =	simm.s32 @p2 $0x1082  }
0x22: {  	[simem:s7], [sflag:s8] =	dma.local @!p0 [hbm:s6], $0xF7A  }
0x23: {  	s9 =	sor.u32 $0xD0000000, s2;
	s6 =	simm.s32 $0x108;
	_ =	swait.ge @!p0 [sflag:s8], $0x0  }
0x24: {  	s3 =	sadd.s32 $0x88, s3;
	s6 =	simm.s32 @!p1 $0x1082;
	[sflag:s4] =	ssyncset.s32 $0xFFFFF086  }
0x25: {  	[simem:s6], [sflag:s4] =	dma.local [hbm:s3], $0xF7A  }
0x26: {  	[smem:$0x3F9F] =	sst s1;
	(tag) =	ssettag s2;
	_ =	strace s9  }
0x27: {  	s1 =	sld [smem:$0x3FAF]  }
0x28: {  	s2 =	sld [smem:$0x3FB0]  }
0x29: {  	s4 =	sld [smem:$0x3FB2]  }
0x2a: {  	p0 =	seq.s32 s5, $0x0;
	s5 =	sld [smem:$0x3FB3]  }
0x2b: {  	s6 =	sld [smem:$0x3FB4]  }
0x2c: {  	s7 =	sld [smem:$0x3FB5]  }
0x2d: {  	s3 =	simm.s32 $0x108;
	s8 =	sld [smem:$0x3FB6]  }
0x2e: {  	s3 =	simm.s32 @!p0 $0x1082;
	s9 =	sld [smem:$0x3FB7]  }
0x2f: {  	lr =	sadd.s32 s0, s3;
	s0 =	sld [smem:$0x3FAE]  }
0x30: {  	s3 =	sld [smem:$0x3FB1]  }
0x31: {  	[smem:$0x3FBA] =	sst s10  }
0x32: {  	s10 =	sld [smem:$0x3FB8];
	_ =	sdelay $0x3  }
0x33: {  	p0 =	seq.s32 s10, $0x1;
	s10 =	sld [smem:$0x3FBA];
	_ =	sdelay $0x3  }
0x34: {  	[smem:$0x3FBA] =	sst s10  }
0x35: {  	s10 =	sld [smem:$0x3FB9];
	_ =	sdelay $0x3  }
0x36: {  	p1 =	seq.s32 s10, $0x1;
	s10 =	sld [smem:$0x3FBA];
	_ =	sdelay $0x3  }
0x37: {  	[smem:$0x3FBA] =	sst s10  }
0x38: {  	s10 =	sld [smem:$0x3FBB]  }
0x39: {  	_ = 	snop;
	(pc) =	sbr.ind lr, $3  }
0x3a: {  	_ = 	snop  }
0x3b: {  	_ = 	snop  }
0x3c: {  	p2 =	seq.s32 s10, $0x1;
	s10 =	sld [smem:$0x3FBA]  }
0x3d: {  	_ =	shalt  }
0x3e: {  	_ =	shalt  }
0x3f: {  	_ =	shalt  }
0x40: {  	_ =	shalt  }
0x41: {  	_ =	shalt  }
0x42: {  	_ =	shalt  }
0x43: {  	_ =	shalt  }
0x44: {  	_ =	shalt  }
0x45: {  	_ =	shalt  }
0x46: {  	_ =	shalt  }
0x47: {  	_ =	shalt  }
0x48: {  	_ =	shalt  }
0x49: {  	_ =	shalt  }
0x4a: {  	_ =	shalt  }
0x4b: {  	_ =	shalt  }
0x4c: {  	_ =	shalt  }
0x4d: {  	_ =	shalt  }
0x4e: {  	_ =	shalt  }
0x4f: {  	_ =	shalt  }
0x50: {  	_ =	shalt  }
0x51: {  	_ =	shalt  }
0x52: {  	_ =	shalt  }
0x53: {  	_ =	shalt  }
0x54: {  	_ =	shalt  }
0x55: {  	_ =	shalt  }
0x56: {  	_ =	shalt  }
0x57: {  	_ =	shalt  }
0x58: {  	_ =	shalt  }
0x59: {  	_ =	shalt  }
0x5a: {  	_ =	shalt  }
0x5b: {  	_ =	shalt  }
0x5c: {  	_ =	shalt  }
0x5d: {  	_ =	shalt  }
0x5e: {  	_ =	shalt  }
0x5f: {  	_ =	shalt  }
0x60: {  	_ =	shalt  }
0x61: {  	_ =	shalt  }
0x62: {  	_ =	shalt  }
0x63: {  	_ =	shalt  }
0x64: {  	_ =	shalt  }
0x65: {  	_ =	shalt  }
0x66: {  	_ =	shalt  }
0x67: {  	_ =	shalt  }
0x68: {  	_ =	shalt  }
0x69: {  	_ =	shalt  }
0x6a: {  	_ =	shalt  }
0x6b: {  	_ =	shalt  }
0x6c: {  	_ =	shalt  }
0x6d: {  	_ =	shalt  }
0x6e: {  	_ =	shalt  }
0x6f: {  	_ =	shalt  }
0x70: {  	_ =	shalt  }
0x71: {  	_ =	shalt  }
0x72: {  	_ =	shalt  }
0x73: {  	_ =	shalt  }
0x74: {  	_ =	shalt  }
0x75: {  	_ =	shalt  }
0x76: {  	_ =	shalt  }
0x77: {  	_ =	shalt  }
0x78: {  	_ =	shalt  }
0x79: {  	_ =	shalt  }
0x7a: {  	_ =	shalt  }
0x7b: {  	_ =	shalt  }
0x7c: {  	_ =	shalt  }
0x7d: {  	_ =	shalt  }
0x7e: {  	_ =	shalt  }
0x7f: {  	_ =	shalt  }
0x80: {  	_ =	shalt  }
0x81: {  	_ =	shalt  }
0x82: {  	_ =	shalt  }
0x83: {  	_ =	shalt  }
0x84: {  	_ =	shalt  }
0x85: {  	_ =	shalt  }
0x86: {  	_ =	shalt  }
0x87: {  	_ =	shalt  }
.Lfunc_end0:
.L_simem_size_0:
called_computation_lowered:
.L_overlay_start_0:
0x88: {  	s2 =	sld [smem:$0x3FD9]  }
0x89: {  	s3 =	sld [smem:$0x3FFE];
	_ =	sdelay $0x1  }
0x8a: {  	s1 =	srdreg.scid  }
0x8b: {  	s0 =	sand.u32 $0x1, s1  }
0x8c: {  	s18 =	sshll.u32 s0, $0xA;
	s2 =	sadd.s32 s3, s2  }
0x8d: {  	s2 =	sadd.s32 s2, s18  }
0x8e: {  	[smem:$0x3FC6] =	sst s2  }
0x8f: {  	_ = 	snop  }
0x90: {  	s2 =	sld [smem:$0x3FC9]  }
0x91: {  	s19 =	sld [smem:$0x3FC8]  }
0x92: {  	s4 =	sld [smem:$0x3FD0];
	(tm) =	ssettm $0x1  }
0x93: {  	s5 =	sld [smem:$0x3FFB];
	_ =	sdelay $0x3  }
0x94: {  	_ =	strace s5  }
0x95: {  	s5 =	sld [smem:$0x3FFC];
	_ =	sdelay $0x3  }
0x96: {  	_ =	strace s5  }
0x97: {  	s5 =	sld [smem:$0x3FFD];
	_ =	sdelay $0x3  }
0x98: {  	_ =	strace s5  }
0x99: {  	_ =	strace $0x8FFFFFFF  }
0x9a: {  	s20 =	sld [smem:$0x3FDB];
	_ =	sdelay $0x1  }
0x9b: {  	s6 =	simm.s32 $_scs_section_size  }
0x9c: {  	s7 =	simm.s32 $_size__tile_overlayer_lowered;
	s8 =	simm.s32 $_tile_overlayer_lowered  }
0x9d: {  	s23 =	simm.s32 $0x1BFF;
	s22 =	sshll.u32 s8, $0x1;
	s5 =	sadd.s32 s6, s20  }
0x9e: {  	s9 =	simm.s32 $0x0;
	s21 =	sshll.u32 s7, $0x1;
	s7 =	sadd.s32 s22, s5  }
0x9f: {  	[timem:s9], [sflag:s23] =	dma.local [hbm:s7], s21  }
0xa0: {  	_ =	swait.ge [sflag:s23], s21  }
0xa1: {  	s6 =	ssub.s32 $0x0, s21;
	[sflag:s23] =	ssyncset.done $0x0  }
0xa2: {  	[sflag:s23] =	ssyncadd.s32 s6;
	_ =	sdelay $0x1  }
0xa3: {  	s24 =	simm.s32 $0x1B8B  }
0xa4: {  	_ =	swait.ge [sflag:s24], $0x1  }
0xa5: {  	[sflag:s24] =	ssyncset.done $0x0  }
0xa6: {  	s25 =	simm.s32 $0x1B8E;
	[sflag:s24] =	ssyncadd.s32 $0xFFFFFFFF  }
0xa7: {  	s26 =	simm.s32 $execute0_lowered;
	[smem:$0x3FD2] =	sst s25  }
0xa8: {  	s6 =	sshll.u32 s26, $0x1;
	_ =	strace $0x80000046;
	[dreg:$0x1] =	wrdreg $0xFFFFFFFF  }
0xa9: {  	s28 =	simm.s32 $_size_execute0_lowered;
	s5 =	sadd.s32 s5, s6;
	[dreg:$0x0] =	wrdreg $0x0  }
0xaa: {  	s6 =	sshll.u32 s28, $0x1;
	[dreg:$0x2] =	wrdreg s5  }
0xab: {  	[dreg:$0x3] =	wrdreg s6  }
0xac: {  	[dreg:$0x4] =	wrdreg $0xC0  }
0xad: {  	_ =	task [dreg:s9], $0x5FFFF  }
0xae: {  	[dreg:$0x1] =	wrdreg $0xFFFFFFFF  }
0xaf: {  	[dreg:$0x0] =	wrdreg $0x60  }
0xb0: {  	[dreg:$0x2] =	wrdreg s2  }
0xb1: {  	[dreg:$0x3] =	wrdreg s19  }
0xb2: {  	[dreg:$0x4] =	wrdreg s4  }
0xb3: {  	[dreg:$0x5] =	wrdreg $0x140000  }
0xb4: {  	[dreg:$0x6] =	wrdreg $0x9  }
0xb5: {  	_ =	task.clear_ibuf [dreg:s9], $0x7FFFF;
	_ =	strace $0x90000046  }
0xb6: {  	s29 =	simm.s32 $0x9;
	_ =	strace $0x80000048  }
0xb7: {  	_ =	swait.ge [sflag:s29], $0x1  }
0xb8: {  	[sflag:s29] =	ssyncadd.s32 $0xFFFFFFFF  }
0xb9: {  	_ =	strace $0x90000048  }
0xba: {  	_ =	sfence  }
0xbb: {  	s30 =	sld [smem:$0x0];
	_ =	sdelay $0x2  }
0xbc: {  	s31 =	sshll.u32 s1, $0xD;
	s1 =	sshrl.u32 s1, $0x2  }
0xbd: {  	s3 =	sand.u32 $0x4000, s31;
	s1 =	sadd.s32 s1, s30  }
0xbe: {  	s0 =	sor.u32 s3, s0;
	s1 =	sshll.u32 s1, $0x11  }
0xbf: {  	s0 =	sor.u32 s1, s0  }
0xc0: {  	s0 =	sadd.s32 $0x8F2B, s0  }
0xc1: {  	[sflag:s0] =	ssyncadd.remote.s32 $0x1  }
0xc2: {  	_ =	sfence.sel $0xFFFF  }
0xc3: {  	[dreg:$0x0] =	wrdreg $0xFFFFFFFF;
	(pc) =	sbr.abs _section_cstart, $3  }
0xc4: {  	[dreg:$0x1] =	wrdreg $0xFFFFFFFF  }
0xc5: {  	_ =	task.clear_ibuf [dreg:s9], $0x2FFFF;
	_ =	strace $0x9FFFFFFF  }
0xc6: {  	(tm) =	ssettm $0x7FFFFFFF  }
0xc7: {  	_ =	shalt  }
tec
execute0_lowered:
.L_overlay_start_1:
0x0: {  	(tag) =	ssettag $0x1  }
0x1: {  	s7 =	rddreg [dreg:$0x0]  }
0x2: {  	s8 =	rddreg [dreg:$0x1]  }
0x3: {  	s9 =	rddreg [dreg:$0x2]  }
0x4: {  	s0 =	rddreg [dreg:$0x3];
	s5 =	simm.s32 $0x0;
	s1 =	srdreg.scid  }
0x5: {  	s4 =	stileid.u32;
	s11 =	simm.s32 $0x12000;
	[smem:$0x7FF] =	sst s5  }
0x6: {  	s1 =	sand.u32 $0x1, s1;
	s3 =	sshll.u32 s4, $0x9;
	s17 =	smul.u32 $0x30000, s4  }
0x7: {  	s10 =	sadd.s32 $0x100000, s7;
	s12 =	sadd.s32 $0x200000, s7;
	s14 =	sadd.s32 $0x300000, s7  }
0x8: {  	s29 =	sadd.s32 $0x100000, s9;
	s30 =	sadd.s32 $0x200000, s9;
	s31 =	sadd.s32 $0x300000, s9  }
0x9: {  	s2 =	ssub.s32 $0x2, s1;
	s1 =	sshll.u32 s1, $0x8;
	_ =	strace $0x80000047  }
0xa: {  	[dreg:$0x11] =	wrdreg s29;
	s6 =	sshrl.u32 s2, $0x1;
	s3 =	sor.u32 s1, s3  }
0xb: {  	[dreg:$0x12] =	wrdreg s31;
	s13 =	ssub.s32 s2, s6;
	s16 =	sshll.u32 s3, $0x7  }
0xc: {  	s2 =	sshrl.u32 s17, $0x2;
	s21 =	sadd.s32 $0xFFFFFFF8, s3;
	[dreg:$0x5] =	wrdreg s3  }
0xd: {  	s28 =	sor.u32 $0x10, s3;
	s6 =	simm.s32 $0x6;
	[dreg:$0xb] =	wrdreg s21  }
0xe: {  	s3 =	simm.s32 $0x0;
	s8 =	sadd.s32 s8, s16;
	[dreg:$0x6] =	wrdreg s16  }
0xf: {  	s18 =	sadd.s32 s7, s16;
	s19 =	sadd.s32 s16, s10;
	[dreg:$0x7] =	wrdreg s8  }
0x10: {  	s20 =	sadd.s32 s16, s12;
	s15 =	sadd.s32 s2, s0;
	[dreg:$0x8] =	wrdreg s18  }
0x11: {  	s22 =	sadd.s32 s16, s9;
	s23 =	sadd.s32 s16, s14;
	[dreg:$0x9] =	wrdreg s19  }
0x12: {  	s26 =	smax.u32 s13, $0x1;
	s16 =	simm.s32 $0x8;
	[dreg:$0xa] =	wrdreg s20  }
0x13: {  	s7 =	simm.s32 $0xA;
	s17 =	sadd.s32 $0x2000, s15;
	[dreg:$0xc] =	wrdreg s23  }
0x14: {  	s18 =	sadd.s32 $0x6000, s15;
	s24 =	sadd.s32 $0x107C00, s22;
	[dreg:$0x10] =	wrdreg s26  }
0x15: {  	s19 =	sadd.s32 $0xA000, s15;
	s25 =	sadd.s32 $0x207C00, s22;
	[dreg:$0xd] =	wrdreg s24  }
0x16: {  	s20 =	sadd.s32 $0x4000, s15;
	s0 =	sadd.s32 $0x307C00, s22;
	[dreg:$0xe] =	wrdreg s25  }
0x17: {  	s26 =	sadd.s32 $0x8000, s15;
	[dreg:$0xf] =	wrdreg s0;
	s0 =	simm.s32 $0x4  }
.LBB2_1:
0x18: {  	[dreg:$0x13] =	wrdreg s3  }
0x19: {  	s1 =	rddreg [dreg:$0x7]  }
0x1a: {  	[tilespmem:s5], [sflag:$0x1] =	stream.linear.gather [hbm4b:s1+s5], $0x2000, $0x38;
	v63 =	vld [tilespmem:$0x0]  }
0x1b: {  	s13 =	rddreg [dreg:$0x8];
	s2 =	simm.s32 $0x4000  }
0x1c: {  	[tilespmem:s2], [sflag:$0x3] =	stream.linear.gather [hbm4b:s13+s5], $0x2000, $0x38;
	v63 =	vld [tilespmem:$0x0]  }
0x1d: {  	s21 =	rddreg [dreg:$0x9];
	s22 =	simm.s32 $0x8000  }
0x1e: {  	[tilespmem:s22], [sflag:$0x5] =	stream.linear.gather [hbm4b:s21+s5], $0x2000, $0x38;
	v63 =	vld [tilespmem:$0x0]  }
0x1f: {  	s23 =	rddreg [dreg:$0xa];
	s24 =	simm.s32 $0xC000  }
0x20: {  	[tilespmem:s24], [sflag:$0x7] =	stream.linear.gather [hbm4b:s23+s5], $0x2000, $0x38;
	v63 =	vld [tilespmem:$0x0]  }
0x21: {  	s25 =	rddreg [dreg:$0xc];
	s31 =	simm.s32 $0x10000;
	s29 =	simm.s32 $0x0  }
0x22: {  	[tilespmem:s31], [sflag:$0x9] =	stream.linear.gather [hbm4b:s25+s5], $0x2000, $0x38;
	v63 =	vld [tilespmem:$0x0]  }
.LBB2_2:
0x23: {  	s22 =	sshll.u32 s29, $0x4;
	s1 =	rddreg [dreg:$0x5]  }
0x24: {  	s1 =	sor.u32 s22, s1  }
0x25: {  	s1 =	sshll.u32 s1, $0x7  }
0x26: {  	s23 =	rddreg [dreg:$0x1];
	s2 =	simm.s32 $0x2000;
	s31 =	sor.u32 $0x400, s1  }
0x27: {  	p0 =	seq.s32 s29, $0x0;
	s8 =	rddreg [dreg:$0x0];
	s1 =	sadd.s32 s23, s31  }
0x28: {  	[tilespmem:s2], [sflag:$0x2] =	stream.linear.gather [hbm4b:s1+s5], $0x2000, $0x38;
	v63 =	vld [tilespmem:$0x0]  }
0x29: {  	s3 =	simm.s32 @p0 $0x0;
	s13 =	simm.s32 @p0 $0x6000;
	s1 =	sadd.s32 @p0 s8, s31  }
0x2a: {  	[tilespmem:s13], [sflag:$0x4] =	stream.linear.gather @p0 [hbm4b:s1+s3], $0x2000, $0x38;
	v63 =	vld [tilespmem:$0x0]  }
0x2b: {  	s1 =	simm.s32 @!p0 $0x14  }
0x2c: {  	_ =	swait.ge @!p0 [sflag:s1], $0x2000  }
0x2d: {  	s21 =	simm.s32 @!p0 $0x6000;
	s13 =	simm.s32 @!p0 $0x0;
	[sflag:s1] =	ssyncset.done @!p0 $0x0  }
0x2e: {  	s2 =	rddreg [dreg:$0xb];
	[sflag:s1] =	ssyncadd.s32 @!p0 $0xFFFFE000;
	s1 =	sadd.s32 @!p0 s8, s31  }
0x2f: {  	[tilespmem:s21], [sflag:$0x4] =	stream.linear.gather @!p0 [hbm4b:s1+s13], $0x2000, $0x38;
	v63 =	vld [tilespmem:$0x0]  }
0x30: {  	s1 =	simm.s32 @!p0 $0xE;
	s21 =	sadd.s32 @!p0 s22, s2  }
0x31: {  	_ =	swait.ge @!p0 [sflag:s1], $0x2000;
	s21 =	sshll.u32 @!p0 s21, $0x7  }
0x32: {  	[sflag:s1] =	ssyncset.done @!p0 $0x0;
	s21 =	sand.u32 @!p0 $0x1FFFFF80, s21  }
0x33: {  	[sflag:s1] =	ssyncadd.s32 @!p0 $0xFFFFE000;
	s1 =	sadd.s32 @!p0 s9, s21;
	s21 =	sshll.u32 @!p0 s4, $0x6  }
0x34: {  	s25 =	sshrl.u32 @!p0 s17, $0x3;
	s23 =	sadd.s32 @!p0 $0x100000, s1;
	s24 =	sor.u32 @!p0 $0x1C16, s21  }
0x35: {  	[hbm:s23], [sflag:s24] =	dma.local @!p0 [spmem:s25], $0x400  }
0x36: {  	s24 =	sadd.s32 s31, s10;
	s25 =	simm.s32 $0xA000  }
0x37: {  	[tilespmem:s25], [sflag:$0x6] =	stream.linear.gather [hbm4b:s24+s5], $0x2000, $0x38;
	v63 =	vld [tilespmem:$0x0]  }
0x38: {  	s23 =	sadd.s32 @p0 s31, s12;
	s24 =	simm.s32 @p0 $0xE000  }
0x39: {  	[tilespmem:s24], [sflag:$0x8] =	stream.linear.gather @p0 [hbm4b:s23+s3], $0x2000, $0x38;
	v63 =	vld [tilespmem:$0x0]  }
0x3a: {  	s3 =	simm.s32 @!p0 $0x10  }
0x3b: {  	_ =	swait.ge @!p0 [sflag:s3], $0x2000  }
0x3c: {  	s23 =	sor.u32 @!p0 $0x1C18, s21;
	[sflag:s3] =	ssyncset.done @!p0 $0x0  }
0x3d: {  	s24 =	sshrl.u32 @!p0 s18, $0x3;
	[sflag:s3] =	ssyncadd.s32 @!p0 $0xFFFFE000;
	s3 =	sadd.s32 @!p0 $0x200000, s1  }
0x3e: {  	[hbm:s3], [sflag:s23] =	dma.local @!p0 [spmem:s24], $0x400  }
0x3f: {  	s3 =	sadd.s32 @!p0 s31, s12;
	s23 =	simm.s32 @!p0 $0xE000  }
0x40: {  	[tilespmem:s23], [sflag:$0x8] =	stream.linear.gather @!p0 [hbm4b:s3+s13], $0x2000, $0x38;
	v63 =	vld [tilespmem:$0x0]  }
0x41: {  	s3 =	simm.s32 @!p0 $0x12  }
0x42: {  	_ =	swait.ge @!p0 [sflag:s3], $0x2000  }
0x43: {  	s1 =	sadd.s32 @!p0 $0x300000, s1;
	[sflag:s3] =	ssyncset.done @!p0 $0x0  }
0x44: {  	s13 =	sshrl.u32 @!p0 s19, $0x3;
	[sflag:s3] =	ssyncadd.s32 @!p0 $0xFFFFE000;
	s3 =	sor.u32 @!p0 $0x1C1A, s21  }
0x45: {  	[hbm:s1], [sflag:s3] =	dma.local @!p0 [spmem:s13], $0x400  }
0x46: {  	s8 =	simm.s32 $0x1;
	s2 =	sadd.s32 s31, s14;
	s1 =	simm.s32 $0x0  }
0x47: {  	[tilespmem:s11], [sflag:$0xA] =	stream.linear.gather [hbm4b:s2+s1], $0x2000, $0x38;
	v63 =	vld [tilespmem:$0x0]  }
0x48: {  	_ =	swait.ge [sflag:s8], $0x2000  }
0x49: {  	[sflag:s8] =	ssyncset.done $0x0  }
0x4a: {  	s11 =	simm.s32 $0x3;
	[sflag:s8] =	ssyncadd.s32 $0xFFFFE000  }
0x4b: {  	_ =	swait.ge [sflag:s11], $0x2000  }
0x4c: {  	[sflag:s11] =	ssyncset.done $0x0  }
0x4d: {  	s13 =	simm.s32 $0x5;
	[sflag:s11] =	ssyncadd.s32 $0xFFFFE000  }
0x4e: {  	_ =	swait.ge [sflag:s13], $0x2000  }
0x4f: {  	[sflag:s13] =	ssyncset.done $0x0  }
0x50: {  	s21 =	simm.s32 $0x7;
	[sflag:s13] =	ssyncadd.s32 $0xFFFFE000  }
0x51: {  	_ =	swait.ge [sflag:s21], $0x2000  }
0x52: {  	[sflag:s21] =	ssyncset.done $0x0  }
0x53: {  	s23 =	simm.s32 $0x9;
	[sflag:s21] =	ssyncadd.s32 $0xFFFFE000  }
0x54: {  	s24 =	simm.s32 $0x0;
	_ =	swait.ge [sflag:s23], $0x2000  }
0x55: {  	s25 =	sand.u32 $0x40, s24;
	s3 =	sand.u32 $0x1C00, s1;
	[sflag:s23] =	ssyncset.done $0x0  }
0x56: {  	[sflag:s23] =	ssyncadd.s32 $0xFFFFE000;
	s23 =	sor.u32 s25, s3  }
0x57: {  	v0 =	vld [tilespmem:s23+$0x30]  }
0x58: {  	v1 =	vld [tilespmem:s23+$0x10030]  }
0x59: {  	v2 =	vld [tilespmem:s23+$0x0]  }
0x5a: {  	v3 =	vld [tilespmem:s23+$0x4000]  }
0x5b: {  	v4 =	vld [tilespmem:s23+$0x8000]  }
0x5c: {  	v8 =	vld [tilespmem:s23+$0x10]  }
0x5d: {  	v9 =	vld [tilespmem:s23+$0x8010];
	_ =	sdelay $0x1  }
0x5e: {  	v5 =	vld [tilespmem:s23+$0xC000]  }
0x5f: {  	v6 =	vld [tilespmem:s23+$0x10000];
	v1 =	vadd.f32 v1, v0  }
0x60: {  	v7 =	vld [tilespmem:s23+$0x4010];
	v3 =	vadd.f32 v3, v2  }
0x61: {  	v9 =	vadd.f32 v9, v8;
	[tilespmem:s23+$0x10030] =	vst v1;
	v1 =	vadd.f32 v4, v2;
	v4 =	vld [tilespmem:s23+$0xC010]  }
0x62: {  	v10 =	vld [tilespmem:s23+$0x10010];
	[tilespmem:s23+$0x4000] =	vst v3  }
0x63: {  	v3 =	vadd.f32 v5, v2;
	v5 =	vld [tilespmem:s23+$0x4020];
	[tilespmem:s23+$0x8010] =	vst v9  }
0x64: {  	v2 =	vadd.f32 v6, v2;
	[tilespmem:s23+$0x8000] =	vst v1;
	v1 =	vld [tilespmem:s23+$0x20]  }
0x65: {  	v6 =	vadd.f32 v7, v8;
	[tilespmem:s23+$0xC000] =	vst v3;
	v3 =	vld [tilespmem:s23+$0x8020]  }
0x66: {  	[tilespmem:s23+$0x10000] =	vst v2;
	v2 =	vld [tilespmem:s23+$0xC020];
	v7 =	vadd.f32 v4, v8  }
0x67: {  	s13 =	simm.s32 $0x0;
	[tilespmem:s23+$0x4010] =	vst v6;
	v6 =	vadd.f32 v10, v8;
	v4 =	vld [tilespmem:s23+$0x10020]  }
.LBB2_3:
0x68: {  	s24 =	sadd.s32 $0x40, s24;
	[tilespmem:s23+$0xC010] =	vst v7;
	v7 =	vld [tilespmem:s23+$0x4030];
	s13 =	sadd.s32 $0x200, s13  }
0x69: {  	s21 =	sand.u32 $0x40, s24;
	s25 =	sand.u32 $0x1C00, s13;
	p0 =	slt.u32 s24, $0x3C0;
	[tilespmem:s23+$0x10010] =	vst v6;
	v5 =	vadd.f32 v5, v1;
	v6 =	vld [tilespmem:s23+$0x8030]  }
0x6a: {  	s21 =	sor.u32 s21, s25;
	v3 =	vadd.f32 v3, v1;
	v8 =	vld [tilespmem:s23+$0xC030]  }
0x6b: {  	v9 =	vld [tilespmem:s21+$0x30];
	[tilespmem:s23+$0x4020] =	vst v5;
	v2 =	vadd.f32 v2, v1  }
0x6c: {  	v5 =	vld [tilespmem:s21+$0x10030];
	[tilespmem:s23+$0x8020] =	vst v3;
	v1 =	vadd.f32 v4, v1  }
0x6d: {  	v3 =	vld [tilespmem:s21+$0x0];
	[tilespmem:s23+$0xC020] =	vst v2;
	v2 =	vadd.f32 v7, v0  }
0x6e: {  	v4 =	vld [tilespmem:s21+$0x4000];
	[tilespmem:s23+$0x10020] =	vst v1;
	v1 =	vadd.f32 v6, v0  }
0x6f: {  	v6 =	vld [tilespmem:s21+$0x8000];
	[tilespmem:s23+$0x4030] =	vst v2;
	v2 =	vadd.f32 v8, v0  }
0x70: {  	v7 =	vld [tilespmem:s21+$0xC000];
	[tilespmem:s23+$0x8030] =	vst v1;
	v0 =	vmov v9  }
0x71: {  	v1 =	vld [tilespmem:s21+$0x10000];
	v5 =	vadd.f32 v5, v0;
	[tilespmem:s23+$0xC030] =	vst v2;
	s23 =	smov.u32 s21  }
0x72: {  	v8 =	vld [tilespmem:s23+$0x10]  }
0x73: {  	v2 =	vadd.f32 v4, v3;
	v4 =	vld [tilespmem:s23+$0x4010];
	[tilespmem:s23+$0x10030] =	vst v5  }
0x74: {  	v5 =	vadd.f32 v6, v3;
	v6 =	vld [tilespmem:s23+$0x8010]  }
0x75: {  	[tilespmem:s23+$0x4000] =	vst v2;
	v2 =	vadd.f32 v7, v3;
	v7 =	vld [tilespmem:s23+$0xC010]  }
0x76: {  	[tilespmem:s23+$0x8000] =	vst v5;
	v3 =	vadd.f32 v1, v3;
	v9 =	vld [tilespmem:s23+$0x10010]  }
.Ltmp0:
0x77: {  	[tilespmem:s23+$0xC000] =	vst v2;
	v1 =	vld [tilespmem:s23+$0x20];
	(pc) =	sbr.rel @p0 .LBB2_3-.Ltmp0, $4  }
0x78: {  	[tilespmem:s23+$0x10000] =	vst v3;
	v2 =	vadd.f32 v4, v8;
	v5 =	vld [tilespmem:s23+$0x4020]  }
0x79: {  	v4 =	vadd.f32 v6, v8;
	v3 =	vld [tilespmem:s23+$0x8020]  }
0x7a: {  	[tilespmem:s23+$0x4010] =	vst v2;
	v7 =	vadd.f32 v7, v8;
	v2 =	vld [tilespmem:s23+$0xC020]  }
0x7b: {  	[tilespmem:s23+$0x8010] =	vst v4;
	v6 =	vadd.f32 v9, v8;
	v4 =	vld [tilespmem:s23+$0x10020]  }
0x7c: {  	v8 =	vld [tilespmem:s23+$0x4030]  }
0x7d: {  	[tilespmem:s23+$0xC010] =	vst v7;
	v7 =	vld [tilespmem:s23+$0x8030];
	v5 =	vadd.f32 v5, v1  }
0x7e: {  	[tilespmem:s23+$0x10010] =	vst v6;
	v6 =	vld [tilespmem:s23+$0xC030];
	v3 =	vadd.f32 v3, v1  }
0x7f: {  	[tilespmem:s23+$0x4020] =	vst v5;
	v2 =	vadd.f32 v2, v1  }
0x80: {  	[tilespmem:s23+$0x8020] =	vst v3;
	v1 =	vadd.f32 v4, v1  }
0x81: {  	[tilespmem:s23+$0xC020] =	vst v2;
	v2 =	vadd.f32 v8, v0  }
0x82: {  	[tilespmem:s23+$0x10020] =	vst v1;
	v1 =	vadd.f32 v7, v0  }
0x83: {  	s24 =	simm.s32 $0x0;
	v0 =	vadd.f32 v6, v0;
	[tilespmem:s23+$0x4030] =	vst v2  }
0x84: {  	s13 =	sand.u32 $0x40, s24;
	[tilespmem:s23+$0x8030] =	vst v1  }
0x85: {  	[tilespmem:s23+$0xC030] =	vst v0;
	s23 =	sor.u32 s13, s3  }
0x86: {  	v0 =	vld [tilespmem:s23+$0xB0]  }
0x87: {  	v1 =	vld [tilespmem:s23+$0x100B0]  }
0x88: {  	v2 =	vld [tilespmem:s23+$0x80]  }
0x89: {  	v3 =	vld [tilespmem:s23+$0x4080]  }
0x8a: {  	v4 =	vld [tilespmem:s23+$0x8080]  }
0x8b: {  	v8 =	vld [tilespmem:s23+$0x90]  }
0x8c: {  	v9 =	vld [tilespmem:s23+$0x8090];
	_ =	sdelay $0x1  }
0x8d: {  	v5 =	vld [tilespmem:s23+$0xC080]  }
0x8e: {  	v6 =	vld [tilespmem:s23+$0x10080];
	v1 =	vadd.f32 v1, v0  }
0x8f: {  	v7 =	vld [tilespmem:s23+$0x4090];
	v3 =	vadd.f32 v3, v2  }
0x90: {  	v9 =	vadd.f32 v9, v8;
	[tilespmem:s23+$0x100B0] =	vst v1;
	v1 =	vadd.f32 v4, v2;
	v4 =	vld [tilespmem:s23+$0xC090]  }
0x91: {  	v10 =	vld [tilespmem:s23+$0x10090];
	[tilespmem:s23+$0x4080] =	vst v3  }
0x92: {  	v3 =	vadd.f32 v5, v2;
	v5 =	vld [tilespmem:s23+$0x40A0];
	[tilespmem:s23+$0x8090] =	vst v9  }
0x93: {  	v2 =	vadd.f32 v6, v2;
	[tilespmem:s23+$0x8080] =	vst v1;
	v1 =	vld [tilespmem:s23+$0xA0]  }
0x94: {  	v6 =	vadd.f32 v7, v8;
	[tilespmem:s23+$0xC080] =	vst v3;
	v3 =	vld [tilespmem:s23+$0x80A0]  }
0x95: {  	[tilespmem:s23+$0x10080] =	vst v2;
	v2 =	vld [tilespmem:s23+$0xC0A0];
	v7 =	vadd.f32 v4, v8  }
0x96: {  	[tilespmem:s23+$0x4090] =	vst v6;
	v6 =	vadd.f32 v10, v8;
	v4 =	vld [tilespmem:s23+$0x100A0]  }
.LBB2_5:
0x97: {  	s24 =	sadd.s32 $0x40, s24;
	[tilespmem:s23+$0xC090] =	vst v7;
	v7 =	vld [tilespmem:s23+$0x40B0];
	s1 =	sadd.s32 $0x200, s1  }
0x98: {  	s3 =	sand.u32 $0x40, s24;
	s13 =	sand.u32 $0x1C00, s1;
	p0 =	slt.u32 s24, $0x3C0;
	[tilespmem:s23+$0x10090] =	vst v6;
	v5 =	vadd.f32 v5, v1;
	v6 =	vld [tilespmem:s23+$0x80B0]  }
0x99: {  	s3 =	sor.u32 s3, s13;
	v3 =	vadd.f32 v3, v1;
	v8 =	vld [tilespmem:s23+$0xC0B0]  }
0x9a: {  	v9 =	vld [tilespmem:s3+$0xB0];
	[tilespmem:s23+$0x40A0] =	vst v5;
	v2 =	vadd.f32 v2, v1  }
0x9b: {  	v5 =	vld [tilespmem:s3+$0x100B0];
	[tilespmem:s23+$0x80A0] =	vst v3;
	v1 =	vadd.f32 v4, v1  }
0x9c: {  	v3 =	vld [tilespmem:s3+$0x80];
	[tilespmem:s23+$0xC0A0] =	vst v2;
	v2 =	vadd.f32 v7, v0  }
0x9d: {  	v4 =	vld [tilespmem:s3+$0x4080];
	[tilespmem:s23+$0x100A0] =	vst v1;
	v1 =	vadd.f32 v6, v0  }
0x9e: {  	v6 =	vld [tilespmem:s3+$0x8080];
	[tilespmem:s23+$0x40B0] =	vst v2;
	v2 =	vadd.f32 v8, v0  }
0x9f: {  	v7 =	vld [tilespmem:s3+$0xC080];
	[tilespmem:s23+$0x80B0] =	vst v1;
	v0 =	vmov v9  }
0xa0: {  	v1 =	vld [tilespmem:s3+$0x10080];
	v5 =	vadd.f32 v5, v0;
	[tilespmem:s23+$0xC0B0] =	vst v2;
	s23 =	smov.u32 s3  }
0xa1: {  	v8 =	vld [tilespmem:s23+$0x90]  }
0xa2: {  	s3 =	simm.s32 $0x0;
	v2 =	vadd.f32 v4, v3;
	v4 =	vld [tilespmem:s23+$0x4090];
	[tilespmem:s23+$0x100B0] =	vst v5  }
0xa3: {  	v5 =	vadd.f32 v6, v3;
	v6 =	vld [tilespmem:s23+$0x8090]  }
0xa4: {  	[tilespmem:s23+$0x4080] =	vst v2;
	v2 =	vadd.f32 v7, v3;
	v7 =	vld [tilespmem:s23+$0xC090]  }
0xa5: {  	[tilespmem:s23+$0x8080] =	vst v5;
	v3 =	vadd.f32 v1, v3;
	v9 =	vld [tilespmem:s23+$0x10090]  }
.Ltmp1:
0xa6: {  	[tilespmem:s23+$0xC080] =	vst v2;
	v1 =	vld [tilespmem:s23+$0xA0];
	(pc) =	sbr.rel @p0 .LBB2_5-.Ltmp1, $4  }
0xa7: {  	[tilespmem:s23+$0x10080] =	vst v3;
	v2 =	vadd.f32 v4, v8;
	v5 =	vld [tilespmem:s23+$0x40A0]  }
0xa8: {  	v4 =	vadd.f32 v6, v8;
	v3 =	vld [tilespmem:s23+$0x80A0]  }
0xa9: {  	[tilespmem:s23+$0x4090] =	vst v2;
	v7 =	vadd.f32 v7, v8;
	v2 =	vld [tilespmem:s23+$0xC0A0]  }
0xaa: {  	[tilespmem:s23+$0x8090] =	vst v4;
	v6 =	vadd.f32 v9, v8;
	v4 =	vld [tilespmem:s23+$0x100A0]  }
0xab: {  	v8 =	vld [tilespmem:s23+$0x40B0]  }
0xac: {  	[tilespmem:s23+$0xC090] =	vst v7;
	v7 =	vld [tilespmem:s23+$0x80B0];
	v5 =	vadd.f32 v5, v1  }
0xad: {  	[tilespmem:s23+$0x10090] =	vst v6;
	v6 =	vld [tilespmem:s23+$0xC0B0];
	v3 =	vadd.f32 v3, v1  }
0xae: {  	[tilespmem:s23+$0x40A0] =	vst v5;
	v2 =	vadd.f32 v2, v1  }
0xaf: {  	[tilespmem:s23+$0x80A0] =	vst v3;
	v1 =	vadd.f32 v4, v1  }
0xb0: {  	[tilespmem:s23+$0xC0A0] =	vst v2;
	v2 =	vadd.f32 v8, v0  }
0xb1: {  	[tilespmem:s23+$0x100A0] =	vst v1;
	v1 =	vadd.f32 v7, v0  }
0xb2: {  	s24 =	simm.s32 $0x0;
	v0 =	vadd.f32 v6, v0;
	[tilespmem:s23+$0x40B0] =	vst v2  }
0xb3: {  	s1 =	sand.u32 $0x1C00, s3;
	s13 =	sand.u32 $0x40, s24;
	[tilespmem:s23+$0x80B0] =	vst v1  }
0xb4: {  	[tilespmem:s23+$0xC0B0] =	vst v0;
	s23 =	sor.u32 s13, s1  }
0xb5: {  	v0 =	vld [tilespmem:s23+$0x130]  }
0xb6: {  	v1 =	vld [tilespmem:s23+$0x10130]  }
0xb7: {  	v2 =	vld [tilespmem:s23+$0x100]  }
0xb8: {  	v3 =	vld [tilespmem:s23+$0x4100]  }
0xb9: {  	v4 =	vld [tilespmem:s23+$0x8100]  }
0xba: {  	v8 =	vld [tilespmem:s23+$0x110]  }
0xbb: {  	v9 =	vld [tilespmem:s23+$0x8110];
	_ =	sdelay $0x1  }
0xbc: {  	v5 =	vld [tilespmem:s23+$0xC100]  }
0xbd: {  	v6 =	vld [tilespmem:s23+$0x10100];
	v1 =	vadd.f32 v1, v0  }
0xbe: {  	v7 =	vld [tilespmem:s23+$0x4110];
	v3 =	vadd.f32 v3, v2  }
0xbf: {  	v9 =	vadd.f32 v9, v8;
	[tilespmem:s23+$0x10130] =	vst v1;
	v1 =	vadd.f32 v4, v2;
	v4 =	vld [tilespmem:s23+$0xC110]  }
0xc0: {  	v10 =	vld [tilespmem:s23+$0x10110];
	[tilespmem:s23+$0x4100] =	vst v3  }
0xc1: {  	v3 =	vadd.f32 v5, v2;
	v5 =	vld [tilespmem:s23+$0x4120];
	[tilespmem:s23+$0x8110] =	vst v9  }
0xc2: {  	v2 =	vadd.f32 v6, v2;
	[tilespmem:s23+$0x8100] =	vst v1;
	v1 =	vld [tilespmem:s23+$0x120]  }
0xc3: {  	v6 =	vadd.f32 v7, v8;
	[tilespmem:s23+$0xC100] =	vst v3;
	v3 =	vld [tilespmem:s23+$0x8120]  }
0xc4: {  	[tilespmem:s23+$0x10100] =	vst v2;
	v2 =	vld [tilespmem:s23+$0xC120];
	v7 =	vadd.f32 v4, v8  }
0xc5: {  	s13 =	simm.s32 $0x0;
	[tilespmem:s23+$0x4110] =	vst v6;
	v6 =	vadd.f32 v10, v8;
	v4 =	vld [tilespmem:s23+$0x10120]  }
.LBB2_7:
0xc6: {  	s24 =	sadd.s32 $0x40, s24;
	[tilespmem:s23+$0xC110] =	vst v7;
	v7 =	vld [tilespmem:s23+$0x4130];
	s13 =	sadd.s32 $0x200, s13  }
0xc7: {  	s21 =	sand.u32 $0x40, s24;
	s25 =	sand.u32 $0x1C00, s13;
	p0 =	slt.u32 s24, $0x3C0;
	[tilespmem:s23+$0x10110] =	vst v6;
	v5 =	vadd.f32 v5, v1;
	v6 =	vld [tilespmem:s23+$0x8130]  }
0xc8: {  	s21 =	sor.u32 s21, s25;
	v3 =	vadd.f32 v3, v1;
	v8 =	vld [tilespmem:s23+$0xC130]  }
0xc9: {  	v9 =	vld [tilespmem:s21+$0x130];
	[tilespmem:s23+$0x4120] =	vst v5;
	v2 =	vadd.f32 v2, v1  }
0xca: {  	v5 =	vld [tilespmem:s21+$0x10130];
	[tilespmem:s23+$0x8120] =	vst v3;
	v1 =	vadd.f32 v4, v1  }
0xcb: {  	v3 =	vld [tilespmem:s21+$0x100];
	[tilespmem:s23+$0xC120] =	vst v2;
	v2 =	vadd.f32 v7, v0  }
0xcc: {  	v4 =	vld [tilespmem:s21+$0x4100];
	[tilespmem:s23+$0x10120] =	vst v1;
	v1 =	vadd.f32 v6, v0  }
0xcd: {  	v6 =	vld [tilespmem:s21+$0x8100];
	[tilespmem:s23+$0x4130] =	vst v2;
	v2 =	vadd.f32 v8, v0  }
0xce: {  	v7 =	vld [tilespmem:s21+$0xC100];
	[tilespmem:s23+$0x8130] =	vst v1;
	v0 =	vmov v9  }
0xcf: {  	v1 =	vld [tilespmem:s21+$0x10100];
	v5 =	vadd.f32 v5, v0;
	[tilespmem:s23+$0xC130] =	vst v2;
	s23 =	smov.u32 s21  }
0xd0: {  	v8 =	vld [tilespmem:s23+$0x110]  }
0xd1: {  	v2 =	vadd.f32 v4, v3;
	v4 =	vld [tilespmem:s23+$0x4110];
	[tilespmem:s23+$0x10130] =	vst v5  }
0xd2: {  	v5 =	vadd.f32 v6, v3;
	v6 =	vld [tilespmem:s23+$0x8110]  }
0xd3: {  	[tilespmem:s23+$0x4100] =	vst v2;
	v2 =	vadd.f32 v7, v3;
	v7 =	vld [tilespmem:s23+$0xC110]  }
0xd4: {  	[tilespmem:s23+$0x8100] =	vst v5;
	v3 =	vadd.f32 v1, v3;
	v9 =	vld [tilespmem:s23+$0x10110]  }
.Ltmp2:
0xd5: {  	[tilespmem:s23+$0xC100] =	vst v2;
	v1 =	vld [tilespmem:s23+$0x120];
	(pc) =	sbr.rel @p0 .LBB2_7-.Ltmp2, $4  }
0xd6: {  	[tilespmem:s23+$0x10100] =	vst v3;
	v2 =	vadd.f32 v4, v8;
	v5 =	vld [tilespmem:s23+$0x4120]  }
0xd7: {  	v4 =	vadd.f32 v6, v8;
	v3 =	vld [tilespmem:s23+$0x8120]  }
0xd8: {  	[tilespmem:s23+$0x4110] =	vst v2;
	v7 =	vadd.f32 v7, v8;
	v2 =	vld [tilespmem:s23+$0xC120]  }
0xd9: {  	[tilespmem:s23+$0x8110] =	vst v4;
	v6 =	vadd.f32 v9, v8;
	v4 =	vld [tilespmem:s23+$0x10120]  }
0xda: {  	v8 =	vld [tilespmem:s23+$0x4130]  }
0xdb: {  	[tilespmem:s23+$0xC110] =	vst v7;
	v7 =	vld [tilespmem:s23+$0x8130];
	v5 =	vadd.f32 v5, v1  }
0xdc: {  	[tilespmem:s23+$0x10110] =	vst v6;
	v6 =	vld [tilespmem:s23+$0xC130];
	v3 =	vadd.f32 v3, v1  }
0xdd: {  	[tilespmem:s23+$0x4120] =	vst v5;
	v2 =	vadd.f32 v2, v1  }
0xde: {  	[tilespmem:s23+$0x8120] =	vst v3;
	v1 =	vadd.f32 v4, v1  }
0xdf: {  	[tilespmem:s23+$0xC120] =	vst v2;
	v2 =	vadd.f32 v8, v0  }
0xe0: {  	[tilespmem:s23+$0x10120] =	vst v1;
	v1 =	vadd.f32 v7, v0  }
0xe1: {  	s24 =	simm.s32 $0x0;
	v0 =	vadd.f32 v6, v0;
	[tilespmem:s23+$0x4130] =	vst v2  }
0xe2: {  	s13 =	sand.u32 $0x40, s24;
	[tilespmem:s23+$0x8130] =	vst v1  }
0xe3: {  	[tilespmem:s23+$0xC130] =	vst v0;
	s23 =	sor.u32 s13, s1  }
0xe4: {  	v0 =	vld [tilespmem:s23+$0x1B0]  }
0xe5: {  	v1 =	vld [tilespmem:s23+$0x101B0]  }
0xe6: {  	v2 =	vld [tilespmem:s23+$0x180]  }
0xe7: {  	v3 =	vld [tilespmem:s23+$0x4180]  }
0xe8: {  	v4 =	vld [tilespmem:s23+$0x8180]  }
0xe9: {  	v8 =	vld [tilespmem:s23+$0x190]  }
0xea: {  	v9 =	vld [tilespmem:s23+$0x8190]  }
0xeb: {  	v5 =	vld [tilespmem:s23+$0xC180];
	_ =	sdelay $0x1  }
0xec: {  	v6 =	vld [tilespmem:s23+$0x10180];
	v1 =	vadd.f32 v1, v0  }
0xed: {  	v7 =	vld [tilespmem:s23+$0x4190];
	v3 =	vadd.f32 v3, v2  }
0xee: {  	v10 =	vld [tilespmem:s23+$0xC190];
	v9 =	vadd.f32 v9, v8;
	[tilespmem:s23+$0x101B0] =	vst v1  }
0xef: {  	v1 =	vadd.f32 v4, v2;
	[tilespmem:s23+$0x4180] =	vst v3;
	v3 =	vadd.f32 v5, v2;
	v5 =	vld [tilespmem:s23+$0x10190]  }
0xf0: {  	v4 =	vld [tilespmem:s23+$0x41A0];
	[tilespmem:s23+$0x8190] =	vst v9  }
0xf1: {  	v2 =	vadd.f32 v6, v2;
	[tilespmem:s23+$0x8180] =	vst v1;
	v1 =	vld [tilespmem:s23+$0x1A0]  }
0xf2: {  	v6 =	vadd.f32 v7, v8;
	[tilespmem:s23+$0xC180] =	vst v3;
	v3 =	vld [tilespmem:s23+$0x81A0]  }
0xf3: {  	v7 =	vadd.f32 v10, v8;
	[tilespmem:s23+$0x10180] =	vst v2;
	v2 =	vld [tilespmem:s23+$0xC1A0]  }
0xf4: {  	s2 =	smov.u32 s9;
	p0 =	por $0x0, $0x0;
	[tilespmem:s23+$0x4190] =	vst v6;
	v6 =	vadd.f32 v5, v8;
	v5 =	vld [tilespmem:s23+$0x101A0]  }
.LBB2_9:
0xf5: {  	s24 =	sadd.s32 $0x40, s24;
	[tilespmem:s23+$0xC190] =	vst v7;
	v7 =	vld [tilespmem:s23+$0x41B0];
	s3 =	sadd.s32 $0x200, s3  }
0xf6: {  	s1 =	sand.u32 $0x40, s24;
	s13 =	sand.u32 $0x1C00, s3;
	p1 =	slt.u32 s24, $0x3C0;
	[tilespmem:s23+$0x10190] =	vst v6;
	v4 =	vadd.f32 v4, v1;
	v6 =	vld [tilespmem:s23+$0x81B0]  }
0xf7: {  	s1 =	sor.u32 s1, s13;
	v3 =	vadd.f32 v3, v1;
	v8 =	vld [tilespmem:s23+$0xC1B0]  }
0xf8: {  	v9 =	vld [tilespmem:s1+$0x1B0];
	[tilespmem:s23+$0x41A0] =	vst v4;
	v2 =	vadd.f32 v2, v1  }
0xf9: {  	v4 =	vld [tilespmem:s1+$0x101B0];
	[tilespmem:s23+$0x81A0] =	vst v3;
	v1 =	vadd.f32 v5, v1  }
0xfa: {  	v3 =	vld [tilespmem:s1+$0x180];
	[tilespmem:s23+$0xC1A0] =	vst v2;
	v2 =	vadd.f32 v7, v0  }
0xfb: {  	v5 =	vld [tilespmem:s1+$0x4180];
	[tilespmem:s23+$0x101A0] =	vst v1;
	v1 =	vadd.f32 v6, v0  }
0xfc: {  	v6 =	vld [tilespmem:s1+$0x8180];
	[tilespmem:s23+$0x41B0] =	vst v2;
	v2 =	vadd.f32 v8, v0  }
0xfd: {  	v7 =	vld [tilespmem:s1+$0xC180];
	[tilespmem:s23+$0x81B0] =	vst v1;
	v0 =	vmov v9  }
0xfe: {  	v1 =	vld [tilespmem:s1+$0x10180];
	v4 =	vadd.f32 v4, v0;
	[tilespmem:s23+$0xC1B0] =	vst v2;
	s23 =	smov.u32 s1  }
0xff: {  	v8 =	vld [tilespmem:s23+$0x190]  }
0x100: {  	s1 =	simm.s32 $0x0;
	v2 =	vadd.f32 v5, v3;
	v5 =	vld [tilespmem:s23+$0x4190];
	[tilespmem:s23+$0x101B0] =	vst v4  }
0x101: {  	v4 =	vadd.f32 v6, v3;
	v6 =	vld [tilespmem:s23+$0x8190]  }
0x102: {  	[tilespmem:s23+$0x4180] =	vst v2;
	v2 =	vadd.f32 v7, v3;
	v7 =	vld [tilespmem:s23+$0xC190]  }
0x103: {  	[tilespmem:s23+$0x8180] =	vst v4;
	v3 =	vadd.f32 v1, v3;
	v9 =	vld [tilespmem:s23+$0x10190]  }
.Ltmp3:
0x104: {  	[tilespmem:s23+$0xC180] =	vst v2;
	v1 =	vld [tilespmem:s23+$0x1A0];
	(pc) =	sbr.rel @p1 .LBB2_9-.Ltmp3, $4  }
0x105: {  	[tilespmem:s23+$0x10180] =	vst v3;
	v2 =	vadd.f32 v5, v8;
	v4 =	vld [tilespmem:s23+$0x41A0]  }
0x106: {  	v5 =	vadd.f32 v6, v8;
	v3 =	vld [tilespmem:s23+$0x81A0]  }
0x107: {  	[tilespmem:s23+$0x4190] =	vst v2;
	v7 =	vadd.f32 v7, v8;
	v2 =	vld [tilespmem:s23+$0xC1A0]  }
0x108: {  	[tilespmem:s23+$0x8190] =	vst v5;
	v6 =	vadd.f32 v9, v8;
	v5 =	vld [tilespmem:s23+$0x101A0]  }
0x109: {  	v8 =	vld [tilespmem:s23+$0x41B0]  }
0x10a: {  	[tilespmem:s23+$0xC190] =	vst v7;
	v7 =	vld [tilespmem:s23+$0x81B0];
	v4 =	vadd.f32 v4, v1  }
0x10b: {  	[tilespmem:s23+$0x10190] =	vst v6;
	v6 =	vld [tilespmem:s23+$0xC1B0];
	v3 =	vadd.f32 v3, v1  }
0x10c: {  	[tilespmem:s23+$0x41A0] =	vst v4;
	v2 =	vadd.f32 v2, v1  }
0x10d: {  	[tilespmem:s23+$0x81A0] =	vst v3;
	v1 =	vadd.f32 v5, v1  }
0x10e: {  	s3 =	simm.s32 $0x1;
	[tilespmem:s23+$0xC1A0] =	vst v2;
	v2 =	vadd.f32 v8, v0  }
0x10f: {  	s3 =	simm.s32 @!p0 $0x0;
	[tilespmem:s23+$0x101A0] =	vst v1;
	v1 =	vadd.f32 v7, v0  }
0x110: {  	s3 =	sshll.u32 s3, $0x6;
	v0 =	vadd.f32 v6, v0;
	[tilespmem:s23+$0x41B0] =	vst v2  }
0x111: {  	s3 =	sadd.s32 $0x0, s3;
	[tilespmem:s23+$0x81B0] =	vst v1  }
0x112: {  	[tilespmem:s23+$0xC1B0] =	vst v0;
	s23 =	sor.u32 $0x230, s3  }
0x113: {  	v0 =	vld [tilespmem:s23+$0x0]  }
0x114: {  	s13 =	sor.u32 $0x200, s3;
	v1 =	vld [tilespmem:s23+$0x10000]  }
0x115: {  	v3 =	vld [tilespmem:s13+$0x0]  }
0x116: {  	v4 =	vld [tilespmem:s13+$0x4000]  }
0x117: {  	v5 =	vld [tilespmem:s13+$0x8000]  }
0x118: {  	v6 =	vld [tilespmem:s13+$0xC000]  }
0x119: {  	s25 =	sor.u32 $0x210, s3;
	v7 =	vld [tilespmem:s13+$0x10000]  }
0x11a: {  	v2 =	vld [tilespmem:s25+$0x0]  }
0x11b: {  	v8 =	vld [tilespmem:s25+$0x4000];
	v1 =	vadd.f32 v1, v0  }
0x11c: {  	v9 =	vld [tilespmem:s25+$0x8000];
	v4 =	vadd.f32 v4, v3  }
0x11d: {  	v10 =	vld [tilespmem:s25+$0xC000];
	[tilespmem:s23+$0x10000] =	vst v1;
	v1 =	vadd.f32 v5, v3  }
0x11e: {  	s24 =	sor.u32 $0x220, s3;
	[tilespmem:s13+$0x4000] =	vst v4;
	v4 =	vadd.f32 v6, v3;
	v6 =	vld [tilespmem:s25+$0x10000]  }
0x11f: {  	v3 =	vadd.f32 v7, v3;
	v5 =	vld [tilespmem:s24+$0x4000];
	[tilespmem:s13+$0x8000] =	vst v1  }
0x120: {  	v1 =	vld [tilespmem:s24+$0x0];
	[tilespmem:s13+$0xC000] =	vst v4;
	v4 =	vadd.f32 v8, v2  }
0x121: {  	[tilespmem:s13+$0x10000] =	vst v3;
	v3 =	vld [tilespmem:s24+$0x8000]  }
0x122: {  	p1 =	por !p0, !p0;
	s21 =	simm.s32 $0x0;
	v7 =	vadd.f32 v10, v2;
	s13 =	simm.s32 $0x0;
	v8 =	vadd.f32 v9, v2;
	[tilespmem:s25+$0x4000] =	vst v4;
	v4 =	vld [tilespmem:s24+$0xC000]  }
.LBB2_11:
0x123: {  	s8 =	simm.s32 $0x1  }
0x124: {  	[tilespmem:s25+$0x8000] =	vst v8;
	v2 =	vadd.f32 v6, v2;
	v6 =	vld [tilespmem:s24+$0x10000];
	s8 =	simm.s32 @!p1 $0x0  }
0x125: {  	s13 =	sadd.s32 $0x40, s13;
	s21 =	sadd.s32 $0x200, s21;
	s8 =	sshll.u32 s8, $0x6;
	[tilespmem:s25+$0xC000] =	vst v7;
	v7 =	vld [tilespmem:s23+$0x4000]  }
0x126: {  	p2 =	slt.u32 s13, $0x3C0;
	s8 =	sadd.s32 s8, s21;
	[tilespmem:s25+$0x10000] =	vst v2;
	v2 =	vadd.f32 v5, v1;
	v5 =	vld [tilespmem:s23+$0x8000]  }
0x127: {  	v3 =	vadd.f32 v3, v1;
	s9 =	sor.u32 $0x200, s8;
	s25 =	sor.u32 $0x210, s8;
	s11 =	sor.u32 $0x230, s8;
	v8 =	vld [tilespmem:s23+$0xC000]  }
0x128: {  	s8 =	sor.u32 $0x220, s8;
	v9 =	vld [tilespmem:s11+$0x0];
	[tilespmem:s24+$0x4000] =	vst v2;
	v2 =	vadd.f32 v4, v1  }
0x129: {  	v1 =	vadd.f32 v6, v1;
	v4 =	vld [tilespmem:s11+$0x10000];
	[tilespmem:s24+$0x8000] =	vst v3  }
0x12a: {  	v3 =	vld [tilespmem:s9+$0x0];
	[tilespmem:s24+$0xC000] =	vst v2;
	v2 =	vadd.f32 v7, v0  }
0x12b: {  	v6 =	vld [tilespmem:s9+$0x4000];
	[tilespmem:s24+$0x10000] =	vst v1;
	v1 =	vadd.f32 v5, v0;
	s24 =	smov.u32 s8  }
0x12c: {  	v5 =	vld [tilespmem:s9+$0x8000];
	[tilespmem:s23+$0x4000] =	vst v2;
	v2 =	vadd.f32 v8, v0  }
0x12d: {  	v7 =	vld [tilespmem:s9+$0xC000];
	[tilespmem:s23+$0x8000] =	vst v1;
	v0 =	vmov v9  }
0x12e: {  	v1 =	vld [tilespmem:s9+$0x10000];
	v4 =	vadd.f32 v4, v0;
	[tilespmem:s23+$0xC000] =	vst v2;
	s23 =	smov.u32 s11  }
0x12f: {  	v2 =	vld [tilespmem:s25+$0x0]  }
0x130: {  	v6 =	vadd.f32 v6, v3;
	v8 =	vld [tilespmem:s25+$0x4000];
	[tilespmem:s23+$0x10000] =	vst v4  }
0x131: {  	v4 =	vadd.f32 v5, v3;
	v9 =	vld [tilespmem:s25+$0x8000]  }
0x132: {  	[tilespmem:s9+$0x4000] =	vst v6;
	v5 =	vadd.f32 v7, v3;
	v7 =	vld [tilespmem:s25+$0xC000]  }
.Ltmp4:
0x133: {  	[tilespmem:s9+$0x8000] =	vst v4;
	v3 =	vadd.f32 v1, v3;
	v6 =	vld [tilespmem:s25+$0x10000];
	(pc) =	sbr.rel @p2 .LBB2_11-.Ltmp4, $4  }
0x134: {  	[tilespmem:s9+$0xC000] =	vst v5;
	v1 =	vld [tilespmem:s24+$0x0]  }
0x135: {  	[tilespmem:s9+$0x10000] =	vst v3;
	v4 =	vadd.f32 v8, v2;
	v5 =	vld [tilespmem:s24+$0x4000]  }
0x136: {  	v8 =	vadd.f32 v9, v2;
	v3 =	vld [tilespmem:s24+$0x8000]  }
0x137: {  	p1 =	por !p1, !p1;
	[tilespmem:s25+$0x4000] =	vst v4;
	v7 =	vadd.f32 v7, v2;
	v4 =	vld [tilespmem:s24+$0xC000]  }
0x138: {  	v9 =	vld [tilespmem:s24+$0x10000]  }
0x139: {  	[tilespmem:s25+$0x8000] =	vst v8;
	v2 =	vadd.f32 v6, v2;
	v6 =	vld [tilespmem:s23+$0x4000]  }
0x13a: {  	[tilespmem:s25+$0xC000] =	vst v7;
	v7 =	vld [tilespmem:s23+$0x8000];
	v5 =	vadd.f32 v5, v1  }
0x13b: {  	[tilespmem:s25+$0x10000] =	vst v2;
	v2 =	vadd.f32 v3, v1;
	v3 =	vld [tilespmem:s23+$0xC000]  }
0x13c: {  	[tilespmem:s24+$0x4000] =	vst v5;
	v4 =	vadd.f32 v4, v1  }
0x13d: {  	[tilespmem:s24+$0x8000] =	vst v2;
	v1 =	vadd.f32 v9, v1  }
0x13e: {  	v2 =	vadd.f32 v6, v0;
	[tilespmem:s24+$0xC000] =	vst v4  }
0x13f: {  	[tilespmem:s24+$0x10000] =	vst v1;
	v1 =	vadd.f32 v7, v0  }
0x140: {  	[tilespmem:s23+$0x4000] =	vst v2;
	v0 =	vadd.f32 v3, v0  }
0x141: {  	[tilespmem:s23+$0x8000] =	vst v1  }
0x142: {  	[tilespmem:s23+$0xC000] =	vst v0;
	s23 =	sor.u32 $0x2B0, s3  }
0x143: {  	v0 =	vld [tilespmem:s23+$0x0]  }
0x144: {  	s8 =	sor.u32 $0x280, s3;
	v1 =	vld [tilespmem:s23+$0x10000]  }
0x145: {  	v3 =	vld [tilespmem:s8+$0x0]  }
0x146: {  	v4 =	vld [tilespmem:s8+$0x4000]  }
0x147: {  	v5 =	vld [tilespmem:s8+$0x8000]  }
0x148: {  	v6 =	vld [tilespmem:s8+$0xC000]  }
0x149: {  	s25 =	sor.u32 $0x290, s3;
	v7 =	vld [tilespmem:s8+$0x10000]  }
0x14a: {  	v2 =	vld [tilespmem:s25+$0x0]  }
0x14b: {  	v8 =	vld [tilespmem:s25+$0x4000];
	v1 =	vadd.f32 v1, v0  }
0x14c: {  	v9 =	vld [tilespmem:s25+$0x8000];
	v4 =	vadd.f32 v4, v3  }
0x14d: {  	v10 =	vld [tilespmem:s25+$0xC000];
	[tilespmem:s23+$0x10000] =	vst v1;
	v1 =	vadd.f32 v5, v3  }
0x14e: {  	s24 =	sor.u32 $0x2A0, s3;
	[tilespmem:s8+$0x4000] =	vst v4;
	v4 =	vadd.f32 v6, v3;
	v6 =	vld [tilespmem:s25+$0x10000]  }
0x14f: {  	v3 =	vadd.f32 v7, v3;
	v5 =	vld [tilespmem:s24+$0x4000];
	[tilespmem:s8+$0x8000] =	vst v1  }
0x150: {  	v1 =	vld [tilespmem:s24+$0x0];
	[tilespmem:s8+$0xC000] =	vst v4;
	v4 =	vadd.f32 v8, v2  }
0x151: {  	[tilespmem:s8+$0x10000] =	vst v3;
	v3 =	vld [tilespmem:s24+$0x8000]  }
0x152: {  	s13 =	simm.s32 $0x0;
	p0 =	por !p0, !p0;
	v7 =	vadd.f32 v10, v2;
	v8 =	vadd.f32 v9, v2;
	[tilespmem:s25+$0x4000] =	vst v4;
	v4 =	vld [tilespmem:s24+$0xC000]  }
.LBB2_13:
0x153: {  	s3 =	simm.s32 $0x1  }
0x154: {  	[tilespmem:s25+$0x8000] =	vst v8;
	v2 =	vadd.f32 v6, v2;
	v6 =	vld [tilespmem:s24+$0x10000];
	s3 =	simm.s32 @!p0 $0x0  }
0x155: {  	s13 =	sadd.s32 $0x40, s13;
	s1 =	sadd.s32 $0x200, s1;
	s3 =	sshll.u32 s3, $0x6;
	[tilespmem:s25+$0xC000] =	vst v7;
	v7 =	vld [tilespmem:s23+$0x4000]  }
0x156: {  	p2 =	slt.u32 s13, $0x3C0;
	s3 =	sadd.s32 s3, s1;
	[tilespmem:s25+$0x10000] =	vst v2;
	v2 =	vadd.f32 v5, v1;
	v5 =	vld [tilespmem:s23+$0x8000]  }
0x157: {  	v3 =	vadd.f32 v3, v1;
	s8 =	sor.u32 $0x280, s3;
	s25 =	sor.u32 $0x290, s3;
	s9 =	sor.u32 $0x2B0, s3;
	v8 =	vld [tilespmem:s23+$0xC000]  }
0x158: {  	s3 =	sor.u32 $0x2A0, s3;
	v9 =	vld [tilespmem:s9+$0x0];
	[tilespmem:s24+$0x4000] =	vst v2;
	v2 =	vadd.f32 v4, v1  }
0x159: {  	v1 =	vadd.f32 v6, v1;
	v4 =	vld [tilespmem:s9+$0x10000];
	[tilespmem:s24+$0x8000] =	vst v3  }
0x15a: {  	v3 =	vld [tilespmem:s8+$0x0];
	[tilespmem:s24+$0xC000] =	vst v2;
	v2 =	vadd.f32 v7, v0  }
0x15b: {  	v6 =	vld [tilespmem:s8+$0x4000];
	[tilespmem:s24+$0x10000] =	vst v1;
	v1 =	vadd.f32 v5, v0;
	s24 =	smov.u32 s3  }
0x15c: {  	v5 =	vld [tilespmem:s8+$0x8000];
	[tilespmem:s23+$0x4000] =	vst v2;
	v2 =	vadd.f32 v8, v0  }
0x15d: {  	v7 =	vld [tilespmem:s8+$0xC000];
	[tilespmem:s23+$0x8000] =	vst v1;
	v0 =	vmov v9  }
0x15e: {  	v1 =	vld [tilespmem:s8+$0x10000];
	v4 =	vadd.f32 v4, v0;
	[tilespmem:s23+$0xC000] =	vst v2;
	s23 =	smov.u32 s9  }
0x15f: {  	v2 =	vld [tilespmem:s25+$0x0]  }
0x160: {  	p1 =	por $0x0, $0x0;
	s3 =	simm.s32 $0x0;
	v6 =	vadd.f32 v6, v3;
	v8 =	vld [tilespmem:s25+$0x4000];
	[tilespmem:s23+$0x10000] =	vst v4  }
0x161: {  	v4 =	vadd.f32 v5, v3;
	v9 =	vld [tilespmem:s25+$0x8000]  }
0x162: {  	[tilespmem:s8+$0x4000] =	vst v6;
	v5 =	vadd.f32 v7, v3;
	v7 =	vld [tilespmem:s25+$0xC000]  }
.Ltmp5:
0x163: {  	[tilespmem:s8+$0x8000] =	vst v4;
	v3 =	vadd.f32 v1, v3;
	v6 =	vld [tilespmem:s25+$0x10000];
	(pc) =	sbr.rel @p2 .LBB2_13-.Ltmp5, $4  }
0x164: {  	[tilespmem:s8+$0xC000] =	vst v5;
	v1 =	vld [tilespmem:s24+$0x0]  }
0x165: {  	[tilespmem:s8+$0x10000] =	vst v3;
	v4 =	vadd.f32 v8, v2;
	v5 =	vld [tilespmem:s24+$0x4000]  }
0x166: {  	v8 =	vadd.f32 v9, v2;
	v3 =	vld [tilespmem:s24+$0x8000]  }
0x167: {  	p0 =	por !p0, !p0;
	[tilespmem:s25+$0x4000] =	vst v4;
	v7 =	vadd.f32 v7, v2;
	v4 =	vld [tilespmem:s24+$0xC000]  }
0x168: {  	v9 =	vld [tilespmem:s24+$0x10000]  }
0x169: {  	[tilespmem:s25+$0x8000] =	vst v8;
	v2 =	vadd.f32 v6, v2;
	v6 =	vld [tilespmem:s23+$0x4000]  }
0x16a: {  	[tilespmem:s25+$0xC000] =	vst v7;
	v7 =	vld [tilespmem:s23+$0x8000];
	v5 =	vadd.f32 v5, v1  }
0x16b: {  	[tilespmem:s25+$0x10000] =	vst v2;
	v2 =	vadd.f32 v3, v1;
	v3 =	vld [tilespmem:s23+$0xC000]  }
0x16c: {  	[tilespmem:s24+$0x4000] =	vst v5;
	v4 =	vadd.f32 v4, v1  }
0x16d: {  	[tilespmem:s24+$0x8000] =	vst v2;
	v1 =	vadd.f32 v9, v1  }
0x16e: {  	s1 =	simm.s32 $0x1;
	v2 =	vadd.f32 v6, v0;
	[tilespmem:s24+$0xC000] =	vst v4  }
0x16f: {  	s1 =	simm.s32 @!p1 $0x0;
	[tilespmem:s24+$0x10000] =	vst v1;
	v1 =	vadd.f32 v7, v0  }
0x170: {  	s1 =	sshll.u32 s1, $0x6;
	[tilespmem:s23+$0x4000] =	vst v2;
	v0 =	vadd.f32 v3, v0  }
0x171: {  	s8 =	sadd.s32 $0x0, s1;
	[tilespmem:s23+$0x8000] =	vst v1  }
0x172: {  	s1 =	sor.u32 $0x330, s8;
	[tilespmem:s23+$0xC000] =	vst v0  }
0x173: {  	v0 =	vld [tilespmem:s1+$0x0]  }
0x174: {  	s9 =	sor.u32 $0x300, s8;
	v1 =	vld [tilespmem:s1+$0x10000]  }
0x175: {  	v3 =	vld [tilespmem:s9+$0x0]  }
0x176: {  	v4 =	vld [tilespmem:s9+$0x4000]  }
0x177: {  	v5 =	vld [tilespmem:s9+$0x8000]  }
0x178: {  	v6 =	vld [tilespmem:s9+$0xC000]  }
0x179: {  	s24 =	sor.u32 $0x310, s8;
	v7 =	vld [tilespmem:s9+$0x10000]  }
0x17a: {  	v2 =	vld [tilespmem:s24+$0x0]  }
0x17b: {  	v8 =	vld [tilespmem:s24+$0x4000];
	v1 =	vadd.f32 v1, v0  }
0x17c: {  	v9 =	vld [tilespmem:s24+$0x8000];
	v4 =	vadd.f32 v4, v3  }
0x17d: {  	v10 =	vld [tilespmem:s24+$0xC000];
	[tilespmem:s1+$0x10000] =	vst v1;
	v1 =	vadd.f32 v5, v3  }
0x17e: {  	s23 =	sor.u32 $0x320, s8;
	[tilespmem:s9+$0x4000] =	vst v4;
	v4 =	vadd.f32 v6, v3;
	v6 =	vld [tilespmem:s24+$0x10000]  }
0x17f: {  	v3 =	vadd.f32 v7, v3;
	v5 =	vld [tilespmem:s23+$0x4000];
	[tilespmem:s9+$0x8000] =	vst v1  }
0x180: {  	v1 =	vld [tilespmem:s23+$0x0];
	[tilespmem:s9+$0xC000] =	vst v4;
	v4 =	vadd.f32 v8, v2  }
0x181: {  	[tilespmem:s9+$0x10000] =	vst v3;
	v3 =	vld [tilespmem:s23+$0x8000]  }
0x182: {  	s13 =	simm.s32 $0x0;
	p0 =	por !p1, !p1;
	s21 =	simm.s32 $0x0;
	v7 =	vadd.f32 v10, v2;
	v8 =	vadd.f32 v9, v2;
	[tilespmem:s24+$0x4000] =	vst v4;
	v4 =	vld [tilespmem:s23+$0xC000]  }
.LBB2_15:
0x183: {  	s8 =	simm.s32 $0x1  }
0x184: {  	[tilespmem:s24+$0x8000] =	vst v8;
	v2 =	vadd.f32 v6, v2;
	v6 =	vld [tilespmem:s23+$0x10000];
	s8 =	simm.s32 @!p0 $0x0  }
0x185: {  	s13 =	sadd.s32 $0x40, s13;
	s21 =	sadd.s32 $0x200, s21;
	s8 =	sshll.u32 s8, $0x6;
	[tilespmem:s24+$0xC000] =	vst v7;
	v7 =	vld [tilespmem:s1+$0x4000]  }
0x186: {  	p1 =	slt.u32 s13, $0x3C0;
	s8 =	sadd.s32 s8, s21;
	[tilespmem:s24+$0x10000] =	vst v2;
	v2 =	vadd.f32 v5, v1;
	v5 =	vld [tilespmem:s1+$0x8000]  }
0x187: {  	v3 =	vadd.f32 v3, v1;
	s9 =	sor.u32 $0x300, s8;
	s24 =	sor.u32 $0x310, s8;
	s11 =	sor.u32 $0x330, s8;
	v8 =	vld [tilespmem:s1+$0xC000]  }
0x188: {  	s8 =	sor.u32 $0x320, s8;
	v9 =	vld [tilespmem:s11+$0x0];
	[tilespmem:s23+$0x4000] =	vst v2;
	v2 =	vadd.f32 v4, v1  }
0x189: {  	v1 =	vadd.f32 v6, v1;
	v4 =	vld [tilespmem:s11+$0x10000];
	[tilespmem:s23+$0x8000] =	vst v3  }
0x18a: {  	v3 =	vld [tilespmem:s9+$0x0];
	[tilespmem:s23+$0xC000] =	vst v2;
	v2 =	vadd.f32 v7, v0  }
0x18b: {  	v6 =	vld [tilespmem:s9+$0x4000];
	[tilespmem:s23+$0x10000] =	vst v1;
	v1 =	vadd.f32 v5, v0;
	s23 =	smov.u32 s8  }
0x18c: {  	v5 =	vld [tilespmem:s9+$0x8000];
	[tilespmem:s1+$0x4000] =	vst v2;
	v2 =	vadd.f32 v8, v0  }
0x18d: {  	v7 =	vld [tilespmem:s9+$0xC000];
	[tilespmem:s1+$0x8000] =	vst v1;
	v0 =	vmov v9  }
0x18e: {  	v1 =	vld [tilespmem:s9+$0x10000];
	v4 =	vadd.f32 v4, v0;
	[tilespmem:s1+$0xC000] =	vst v2;
	s1 =	smov.u32 s11  }
0x18f: {  	v2 =	vld [tilespmem:s24+$0x0]  }
0x190: {  	v6 =	vadd.f32 v6, v3;
	v8 =	vld [tilespmem:s24+$0x4000];
	[tilespmem:s1+$0x10000] =	vst v4  }
0x191: {  	v4 =	vadd.f32 v5, v3;
	v9 =	vld [tilespmem:s24+$0x8000]  }
0x192: {  	[tilespmem:s9+$0x4000] =	vst v6;
	v5 =	vadd.f32 v7, v3;
	v7 =	vld [tilespmem:s24+$0xC000]  }
.Ltmp6:
0x193: {  	[tilespmem:s9+$0x8000] =	vst v4;
	v3 =	vadd.f32 v1, v3;
	v6 =	vld [tilespmem:s24+$0x10000];
	(pc) =	sbr.rel @p1 .LBB2_15-.Ltmp6, $4  }
0x194: {  	[tilespmem:s9+$0xC000] =	vst v5;
	v1 =	vld [tilespmem:s23+$0x0]  }
0x195: {  	[tilespmem:s9+$0x10000] =	vst v3;
	v4 =	vadd.f32 v8, v2;
	v5 =	vld [tilespmem:s23+$0x4000]  }
0x196: {  	v8 =	vadd.f32 v9, v2;
	v3 =	vld [tilespmem:s23+$0x8000]  }
0x197: {  	p0 =	por !p0, !p0;
	[tilespmem:s24+$0x4000] =	vst v4;
	v7 =	vadd.f32 v7, v2;
	v4 =	vld [tilespmem:s23+$0xC000]  }
0x198: {  	v9 =	vld [tilespmem:s23+$0x10000]  }
0x199: {  	[tilespmem:s24+$0x8000] =	vst v8;
	v2 =	vadd.f32 v6, v2;
	v6 =	vld [tilespmem:s1+$0x4000]  }
0x19a: {  	[tilespmem:s24+$0xC000] =	vst v7;
	v7 =	vld [tilespmem:s1+$0x8000];
	v5 =	vadd.f32 v5, v1  }
0x19b: {  	[tilespmem:s24+$0x10000] =	vst v2;
	v2 =	vadd.f32 v3, v1;
	v3 =	vld [tilespmem:s1+$0xC000]  }
0x19c: {  	[tilespmem:s23+$0x4000] =	vst v5;
	v4 =	vadd.f32 v4, v1  }
0x19d: {  	[tilespmem:s23+$0x8000] =	vst v2;
	v1 =	vadd.f32 v9, v1  }
0x19e: {  	v2 =	vadd.f32 v6, v0;
	[tilespmem:s23+$0xC000] =	vst v4  }
0x19f: {  	[tilespmem:s23+$0x10000] =	vst v1;
	v1 =	vadd.f32 v7, v0  }
0x1a0: {  	[tilespmem:s1+$0x4000] =	vst v2;
	s23 =	simm.s32 $0x0;
	v0 =	vadd.f32 v3, v0  }
0x1a1: {  	s8 =	sor.u32 s23, s3;
	[tilespmem:s1+$0x8000] =	vst v1  }
0x1a2: {  	[tilespmem:s1+$0xC000] =	vst v0;
	s1 =	sor.u32 $0x3B0, s8  }
0x1a3: {  	v0 =	vld [tilespmem:s1+$0x0]  }
0x1a4: {  	s9 =	sor.u32 $0x380, s8;
	v1 =	vld [tilespmem:s1+$0x10000]  }
0x1a5: {  	v2 =	vld [tilespmem:s9+$0x0]  }
0x1a6: {  	v3 =	vld [tilespmem:s9+$0x4000]  }
0x1a7: {  	v4 =	vld [tilespmem:s9+$0x8000]  }
0x1a8: {  	v5 =	vld [tilespmem:s9+$0xC000]  }
0x1a9: {  	s25 =	sor.u32 $0x390, s8;
	v6 =	vld [tilespmem:s9+$0x10000]  }
0x1aa: {  	v8 =	vld [tilespmem:s25+$0x0]  }
0x1ab: {  	v62 =	vld [tilespmem:s25+$0x8000];
	v1 =	vadd.f32 v1, v0  }
0x1ac: {  	v7 =	vld [tilespmem:s25+$0x4000];
	v3 =	vadd.f32 v3, v2  }
0x1ad: {  	v10 =	vld [tilespmem:s25+$0xC000];
	[tilespmem:s1+$0x10000] =	vst v1;
	v1 =	vadd.f32 v4, v2  }
0x1ae: {  	s24 =	sor.u32 $0x3A0, s8;
	v11 =	vld [tilespmem:s25+$0x10000];
	[tilespmem:s9+$0x4000] =	vst v3;
	v3 =	vadd.f32 v5, v2  }
0x1af: {  	v2 =	vadd.f32 v6, v2;
	v5 =	vld [tilespmem:s24+$0x4000];
	[tilespmem:s9+$0x8000] =	vst v1  }
0x1b0: {  	v6 =	vadd.f32 v62, v8;
	v1 =	vld [tilespmem:s24+$0x0];
	[tilespmem:s9+$0xC000] =	vst v3  }
0x1b1: {  	v4 =	vld [tilespmem:s24+$0x8000];
	v3 =	vadd.f32 v7, v8;
	[tilespmem:s9+$0x10000] =	vst v2  }
0x1b2: {  	v2 =	vld [tilespmem:s24+$0xC000];
	v7 =	vadd.f32 v10, v8;
	[tilespmem:s25+$0x8000] =	vst v6  }
0x1b3: {  	v6 =	vadd.f32 v11, v8;
	[tilespmem:s25+$0x4000] =	vst v3;
	v3 =	vld [tilespmem:s24+$0x10000]  }
.LBB2_17:
0x1b4: {  	s23 =	sadd.s32 $0x40, s23;
	[tilespmem:s25+$0xC000] =	vst v7;
	v7 =	vld [tilespmem:s1+$0x4000];
	s3 =	sadd.s32 $0x200, s3  }
0x1b5: {  	s8 =	sor.u32 s23, s3;
	p0 =	slt.u32 s23, $0x3C0;
	[tilespmem:s25+$0x10000] =	vst v6;
	v5 =	vadd.f32 v5, v1;
	v6 =	vld [tilespmem:s1+$0x8000]  }
0x1b6: {  	s9 =	sor.u32 $0x380, s8;
	s25 =	sor.u32 $0x390, s8;
	s11 =	sor.u32 $0x3B0, s8;
	v4 =	vadd.f32 v4, v1;
	v8 =	vld [tilespmem:s1+$0xC000]  }
0x1b7: {  	s8 =	sor.u32 $0x3A0, s8;
	v9 =	vld [tilespmem:s11+$0x0];
	[tilespmem:s24+$0x4000] =	vst v5;
	v2 =	vadd.f32 v2, v1  }
0x1b8: {  	v5 =	vld [tilespmem:s11+$0x10000];
	[tilespmem:s24+$0x8000] =	vst v4;
	v1 =	vadd.f32 v3, v1  }
0x1b9: {  	v3 =	vld [tilespmem:s9+$0x0];
	[tilespmem:s24+$0xC000] =	vst v2;
	v2 =	vadd.f32 v7, v0  }
0x1ba: {  	v4 =	vld [tilespmem:s9+$0x4000];
	[tilespmem:s24+$0x10000] =	vst v1;
	v1 =	vadd.f32 v6, v0;
	s24 =	smov.u32 s8  }
0x1bb: {  	v6 =	vld [tilespmem:s9+$0x8000];
	[tilespmem:s1+$0x4000] =	vst v2;
	v2 =	vadd.f32 v8, v0  }
0x1bc: {  	v7 =	vld [tilespmem:s9+$0xC000];
	[tilespmem:s1+$0x8000] =	vst v1;
	v0 =	vmov v9  }
0x1bd: {  	v1 =	vld [tilespmem:s9+$0x10000];
	v5 =	vadd.f32 v5, v0;
	[tilespmem:s1+$0xC000] =	vst v2;
	s1 =	smov.u32 s11  }
0x1be: {  	v8 =	vld [tilespmem:s25+$0x0]  }
0x1bf: {  	v2 =	vadd.f32 v4, v3;
	v4 =	vld [tilespmem:s25+$0x4000];
	[tilespmem:s1+$0x10000] =	vst v5  }
0x1c0: {  	v5 =	vadd.f32 v6, v3;
	v6 =	vld [tilespmem:s25+$0x8000]  }
0x1c1: {  	[tilespmem:s9+$0x4000] =	vst v2;
	v2 =	vadd.f32 v7, v3;
	v7 =	vld [tilespmem:s25+$0xC000]  }
0x1c2: {  	[tilespmem:s9+$0x8000] =	vst v5;
	v3 =	vadd.f32 v1, v3;
	v9 =	vld [tilespmem:s25+$0x10000]  }
.Ltmp7:
0x1c3: {  	[tilespmem:s9+$0xC000] =	vst v2;
	v1 =	vld [tilespmem:s24+$0x0];
	(pc) =	sbr.rel @p0 .LBB2_17-.Ltmp7, $4  }
0x1c4: {  	[tilespmem:s9+$0x10000] =	vst v3;
	v2 =	vadd.f32 v4, v8;
	v5 =	vld [tilespmem:s24+$0x4000]  }
0x1c5: {  	v3 =	vadd.f32 v6, v8;
	v4 =	vld [tilespmem:s24+$0x8000]  }
0x1c6: {  	[tilespmem:s25+$0x4000] =	vst v2;
	v7 =	vadd.f32 v7, v8;
	v2 =	vld [tilespmem:s24+$0xC000]  }
0x1c7: {  	[tilespmem:s25+$0x8000] =	vst v3;
	v6 =	vadd.f32 v9, v8;
	v3 =	vld [tilespmem:s24+$0x10000]  }
0x1c8: {  	v8 =	vld [tilespmem:s1+$0x4000]  }
0x1c9: {  	[tilespmem:s25+$0xC000] =	vst v7;
	v57 =	vld [tilespmem:s1+$0x8000];
	v5 =	vadd.f32 v5, v1  }
0x1ca: {  	[tilespmem:s25+$0x10000] =	vst v6;
	v4 =	vadd.f32 v4, v1  }
0x1cb: {  	[tilespmem:s24+$0x4000] =	vst v5;
	v2 =	vadd.f32 v2, v1  }
0x1cc: {  	v58 =	vld [tilespmem:s1+$0xC000];
	[tilespmem:s24+$0x8000] =	vst v4;
	v59 =	vadd.f32 v3, v1  }
0x1cd: {  	[tilespmem:s24+$0xC000] =	vst v2;
	v60 =	vadd.f32 v8, v0  }
0x1ce: {  	v61 =	vadd.f32 v57, v0;
	[tilespmem:s24+$0x10000] =	vst v59  }
0x1cf: {  	p0 =	sne.s32 s29, $0x0;
	[tilespmem:s1+$0x4000] =	vst v60  }
.Ltmp8:
0x1d0: {  	[tilespmem:s1+$0x8000] =	vst v61;
	(pc) =	sbr.rel @!p0 .LBB2_19-.Ltmp8, $4  }
0x1d1: {  	s3 =	sshll.u32 s29, $0xB;
	v62 =	vadd.f32 v58, v0;
	s8 =	rddreg [dreg:$0x6]  }
0x1d2: {  	s3 =	sadd.s32 s8, s3  }
0x1d3: {  	s25 =	simm.s32 $0x4000;
	[tilespmem:s1+$0xC000] =	vst v62;
	s24 =	sadd.s32 s2, s3  }
0x1d4: {  	[hbm4b:s24+s5] =	stream.linear.scatter [tilespmem:s25], [sflag:$0x13], $0x2000, $0x38;
	v63 =	vld [tilespmem:$0x0]  }
0x1d5: {  	s1 =	simm.s32 $0x15  }
0x1d6: {  	_ =	swait.ge [sflag:s1], $0x400  }
0x1d7: {  	[sflag:s1] =	ssyncset.done $0x0  }
0x1d8: {  	s13 =	simm.s32 $0x8000;
	s21 =	simm.s32 $0x17;
	[sflag:s1] =	ssyncadd.s32 $0xFFFFFC00  }
0x1d9: {  	[spmem:s15] =	stream.linear.scatter [tilespmem:s13], [sflag:$0xD], $0x2000, $0x38;
	v63 =	vld [tilespmem:$0x0]  }
0x1da: {  	_ =	swait.ge [sflag:s21], $0x400  }
0x1db: {  	[sflag:s21] =	ssyncset.done $0x0  }
0x1dc: {  	s23 =	simm.s32 $0xC000;
	p1 =	seq.s32 s29, $0xF;
	[sflag:s21] =	ssyncadd.s32 $0xFFFFFC00  }
0x1dd: {  	[spmem:s20] =	stream.linear.scatter [tilespmem:s23], [sflag:$0xF], $0x2000, $0x38;
	v63 =	vld [tilespmem:$0x0]  }
.Ltmp9:
0x1de: {  	s24 =	simm.s32 $0x19;
	(pc) =	sbr.rel @!p1 .LBB2_21-.Ltmp9, $4  }
0x1df: {  	_ =	swait.ge [sflag:s24], $0x400  }
0x1e0: {  	[sflag:s24] =	ssyncset.done $0x0  }
0x1e1: {  	s25 =	simm.s32 $0x10000;
	[sflag:s24] =	ssyncadd.s32 $0xFFFFFC00  }
0x1e2: {  	[spmem:s26] =	stream.linear.scatter [tilespmem:s25], [sflag:$0x11], $0x2000, $0x38;
	v63 =	vld [tilespmem:$0x0]  }
.Ltmp10:
0x1e3: {  	(pc) =	sbr.rel .LBB2_23-.Ltmp10, $4  }
0x1e4: {  	s1 =	simm.s32 $0x13  }
0x1e5: {  	_ =	swait.ge [sflag:s1], $0x2000  }
0x1e6: {  	[sflag:s1] =	ssyncset.done $0x0  }
0x1e7: {  	p1 =	por $0x1, $0x1;
	[sflag:s1] =	ssyncadd.s32 $0xFFFFE000  }
.LBB2_19:
0x1e8: {  	s1 =	simm.s32 $0x8000  }
0x1e9: {  	[spmem:s15] =	stream.linear.scatter [tilespmem:s1], [sflag:$0xD], $0x2000, $0x38;
	v63 =	vld [tilespmem:$0x0]  }
0x1ea: {  	s24 =	simm.s32 $0xC000  }
0x1eb: {  	[spmem:s20] =	stream.linear.scatter [tilespmem:s24], [sflag:$0xF], $0x2000, $0x38;
	v63 =	vld [tilespmem:$0x0]  }
0x1ec: {  	s25 =	simm.s32 $0x10000  }
0x1ed: {  	[spmem:s26] =	stream.linear.scatter [tilespmem:s25], [sflag:$0x11], $0x2000, $0x38;
	v63 =	vld [tilespmem:$0x0]  }
.LBB2_21:
0x1ee: {  	s1 =	sadd.s32 s22, s28  }
0x1ef: {  	s8 =	rddreg [dreg:$0x1];
	s1 =	sshll.u32 s1, $0x7  }
0x1f0: {  	s24 =	simm.s32 $0x13;
	s8 =	sadd.s32 s8, s1  }
0x1f1: {  	[tilespmem:s5], [sflag:$0x1] =	stream.linear.gather [hbm4b:s8+s5], $0x2000, $0x38;
	v63 =	vld [tilespmem:$0x0]  }
0x1f2: {  	_ =	swait.ge [sflag:s24], $0x2000  }
0x1f3: {  	[sflag:s24] =	ssyncset.done $0x0  }
0x1f4: {  	[sflag:s24] =	ssyncadd.s32 $0xFFFFE000  }
0x1f5: {  	s8 =	rddreg [dreg:$0x0]  }
0x1f6: {  	s25 =	simm.s32 $0x4000;
	p1 =	por $0x0, $0x0;
	s1 =	sadd.s32 s8, s1  }
0x1f7: {  	[tilespmem:s25], [sflag:$0x3] =	stream.linear.gather [hbm4b:s1+s5], $0x2000, $0x38;
	v63 =	vld [tilespmem:$0x0]  }
.LBB2_23:
0x1f8: {  	s1 =	simm.s32 $0xD  }
0x1f9: {  	_ =	swait.ge [sflag:s1], $0x2000  }
0x1fa: {  	[sflag:s1] =	ssyncset.done $0x0  }
0x1fb: {  	s8 =	rddreg [dreg:$0x11];
	[sflag:s1] =	ssyncadd.s32 $0xFFFFE000;
	s1 =	sshll.u32 s4, $0x6  }
0x1fc: {  	s11 =	sshrl.u32 s15, $0x3;
	s8 =	sadd.s32 s3, s8;
	s9 =	sor.u32 $0x1C15, s1  }
0x1fd: {  	[hbm:s8], [sflag:s9] =	dma.local [spmem:s11], $0x400  }
0x1fe: {  	s8 =	simm.s32 @p1 $0xF  }
0x1ff: {  	_ =	swait.ge @p1 [sflag:s8], $0x2000  }
0x200: {  	[sflag:s8] =	ssyncset.done @p1 $0x0  }
0x201: {  	[sflag:s8] =	ssyncadd.s32 @p1 $0xFFFFE000;
	s8 =	sshll.u32 @p1 s4, $0x6  }
0x202: {  	s9 =	sadd.s32 @p1 s3, s30;
	s11 =	sshrl.u32 @p1 s20, $0x3;
	s8 =	sor.u32 @p1 $0x1C17, s8  }
0x203: {  	[hbm:s9], [sflag:s8] =	dma.local @p1 [spmem:s11], $0x400  }
0x204: {  	s8 =	sadd.s32 @!p1 s22, s28  }
0x205: {  	s8 =	sshll.u32 @!p1 s8, $0x7  }
0x206: {  	s13 =	simm.s32 @!p1 $0x8000;
	s11 =	simm.s32 @!p1 $0x0;
	s9 =	sadd.s32 @!p1 s8, s10  }
0x207: {  	[tilespmem:s13], [sflag:$0x5] =	stream.linear.gather @!p1 [hbm4b:s9+s11], $0x2000, $0x38;
	v63 =	vld [tilespmem:$0x0]  }
0x208: {  	s9 =	simm.s32 @!p1 $0xF  }
0x209: {  	_ =	swait.ge @!p1 [sflag:s9], $0x2000  }
0x20a: {  	[sflag:s9] =	ssyncset.done @!p1 $0x0  }
0x20b: {  	[sflag:s9] =	ssyncadd.s32 @!p1 $0xFFFFE000;
	s9 =	sshll.u32 @!p1 s4, $0x6  }
0x20c: {  	s21 =	sshrl.u32 @!p1 s20, $0x3;
	s13 =	sadd.s32 @!p1 s3, s30;
	s9 =	sor.u32 @!p1 $0x1C17, s9  }
0x20d: {  	[hbm:s13], [sflag:s9] =	dma.local @!p1 [spmem:s21], $0x400  }
0x20e: {  	s25 =	simm.s32 $0x11;
	s9 =	sadd.s32 @!p1 s8, s12;
	s13 =	simm.s32 @!p1 $0xC000  }
0x20f: {  	[tilespmem:s13], [sflag:$0x7] =	stream.linear.gather @!p1 [hbm4b:s9+s11], $0x2000, $0x38;
	v63 =	vld [tilespmem:$0x0]  }
0x210: {  	_ =	swait.ge [sflag:s25], $0x2000  }
0x211: {  	s23 =	sshrl.u32 s26, $0x3;
	s24 =	simm.s32 $0x2;
	[sflag:s25] =	ssyncset.done $0x0  }
0x212: {  	s22 =	sor.u32 $0x1C19, s1;
	s13 =	rddreg [dreg:$0x12];
	[sflag:s25] =	ssyncadd.s32 $0xFFFFE000  }
0x213: {  	s21 =	sadd.s32 s3, s13;
	s3 =	sadd.s32 @!p1 s8, s14;
	s8 =	simm.s32 @!p1 $0x10000  }
0x214: {  	[hbm:s21], [sflag:s22] =	dma.local [spmem:s23], $0x400  }
0x215: {  	[tilespmem:s8], [sflag:$0x9] =	stream.linear.gather @!p1 [hbm4b:s3+s11], $0x2000, $0x38;
	v63 =	vld [tilespmem:$0x0]  }
0x216: {  	_ =	swait.ge [sflag:s24], $0x2000  }
0x217: {  	[sflag:s24] =	ssyncset.done $0x0  }
0x218: {  	[sflag:s24] =	ssyncadd.s32 $0xFFFFE000  }
0x219: {  	_ =	swait.ge [sflag:s0], $0x2000  }
0x21a: {  	[sflag:s0] =	ssyncset.done $0x0  }
0x21b: {  	[sflag:s0] =	ssyncadd.s32 $0xFFFFE000  }
0x21c: {  	_ =	swait.ge [sflag:s6], $0x2000  }
0x21d: {  	[sflag:s6] =	ssyncset.done $0x0  }
0x21e: {  	[sflag:s6] =	ssyncadd.s32 $0xFFFFE000  }
0x21f: {  	_ =	swait.ge [sflag:s16], $0x2000  }
0x220: {  	[sflag:s16] =	ssyncset.done $0x0  }
0x221: {  	[sflag:s16] =	ssyncadd.s32 $0xFFFFE000  }
0x222: {  	s22 =	simm.s32 $0x0;
	s24 =	simm.s32 $0x0;
	_ =	swait.ge [sflag:s7], $0x2000  }
0x223: {  	s3 =	sand.u32 $0x1C00, s22;
	s25 =	sand.u32 $0x40, s24;
	[sflag:s7] =	ssyncset.done $0x0  }
0x224: {  	s23 =	sor.u32 s25, s3;
	[sflag:s7] =	ssyncadd.s32 $0xFFFFE000  }
0x225: {  	v0 =	vld [tilespmem:s23+$0x2030]  }
0x226: {  	v1 =	vld [tilespmem:s23+$0x12030]  }
0x227: {  	v2 =	vld [tilespmem:s23+$0x2000]  }
0x228: {  	v3 =	vld [tilespmem:s23+$0x6000]  }
0x229: {  	v4 =	vld [tilespmem:s23+$0xA000]  }
0x22a: {  	v8 =	vld [tilespmem:s23+$0x2010]  }
0x22b: {  	v9 =	vld [tilespmem:s23+$0xA010];
	_ =	sdelay $0x1  }
0x22c: {  	v5 =	vld [tilespmem:s23+$0xE000]  }
0x22d: {  	v6 =	vld [tilespmem:s23+$0x12000];
	v1 =	vadd.f32 v1, v0  }
0x22e: {  	v7 =	vld [tilespmem:s23+$0x6010];
	v3 =	vadd.f32 v3, v2  }
0x22f: {  	v9 =	vadd.f32 v9, v8;
	[tilespmem:s23+$0x12030] =	vst v1;
	v1 =	vadd.f32 v4, v2;
	v4 =	vld [tilespmem:s23+$0xE010]  }
0x230: {  	v10 =	vld [tilespmem:s23+$0x12010];
	[tilespmem:s23+$0x6000] =	vst v3  }
0x231: {  	v3 =	vadd.f32 v5, v2;
	v5 =	vld [tilespmem:s23+$0x6020];
	[tilespmem:s23+$0xA010] =	vst v9  }
0x232: {  	v2 =	vadd.f32 v6, v2;
	[tilespmem:s23+$0xA000] =	vst v1;
	v1 =	vld [tilespmem:s23+$0x2020]  }
0x233: {  	v6 =	vadd.f32 v7, v8;
	[tilespmem:s23+$0xE000] =	vst v3;
	v3 =	vld [tilespmem:s23+$0xA020]  }
0x234: {  	[tilespmem:s23+$0x12000] =	vst v2;
	v2 =	vld [tilespmem:s23+$0xE020];
	v7 =	vadd.f32 v4, v8  }
0x235: {  	s13 =	simm.s32 $0x0;
	[tilespmem:s23+$0x6010] =	vst v6;
	v6 =	vadd.f32 v10, v8;
	v4 =	vld [tilespmem:s23+$0x12020]  }
.LBB2_24:
0x236: {  	s24 =	sadd.s32 $0x40, s24;
	[tilespmem:s23+$0xE010] =	vst v7;
	v7 =	vld [tilespmem:s23+$0x6030];
	s13 =	sadd.s32 $0x200, s13  }
0x237: {  	s8 =	sand.u32 $0x40, s24;
	s9 =	sand.u32 $0x1C00, s13;
	p1 =	slt.u32 s24, $0x3C0;
	[tilespmem:s23+$0x12010] =	vst v6;
	v5 =	vadd.f32 v5, v1;
	v6 =	vld [tilespmem:s23+$0xA030]  }
0x238: {  	s8 =	sor.u32 s8, s9;
	v3 =	vadd.f32 v3, v1;
	v8 =	vld [tilespmem:s23+$0xE030]  }
0x239: {  	v9 =	vld [tilespmem:s8+$0x2030];
	[tilespmem:s23+$0x6020] =	vst v5;
	v2 =	vadd.f32 v2, v1  }
0x23a: {  	v5 =	vld [tilespmem:s8+$0x12030];
	[tilespmem:s23+$0xA020] =	vst v3;
	v1 =	vadd.f32 v4, v1  }
0x23b: {  	v3 =	vld [tilespmem:s8+$0x2000];
	[tilespmem:s23+$0xE020] =	vst v2;
	v2 =	vadd.f32 v7, v0  }
0x23c: {  	v4 =	vld [tilespmem:s8+$0x6000];
	[tilespmem:s23+$0x12020] =	vst v1;
	v1 =	vadd.f32 v6, v0  }
0x23d: {  	v6 =	vld [tilespmem:s8+$0xA000];
	[tilespmem:s23+$0x6030] =	vst v2;
	v2 =	vadd.f32 v8, v0  }
0x23e: {  	v7 =	vld [tilespmem:s8+$0xE000];
	[tilespmem:s23+$0xA030] =	vst v1;
	v0 =	vmov v9  }
0x23f: {  	v1 =	vld [tilespmem:s8+$0x12000];
	v5 =	vadd.f32 v5, v0;
	[tilespmem:s23+$0xE030] =	vst v2;
	s23 =	smov.u32 s8  }
0x240: {  	v8 =	vld [tilespmem:s23+$0x2010]  }
0x241: {  	v2 =	vadd.f32 v4, v3;
	v4 =	vld [tilespmem:s23+$0x6010];
	[tilespmem:s23+$0x12030] =	vst v5  }
0x242: {  	v5 =	vadd.f32 v6, v3;
	v6 =	vld [tilespmem:s23+$0xA010]  }
0x243: {  	[tilespmem:s23+$0x6000] =	vst v2;
	v2 =	vadd.f32 v7, v3;
	v7 =	vld [tilespmem:s23+$0xE010]  }
0x244: {  	[tilespmem:s23+$0xA000] =	vst v5;
	v3 =	vadd.f32 v1, v3;
	v9 =	vld [tilespmem:s23+$0x12010]  }
.Ltmp11:
0x245: {  	[tilespmem:s23+$0xE000] =	vst v2;
	v1 =	vld [tilespmem:s23+$0x2020];
	(pc) =	sbr.rel @p1 .LBB2_24-.Ltmp11, $4  }
0x246: {  	[tilespmem:s23+$0x12000] =	vst v3;
	v2 =	vadd.f32 v4, v8;
	v5 =	vld [tilespmem:s23+$0x6020]  }
0x247: {  	v4 =	vadd.f32 v6, v8;
	v3 =	vld [tilespmem:s23+$0xA020]  }
0x248: {  	[tilespmem:s23+$0x6010] =	vst v2;
	v7 =	vadd.f32 v7, v8;
	v2 =	vld [tilespmem:s23+$0xE020]  }
0x249: {  	[tilespmem:s23+$0xA010] =	vst v4;
	v6 =	vadd.f32 v9, v8;
	v4 =	vld [tilespmem:s23+$0x12020]  }
0x24a: {  	v8 =	vld [tilespmem:s23+$0x6030]  }
0x24b: {  	[tilespmem:s23+$0xE010] =	vst v7;
	v7 =	vld [tilespmem:s23+$0xA030];
	v5 =	vadd.f32 v5, v1  }
0x24c: {  	[tilespmem:s23+$0x12010] =	vst v6;
	v6 =	vld [tilespmem:s23+$0xE030];
	v3 =	vadd.f32 v3, v1  }
0x24d: {  	[tilespmem:s23+$0x6020] =	vst v5;
	v2 =	vadd.f32 v2, v1  }
0x24e: {  	[tilespmem:s23+$0xA020] =	vst v3;
	v1 =	vadd.f32 v4, v1  }
0x24f: {  	[tilespmem:s23+$0xE020] =	vst v2;
	v2 =	vadd.f32 v8, v0  }
0x250: {  	[tilespmem:s23+$0x12020] =	vst v1;
	v1 =	vadd.f32 v7, v0  }
0x251: {  	s24 =	simm.s32 $0x0;
	v0 =	vadd.f32 v6, v0;
	[tilespmem:s23+$0x6030] =	vst v2  }
0x252: {  	s8 =	sand.u32 $0x40, s24;
	[tilespmem:s23+$0xA030] =	vst v1  }
0x253: {  	[tilespmem:s23+$0xE030] =	vst v0;
	s23 =	sor.u32 s8, s3  }
0x254: {  	v0 =	vld [tilespmem:s23+$0x20B0]  }
0x255: {  	v1 =	vld [tilespmem:s23+$0x120B0]  }
0x256: {  	v2 =	vld [tilespmem:s23+$0x2080]  }
0x257: {  	v3 =	vld [tilespmem:s23+$0x6080]  }
0x258: {  	v4 =	vld [tilespmem:s23+$0xA080]  }
0x259: {  	v8 =	vld [tilespmem:s23+$0x2090]  }
0x25a: {  	v9 =	vld [tilespmem:s23+$0xA090];
	_ =	sdelay $0x1  }
0x25b: {  	v5 =	vld [tilespmem:s23+$0xE080]  }
0x25c: {  	v6 =	vld [tilespmem:s23+$0x12080];
	v1 =	vadd.f32 v1, v0  }
0x25d: {  	v7 =	vld [tilespmem:s23+$0x6090];
	v3 =	vadd.f32 v3, v2  }
0x25e: {  	v9 =	vadd.f32 v9, v8;
	[tilespmem:s23+$0x120B0] =	vst v1;
	v1 =	vadd.f32 v4, v2;
	v4 =	vld [tilespmem:s23+$0xE090]  }
0x25f: {  	v10 =	vld [tilespmem:s23+$0x12090];
	[tilespmem:s23+$0x6080] =	vst v3  }
0x260: {  	v3 =	vadd.f32 v5, v2;
	v5 =	vld [tilespmem:s23+$0x60A0];
	[tilespmem:s23+$0xA090] =	vst v9  }
0x261: {  	v2 =	vadd.f32 v6, v2;
	[tilespmem:s23+$0xA080] =	vst v1;
	v1 =	vld [tilespmem:s23+$0x20A0]  }
0x262: {  	v6 =	vadd.f32 v7, v8;
	[tilespmem:s23+$0xE080] =	vst v3;
	v3 =	vld [tilespmem:s23+$0xA0A0]  }
0x263: {  	[tilespmem:s23+$0x12080] =	vst v2;
	v2 =	vld [tilespmem:s23+$0xE0A0];
	v7 =	vadd.f32 v4, v8  }
0x264: {  	[tilespmem:s23+$0x6090] =	vst v6;
	v6 =	vadd.f32 v10, v8;
	v4 =	vld [tilespmem:s23+$0x120A0]  }
.LBB2_26:
0x265: {  	s24 =	sadd.s32 $0x40, s24;
	[tilespmem:s23+$0xE090] =	vst v7;
	v7 =	vld [tilespmem:s23+$0x60B0];
	s22 =	sadd.s32 $0x200, s22  }
0x266: {  	s3 =	sand.u32 $0x40, s24;
	s8 =	sand.u32 $0x1C00, s22;
	p1 =	slt.u32 s24, $0x3C0;
	[tilespmem:s23+$0x12090] =	vst v6;
	v5 =	vadd.f32 v5, v1;
	v6 =	vld [tilespmem:s23+$0xA0B0]  }
0x267: {  	s3 =	sor.u32 s3, s8;
	v3 =	vadd.f32 v3, v1;
	v8 =	vld [tilespmem:s23+$0xE0B0]  }
0x268: {  	v9 =	vld [tilespmem:s3+$0x20B0];
	[tilespmem:s23+$0x60A0] =	vst v5;
	v2 =	vadd.f32 v2, v1  }
0x269: {  	v5 =	vld [tilespmem:s3+$0x120B0];
	[tilespmem:s23+$0xA0A0] =	vst v3;
	v1 =	vadd.f32 v4, v1  }
0x26a: {  	v3 =	vld [tilespmem:s3+$0x2080];
	[tilespmem:s23+$0xE0A0] =	vst v2;
	v2 =	vadd.f32 v7, v0  }
0x26b: {  	v4 =	vld [tilespmem:s3+$0x6080];
	[tilespmem:s23+$0x120A0] =	vst v1;
	v1 =	vadd.f32 v6, v0  }
0x26c: {  	v6 =	vld [tilespmem:s3+$0xA080];
	[tilespmem:s23+$0x60B0] =	vst v2;
	v2 =	vadd.f32 v8, v0  }
0x26d: {  	v7 =	vld [tilespmem:s3+$0xE080];
	[tilespmem:s23+$0xA0B0] =	vst v1;
	v0 =	vmov v9  }
0x26e: {  	v1 =	vld [tilespmem:s3+$0x12080];
	v5 =	vadd.f32 v5, v0;
	[tilespmem:s23+$0xE0B0] =	vst v2;
	s23 =	smov.u32 s3  }
0x26f: {  	v8 =	vld [tilespmem:s23+$0x2090]  }
0x270: {  	s3 =	simm.s32 $0x0;
	v2 =	vadd.f32 v4, v3;
	v4 =	vld [tilespmem:s23+$0x6090];
	[tilespmem:s23+$0x120B0] =	vst v5  }
0x271: {  	v5 =	vadd.f32 v6, v3;
	v6 =	vld [tilespmem:s23+$0xA090]  }
0x272: {  	[tilespmem:s23+$0x6080] =	vst v2;
	v2 =	vadd.f32 v7, v3;
	v7 =	vld [tilespmem:s23+$0xE090]  }
0x273: {  	[tilespmem:s23+$0xA080] =	vst v5;
	v3 =	vadd.f32 v1, v3;
	v9 =	vld [tilespmem:s23+$0x12090]  }
.Ltmp12:
0x274: {  	[tilespmem:s23+$0xE080] =	vst v2;
	v1 =	vld [tilespmem:s23+$0x20A0];
	(pc) =	sbr.rel @p1 .LBB2_26-.Ltmp12, $4  }
0x275: {  	[tilespmem:s23+$0x12080] =	vst v3;
	v2 =	vadd.f32 v4, v8;
	v5 =	vld [tilespmem:s23+$0x60A0]  }
0x276: {  	v4 =	vadd.f32 v6, v8;
	v3 =	vld [tilespmem:s23+$0xA0A0]  }
0x277: {  	[tilespmem:s23+$0x6090] =	vst v2;
	v7 =	vadd.f32 v7, v8;
	v2 =	vld [tilespmem:s23+$0xE0A0]  }
0x278: {  	[tilespmem:s23+$0xA090] =	vst v4;
	v6 =	vadd.f32 v9, v8;
	v4 =	vld [tilespmem:s23+$0x120A0]  }
0x279: {  	v8 =	vld [tilespmem:s23+$0x60B0]  }
0x27a: {  	[tilespmem:s23+$0xE090] =	vst v7;
	v7 =	vld [tilespmem:s23+$0xA0B0];
	v5 =	vadd.f32 v5, v1  }
0x27b: {  	[tilespmem:s23+$0x12090] =	vst v6;
	v6 =	vld [tilespmem:s23+$0xE0B0];
	v3 =	vadd.f32 v3, v1  }
0x27c: {  	[tilespmem:s23+$0x60A0] =	vst v5;
	v2 =	vadd.f32 v2, v1  }
0x27d: {  	[tilespmem:s23+$0xA0A0] =	vst v3;
	v1 =	vadd.f32 v4, v1  }
0x27e: {  	[tilespmem:s23+$0xE0A0] =	vst v2;
	v2 =	vadd.f32 v8, v0  }
0x27f: {  	[tilespmem:s23+$0x120A0] =	vst v1;
	v1 =	vadd.f32 v7, v0  }
0x280: {  	s24 =	simm.s32 $0x0;
	v0 =	vadd.f32 v6, v0;
	[tilespmem:s23+$0x60B0] =	vst v2  }
0x281: {  	s22 =	sand.u32 $0x1C00, s3;
	s8 =	sand.u32 $0x40, s24;
	[tilespmem:s23+$0xA0B0] =	vst v1  }
0x282: {  	[tilespmem:s23+$0xE0B0] =	vst v0;
	s23 =	sor.u32 s8, s22  }
0x283: {  	v0 =	vld [tilespmem:s23+$0x2130]  }
0x284: {  	v1 =	vld [tilespmem:s23+$0x12130]  }
0x285: {  	v2 =	vld [tilespmem:s23+$0x2100]  }
0x286: {  	v3 =	vld [tilespmem:s23+$0x6100]  }
0x287: {  	v4 =	vld [tilespmem:s23+$0xA100]  }
0x288: {  	v8 =	vld [tilespmem:s23+$0x2110]  }
0x289: {  	v9 =	vld [tilespmem:s23+$0xA110];
	_ =	sdelay $0x1  }
0x28a: {  	v5 =	vld [tilespmem:s23+$0xE100]  }
0x28b: {  	v6 =	vld [tilespmem:s23+$0x12100];
	v1 =	vadd.f32 v1, v0  }
0x28c: {  	v7 =	vld [tilespmem:s23+$0x6110];
	v3 =	vadd.f32 v3, v2  }
0x28d: {  	v9 =	vadd.f32 v9, v8;
	[tilespmem:s23+$0x12130] =	vst v1;
	v1 =	vadd.f32 v4, v2;
	v4 =	vld [tilespmem:s23+$0xE110]  }
0x28e: {  	v10 =	vld [tilespmem:s23+$0x12110];
	[tilespmem:s23+$0x6100] =	vst v3  }
0x28f: {  	v3 =	vadd.f32 v5, v2;
	v5 =	vld [tilespmem:s23+$0x6120];
	[tilespmem:s23+$0xA110] =	vst v9  }
0x290: {  	v2 =	vadd.f32 v6, v2;
	[tilespmem:s23+$0xA100] =	vst v1;
	v1 =	vld [tilespmem:s23+$0x2120]  }
0x291: {  	v6 =	vadd.f32 v7, v8;
	[tilespmem:s23+$0xE100] =	vst v3;
	v3 =	vld [tilespmem:s23+$0xA120]  }
0x292: {  	[tilespmem:s23+$0x12100] =	vst v2;
	v2 =	vld [tilespmem:s23+$0xE120];
	v7 =	vadd.f32 v4, v8  }
0x293: {  	s13 =	simm.s32 $0x0;
	[tilespmem:s23+$0x6110] =	vst v6;
	v6 =	vadd.f32 v10, v8;
	v4 =	vld [tilespmem:s23+$0x12120]  }
.LBB2_28:
0x294: {  	s24 =	sadd.s32 $0x40, s24;
	[tilespmem:s23+$0xE110] =	vst v7;
	v7 =	vld [tilespmem:s23+$0x6130];
	s13 =	sadd.s32 $0x200, s13  }
0x295: {  	s8 =	sand.u32 $0x40, s24;
	s9 =	sand.u32 $0x1C00, s13;
	p1 =	slt.u32 s24, $0x3C0;
	[tilespmem:s23+$0x12110] =	vst v6;
	v5 =	vadd.f32 v5, v1;
	v6 =	vld [tilespmem:s23+$0xA130]  }
0x296: {  	s8 =	sor.u32 s8, s9;
	v3 =	vadd.f32 v3, v1;
	v8 =	vld [tilespmem:s23+$0xE130]  }
0x297: {  	v9 =	vld [tilespmem:s8+$0x2130];
	[tilespmem:s23+$0x6120] =	vst v5;
	v2 =	vadd.f32 v2, v1  }
0x298: {  	v5 =	vld [tilespmem:s8+$0x12130];
	[tilespmem:s23+$0xA120] =	vst v3;
	v1 =	vadd.f32 v4, v1  }
0x299: {  	v3 =	vld [tilespmem:s8+$0x2100];
	[tilespmem:s23+$0xE120] =	vst v2;
	v2 =	vadd.f32 v7, v0  }
0x29a: {  	v4 =	vld [tilespmem:s8+$0x6100];
	[tilespmem:s23+$0x12120] =	vst v1;
	v1 =	vadd.f32 v6, v0  }
0x29b: {  	v6 =	vld [tilespmem:s8+$0xA100];
	[tilespmem:s23+$0x6130] =	vst v2;
	v2 =	vadd.f32 v8, v0  }
0x29c: {  	v7 =	vld [tilespmem:s8+$0xE100];
	[tilespmem:s23+$0xA130] =	vst v1;
	v0 =	vmov v9  }
0x29d: {  	v1 =	vld [tilespmem:s8+$0x12100];
	v5 =	vadd.f32 v5, v0;
	[tilespmem:s23+$0xE130] =	vst v2;
	s23 =	smov.u32 s8  }
0x29e: {  	v8 =	vld [tilespmem:s23+$0x2110]  }
0x29f: {  	v2 =	vadd.f32 v4, v3;
	v4 =	vld [tilespmem:s23+$0x6110];
	[tilespmem:s23+$0x12130] =	vst v5  }
0x2a0: {  	v5 =	vadd.f32 v6, v3;
	v6 =	vld [tilespmem:s23+$0xA110]  }
0x2a1: {  	[tilespmem:s23+$0x6100] =	vst v2;
	v2 =	vadd.f32 v7, v3;
	v7 =	vld [tilespmem:s23+$0xE110]  }
0x2a2: {  	[tilespmem:s23+$0xA100] =	vst v5;
	v3 =	vadd.f32 v1, v3;
	v9 =	vld [tilespmem:s23+$0x12110]  }
.Ltmp13:
0x2a3: {  	[tilespmem:s23+$0xE100] =	vst v2;
	v1 =	vld [tilespmem:s23+$0x2120];
	(pc) =	sbr.rel @p1 .LBB2_28-.Ltmp13, $4  }
0x2a4: {  	[tilespmem:s23+$0x12100] =	vst v3;
	v2 =	vadd.f32 v4, v8;
	v5 =	vld [tilespmem:s23+$0x6120]  }
0x2a5: {  	v4 =	vadd.f32 v6, v8;
	v3 =	vld [tilespmem:s23+$0xA120]  }
0x2a6: {  	[tilespmem:s23+$0x6110] =	vst v2;
	v7 =	vadd.f32 v7, v8;
	v2 =	vld [tilespmem:s23+$0xE120]  }
0x2a7: {  	[tilespmem:s23+$0xA110] =	vst v4;
	v6 =	vadd.f32 v9, v8;
	v4 =	vld [tilespmem:s23+$0x12120]  }
0x2a8: {  	v8 =	vld [tilespmem:s23+$0x6130]  }
0x2a9: {  	[tilespmem:s23+$0xE110] =	vst v7;
	v7 =	vld [tilespmem:s23+$0xA130];
	v5 =	vadd.f32 v5, v1  }
0x2aa: {  	[tilespmem:s23+$0x12110] =	vst v6;
	v6 =	vld [tilespmem:s23+$0xE130];
	v3 =	vadd.f32 v3, v1  }
0x2ab: {  	[tilespmem:s23+$0x6120] =	vst v5;
	v2 =	vadd.f32 v2, v1  }
0x2ac: {  	[tilespmem:s23+$0xA120] =	vst v3;
	v1 =	vadd.f32 v4, v1  }
0x2ad: {  	[tilespmem:s23+$0xE120] =	vst v2;
	v2 =	vadd.f32 v8, v0  }
0x2ae: {  	[tilespmem:s23+$0x12120] =	vst v1;
	v1 =	vadd.f32 v7, v0  }
0x2af: {  	s24 =	simm.s32 $0x0;
	v0 =	vadd.f32 v6, v0;
	[tilespmem:s23+$0x6130] =	vst v2  }
0x2b0: {  	s8 =	sand.u32 $0x40, s24;
	[tilespmem:s23+$0xA130] =	vst v1  }
0x2b1: {  	[tilespmem:s23+$0xE130] =	vst v0;
	s23 =	sor.u32 s8, s22  }
0x2b2: {  	v0 =	vld [tilespmem:s23+$0x21B0]  }
0x2b3: {  	v1 =	vld [tilespmem:s23+$0x121B0]  }
0x2b4: {  	v2 =	vld [tilespmem:s23+$0x2180]  }
0x2b5: {  	v3 =	vld [tilespmem:s23+$0x6180]  }
0x2b6: {  	v4 =	vld [tilespmem:s23+$0xA180]  }
0x2b7: {  	v8 =	vld [tilespmem:s23+$0x2190]  }
0x2b8: {  	v9 =	vld [tilespmem:s23+$0xA190];
	_ =	sdelay $0x1  }
0x2b9: {  	v5 =	vld [tilespmem:s23+$0xE180]  }
0x2ba: {  	v6 =	vld [tilespmem:s23+$0x12180];
	v1 =	vadd.f32 v1, v0  }
0x2bb: {  	v7 =	vld [tilespmem:s23+$0x6190];
	v3 =	vadd.f32 v3, v2  }
0x2bc: {  	v9 =	vadd.f32 v9, v8;
	[tilespmem:s23+$0x121B0] =	vst v1;
	v1 =	vadd.f32 v4, v2;
	v4 =	vld [tilespmem:s23+$0xE190]  }
0x2bd: {  	v10 =	vld [tilespmem:s23+$0x12190];
	[tilespmem:s23+$0x6180] =	vst v3  }
0x2be: {  	v3 =	vadd.f32 v5, v2;
	v5 =	vld [tilespmem:s23+$0x61A0];
	[tilespmem:s23+$0xA190] =	vst v9  }
0x2bf: {  	v2 =	vadd.f32 v6, v2;
	[tilespmem:s23+$0xA180] =	vst v1;
	v1 =	vld [tilespmem:s23+$0x21A0]  }
0x2c0: {  	v6 =	vadd.f32 v7, v8;
	[tilespmem:s23+$0xE180] =	vst v3;
	v3 =	vld [tilespmem:s23+$0xA1A0]  }
0x2c1: {  	[tilespmem:s23+$0x12180] =	vst v2;
	v2 =	vld [tilespmem:s23+$0xE1A0];
	v7 =	vadd.f32 v4, v8  }
0x2c2: {  	[tilespmem:s23+$0x6190] =	vst v6;
	v6 =	vadd.f32 v10, v8;
	v4 =	vld [tilespmem:s23+$0x121A0]  }
.LBB2_30:
0x2c3: {  	s24 =	sadd.s32 $0x40, s24;
	[tilespmem:s23+$0xE190] =	vst v7;
	v7 =	vld [tilespmem:s23+$0x61B0];
	s3 =	sadd.s32 $0x200, s3  }
0x2c4: {  	s8 =	sand.u32 $0x40, s24;
	s9 =	sand.u32 $0x1C00, s3;
	p2 =	slt.u32 s24, $0x3C0;
	[tilespmem:s23+$0x12190] =	vst v6;
	v5 =	vadd.f32 v5, v1;
	v6 =	vld [tilespmem:s23+$0xA1B0]  }
0x2c5: {  	s8 =	sor.u32 s8, s9;
	v3 =	vadd.f32 v3, v1;
	v8 =	vld [tilespmem:s23+$0xE1B0]  }
0x2c6: {  	v9 =	vld [tilespmem:s8+$0x21B0];
	[tilespmem:s23+$0x61A0] =	vst v5;
	v2 =	vadd.f32 v2, v1  }
0x2c7: {  	v5 =	vld [tilespmem:s8+$0x121B0];
	[tilespmem:s23+$0xA1A0] =	vst v3;
	v1 =	vadd.f32 v4, v1  }
0x2c8: {  	v3 =	vld [tilespmem:s8+$0x2180];
	[tilespmem:s23+$0xE1A0] =	vst v2;
	v2 =	vadd.f32 v7, v0  }
0x2c9: {  	v4 =	vld [tilespmem:s8+$0x6180];
	[tilespmem:s23+$0x121A0] =	vst v1;
	v1 =	vadd.f32 v6, v0  }
0x2ca: {  	v6 =	vld [tilespmem:s8+$0xA180];
	[tilespmem:s23+$0x61B0] =	vst v2;
	v2 =	vadd.f32 v8, v0  }
0x2cb: {  	v7 =	vld [tilespmem:s8+$0xE180];
	[tilespmem:s23+$0xA1B0] =	vst v1;
	v0 =	vmov v9  }
0x2cc: {  	v1 =	vld [tilespmem:s8+$0x12180];
	v5 =	vadd.f32 v5, v0;
	[tilespmem:s23+$0xE1B0] =	vst v2;
	s23 =	smov.u32 s8  }
0x2cd: {  	v8 =	vld [tilespmem:s23+$0x2190]  }
0x2ce: {  	s22 =	simm.s32 $0x0;
	p1 =	por $0x0, $0x0;
	v2 =	vadd.f32 v4, v3;
	v4 =	vld [tilespmem:s23+$0x6190];
	[tilespmem:s23+$0x121B0] =	vst v5  }
0x2cf: {  	v5 =	vadd.f32 v6, v3;
	v6 =	vld [tilespmem:s23+$0xA190]  }
0x2d0: {  	[tilespmem:s23+$0x6180] =	vst v2;
	v2 =	vadd.f32 v7, v3;
	v7 =	vld [tilespmem:s23+$0xE190]  }
0x2d1: {  	[tilespmem:s23+$0xA180] =	vst v5;
	v3 =	vadd.f32 v1, v3;
	v9 =	vld [tilespmem:s23+$0x12190]  }
.Ltmp14:
0x2d2: {  	[tilespmem:s23+$0xE180] =	vst v2;
	v1 =	vld [tilespmem:s23+$0x21A0];
	(pc) =	sbr.rel @p2 .LBB2_30-.Ltmp14, $4  }
0x2d3: {  	[tilespmem:s23+$0x12180] =	vst v3;
	v2 =	vadd.f32 v4, v8;
	v5 =	vld [tilespmem:s23+$0x61A0]  }
0x2d4: {  	v4 =	vadd.f32 v6, v8;
	v3 =	vld [tilespmem:s23+$0xA1A0]  }
0x2d5: {  	[tilespmem:s23+$0x6190] =	vst v2;
	v7 =	vadd.f32 v7, v8;
	v2 =	vld [tilespmem:s23+$0xE1A0]  }
0x2d6: {  	[tilespmem:s23+$0xA190] =	vst v4;
	v6 =	vadd.f32 v9, v8;
	v4 =	vld [tilespmem:s23+$0x121A0]  }
0x2d7: {  	v8 =	vld [tilespmem:s23+$0x61B0]  }
0x2d8: {  	[tilespmem:s23+$0xE190] =	vst v7;
	v7 =	vld [tilespmem:s23+$0xA1B0];
	v5 =	vadd.f32 v5, v1  }
0x2d9: {  	[tilespmem:s23+$0x12190] =	vst v6;
	v6 =	vld [tilespmem:s23+$0xE1B0];
	v3 =	vadd.f32 v3, v1  }
0x2da: {  	[tilespmem:s23+$0x61A0] =	vst v5;
	v2 =	vadd.f32 v2, v1  }
0x2db: {  	[tilespmem:s23+$0xA1A0] =	vst v3;
	v1 =	vadd.f32 v4, v1  }
0x2dc: {  	s3 =	simm.s32 $0x1;
	[tilespmem:s23+$0xE1A0] =	vst v2;
	v2 =	vadd.f32 v8, v0  }
0x2dd: {  	s3 =	simm.s32 @!p1 $0x0;
	[tilespmem:s23+$0x121A0] =	vst v1;
	v1 =	vadd.f32 v7, v0  }
0x2de: {  	s3 =	sshll.u32 s3, $0x6;
	v0 =	vadd.f32 v6, v0;
	[tilespmem:s23+$0x61B0] =	vst v2  }
0x2df: {  	s3 =	sadd.s32 $0x0, s3;
	[tilespmem:s23+$0xA1B0] =	vst v1  }
0x2e0: {  	[tilespmem:s23+$0xE1B0] =	vst v0;
	s23 =	sor.u32 $0x230, s3  }
0x2e1: {  	v0 =	vld [tilespmem:s23+$0x2000]  }
0x2e2: {  	s8 =	sor.u32 $0x200, s3;
	v1 =	vld [tilespmem:s23+$0x12000]  }
0x2e3: {  	v3 =	vld [tilespmem:s8+$0x2000]  }
0x2e4: {  	v4 =	vld [tilespmem:s8+$0x6000]  }
0x2e5: {  	v5 =	vld [tilespmem:s8+$0xA000]  }
0x2e6: {  	v6 =	vld [tilespmem:s8+$0xE000]  }
0x2e7: {  	s25 =	sor.u32 $0x210, s3;
	v7 =	vld [tilespmem:s8+$0x12000]  }
0x2e8: {  	v2 =	vld [tilespmem:s25+$0x2000]  }
0x2e9: {  	v8 =	vld [tilespmem:s25+$0x6000];
	v1 =	vadd.f32 v1, v0  }
0x2ea: {  	v9 =	vld [tilespmem:s25+$0xA000];
	v4 =	vadd.f32 v4, v3  }
0x2eb: {  	v10 =	vld [tilespmem:s25+$0xE000];
	[tilespmem:s23+$0x12000] =	vst v1;
	v1 =	vadd.f32 v5, v3  }
0x2ec: {  	s24 =	sor.u32 $0x220, s3;
	[tilespmem:s8+$0x6000] =	vst v4;
	v4 =	vadd.f32 v6, v3;
	v6 =	vld [tilespmem:s25+$0x12000]  }
0x2ed: {  	v3 =	vadd.f32 v7, v3;
	v5 =	vld [tilespmem:s24+$0x6000];
	[tilespmem:s8+$0xA000] =	vst v1  }
0x2ee: {  	v1 =	vld [tilespmem:s24+$0x2000];
	[tilespmem:s8+$0xE000] =	vst v4;
	v4 =	vadd.f32 v8, v2  }
0x2ef: {  	[tilespmem:s8+$0x12000] =	vst v3;
	v3 =	vld [tilespmem:s24+$0xA000]  }
0x2f0: {  	s13 =	simm.s32 $0x0;
	p2 =	por !p1, !p1;
	s21 =	simm.s32 $0x0;
	v7 =	vadd.f32 v10, v2;
	v8 =	vadd.f32 v9, v2;
	[tilespmem:s25+$0x6000] =	vst v4;
	v4 =	vld [tilespmem:s24+$0xE000]  }
.LBB2_32:
0x2f1: {  	s8 =	simm.s32 $0x1  }
0x2f2: {  	[tilespmem:s25+$0xA000] =	vst v8;
	v2 =	vadd.f32 v6, v2;
	v6 =	vld [tilespmem:s24+$0x12000];
	s8 =	simm.s32 @!p2 $0x0  }
0x2f3: {  	s13 =	sadd.s32 $0x40, s13;
	s21 =	sadd.s32 $0x200, s21;
	s8 =	sshll.u32 s8, $0x6;
	[tilespmem:s25+$0xE000] =	vst v7;
	v7 =	vld [tilespmem:s23+$0x6000]  }
0x2f4: {  	p3 =	slt.u32 s13, $0x3C0;
	s8 =	sadd.s32 s8, s21;
	[tilespmem:s25+$0x12000] =	vst v2;
	v2 =	vadd.f32 v5, v1;
	v5 =	vld [tilespmem:s23+$0xA000]  }
0x2f5: {  	v3 =	vadd.f32 v3, v1;
	s9 =	sor.u32 $0x200, s8;
	s25 =	sor.u32 $0x210, s8;
	s11 =	sor.u32 $0x230, s8;
	v8 =	vld [tilespmem:s23+$0xE000]  }
0x2f6: {  	s8 =	sor.u32 $0x220, s8;
	v9 =	vld [tilespmem:s11+$0x2000];
	[tilespmem:s24+$0x6000] =	vst v2;
	v2 =	vadd.f32 v4, v1  }
0x2f7: {  	v1 =	vadd.f32 v6, v1;
	v4 =	vld [tilespmem:s11+$0x12000];
	[tilespmem:s24+$0xA000] =	vst v3  }
0x2f8: {  	v3 =	vld [tilespmem:s9+$0x2000];
	[tilespmem:s24+$0xE000] =	vst v2;
	v2 =	vadd.f32 v7, v0  }
0x2f9: {  	v6 =	vld [tilespmem:s9+$0x6000];
	[tilespmem:s24+$0x12000] =	vst v1;
	v1 =	vadd.f32 v5, v0;
	s24 =	smov.u32 s8  }
0x2fa: {  	v5 =	vld [tilespmem:s9+$0xA000];
	[tilespmem:s23+$0x6000] =	vst v2;
	v2 =	vadd.f32 v8, v0  }
0x2fb: {  	v7 =	vld [tilespmem:s9+$0xE000];
	[tilespmem:s23+$0xA000] =	vst v1;
	v0 =	vmov v9  }
0x2fc: {  	v1 =	vld [tilespmem:s9+$0x12000];
	v4 =	vadd.f32 v4, v0;
	[tilespmem:s23+$0xE000] =	vst v2;
	s23 =	smov.u32 s11  }
0x2fd: {  	v2 =	vld [tilespmem:s25+$0x2000]  }
0x2fe: {  	v6 =	vadd.f32 v6, v3;
	v8 =	vld [tilespmem:s25+$0x6000];
	[tilespmem:s23+$0x12000] =	vst v4  }
0x2ff: {  	v4 =	vadd.f32 v5, v3;
	v9 =	vld [tilespmem:s25+$0xA000]  }
0x300: {  	[tilespmem:s9+$0x6000] =	vst v6;
	v5 =	vadd.f32 v7, v3;
	v7 =	vld [tilespmem:s25+$0xE000]  }
.Ltmp15:
0x301: {  	[tilespmem:s9+$0xA000] =	vst v4;
	v3 =	vadd.f32 v1, v3;
	v6 =	vld [tilespmem:s25+$0x12000];
	(pc) =	sbr.rel @p3 .LBB2_32-.Ltmp15, $4  }
0x302: {  	[tilespmem:s9+$0xE000] =	vst v5;
	v1 =	vld [tilespmem:s24+$0x2000]  }
0x303: {  	[tilespmem:s9+$0x12000] =	vst v3;
	v4 =	vadd.f32 v8, v2;
	v5 =	vld [tilespmem:s24+$0x6000]  }
0x304: {  	v8 =	vadd.f32 v9, v2;
	v3 =	vld [tilespmem:s24+$0xA000]  }
0x305: {  	p2 =	por !p2, !p2;
	[tilespmem:s25+$0x6000] =	vst v4;
	v7 =	vadd.f32 v7, v2;
	v4 =	vld [tilespmem:s24+$0xE000]  }
0x306: {  	v9 =	vld [tilespmem:s24+$0x12000]  }
0x307: {  	[tilespmem:s25+$0xA000] =	vst v8;
	v2 =	vadd.f32 v6, v2;
	v6 =	vld [tilespmem:s23+$0x6000]  }
0x308: {  	[tilespmem:s25+$0xE000] =	vst v7;
	v7 =	vld [tilespmem:s23+$0xA000];
	v5 =	vadd.f32 v5, v1  }
0x309: {  	[tilespmem:s25+$0x12000] =	vst v2;
	v2 =	vadd.f32 v3, v1;
	v3 =	vld [tilespmem:s23+$0xE000]  }
0x30a: {  	[tilespmem:s24+$0x6000] =	vst v5;
	v4 =	vadd.f32 v4, v1  }
0x30b: {  	[tilespmem:s24+$0xA000] =	vst v2;
	v1 =	vadd.f32 v9, v1  }
0x30c: {  	v2 =	vadd.f32 v6, v0;
	[tilespmem:s24+$0xE000] =	vst v4  }
0x30d: {  	[tilespmem:s24+$0x12000] =	vst v1;
	v1 =	vadd.f32 v7, v0  }
0x30e: {  	[tilespmem:s23+$0x6000] =	vst v2;
	v0 =	vadd.f32 v3, v0  }
0x30f: {  	[tilespmem:s23+$0xA000] =	vst v1  }
0x310: {  	[tilespmem:s23+$0xE000] =	vst v0;
	s23 =	sor.u32 $0x2B0, s3  }
0x311: {  	v0 =	vld [tilespmem:s23+$0x2000]  }
0x312: {  	s8 =	sor.u32 $0x280, s3;
	v1 =	vld [tilespmem:s23+$0x12000]  }
0x313: {  	v3 =	vld [tilespmem:s8+$0x2000]  }
0x314: {  	v4 =	vld [tilespmem:s8+$0x6000]  }
0x315: {  	v5 =	vld [tilespmem:s8+$0xA000]  }
0x316: {  	v6 =	vld [tilespmem:s8+$0xE000]  }
0x317: {  	s25 =	sor.u32 $0x290, s3;
	v7 =	vld [tilespmem:s8+$0x12000]  }
0x318: {  	v2 =	vld [tilespmem:s25+$0x2000]  }
0x319: {  	v8 =	vld [tilespmem:s25+$0x6000];
	v1 =	vadd.f32 v1, v0  }
0x31a: {  	v9 =	vld [tilespmem:s25+$0xA000];
	v4 =	vadd.f32 v4, v3  }
0x31b: {  	v10 =	vld [tilespmem:s25+$0xE000];
	[tilespmem:s23+$0x12000] =	vst v1;
	v1 =	vadd.f32 v5, v3  }
0x31c: {  	s24 =	sor.u32 $0x2A0, s3;
	[tilespmem:s8+$0x6000] =	vst v4;
	v4 =	vadd.f32 v6, v3;
	v6 =	vld [tilespmem:s25+$0x12000]  }
0x31d: {  	v3 =	vadd.f32 v7, v3;
	v5 =	vld [tilespmem:s24+$0x6000];
	[tilespmem:s8+$0xA000] =	vst v1  }
0x31e: {  	v1 =	vld [tilespmem:s24+$0x2000];
	[tilespmem:s8+$0xE000] =	vst v4;
	v4 =	vadd.f32 v8, v2  }
0x31f: {  	[tilespmem:s8+$0x12000] =	vst v3;
	v3 =	vld [tilespmem:s24+$0xA000]  }
0x320: {  	s13 =	simm.s32 $0x0;
	p1 =	por !p1, !p1;
	v7 =	vadd.f32 v10, v2;
	v8 =	vadd.f32 v9, v2;
	[tilespmem:s25+$0x6000] =	vst v4;
	v4 =	vld [tilespmem:s24+$0xE000]  }
.LBB2_34:
0x321: {  	s3 =	simm.s32 $0x1  }
0x322: {  	[tilespmem:s25+$0xA000] =	vst v8;
	v2 =	vadd.f32 v6, v2;
	v6 =	vld [tilespmem:s24+$0x12000];
	s3 =	simm.s32 @!p1 $0x0  }
0x323: {  	s13 =	sadd.s32 $0x40, s13;
	s22 =	sadd.s32 $0x200, s22;
	s3 =	sshll.u32 s3, $0x6;
	[tilespmem:s25+$0xE000] =	vst v7;
	v7 =	vld [tilespmem:s23+$0x6000]  }
0x324: {  	p3 =	slt.u32 s13, $0x3C0;
	s3 =	sadd.s32 s3, s22;
	[tilespmem:s25+$0x12000] =	vst v2;
	v2 =	vadd.f32 v5, v1;
	v5 =	vld [tilespmem:s23+$0xA000]  }
0x325: {  	v3 =	vadd.f32 v3, v1;
	s8 =	sor.u32 $0x280, s3;
	s25 =	sor.u32 $0x290, s3;
	s9 =	sor.u32 $0x2B0, s3;
	v8 =	vld [tilespmem:s23+$0xE000]  }
0x326: {  	s3 =	sor.u32 $0x2A0, s3;
	v9 =	vld [tilespmem:s9+$0x2000];
	[tilespmem:s24+$0x6000] =	vst v2;
	v2 =	vadd.f32 v4, v1  }
0x327: {  	v1 =	vadd.f32 v6, v1;
	v4 =	vld [tilespmem:s9+$0x12000];
	[tilespmem:s24+$0xA000] =	vst v3  }
0x328: {  	v3 =	vld [tilespmem:s8+$0x2000];
	[tilespmem:s24+$0xE000] =	vst v2;
	v2 =	vadd.f32 v7, v0  }
0x329: {  	v6 =	vld [tilespmem:s8+$0x6000];
	[tilespmem:s24+$0x12000] =	vst v1;
	v1 =	vadd.f32 v5, v0;
	s24 =	smov.u32 s3  }
0x32a: {  	v5 =	vld [tilespmem:s8+$0xA000];
	[tilespmem:s23+$0x6000] =	vst v2;
	v2 =	vadd.f32 v8, v0  }
0x32b: {  	v7 =	vld [tilespmem:s8+$0xE000];
	[tilespmem:s23+$0xA000] =	vst v1;
	v0 =	vmov v9  }
0x32c: {  	v1 =	vld [tilespmem:s8+$0x12000];
	v4 =	vadd.f32 v4, v0;
	[tilespmem:s23+$0xE000] =	vst v2;
	s23 =	smov.u32 s9  }
0x32d: {  	v2 =	vld [tilespmem:s25+$0x2000]  }
0x32e: {  	p2 =	por $0x0, $0x0;
	s3 =	simm.s32 $0x0;
	v6 =	vadd.f32 v6, v3;
	v8 =	vld [tilespmem:s25+$0x6000];
	[tilespmem:s23+$0x12000] =	vst v4  }
0x32f: {  	v4 =	vadd.f32 v5, v3;
	v9 =	vld [tilespmem:s25+$0xA000]  }
0x330: {  	[tilespmem:s8+$0x6000] =	vst v6;
	v5 =	vadd.f32 v7, v3;
	v7 =	vld [tilespmem:s25+$0xE000]  }
.Ltmp16:
0x331: {  	[tilespmem:s8+$0xA000] =	vst v4;
	v3 =	vadd.f32 v1, v3;
	v6 =	vld [tilespmem:s25+$0x12000];
	(pc) =	sbr.rel @p3 .LBB2_34-.Ltmp16, $4  }
0x332: {  	[tilespmem:s8+$0xE000] =	vst v5;
	v1 =	vld [tilespmem:s24+$0x2000]  }
0x333: {  	[tilespmem:s8+$0x12000] =	vst v3;
	v4 =	vadd.f32 v8, v2;
	v5 =	vld [tilespmem:s24+$0x6000]  }
0x334: {  	v8 =	vadd.f32 v9, v2;
	v3 =	vld [tilespmem:s24+$0xA000]  }
0x335: {  	p1 =	por !p1, !p1;
	[tilespmem:s25+$0x6000] =	vst v4;
	v7 =	vadd.f32 v7, v2;
	v4 =	vld [tilespmem:s24+$0xE000]  }
0x336: {  	v9 =	vld [tilespmem:s24+$0x12000]  }
0x337: {  	[tilespmem:s25+$0xA000] =	vst v8;
	v2 =	vadd.f32 v6, v2;
	v6 =	vld [tilespmem:s23+$0x6000]  }
0x338: {  	[tilespmem:s25+$0xE000] =	vst v7;
	v7 =	vld [tilespmem:s23+$0xA000];
	v5 =	vadd.f32 v5, v1  }
0x339: {  	[tilespmem:s25+$0x12000] =	vst v2;
	v2 =	vadd.f32 v3, v1;
	v3 =	vld [tilespmem:s23+$0xE000]  }
0x33a: {  	[tilespmem:s24+$0x6000] =	vst v5;
	v4 =	vadd.f32 v4, v1  }
0x33b: {  	[tilespmem:s24+$0xA000] =	vst v2;
	v1 =	vadd.f32 v9, v1  }
0x33c: {  	s8 =	simm.s32 $0x1;
	v2 =	vadd.f32 v6, v0;
	[tilespmem:s24+$0xE000] =	vst v4  }
0x33d: {  	s8 =	simm.s32 @!p2 $0x0;
	[tilespmem:s24+$0x12000] =	vst v1;
	v1 =	vadd.f32 v7, v0  }
0x33e: {  	s8 =	sshll.u32 s8, $0x6;
	[tilespmem:s23+$0x6000] =	vst v2;
	v0 =	vadd.f32 v3, v0  }
0x33f: {  	s8 =	sadd.s32 $0x0, s8;
	[tilespmem:s23+$0xA000] =	vst v1  }
0x340: {  	s22 =	sor.u32 $0x330, s8;
	[tilespmem:s23+$0xE000] =	vst v0  }
0x341: {  	v0 =	vld [tilespmem:s22+$0x2000]  }
0x342: {  	s9 =	sor.u32 $0x300, s8;
	v1 =	vld [tilespmem:s22+$0x12000]  }
0x343: {  	v3 =	vld [tilespmem:s9+$0x2000]  }
0x344: {  	v4 =	vld [tilespmem:s9+$0x6000]  }
0x345: {  	v5 =	vld [tilespmem:s9+$0xA000]  }
0x346: {  	v6 =	vld [tilespmem:s9+$0xE000]  }
0x347: {  	s24 =	sor.u32 $0x310, s8;
	v7 =	vld [tilespmem:s9+$0x12000]  }
0x348: {  	v2 =	vld [tilespmem:s24+$0x2000]  }
0x349: {  	v8 =	vld [tilespmem:s24+$0x6000];
	v1 =	vadd.f32 v1, v0  }
0x34a: {  	v9 =	vld [tilespmem:s24+$0xA000];
	v4 =	vadd.f32 v4, v3  }
0x34b: {  	v10 =	vld [tilespmem:s24+$0xE000];
	[tilespmem:s22+$0x12000] =	vst v1;
	v1 =	vadd.f32 v5, v3  }
0x34c: {  	s23 =	sor.u32 $0x320, s8;
	[tilespmem:s9+$0x6000] =	vst v4;
	v4 =	vadd.f32 v6, v3;
	v6 =	vld [tilespmem:s24+$0x12000]  }
0x34d: {  	v3 =	vadd.f32 v7, v3;
	v5 =	vld [tilespmem:s23+$0x6000];
	[tilespmem:s9+$0xA000] =	vst v1  }
0x34e: {  	v1 =	vld [tilespmem:s23+$0x2000];
	[tilespmem:s9+$0xE000] =	vst v4;
	v4 =	vadd.f32 v8, v2  }
0x34f: {  	[tilespmem:s9+$0x12000] =	vst v3;
	v3 =	vld [tilespmem:s23+$0xA000]  }
0x350: {  	s13 =	simm.s32 $0x0;
	p1 =	por !p2, !p2;
	s21 =	simm.s32 $0x0;
	v7 =	vadd.f32 v10, v2;
	v8 =	vadd.f32 v9, v2;
	[tilespmem:s24+$0x6000] =	vst v4;
	v4 =	vld [tilespmem:s23+$0xE000]  }
.LBB2_36:
0x351: {  	s8 =	simm.s32 $0x1  }
0x352: {  	[tilespmem:s24+$0xA000] =	vst v8;
	v2 =	vadd.f32 v6, v2;
	v6 =	vld [tilespmem:s23+$0x12000];
	s8 =	simm.s32 @!p1 $0x0  }
0x353: {  	s13 =	sadd.s32 $0x40, s13;
	s21 =	sadd.s32 $0x200, s21;
	s8 =	sshll.u32 s8, $0x6;
	[tilespmem:s24+$0xE000] =	vst v7;
	v7 =	vld [tilespmem:s22+$0x6000]  }
0x354: {  	p2 =	slt.u32 s13, $0x3C0;
	s8 =	sadd.s32 s8, s21;
	[tilespmem:s24+$0x12000] =	vst v2;
	v2 =	vadd.f32 v5, v1;
	v5 =	vld [tilespmem:s22+$0xA000]  }
0x355: {  	v3 =	vadd.f32 v3, v1;
	s9 =	sor.u32 $0x300, s8;
	s24 =	sor.u32 $0x310, s8;
	s11 =	sor.u32 $0x330, s8;
	v8 =	vld [tilespmem:s22+$0xE000]  }
0x356: {  	s8 =	sor.u32 $0x320, s8;
	v9 =	vld [tilespmem:s11+$0x2000];
	[tilespmem:s23+$0x6000] =	vst v2;
	v2 =	vadd.f32 v4, v1  }
0x357: {  	v1 =	vadd.f32 v6, v1;
	v4 =	vld [tilespmem:s11+$0x12000];
	[tilespmem:s23+$0xA000] =	vst v3  }
0x358: {  	v3 =	vld [tilespmem:s9+$0x2000];
	[tilespmem:s23+$0xE000] =	vst v2;
	v2 =	vadd.f32 v7, v0  }
0x359: {  	v6 =	vld [tilespmem:s9+$0x6000];
	[tilespmem:s23+$0x12000] =	vst v1;
	v1 =	vadd.f32 v5, v0;
	s23 =	smov.u32 s8  }
0x35a: {  	v5 =	vld [tilespmem:s9+$0xA000];
	[tilespmem:s22+$0x6000] =	vst v2;
	v2 =	vadd.f32 v8, v0  }
0x35b: {  	v7 =	vld [tilespmem:s9+$0xE000];
	[tilespmem:s22+$0xA000] =	vst v1;
	v0 =	vmov v9  }
0x35c: {  	v1 =	vld [tilespmem:s9+$0x12000];
	v4 =	vadd.f32 v4, v0;
	[tilespmem:s22+$0xE000] =	vst v2;
	s22 =	smov.u32 s11  }
0x35d: {  	v2 =	vld [tilespmem:s24+$0x2000]  }
0x35e: {  	v6 =	vadd.f32 v6, v3;
	v8 =	vld [tilespmem:s24+$0x6000];
	[tilespmem:s22+$0x12000] =	vst v4  }
0x35f: {  	v4 =	vadd.f32 v5, v3;
	v9 =	vld [tilespmem:s24+$0xA000]  }
0x360: {  	[tilespmem:s9+$0x6000] =	vst v6;
	v5 =	vadd.f32 v7, v3;
	v7 =	vld [tilespmem:s24+$0xE000]  }
.Ltmp17:
0x361: {  	[tilespmem:s9+$0xA000] =	vst v4;
	v3 =	vadd.f32 v1, v3;
	v6 =	vld [tilespmem:s24+$0x12000];
	(pc) =	sbr.rel @p2 .LBB2_36-.Ltmp17, $4  }
0x362: {  	[tilespmem:s9+$0xE000] =	vst v5;
	v1 =	vld [tilespmem:s23+$0x2000]  }
0x363: {  	[tilespmem:s9+$0x12000] =	vst v3;
	v4 =	vadd.f32 v8, v2;
	v5 =	vld [tilespmem:s23+$0x6000]  }
0x364: {  	v8 =	vadd.f32 v9, v2;
	v3 =	vld [tilespmem:s23+$0xA000]  }
0x365: {  	p1 =	por !p1, !p1;
	[tilespmem:s24+$0x6000] =	vst v4;
	v7 =	vadd.f32 v7, v2;
	v4 =	vld [tilespmem:s23+$0xE000]  }
0x366: {  	v9 =	vld [tilespmem:s23+$0x12000]  }
0x367: {  	[tilespmem:s24+$0xA000] =	vst v8;
	v2 =	vadd.f32 v6, v2;
	v6 =	vld [tilespmem:s22+$0x6000]  }
0x368: {  	[tilespmem:s24+$0xE000] =	vst v7;
	v7 =	vld [tilespmem:s22+$0xA000];
	v5 =	vadd.f32 v5, v1  }
0x369: {  	[tilespmem:s24+$0x12000] =	vst v2;
	v2 =	vadd.f32 v3, v1;
	v3 =	vld [tilespmem:s22+$0xE000]  }
0x36a: {  	[tilespmem:s23+$0x6000] =	vst v5;
	v4 =	vadd.f32 v4, v1  }
0x36b: {  	[tilespmem:s23+$0xA000] =	vst v2;
	v1 =	vadd.f32 v9, v1  }
0x36c: {  	v2 =	vadd.f32 v6, v0;
	[tilespmem:s23+$0xE000] =	vst v4  }
0x36d: {  	[tilespmem:s23+$0x12000] =	vst v1;
	v1 =	vadd.f32 v7, v0  }
0x36e: {  	[tilespmem:s22+$0x6000] =	vst v2;
	s23 =	simm.s32 $0x0;
	v0 =	vadd.f32 v3, v0  }
0x36f: {  	s8 =	sor.u32 s23, s3;
	[tilespmem:s22+$0xA000] =	vst v1  }
0x370: {  	[tilespmem:s22+$0xE000] =	vst v0;
	s22 =	sor.u32 $0x3B0, s8  }
0x371: {  	v0 =	vld [tilespmem:s22+$0x2000]  }
0x372: {  	s9 =	sor.u32 $0x380, s8;
	v1 =	vld [tilespmem:s22+$0x12000]  }
0x373: {  	v2 =	vld [tilespmem:s9+$0x2000]  }
0x374: {  	v3 =	vld [tilespmem:s9+$0x6000]  }
0x375: {  	v4 =	vld [tilespmem:s9+$0xA000]  }
0x376: {  	v5 =	vld [tilespmem:s9+$0xE000]  }
0x377: {  	s25 =	sor.u32 $0x390, s8;
	v6 =	vld [tilespmem:s9+$0x12000]  }
0x378: {  	v8 =	vld [tilespmem:s25+$0x2000]  }
0x379: {  	v62 =	vld [tilespmem:s25+$0xA000];
	v1 =	vadd.f32 v1, v0  }
0x37a: {  	v7 =	vld [tilespmem:s25+$0x6000];
	v3 =	vadd.f32 v3, v2  }
0x37b: {  	v10 =	vld [tilespmem:s25+$0xE000];
	[tilespmem:s22+$0x12000] =	vst v1;
	v1 =	vadd.f32 v4, v2  }
0x37c: {  	s24 =	sor.u32 $0x3A0, s8;
	v11 =	vld [tilespmem:s25+$0x12000];
	[tilespmem:s9+$0x6000] =	vst v3;
	v3 =	vadd.f32 v5, v2  }
0x37d: {  	v2 =	vadd.f32 v6, v2;
	v5 =	vld [tilespmem:s24+$0x6000];
	[tilespmem:s9+$0xA000] =	vst v1  }
0x37e: {  	v6 =	vadd.f32 v62, v8;
	v1 =	vld [tilespmem:s24+$0x2000];
	[tilespmem:s9+$0xE000] =	vst v3  }
0x37f: {  	v4 =	vld [tilespmem:s24+$0xA000];
	v3 =	vadd.f32 v7, v8;
	[tilespmem:s9+$0x12000] =	vst v2  }
0x380: {  	v2 =	vld [tilespmem:s24+$0xE000];
	v7 =	vadd.f32 v10, v8;
	[tilespmem:s25+$0xA000] =	vst v6  }
0x381: {  	v6 =	vadd.f32 v11, v8;
	[tilespmem:s25+$0x6000] =	vst v3;
	v3 =	vld [tilespmem:s24+$0x12000]  }
.LBB2_38:
0x382: {  	s23 =	sadd.s32 $0x40, s23;
	[tilespmem:s25+$0xE000] =	vst v7;
	v7 =	vld [tilespmem:s22+$0x6000];
	s3 =	sadd.s32 $0x200, s3  }
0x383: {  	s8 =	sor.u32 s23, s3;
	p1 =	slt.u32 s23, $0x3C0;
	[tilespmem:s25+$0x12000] =	vst v6;
	v5 =	vadd.f32 v5, v1;
	v6 =	vld [tilespmem:s22+$0xA000]  }
0x384: {  	s9 =	sor.u32 $0x380, s8;
	s25 =	sor.u32 $0x390, s8;
	s11 =	sor.u32 $0x3B0, s8;
	v4 =	vadd.f32 v4, v1;
	v8 =	vld [tilespmem:s22+$0xE000]  }
0x385: {  	s8 =	sor.u32 $0x3A0, s8;
	v9 =	vld [tilespmem:s11+$0x2000];
	[tilespmem:s24+$0x6000] =	vst v5;
	v2 =	vadd.f32 v2, v1  }
0x386: {  	v5 =	vld [tilespmem:s11+$0x12000];
	[tilespmem:s24+$0xA000] =	vst v4;
	v1 =	vadd.f32 v3, v1  }
0x387: {  	v3 =	vld [tilespmem:s9+$0x2000];
	[tilespmem:s24+$0xE000] =	vst v2;
	v2 =	vadd.f32 v7, v0  }
0x388: {  	v4 =	vld [tilespmem:s9+$0x6000];
	[tilespmem:s24+$0x12000] =	vst v1;
	v1 =	vadd.f32 v6, v0;
	s24 =	smov.u32 s8  }
0x389: {  	v6 =	vld [tilespmem:s9+$0xA000];
	[tilespmem:s22+$0x6000] =	vst v2;
	v2 =	vadd.f32 v8, v0  }
0x38a: {  	v7 =	vld [tilespmem:s9+$0xE000];
	[tilespmem:s22+$0xA000] =	vst v1;
	v0 =	vmov v9  }
0x38b: {  	v1 =	vld [tilespmem:s9+$0x12000];
	v5 =	vadd.f32 v5, v0;
	[tilespmem:s22+$0xE000] =	vst v2;
	s22 =	smov.u32 s11  }
0x38c: {  	v8 =	vld [tilespmem:s25+$0x2000]  }
0x38d: {  	v2 =	vadd.f32 v4, v3;
	v4 =	vld [tilespmem:s25+$0x6000];
	[tilespmem:s22+$0x12000] =	vst v5  }
0x38e: {  	v5 =	vadd.f32 v6, v3;
	v6 =	vld [tilespmem:s25+$0xA000]  }
0x38f: {  	[tilespmem:s9+$0x6000] =	vst v2;
	v2 =	vadd.f32 v7, v3;
	v7 =	vld [tilespmem:s25+$0xE000]  }
0x390: {  	[tilespmem:s9+$0xA000] =	vst v5;
	v3 =	vadd.f32 v1, v3;
	v9 =	vld [tilespmem:s25+$0x12000]  }
.Ltmp18:
0x391: {  	[tilespmem:s9+$0xE000] =	vst v2;
	v1 =	vld [tilespmem:s24+$0x2000];
	(pc) =	sbr.rel @p1 .LBB2_38-.Ltmp18, $4  }
0x392: {  	[tilespmem:s9+$0x12000] =	vst v3;
	v2 =	vadd.f32 v4, v8;
	v5 =	vld [tilespmem:s24+$0x6000]  }
0x393: {  	v3 =	vadd.f32 v6, v8;
	v4 =	vld [tilespmem:s24+$0xA000]  }
0x394: {  	[tilespmem:s25+$0x6000] =	vst v2;
	v7 =	vadd.f32 v7, v8;
	v2 =	vld [tilespmem:s24+$0xE000]  }
0x395: {  	[tilespmem:s25+$0xA000] =	vst v3;
	v6 =	vadd.f32 v9, v8;
	v3 =	vld [tilespmem:s24+$0x12000]  }
0x396: {  	v8 =	vld [tilespmem:s22+$0x6000]  }
0x397: {  	[tilespmem:s25+$0xE000] =	vst v7;
	v57 =	vld [tilespmem:s22+$0xA000];
	v5 =	vadd.f32 v5, v1  }
0x398: {  	v58 =	vld [tilespmem:s22+$0xE000];
	[tilespmem:s25+$0x12000] =	vst v6;
	v4 =	vadd.f32 v4, v1  }
0x399: {  	[tilespmem:s24+$0x6000] =	vst v5;
	v2 =	vadd.f32 v2, v1  }
0x39a: {  	[tilespmem:s24+$0xA000] =	vst v4;
	v59 =	vadd.f32 v3, v1  }
0x39b: {  	[tilespmem:s24+$0xE000] =	vst v2;
	v60 =	vadd.f32 v8, v0  }
0x39c: {  	v61 =	vadd.f32 v57, v0;
	[tilespmem:s24+$0x12000] =	vst v59  }
0x39d: {  	v62 =	vadd.f32 v58, v0;
	[tilespmem:s22+$0x6000] =	vst v60  }
0x39e: {  	[tilespmem:s22+$0xA000] =	vst v61  }
0x39f: {  	s3 =	sadd.s32 s2, s31;
	s31 =	simm.s32 $0x6000;
	[tilespmem:s22+$0xE000] =	vst v62  }
0x3a0: {  	[hbm4b:s3+s5] =	stream.linear.scatter [tilespmem:s31], [sflag:$0x14], $0x2000, $0x38;
	v63 =	vld [tilespmem:$0x0]  }
0x3a1: {  	s3 =	simm.s32 @p0 $0x16  }
0x3a2: {  	_ =	swait.ge @p0 [sflag:s3], $0x400  }
0x3a3: {  	[sflag:s3] =	ssyncset.done @p0 $0x0  }
0x3a4: {  	[sflag:s3] =	ssyncadd.s32 @p0 $0xFFFFFC00;
	s3 =	simm.s32 @p0 $0xA000  }
0x3a5: {  	[spmem:s17] =	stream.linear.scatter @p0 [tilespmem:s3], [sflag:$0xE], $0x2000, $0x38;
	v63 =	vld [tilespmem:$0x0]  }
0x3a6: {  	s3 =	simm.s32 @p0 $0x18  }
0x3a7: {  	_ =	swait.ge @p0 [sflag:s3], $0x400  }
0x3a8: {  	[sflag:s3] =	ssyncset.done @p0 $0x0  }
0x3a9: {  	[sflag:s3] =	ssyncadd.s32 @p0 $0xFFFFFC00;
	s3 =	simm.s32 @p0 $0xE000  }
0x3aa: {  	[spmem:s18] =	stream.linear.scatter @p0 [tilespmem:s3], [sflag:$0x10], $0x2000, $0x38;
	v63 =	vld [tilespmem:$0x0]  }
0x3ab: {  	s3 =	simm.s32 @p0 $0x1A  }
0x3ac: {  	_ =	swait.ge @p0 [sflag:s3], $0x400  }
0x3ad: {  	[sflag:s3] =	ssyncset.done @p0 $0x0  }
0x3ae: {  	[sflag:s3] =	ssyncadd.s32 @p0 $0xFFFFFC00;
	s3 =	simm.s32 @!p0 $0xA000  }
0x3af: {  	[spmem:s17] =	stream.linear.scatter @!p0 [tilespmem:s3], [sflag:$0xE], $0x2000, $0x38;
	v63 =	vld [tilespmem:$0x0]  }
0x3b0: {  	s29 =	sadd.s32 $0x1, s29;
	s3 =	simm.s32 @!p0 $0xE000  }
0x3b1: {  	[spmem:s18] =	stream.linear.scatter @!p0 [tilespmem:s3], [sflag:$0x10], $0x2000, $0x38;
	v63 =	vld [tilespmem:$0x0]  }
0x3b2: {  	p0 =	sne.s32 s29, $0x10  }
.Ltmp19:
0x3b3: {  	_ = 	snop;
	(pc) =	sbr.rel @p0 .LBB2_2-.Ltmp19, $3  }
0x3b4: {  	_ =	sdelay $0x1  }
0x3b5: {  	s9 =	smov.u32 s2;
	s11 =	simm.s32 $0x12000  }
0x3b6: {  	[spmem:s19] =	stream.linear.scatter [tilespmem:s11], [sflag:$0x12], $0x2000, $0x38;
	v63 =	vld [tilespmem:$0x0]  }
0x3b7: {  	s2 =	simm.s32 $0x14  }
0x3b8: {  	_ =	swait.ge [sflag:s2], $0x2000  }
0x3b9: {  	[sflag:s2] =	ssyncset.done $0x0  }
0x3ba: {  	s13 =	simm.s32 $0xE;
	[sflag:s2] =	ssyncadd.s32 $0xFFFFE000  }
0x3bb: {  	_ =	swait.ge [sflag:s13], $0x2000  }
0x3bc: {  	s3 =	sor.u32 $0x1C16, s1;
	s8 =	sshrl.u32 s17, $0x3;
	[sflag:s13] =	ssyncset.done $0x0  }
0x3bd: {  	s22 =	simm.s32 $0x10;
	s21 =	rddreg [dreg:$0xd];
	[sflag:s13] =	ssyncadd.s32 $0xFFFFE000  }
0x3be: {  	[hbm:s21], [sflag:s3] =	dma.local [spmem:s8], $0x400  }
0x3bf: {  	_ =	swait.ge [sflag:s22], $0x2000  }
0x3c0: {  	s23 =	sor.u32 $0x1C18, s1;
	s24 =	sshrl.u32 s18, $0x3;
	[sflag:s22] =	ssyncset.done $0x0  }
0x3c1: {  	s29 =	simm.s32 $0x12;
	s25 =	rddreg [dreg:$0xe];
	[sflag:s22] =	ssyncadd.s32 $0xFFFFE000  }
0x3c2: {  	[hbm:s25], [sflag:s23] =	dma.local [spmem:s24], $0x400  }
0x3c3: {  	_ =	swait.ge [sflag:s29], $0x2000  }
0x3c4: {  	s31 =	sor.u32 $0x1C1A, s1;
	s2 =	sshrl.u32 s19, $0x3;
	[sflag:s29] =	ssyncset.done $0x0  }
0x3c5: {  	s13 =	simm.s32 $0x15;
	s8 =	rddreg [dreg:$0xf];
	[sflag:s29] =	ssyncadd.s32 $0xFFFFE000  }
0x3c6: {  	[hbm:s8], [sflag:s31] =	dma.local [spmem:s2], $0x400  }
0x3c7: {  	_ =	swait.ge [sflag:s13], $0x400  }
0x3c8: {  	[sflag:s13] =	ssyncset.done $0x0  }
0x3c9: {  	s21 =	simm.s32 $0x16;
	[sflag:s13] =	ssyncadd.s32 $0xFFFFFC00  }
0x3ca: {  	_ =	swait.ge [sflag:s21], $0x400  }
0x3cb: {  	[sflag:s21] =	ssyncset.done $0x0  }
0x3cc: {  	s22 =	simm.s32 $0x17;
	[sflag:s21] =	ssyncadd.s32 $0xFFFFFC00  }
0x3cd: {  	_ =	swait.ge [sflag:s22], $0x400  }
0x3ce: {  	[sflag:s22] =	ssyncset.done $0x0  }
0x3cf: {  	s23 =	simm.s32 $0x18;
	[sflag:s22] =	ssyncadd.s32 $0xFFFFFC00  }
0x3d0: {  	_ =	swait.ge [sflag:s23], $0x400  }
0x3d1: {  	[sflag:s23] =	ssyncset.done $0x0  }
0x3d2: {  	s24 =	simm.s32 $0x19;
	[sflag:s23] =	ssyncadd.s32 $0xFFFFFC00  }
0x3d3: {  	_ =	swait.ge [sflag:s24], $0x400  }
0x3d4: {  	[sflag:s24] =	ssyncset.done $0x0  }
0x3d5: {  	s25 =	simm.s32 $0x1A;
	[sflag:s24] =	ssyncadd.s32 $0xFFFFFC00  }
0x3d6: {  	_ =	swait.ge [sflag:s25], $0x400  }
0x3d7: {  	s29 =	rddreg [dreg:$0x13]  }
0x3d8: {  	s31 =	rddreg [dreg:$0x10];
	s3 =	sadd.s32 $0x1, s29  }
0x3d9: {  	p0 =	sne.s32 s3, s31  }
.Ltmp20:
0x3da: {  	_ = 	snop;
	(pc) =	sbr.rel @p0 .LBB2_1-.Ltmp20, $3  }
0x3db: {  	_ =	sdelay $0x1  }
0x3dc: {  	[sflag:s25] =	ssyncset.done $0x0  }
0x3dd: {  	[sflag:s25] =	ssyncadd.s32 $0xFFFFFC00  }
0x3de: {  	_ =	sfence.sel $0x180000  }
0x3df: {  	[bflag:$0x0] =	sbarrier.arrive $0xFFFF  }
0x3e0: {  	_ =	strace $0x90000047  }
0x3e1: {  	[bflag:$0x2] =	sbarrier.arrive $0xFFFF  }
0x3e2: {  	p0 =	sne.s32 s4, $0x0;
	s0 =	rddreg [dreg:$0x4]  }
0x3e3: {  	s0 =	sadd.s32 @!p0 $0x100000, s0  }
0x3e4: {  	[sflag:s0] =	ssyncadd.tile.s32 @!p0 $0x1;
	_ =	shalt  }
.Lfunc_end2:
_tile_overlayer_lowered:
.L_overlay_start_2:
0x3e5: {  	(tag) =	ssettag $0x2  }
0x3e6: {  	s0 =	rddreg [dreg:$0x0];
	s2 =	stileid.u32  }
0x3e7: {  	s1 =	rddreg [dreg:$0x1];
	p0 =	sne.s32 s2, $0x0  }
0x3e8: {  	s3 =	rddreg [dreg:$0x2];
	[bflag:$0x3] =	sbarrier.arrive $0xFFFF;
	s2 =	simm.s32 @!p0 $0x1C1B  }
0x3e9: {  	[timem:s3], [sflag:s2] =	dma.local @!p0 [hbm:s0], s1  }
0x3ea: {  	s0 =	simm.s32 @!p0 $0x1B  }
0x3eb: {  	_ =	swait.ge @!p0 [sflag:s0], s1  }
0x3ec: {  	s1 =	ssub.s32 @!p0 $0x0, s1;
	[sflag:s0] =	ssyncset.done @!p0 $0x0  }
0x3ed: {  	[sflag:s0] =	ssyncadd.s32 @!p0 s1  }
0x3ee: {  	[bflag:$0x3] =	sbarrier.arrive $0xFFFF  }
0x3ef: {  	_ =	shalt  }

</sc_bundles>
